<compile_context>
chip_gen: v7x
topology: tpu7x:2x2x1
jax: 0.10.2.dev20260603
libtpu: 0.0.44.dev20260713+nightly
codegen_flags: <defaults>
</compile_context>

<pallas_src>
import functools

import jax
import jax.numpy as jnp
from jax import lax
from jax.experimental import pallas as pl
from jax.experimental.pallas import tpu as pltpu
from jax.experimental.pallas import tpu_sc as plsc

NC, NS, L = 2, 16, 16
NW = NC * NS
B, S, V, D = 16384, 200, 10, 4
NTOK = B * S
SB = 8
BW = 256
NBB = B // BW
NCHUNK = (S // SB) * NBB // NW
GRP = BW // L

_DIMNUMS = lax.GatherDimensionNumbers(
    offset_dims=(), collapsed_slice_dims=(0,), start_index_map=(0,))


def _lut16(vec, idx):
    return lax.gather(vec, idx[:, None], _DIMNUMS, (1,),
                      mode=lax.GatherScatterMode.PROMISE_IN_BOUNDS)


def _prep_body(w_ref, embt_ref, b_ref, tab_ref):
    tab = jnp.dot(w_ref[...], embt_ref[...],
                  preferred_element_type=jnp.float32)
    tab_ref[...] = tab + b_ref[...]


def _loss_body(part_ref, out_ref):
    out_ref[0, 0] = jnp.sum(part_ref[...]) * (1.0 / (NTOK * V))


def _sc_body(tab_hbm, ids_hbm, out_hbm, part_hbm, tab_v, ids_v, out_v,
             acc_v, sem_i0, sem_i1, sem_o0, sem_o1):
    wid = lax.axis_index("s") * NC + lax.axis_index("c")
    pltpu.sync_copy(tab_hbm, tab_v)
    tcols = [tab_v[v, :] for v in range(V)]
    sem_ids = (sem_i0, sem_i1)
    sem_out = (sem_o0, sem_o1)
    base = wid * NCHUNK

    def ids_slice(c):
        cid = base + c
        return ids_hbm.at[pl.ds((cid // NBB) * SB, SB),
                          pl.ds((cid % NBB) * BW, BW)]

    def out_slice(c):
        cid = base + c
        return out_hbm.at[:, pl.ds((cid // NBB) * SB, SB),
                          pl.ds((cid % NBB) * BW, BW)]

    pltpu.async_copy(ids_slice(0), ids_v.at[0], sem_ids[0])

    def pair_body(it, vacc):
        for buf in (0, 1):
            c = 2 * it + buf
            cn = jnp.minimum(c + 1, NCHUNK - 1)
            pltpu.async_copy(ids_slice(cn), ids_v.at[1 - buf],
                             sem_ids[1 - buf])
            pltpu.make_async_copy(ids_slice(c), ids_v.at[buf],
                                  sem_ids[buf]).wait()

            @pl.when(it > 0)
            def _wait_out():
                pltpu.make_async_copy(out_v.at[buf], out_slice(c),
                                      sem_out[buf]).wait()

            def grp_body(g, acc):
                goff = g * L
                for soff in range(SB):
                    vid = ids_v[buf, soff, pl.ds(goff, L)]
                    for v in range(V):
                        vals = _lut16(tcols[v], vid)
                        out_v[buf, v, soff, pl.ds(goff, L)] = vals
                        acc = acc + vals
                return acc

            vacc = lax.fori_loop(0, GRP, grp_body, vacc)
            pltpu.async_copy(out_v.at[buf], out_slice(c), sem_out[buf])
        return vacc

    vacc = lax.fori_loop(0, NCHUNK // 2, pair_body,
                         jnp.zeros((L,), jnp.float32))
    for buf in (0, 1):
        pltpu.make_async_copy(out_v.at[buf], out_slice(NCHUNK - 2 + buf),
                              sem_out[buf]).wait()
    pltpu.make_async_copy(ids_slice(NCHUNK - 1), ids_v.at[0],
                          sem_ids[0]).wait()
    acc_v[...] = vacc
    pltpu.sync_copy(acc_v, part_hbm.at[wid])


_sc_expand = functools.partial(
    pl.kernel,
    out_type=(jax.ShapeDtypeStruct((V, S, B), jnp.float32),
              jax.ShapeDtypeStruct((NW, L), jnp.float32)),
    mesh=plsc.VectorSubcoreMesh(core_axis_name="c", subcore_axis_name="s",
                                num_cores=NC, num_subcores=NS),
    scratch_types=(
        pltpu.VMEM((16, 16), jnp.float32),
        pltpu.VMEM((2, SB, BW), jnp.int32),
        pltpu.VMEM((2, V, SB, BW), jnp.float32),
        pltpu.VMEM((L,), jnp.float32),
        pltpu.SemaphoreType.DMA,
        pltpu.SemaphoreType.DMA,
        pltpu.SemaphoreType.DMA,
        pltpu.SemaphoreType.DMA,
    ),
    compiler_params=pltpu.CompilerParams(needs_layout_passes=False),
)(_sc_body)


def kernel(input_ids, embed_table, lm_head_w, lm_head_b):
    w_p = jnp.zeros((16, 8), jnp.float32).at[:V, :D].set(lm_head_w)
    embt_p = jnp.zeros((8, 16), jnp.float32).at[:D, :V].set(embed_table.T)
    b_p = jnp.zeros((16, 1), jnp.float32).at[:V, 0].set(lm_head_b)

    tab = pl.pallas_call(
        _prep_body,
        out_shape=jax.ShapeDtypeStruct((16, 16), jnp.float32),
    )(w_p, embt_p, b_p)

    ids_t = input_ids.astype(jnp.int32).T
    out_vsb, part = _sc_expand(tab, ids_t)

    loss = pl.pallas_call(
        _loss_body,
        out_shape=jax.ShapeDtypeStruct((1, 1), jnp.float32),
        out_specs=pl.BlockSpec(memory_space=pltpu.SMEM),
    )(part)[0, 0]

    return (loss, out_vsb.transpose(2, 1, 0))

# --- scband reference (transcript-rebuilt; emitter-appended) ---
"""Pipeline reference for scband-dummy-model-32040456028672 (READ-ONLY COPY).

The authoritative reference and input builder live on the scoring server;
editing this copy changes nothing except your own understanding.
"""

import jax, jax.numpy as jnp
import numpy as np

VOCAB = 10
EMBED_DIM = 4
BATCH = 16384
SEQ = 200

def setup_inputs(seed: int = 0) -> dict:
    key = jax.random.key(seed)
    k1, k2, k3, k4 = jax.random.split(key, 4)
    input_ids = jax.random.randint(k1, (BATCH, SEQ), 0, VOCAB, dtype=jnp.int64 if jax.config.jax_enable_x64 else jnp.int32)
    embed_table = jax.random.normal(k2, (VOCAB, EMBED_DIM), dtype=jnp.float32)
    # torch.nn.Linear(4, 10): weight shape [out_features, in_features] = [10, 4]
    lm_head_w = jax.random.normal(k3, (VOCAB, EMBED_DIM), dtype=jnp.float32) * (1.0 / np.sqrt(EMBED_DIM))
    lm_head_b = jax.random.normal(k4, (VOCAB,), dtype=jnp.float32) * 0.01
    return {"input_ids": input_ids, "embed_table": embed_table, "lm_head_w": lm_head_w, "lm_head_b": lm_head_b}

def reference(input_ids, embed_table, lm_head_w, lm_head_b):
    # Embedding lookup: gather rows of the table
    inputs_embeds = jnp.take(embed_table, input_ids, axis=0)  # [B, S, 4]
    # Linear: x @ W.T + b
    logits = jnp.dot(inputs_embeds, lm_head_w.T) + lm_head_b  # [B, S, 10]
    loss = jnp.mean(logits)
    return (loss, logits)

if __name__ == "__main__":
    import jax
    _d = setup_inputs()
    print(jax.jit(kernel)(*tuple(_d.values())))

</pallas_src>

<mosaic_0001>
#map = affine_map<(d0, d1) -> (0, 0)>
#map1 = affine_map<(d0, d1) -> (0, 0, 0)>
module attributes {stable_mosaic.version = 14 : i64} {
  func.func @_sc_body(%arg0: i32, %arg1: i32, %arg2: memref<16x16xf32, #tpu.memory_space<hbm>>, %arg3: memref<200x16384xi32, #tpu.memory_space<hbm>>, %arg4: memref<10x200x16384xf32, #tpu.memory_space<hbm>>, %arg5: memref<32x16xf32, #tpu.memory_space<hbm>>, %arg6: memref<16x16xf32, #tpu.memory_space<vmem>>, %arg7: memref<2x8x256xi32, #tpu.memory_space<vmem>>, %arg8: memref<2x10x8x256xf32, #tpu.memory_space<vmem>>, %arg9: memref<16xf32, #tpu.memory_space<vmem>>, %arg10: memref<!tpu.dma_semaphore, #tpu.memory_space<semaphore_mem>>, %arg11: memref<!tpu.dma_semaphore, #tpu.memory_space<semaphore_mem>>, %arg12: memref<!tpu.dma_semaphore, #tpu.memory_space<semaphore_mem>>, %arg13: memref<!tpu.dma_semaphore, #tpu.memory_space<semaphore_mem>>) attributes {dimension_semantics = [#tpu.dimension_semantics<core_parallel>, #tpu.dimension_semantics<subcore_parallel>], iteration_bounds = array<i64: 2, 16>, scalar_prefetch = 0 : i64, scratch_operands = 8 : i64, tpu.core_type = #tpu.core_type<sc_vector_subcore>, window_params = [{transform_indices = #map}, {transform_indices = #map}, {transform_indices = #map1}, {transform_indices = #map}]} {
    %mul3A = arith.constant 2 : i32
    %mul3A_0 = arith.muli %arg1, %mul3A : i32
    %add3A = arith.addi %mul3A_0, %arg0 : i32
    "tpu.region"() ({
      %run_scoped3A = tpu.sem_alloc : memref<!tpu.dma_semaphore, #tpu.memory_space<semaphore_mem>>
      tpu.enqueue_dma source(%arg2 : memref<16x16xf32, #tpu.memory_space<hbm>>) target(%arg6 : memref<16x16xf32, #tpu.memory_space<vmem>>) target_semaphore(%run_scoped3A : memref<!tpu.dma_semaphore, #tpu.memory_space<semaphore_mem>>)
      tpu.wait_dma2 semaphore(%run_scoped3A : memref<!tpu.dma_semaphore, #tpu.memory_space<semaphore_mem>>) src(%arg2 : memref<16x16xf32, #tpu.memory_space<hbm>>) dst(%arg6 : memref<16x16xf32, #tpu.memory_space<vmem>>)
      tpu.yield
    }) : () -> ()
    %get3A = arith.constant 0 : i32
    %get3A_1 = arith.index_cast %get3A : i32 to index
    %get3A_2 = arith.constant 0 : index
    %get3A_3 = tpu.vector_load %arg6[%get3A_1, %get3A_2] {strides = array<i32>} : memref<16x16xf32, #tpu.memory_space<vmem>>, vector<16xf32>,
    %get3A_4 = arith.constant 1 : i32
    %get3A_5 = arith.index_cast %get3A_4 : i32 to index
    %get3A_6 = arith.constant 0 : index
    %get3A_7 = tpu.vector_load %arg6[%get3A_5, %get3A_6] {strides = array<i32>} : memref<16x16xf32, #tpu.memory_space<vmem>>, vector<16xf32>,
    %get3A_8 = arith.constant 2 : i32
    %get3A_9 = arith.index_cast %get3A_8 : i32 to index
    %get3A_10 = arith.constant 0 : index
    %get3A_11 = tpu.vector_load %arg6[%get3A_9, %get3A_10] {strides = array<i32>} : memref<16x16xf32, #tpu.memory_space<vmem>>, vector<16xf32>,
    %get3A_12 = arith.constant 3 : i32
    %get3A_13 = arith.index_cast %get3A_12 : i32 to index
    %get3A_14 = arith.constant 0 : index
    %get3A_15 = tpu.vector_load %arg6[%get3A_13, %get3A_14] {strides = array<i32>} : memref<16x16xf32, #tpu.memory_space<vmem>>, vector<16xf32>,
    %get3A_16 = arith.constant 4 : i32
    %get3A_17 = arith.index_cast %get3A_16 : i32 to index
    %get3A_18 = arith.constant 0 : index
    %get3A_19 = tpu.vector_load %arg6[%get3A_17, %get3A_18] {strides = array<i32>} : memref<16x16xf32, #tpu.memory_space<vmem>>, vector<16xf32>,
    %get3A_20 = arith.constant 5 : i32
    %get3A_21 = arith.index_cast %get3A_20 : i32 to index
    %get3A_22 = arith.constant 0 : index
    %get3A_23 = tpu.vector_load %arg6[%get3A_21, %get3A_22] {strides = array<i32>} : memref<16x16xf32, #tpu.memory_space<vmem>>, vector<16xf32>,
    %get3A_24 = arith.constant 6 : i32
    %get3A_25 = arith.index_cast %get3A_24 : i32 to index
    %get3A_26 = arith.constant 0 : index
    %get3A_27 = tpu.vector_load %arg6[%get3A_25, %get3A_26] {strides = array<i32>} : memref<16x16xf32, #tpu.memory_space<vmem>>, vector<16xf32>,
    %get3A_28 = arith.constant 7 : i32
    %get3A_29 = arith.index_cast %get3A_28 : i32 to index
    %get3A_30 = arith.constant 0 : index
    %get3A_31 = tpu.vector_load %arg6[%get3A_29, %get3A_30] {strides = array<i32>} : memref<16x16xf32, #tpu.memory_space<vmem>>, vector<16xf32>,
    %get3A_32 = arith.constant 8 : i32
    %get3A_33 = arith.index_cast %get3A_32 : i32 to index
    %get3A_34 = arith.constant 0 : index
    %get3A_35 = tpu.vector_load %arg6[%get3A_33, %get3A_34] {strides = array<i32>} : memref<16x16xf32, #tpu.memory_space<vmem>>, vector<16xf32>,
    %get3A_36 = arith.constant 9 : i32
    %get3A_37 = arith.index_cast %get3A_36 : i32 to index
    %get3A_38 = arith.constant 0 : index
    %get3A_39 = tpu.vector_load %arg6[%get3A_37, %get3A_38] {strides = array<i32>} : memref<16x16xf32, #tpu.memory_space<vmem>>, vector<16xf32>,
    %mul3A_40 = arith.constant 50 : i32
    %mul3A_41 = arith.muli %add3A, %mul3A_40 : i32
    %add3A_42 = arith.constant 0 : i32
    %add3A_43 = arith.addi %mul3A_41, %add3A_42 : i32
    %jit3A = arith.constant 64 : i32
    %div3A = arith.divsi %add3A_43, %jit3A : i32
    %sign3A = arith.constant 0 : i32
    %sign3A_44 = arith.cmpi sgt, %add3A_43, %sign3A : i32
    %sign3A_45 = arith.extui %sign3A_44 : i1 to i32
    %sign3A_46 = arith.constant 0 : i32
    %sign3A_47 = arith.cmpi slt, %add3A_43, %sign3A_46 : i32
    %sign3A_48 = arith.extui %sign3A_47 : i1 to i32
    %sign3A_49 = arith.subi %sign3A_45, %sign3A_48 : i32
    %sign3A_50 = arith.constant 0 : i32
    %sign3A_51 = arith.cmpi sgt, %jit3A, %sign3A_50 : i32
    %sign3A_52 = arith.extui %sign3A_51 : i1 to i32
    %sign3A_53 = arith.constant 0 : i32
    %sign3A_54 = arith.cmpi slt, %jit3A, %sign3A_53 : i32
    %sign3A_55 = arith.extui %sign3A_54 : i1 to i32
    %sign3A_56 = arith.subi %sign3A_52, %sign3A_55 : i32
    %ne3A = arith.cmpi ne, %sign3A_49, %sign3A_56 : i32
    %rem3A = arith.remsi %add3A_43, %jit3A : i32
    %ne3A_57 = arith.constant 0 : i32
    %ne3A_58 = arith.cmpi ne, %rem3A, %ne3A_57 : i32
    %and3A = arith.andi %ne3A, %ne3A_58 : i1
    %sub3A = arith.constant 1 : i32
    %sub3A_59 = arith.subi %div3A, %sub3A : i32
    %select_n3A = arith.select %and3A, %sub3A_59, %div3A : i32
    %mul3A_60 = arith.constant 8 : i32
    %mul3A_61 = arith.muli %select_n3A, %mul3A_60 : i32
    %jit3A_62 = arith.constant 64 : i32
    %eq3A = arith.constant 0 : i32
    %eq3A_63 = arith.cmpi eq, %jit3A_62, %eq3A : i32
    %jit3A_64 = arith.constant 1 : i32
    %select_n3A_65 = arith.select %eq3A_63, %jit3A_64, %jit3A_62 : i32
    %rem3A_66 = arith.remsi %add3A_43, %select_n3A_65 : i32
    %ne3A_67 = arith.constant 0 : i32
    %ne3A_68 = arith.cmpi ne, %rem3A_66, %ne3A_67 : i32
    %lt3A = arith.constant 0 : i32
    %lt3A_69 = arith.cmpi slt, %rem3A_66, %lt3A : i32
    %lt3A_70 = arith.constant 0 : i32
    %lt3A_71 = arith.cmpi slt, %select_n3A_65, %lt3A_70 : i32
    %ne3A_72 = arith.xori %lt3A_69, %lt3A_71 : i1
    %and3A_73 = arith.andi %ne3A_72, %ne3A_68 : i1
    %add3A_74 = arith.addi %rem3A_66, %select_n3A_65 : i32
    %select_n3A_75 = arith.select %and3A_73, %add3A_74, %rem3A_66 : i32
    %mul3A_76 = arith.constant 256 : i32
    %mul3A_77 = arith.muli %select_n3A_75, %mul3A_76 : i32
    %dma_start3A = arith.constant 0 : i32
    %dma_start3A_78 = arith.constant 0 : i32
    %dma_start3A_79 = arith.constant 0 : i32
    %dma_start3A_80 = tpu.memref_slice %arg7[%dma_start3A, %dma_start3A_78, %dma_start3A_79] : memref<2x8x256xi32, #tpu.memory_space<vmem>> -> memref<1x8x256xi32, #tpu.memory_space<vmem>>
    %dma_start3A_81 = tpu.memref_squeeze %dma_start3A_80 : memref<1x8x256xi32, #tpu.memory_space<vmem>> -> memref<8x256xi32, #tpu.memory_space<vmem>>
    %dma_start3A_82 = tpu.memref_slice %arg3[%mul3A_61, %mul3A_77] : memref<200x16384xi32, #tpu.memory_space<hbm>> -> memref<8x256xi32, #tpu.memory_space<hbm>>
    %dma_start3A_83 = arith.constant 0 : i32
    %dma_start3A_84 = arith.constant 0 : i32
    %dma_start3A_85 = tpu.memref_slice %arg7[%dma_start3A, %dma_start3A_83, %dma_start3A_84] : memref<2x8x256xi32, #tpu.memory_space<vmem>> -> memref<1x8x256xi32, #tpu.memory_space<vmem>>
    %dma_start3A_86 = tpu.memref_squeeze %dma_start3A_85 : memref<1x8x256xi32, #tpu.memory_space<vmem>> -> memref<8x256xi32, #tpu.memory_space<vmem>>
    %dma_start3A_87 = tpu.memref_slice %arg3[%mul3A_61, %mul3A_77] : memref<200x16384xi32, #tpu.memory_space<hbm>> -> memref<8x256xi32, #tpu.memory_space<hbm>>
    tpu.enqueue_dma source(%dma_start3A_87 : memref<8x256xi32, #tpu.memory_space<hbm>>) target(%dma_start3A_86 : memref<8x256xi32, #tpu.memory_space<vmem>>) target_semaphore(%arg10 : memref<!tpu.dma_semaphore, #tpu.memory_space<semaphore_mem>>)
    %broadcast_in_dim3A = arith.constant 0.000000e+00 : f32
    %broadcast_in_dim3A_88 = vector.broadcast %broadcast_in_dim3A : f32 to vector<16xf32>
    %scan3A = arith.constant 0 : i32
    %scan3A_89 = arith.constant 25 : i32
    %scan3A_90 = arith.addi %scan3A, %scan3A_89 : i32
    %scan3A_91 = arith.constant 1 : i32
    %scan3A_92 = scf.for %scan3A_273 = %scan3A to %scan3A_90 step %scan3A_91 iter_args(%scan3A_274 = %broadcast_in_dim3A_88) -> (vector<16xf32>)  : i32 {
      %mul3A_275 = arith.constant 2 : i32
      %mul3A_276 = arith.muli %mul3A_275, %scan3A_273 : i32
      %add3A_277 = arith.constant 0 : i32
      %add3A_278 = arith.addi %mul3A_276, %add3A_277 : i32
      %add3A_279 = arith.constant 1 : i32
      %add3A_280 = arith.addi %add3A_278, %add3A_279 : i32
      %min3A = arith.constant 49 : i32
      %min3A_281 = arith.minsi %add3A_280, %min3A : i32
      %add3A_282 = arith.addi %mul3A_41, %min3A_281 : i32
      %jit3A_283 = arith.constant 64 : i32
      %div3A_284 = arith.divsi %add3A_282, %jit3A_283 : i32
      %sign3A_285 = arith.constant 0 : i32
      %sign3A_286 = arith.cmpi sgt, %add3A_282, %sign3A_285 : i32
      %sign3A_287 = arith.extui %sign3A_286 : i1 to i32
      %sign3A_288 = arith.constant 0 : i32
      %sign3A_289 = arith.cmpi slt, %add3A_282, %sign3A_288 : i32
      %sign3A_290 = arith.extui %sign3A_289 : i1 to i32
      %sign3A_291 = arith.subi %sign3A_287, %sign3A_290 : i32
      %sign3A_292 = arith.constant 0 : i32
      %sign3A_293 = arith.cmpi sgt, %jit3A_283, %sign3A_292 : i32
      %sign3A_294 = arith.extui %sign3A_293 : i1 to i32
      %sign3A_295 = arith.constant 0 : i32
      %sign3A_296 = arith.cmpi slt, %jit3A_283, %sign3A_295 : i32
      %sign3A_297 = arith.extui %sign3A_296 : i1 to i32
      %sign3A_298 = arith.subi %sign3A_294, %sign3A_297 : i32
      %ne3A_299 = arith.cmpi ne, %sign3A_291, %sign3A_298 : i32
      %rem3A_300 = arith.remsi %add3A_282, %jit3A_283 : i32
      %ne3A_301 = arith.constant 0 : i32
      %ne3A_302 = arith.cmpi ne, %rem3A_300, %ne3A_301 : i32
      %and3A_303 = arith.andi %ne3A_299, %ne3A_302 : i1
      %sub3A_304 = arith.constant 1 : i32
      %sub3A_305 = arith.subi %div3A_284, %sub3A_304 : i32
      %select_n3A_306 = arith.select %and3A_303, %sub3A_305, %div3A_284 : i32
      %mul3A_307 = arith.constant 8 : i32
      %mul3A_308 = arith.muli %select_n3A_306, %mul3A_307 : i32
      %jit3A_309 = arith.constant 64 : i32
      %eq3A_310 = arith.constant 0 : i32
      %eq3A_311 = arith.cmpi eq, %jit3A_309, %eq3A_310 : i32
      %jit3A_312 = arith.constant 1 : i32
      %select_n3A_313 = arith.select %eq3A_311, %jit3A_312, %jit3A_309 : i32
      %rem3A_314 = arith.remsi %add3A_282, %select_n3A_313 : i32
      %ne3A_315 = arith.constant 0 : i32
      %ne3A_316 = arith.cmpi ne, %rem3A_314, %ne3A_315 : i32
      %lt3A_317 = arith.constant 0 : i32
      %lt3A_318 = arith.cmpi slt, %rem3A_314, %lt3A_317 : i32
      %lt3A_319 = arith.constant 0 : i32
      %lt3A_320 = arith.cmpi slt, %select_n3A_313, %lt3A_319 : i32
      %ne3A_321 = arith.xori %lt3A_318, %lt3A_320 : i1
      %and3A_322 = arith.andi %ne3A_321, %ne3A_316 : i1
      %add3A_323 = arith.addi %rem3A_314, %select_n3A_313 : i32
      %select_n3A_324 = arith.select %and3A_322, %add3A_323, %rem3A_314 : i32
      %mul3A_325 = arith.constant 256 : i32
      %mul3A_326 = arith.muli %select_n3A_324, %mul3A_325 : i32
      %dma_start3A_327 = arith.constant 1 : i32
      %dma_start3A_328 = arith.constant 0 : i32
      %dma_start3A_329 = arith.constant 0 : i32
      %dma_start3A_330 = tpu.memref_slice %arg7[%dma_start3A_327, %dma_start3A_328, %dma_start3A_329] : memref<2x8x256xi32, #tpu.memory_space<vmem>> -> memref<1x8x256xi32, #tpu.memory_space<vmem>>
      %dma_start3A_331 = tpu.memref_squeeze %dma_start3A_330 : memref<1x8x256xi32, #tpu.memory_space<vmem>> -> memref<8x256xi32, #tpu.memory_space<vmem>>
      %dma_start3A_332 = tpu.memref_slice %arg3[%mul3A_308, %mul3A_326] : memref<200x16384xi32, #tpu.memory_space<hbm>> -> memref<8x256xi32, #tpu.memory_space<hbm>>
      %dma_start3A_333 = arith.constant 0 : i32
      %dma_start3A_334 = arith.constant 0 : i32
      %dma_start3A_335 = tpu.memref_slice %arg7[%dma_start3A_327, %dma_start3A_333, %dma_start3A_334] : memref<2x8x256xi32, #tpu.memory_space<vmem>> -> memref<1x8x256xi32, #tpu.memory_space<vmem>>
      %dma_start3A_336 = tpu.memref_squeeze %dma_start3A_335 : memref<1x8x256xi32, #tpu.memory_space<vmem>> -> memref<8x256xi32, #tpu.memory_space<vmem>>
      %dma_start3A_337 = tpu.memref_slice %arg3[%mul3A_308, %mul3A_326] : memref<200x16384xi32, #tpu.memory_space<hbm>> -> memref<8x256xi32, #tpu.memory_space<hbm>>
      tpu.enqueue_dma source(%dma_start3A_337 : memref<8x256xi32, #tpu.memory_space<hbm>>) target(%dma_start3A_336 : memref<8x256xi32, #tpu.memory_space<vmem>>) target_semaphore(%arg11 : memref<!tpu.dma_semaphore, #tpu.memory_space<semaphore_mem>>)
      %add3A_338 = arith.addi %mul3A_41, %add3A_278 : i32
      %jit3A_339 = arith.constant 64 : i32
      %div3A_340 = arith.divsi %add3A_338, %jit3A_339 : i32
      %sign3A_341 = arith.constant 0 : i32
      %sign3A_342 = arith.cmpi sgt, %add3A_338, %sign3A_341 : i32
      %sign3A_343 = arith.extui %sign3A_342 : i1 to i32
      %sign3A_344 = arith.constant 0 : i32
      %sign3A_345 = arith.cmpi slt, %add3A_338, %sign3A_344 : i32
      %sign3A_346 = arith.extui %sign3A_345 : i1 to i32
      %sign3A_347 = arith.subi %sign3A_343, %sign3A_346 : i32
      %sign3A_348 = arith.constant 0 : i32
      %sign3A_349 = arith.cmpi sgt, %jit3A_339, %sign3A_348 : i32
      %sign3A_350 = arith.extui %sign3A_349 : i1 to i32
      %sign3A_351 = arith.constant 0 : i32
      %sign3A_352 = arith.cmpi slt, %jit3A_339, %sign3A_351 : i32
      %sign3A_353 = arith.extui %sign3A_352 : i1 to i32
      %sign3A_354 = arith.subi %sign3A_350, %sign3A_353 : i32
      %ne3A_355 = arith.cmpi ne, %sign3A_347, %sign3A_354 : i32
      %rem3A_356 = arith.remsi %add3A_338, %jit3A_339 : i32
      %ne3A_357 = arith.constant 0 : i32
      %ne3A_358 = arith.cmpi ne, %rem3A_356, %ne3A_357 : i32
      %and3A_359 = arith.andi %ne3A_355, %ne3A_358 : i1
      %sub3A_360 = arith.constant 1 : i32
      %sub3A_361 = arith.subi %div3A_340, %sub3A_360 : i32
      %select_n3A_362 = arith.select %and3A_359, %sub3A_361, %div3A_340 : i32
      %mul3A_363 = arith.constant 8 : i32
      %mul3A_364 = arith.muli %select_n3A_362, %mul3A_363 : i32
      %jit3A_365 = arith.constant 64 : i32
      %eq3A_366 = arith.constant 0 : i32
      %eq3A_367 = arith.cmpi eq, %jit3A_365, %eq3A_366 : i32
      %jit3A_368 = arith.constant 1 : i32
      %select_n3A_369 = arith.select %eq3A_367, %jit3A_368, %jit3A_365 : i32
      %rem3A_370 = arith.remsi %add3A_338, %select_n3A_369 : i32
      %ne3A_371 = arith.constant 0 : i32
      %ne3A_372 = arith.cmpi ne, %rem3A_370, %ne3A_371 : i32
      %lt3A_373 = arith.constant 0 : i32
      %lt3A_374 = arith.cmpi slt, %rem3A_370, %lt3A_373 : i32
      %lt3A_375 = arith.constant 0 : i32
      %lt3A_376 = arith.cmpi slt, %select_n3A_369, %lt3A_375 : i32
      %ne3A_377 = arith.xori %lt3A_374, %lt3A_376 : i1
      %and3A_378 = arith.andi %ne3A_377, %ne3A_372 : i1
      %add3A_379 = arith.addi %rem3A_370, %select_n3A_369 : i32
      %select_n3A_380 = arith.select %and3A_378, %add3A_379, %rem3A_370 : i32
      %mul3A_381 = arith.constant 256 : i32
      %mul3A_382 = arith.muli %select_n3A_380, %mul3A_381 : i32
      %dma_wait3A_383 = arith.constant 0 : i32
      %dma_wait3A_384 = arith.constant 0 : i32
      %dma_wait3A_385 = arith.constant 0 : i32
      %dma_wait3A_386 = tpu.memref_slice %arg7[%dma_wait3A_383, %dma_wait3A_384, %dma_wait3A_385] : memref<2x8x256xi32, #tpu.memory_space<vmem>> -> memref<1x8x256xi32, #tpu.memory_space<vmem>>
      %dma_wait3A_387 = tpu.memref_squeeze %dma_wait3A_386 : memref<1x8x256xi32, #tpu.memory_space<vmem>> -> memref<8x256xi32, #tpu.memory_space<vmem>>
      %dma_wait3A_388 = tpu.memref_slice %arg3[%mul3A_364, %mul3A_382] : memref<200x16384xi32, #tpu.memory_space<hbm>> -> memref<8x256xi32, #tpu.memory_space<hbm>>
      %dma_wait3A_389 = arith.constant 0 : i32
      %dma_wait3A_390 = arith.constant 0 : i32
      %dma_wait3A_391 = tpu.memref_slice %arg7[%dma_wait3A_383, %dma_wait3A_389, %dma_wait3A_390] : memref<2x8x256xi32, #tpu.memory_space<vmem>> -> memref<1x8x256xi32, #tpu.memory_space<vmem>>
      %dma_wait3A_392 = tpu.memref_squeeze %dma_wait3A_391 : memref<1x8x256xi32, #tpu.memory_space<vmem>> -> memref<8x256xi32, #tpu.memory_space<vmem>>
      %dma_wait3A_393 = tpu.memref_slice %arg3[%mul3A_364, %mul3A_382] : memref<200x16384xi32, #tpu.memory_space<hbm>> -> memref<8x256xi32, #tpu.memory_space<hbm>>
      tpu.wait_dma2 semaphore(%arg10 : memref<!tpu.dma_semaphore, #tpu.memory_space<semaphore_mem>>) src(%dma_wait3A_393 : memref<8x256xi32, #tpu.memory_space<hbm>>) dst(%dma_wait3A_392 : memref<8x256xi32, #tpu.memory_space<vmem>>)
      %gt3A = arith.constant 0 : i32
      %gt3A_394 = arith.cmpi sgt, %scan3A_273, %gt3A : i32
      %convert_element_type3A = arith.extui %gt3A_394 : i1 to i32
      %cond3A = arith.constant 0 : i32
      %cond3A_395 = arith.cmpi ne, %convert_element_type3A, %cond3A : i32
      scf.if %cond3A_395 {
        %add3A_653 = arith.addi %mul3A_41, %add3A_278 : i32
        %jit3A_654 = arith.constant 64 : i32
        %div3A_655 = arith.divsi %add3A_653, %jit3A_654 : i32
        %sign3A_656 = arith.constant 0 : i32
        %sign3A_657 = arith.cmpi sgt, %add3A_653, %sign3A_656 : i32
        %sign3A_658 = arith.extui %sign3A_657 : i1 to i32
        %sign3A_659 = arith.constant 0 : i32
        %sign3A_660 = arith.cmpi slt, %add3A_653, %sign3A_659 : i32
        %sign3A_661 = arith.extui %sign3A_660 : i1 to i32
        %sign3A_662 = arith.subi %sign3A_658, %sign3A_661 : i32
        %sign3A_663 = arith.constant 0 : i32
        %sign3A_664 = arith.cmpi sgt, %jit3A_654, %sign3A_663 : i32
        %sign3A_665 = arith.extui %sign3A_664 : i1 to i32
        %sign3A_666 = arith.constant 0 : i32
        %sign3A_667 = arith.cmpi slt, %jit3A_654, %sign3A_666 : i32
        %sign3A_668 = arith.extui %sign3A_667 : i1 to i32
        %sign3A_669 = arith.subi %sign3A_665, %sign3A_668 : i32
        %ne3A_670 = arith.cmpi ne, %sign3A_662, %sign3A_669 : i32
        %rem3A_671 = arith.remsi %add3A_653, %jit3A_654 : i32
        %ne3A_672 = arith.constant 0 : i32
        %ne3A_673 = arith.cmpi ne, %rem3A_671, %ne3A_672 : i32
        %and3A_674 = arith.andi %ne3A_670, %ne3A_673 : i1
        %sub3A_675 = arith.constant 1 : i32
        %sub3A_676 = arith.subi %div3A_655, %sub3A_675 : i32
        %select_n3A_677 = arith.select %and3A_674, %sub3A_676, %div3A_655 : i32
        %mul3A_678 = arith.constant 8 : i32
        %mul3A_679 = arith.muli %select_n3A_677, %mul3A_678 : i32
        %jit3A_680 = arith.constant 64 : i32
        %eq3A_681 = arith.constant 0 : i32
        %eq3A_682 = arith.cmpi eq, %jit3A_680, %eq3A_681 : i32
        %jit3A_683 = arith.constant 1 : i32
        %select_n3A_684 = arith.select %eq3A_682, %jit3A_683, %jit3A_680 : i32
        %rem3A_685 = arith.remsi %add3A_653, %select_n3A_684 : i32
        %ne3A_686 = arith.constant 0 : i32
        %ne3A_687 = arith.cmpi ne, %rem3A_685, %ne3A_686 : i32
        %lt3A_688 = arith.constant 0 : i32
        %lt3A_689 = arith.cmpi slt, %rem3A_685, %lt3A_688 : i32
        %lt3A_690 = arith.constant 0 : i32
        %lt3A_691 = arith.cmpi slt, %select_n3A_684, %lt3A_690 : i32
        %ne3A_692 = arith.xori %lt3A_689, %lt3A_691 : i1
        %and3A_693 = arith.andi %ne3A_692, %ne3A_687 : i1
        %add3A_694 = arith.addi %rem3A_685, %select_n3A_684 : i32
        %select_n3A_695 = arith.select %and3A_693, %add3A_694, %rem3A_685 : i32
        %mul3A_696 = arith.constant 256 : i32
        %mul3A_697 = arith.muli %select_n3A_695, %mul3A_696 : i32
        %dma_wait3A_698 = arith.constant 0 : i32
        %dma_wait3A_699 = arith.constant 0 : i32
        %dma_wait3A_700 = arith.constant 0 : i32
        %dma_wait3A_701 = arith.constant 0 : i32
        %dma_wait3A_702 = tpu.memref_slice %arg8[%dma_wait3A_698, %dma_wait3A_699, %dma_wait3A_700, %dma_wait3A_701] : memref<2x10x8x256xf32, #tpu.memory_space<vmem>> -> memref<1x10x8x256xf32, #tpu.memory_space<vmem>>
        %dma_wait3A_703 = tpu.memref_squeeze %dma_wait3A_702 : memref<1x10x8x256xf32, #tpu.memory_space<vmem>> -> memref<10x8x256xf32, #tpu.memory_space<vmem>>
        %dma_wait3A_704 = arith.constant 0 : i32
        %dma_wait3A_705 = tpu.memref_slice %arg4[%dma_wait3A_704, %mul3A_679, %mul3A_697] : memref<10x200x16384xf32, #tpu.memory_space<hbm>> -> memref<10x8x256xf32, #tpu.memory_space<hbm>>
        %dma_wait3A_706 = arith.constant 0 : i32
        %dma_wait3A_707 = tpu.memref_slice %arg4[%dma_wait3A_706, %mul3A_679, %mul3A_697] : memref<10x200x16384xf32, #tpu.memory_space<hbm>> -> memref<10x8x256xf32, #tpu.memory_space<hbm>>
        %dma_wait3A_708 = arith.constant 0 : i32
        %dma_wait3A_709 = arith.constant 0 : i32
        %dma_wait3A_710 = arith.constant 0 : i32
        %dma_wait3A_711 = tpu.memref_slice %arg8[%dma_wait3A_698, %dma_wait3A_708, %dma_wait3A_709, %dma_wait3A_710] : memref<2x10x8x256xf32, #tpu.memory_space<vmem>> -> memref<1x10x8x256xf32, #tpu.memory_space<vmem>>
        %dma_wait3A_712 = tpu.memref_squeeze %dma_wait3A_711 : memref<1x10x8x256xf32, #tpu.memory_space<vmem>> -> memref<10x8x256xf32, #tpu.memory_space<vmem>>
        tpu.wait_dma2 semaphore(%arg12 : memref<!tpu.dma_semaphore, #tpu.memory_space<semaphore_mem>>) src(%dma_wait3A_712 : memref<10x8x256xf32, #tpu.memory_space<vmem>>) dst(%dma_wait3A_707 : memref<10x8x256xf32, #tpu.memory_space<hbm>>)
      } else {
      }
      %scan3A_396 = arith.constant 0 : i32
      %scan3A_397 = arith.constant 16 : i32
      %scan3A_398 = arith.addi %scan3A_396, %scan3A_397 : i32
      %scan3A_399 = arith.constant 1 : i32
      %scan3A_400 = scf.for %scan3A_653 = %scan3A_396 to %scan3A_398 step %scan3A_399 iter_args(%scan3A_654 = %scan3A_274) -> (vector<16xf32>)  : i32 {
        %mul3A_655 = arith.constant 16 : i32
        %mul3A_656 = arith.muli %scan3A_653, %mul3A_655 : i32
        %get3A_657 = arith.constant 0 : i32
        %get3A_658 = arith.constant 0 : i32
        %get3A_659 = arith.index_cast %get3A_657 : i32 to index
        %get3A_660 = arith.index_cast %get3A_658 : i32 to index
        %get3A_661 = arith.index_cast %mul3A_656 : i32 to index
        %get3A_662 = tpu.vector_load %arg7[%get3A_659, %get3A_660, %get3A_661] {strides = array<i32>} : memref<2x8x256xi32, #tpu.memory_space<vmem>>, vector<16xi32>,
        %broadcast_in_dim3A_663 = vector.shape_cast %get3A_662 : vector<16xi32> to vector<16x1xi32>
        %gather3A = vector.shape_cast %broadcast_in_dim3A_663 : vector<16x1xi32> to vector<16xi32>
        %gather3A_664 = tpu.dynamic_gather %get3A_3[%gather3A] in [0] : vector<16xf32>, vector<16xi32> -> vector<16xf32>
        %swap3A_665 = arith.constant 0 : i32
        %swap3A_666 = arith.constant 0 : i32
        %swap3A_667 = arith.constant 0 : i32
        %swap3A_668 = arith.index_cast %swap3A_665 : i32 to index
        %swap3A_669 = arith.index_cast %swap3A_666 : i32 to index
        %swap3A_670 = arith.index_cast %swap3A_667 : i32 to index
        %swap3A_671 = arith.index_cast %mul3A_656 : i32 to index
        %swap3A_672 = tpu.vector_load %arg8[%swap3A_668, %swap3A_669, %swap3A_670, %swap3A_671] {strides = array<i32>} : memref<2x10x8x256xf32, #tpu.memory_space<vmem>>, vector<16xf32>,
        tpu.vector_store %arg8[%swap3A_668, %swap3A_669, %swap3A_670, %swap3A_671], %gather3A_664 {strides = array<i32>} : memref<2x10x8x256xf32, #tpu.memory_space<vmem>>, vector<16xf32>,
        %add3A_673 = arith.addf %scan3A_654, %gather3A_664 : vector<16xf32>
        %broadcast_in_dim3A_674 = vector.shape_cast %get3A_662 : vector<16xi32> to vector<16x1xi32>
        %gather3A_675 = vector.shape_cast %broadcast_in_dim3A_674 : vector<16x1xi32> to vector<16xi32>
        %gather3A_676 = tpu.dynamic_gather %get3A_7[%gather3A_675] in [0] : vector<16xf32>, vector<16xi32> -> vector<16xf32>
        %swap3A_677 = arith.constant 0 : i32
        %swap3A_678 = arith.constant 1 : i32
        %swap3A_679 = arith.constant 0 : i32
        %swap3A_680 = arith.index_cast %swap3A_677 : i32 to index
        %swap3A_681 = arith.index_cast %swap3A_678 : i32 to index
        %swap3A_682 = arith.index_cast %swap3A_679 : i32 to index
        %swap3A_683 = arith.index_cast %mul3A_656 : i32 to index
        %swap3A_684 = tpu.vector_load %arg8[%swap3A_680, %swap3A_681, %swap3A_682, %swap3A_683] {strides = array<i32>} : memref<2x10x8x256xf32, #tpu.memory_space<vmem>>, vector<16xf32>,
        tpu.vector_store %arg8[%swap3A_680, %swap3A_681, %swap3A_682, %swap3A_683], %gather3A_676 {strides = array<i32>} : memref<2x10x8x256xf32, #tpu.memory_space<vmem>>, vector<16xf32>,
        %add3A_685 = arith.addf %add3A_673, %gather3A_676 : vector<16xf32>
        %broadcast_in_dim3A_686 = vector.shape_cast %get3A_662 : vector<16xi32> to vector<16x1xi32>
        %gather3A_687 = vector.shape_cast %broadcast_in_dim3A_686 : vector<16x1xi32> to vector<16xi32>
        %gather3A_688 = tpu.dynamic_gather %get3A_11[%gather3A_687] in [0] : vector<16xf32>, vector<16xi32> -> vector<16xf32>
        %swap3A_689 = arith.constant 0 : i32
        %swap3A_690 = arith.constant 2 : i32
        %swap3A_691 = arith.constant 0 : i32
        %swap3A_692 = arith.index_cast %swap3A_689 : i32 to index
        %swap3A_693 = arith.index_cast %swap3A_690 : i32 to index
        %swap3A_694 = arith.index_cast %swap3A_691 : i32 to index
        %swap3A_695 = arith.index_cast %mul3A_656 : i32 to index
        %swap3A_696 = tpu.vector_load %arg8[%swap3A_692, %swap3A_693, %swap3A_694, %swap3A_695] {strides = array<i32>} : memref<2x10x8x256xf32, #tpu.memory_space<vmem>>, vector<16xf32>,
        tpu.vector_store %arg8[%swap3A_692, %swap3A_693, %swap3A_694, %swap3A_695], %gather3A_688 {strides = array<i32>} : memref<2x10x8x256xf32, #tpu.memory_space<vmem>>, vector<16xf32>,
        %add3A_697 = arith.addf %add3A_685, %gather3A_688 : vector<16xf32>
        %broadcast_in_dim3A_698 = vector.shape_cast %get3A_662 : vector<16xi32> to vector<16x1xi32>
        %gather3A_699 = vector.shape_cast %broadcast_in_dim3A_698 : vector<16x1xi32> to vector<16xi32>
        %gather3A_700 = tpu.dynamic_gather %get3A_15[%gather3A_699] in [0] : vector<16xf32>, vector<16xi32> -> vector<16xf32>
        %swap3A_701 = arith.constant 0 : i32
        %swap3A_702 = arith.constant 3 : i32
        %swap3A_703 = arith.constant 0 : i32
        %swap3A_704 = arith.index_cast %swap3A_701 : i32 to index
        %swap3A_705 = arith.index_cast %swap3A_702 : i32 to index
        %swap3A_706 = arith.index_cast %swap3A_703 : i32 to index
        %swap3A_707 = arith.index_cast %mul3A_656 : i32 to index
        %swap3A_708 = tpu.vector_load %arg8[%swap3A_704, %swap3A_705, %swap3A_706, %swap3A_707] {strides = array<i32>} : memref<2x10x8x256xf32, #tpu.memory_space<vmem>>, vector<16xf32>,
        tpu.vector_store %arg8[%swap3A_704, %swap3A_705, %swap3A_706, %swap3A_707], %gather3A_700 {strides = array<i32>} : memref<2x10x8x256xf32, #tpu.memory_space<vmem>>, vector<16xf32>,
        %add3A_709 = arith.addf %add3A_697, %gather3A_700 : vector<16xf32>
        %broadcast_in_dim3A_710 = vector.shape_cast %get3A_662 : vector<16xi32> to vector<16x1xi32>
        %gather3A_711 = vector.shape_cast %broadcast_in_dim3A_710 : vector<16x1xi32> to vector<16xi32>
        %gather3A_712 = tpu.dynamic_gather %get3A_19[%gather3A_711] in [0] : vector<16xf32>, vector<16xi32> -> vector<16xf32>
        %swap3A_713 = arith.constant 0 : i32
        %swap3A_714 = arith.constant 4 : i32
        %swap3A_715 = arith.constant 0 : i32
        %swap3A_716 = arith.index_cast %swap3A_713 : i32 to index
        %swap3A_717 = arith.index_cast %swap3A_714 : i32 to index
        %swap3A_718 = arith.index_cast %swap3A_715 : i32 to index
        %swap3A_719 = arith.index_cast %mul3A_656 : i32 to index
        %swap3A_720 = tpu.vector_load %arg8[%swap3A_716, %swap3A_717, %swap3A_718, %swap3A_719] {strides = array<i32>} : memref<2x10x8x256xf32, #tpu.memory_space<vmem>>, vector<16xf32>,
        tpu.vector_store %arg8[%swap3A_716, %swap3A_717, %swap3A_718, %swap3A_719], %gather3A_712 {strides = array<i32>} : memref<2x10x8x256xf32, #tpu.memory_space<vmem>>, vector<16xf32>,
        %add3A_721 = arith.addf %add3A_709, %gather3A_712 : vector<16xf32>
        %broadcast_in_dim3A_722 = vector.shape_cast %get3A_662 : vector<16xi32> to vector<16x1xi32>
        %gather3A_723 = vector.shape_cast %broadcast_in_dim3A_722 : vector<16x1xi32> to vector<16xi32>
        %gather3A_724 = tpu.dynamic_gather %get3A_23[%gather3A_723] in [0] : vector<16xf32>, vector<16xi32> -> vector<16xf32>
        %swap3A_725 = arith.constant 0 : i32
        %swap3A_726 = arith.constant 5 : i32
        %swap3A_727 = arith.constant 0 : i32
        %swap3A_728 = arith.index_cast %swap3A_725 : i32 to index
        %swap3A_729 = arith.index_cast %swap3A_726 : i32 to index
        %swap3A_730 = arith.index_cast %swap3A_727 : i32 to index
        %swap3A_731 = arith.index_cast %mul3A_656 : i32 to index
        %swap3A_732 = tpu.vector_load %arg8[%swap3A_728, %swap3A_729, %swap3A_730, %swap3A_731] {strides = array<i32>} : memref<2x10x8x256xf32, #tpu.memory_space<vmem>>, vector<16xf32>,
        tpu.vector_store %arg8[%swap3A_728, %swap3A_729, %swap3A_730, %swap3A_731], %gather3A_724 {strides = array<i32>} : memref<2x10x8x256xf32, #tpu.memory_space<vmem>>, vector<16xf32>,
        %add3A_733 = arith.addf %add3A_721, %gather3A_724 : vector<16xf32>
        %broadcast_in_dim3A_734 = vector.shape_cast %get3A_662 : vector<16xi32> to vector<16x1xi32>
        %gather3A_735 = vector.shape_cast %broadcast_in_dim3A_734 : vector<16x1xi32> to vector<16xi32>
        %gather3A_736 = tpu.dynamic_gather %get3A_27[%gather3A_735] in [0] : vector<16xf32>, vector<16xi32> -> vector<16xf32>
        %swap3A_737 = arith.constant 0 : i32
        %swap3A_738 = arith.constant 6 : i32
        %swap3A_739 = arith.constant 0 : i32
        %swap3A_740 = arith.index_cast %swap3A_737 : i32 to index
        %swap3A_741 = arith.index_cast %swap3A_738 : i32 to index
        %swap3A_742 = arith.index_cast %swap3A_739 : i32 to index
        %swap3A_743 = arith.index_cast %mul3A_656 : i32 to index
        %swap3A_744 = tpu.vector_load %arg8[%swap3A_740, %swap3A_741, %swap3A_742, %swap3A_743] {strides = array<i32>} : memref<2x10x8x256xf32, #tpu.memory_space<vmem>>, vector<16xf32>,
        tpu.vector_store %arg8[%swap3A_740, %swap3A_741, %swap3A_742, %swap3A_743], %gather3A_736 {strides = array<i32>} : memref<2x10x8x256xf32, #tpu.memory_space<vmem>>, vector<16xf32>,
        %add3A_745 = arith.addf %add3A_733, %gather3A_736 : vector<16xf32>
        %broadcast_in_dim3A_746 = vector.shape_cast %get3A_662 : vector<16xi32> to vector<16x1xi32>
        %gather3A_747 = vector.shape_cast %broadcast_in_dim3A_746 : vector<16x1xi32> to vector<16xi32>
        %gather3A_748 = tpu.dynamic_gather %get3A_31[%gather3A_747] in [0] : vector<16xf32>, vector<16xi32> -> vector<16xf32>
        %swap3A_749 = arith.constant 0 : i32
        %swap3A_750 = arith.constant 7 : i32
        %swap3A_751 = arith.constant 0 : i32
        %swap3A_752 = arith.index_cast %swap3A_749 : i32 to index
        %swap3A_753 = arith.index_cast %swap3A_750 : i32 to index
        %swap3A_754 = arith.index_cast %swap3A_751 : i32 to index
        %swap3A_755 = arith.index_cast %mul3A_656 : i32 to index
        %swap3A_756 = tpu.vector_load %arg8[%swap3A_752, %swap3A_753, %swap3A_754, %swap3A_755] {strides = array<i32>} : memref<2x10x8x256xf32, #tpu.memory_space<vmem>>, vector<16xf32>,
        tpu.vector_store %arg8[%swap3A_752, %swap3A_753, %swap3A_754, %swap3A_755], %gather3A_748 {strides = array<i32>} : memref<2x10x8x256xf32, #tpu.memory_space<vmem>>, vector<16xf32>,
        %add3A_757 = arith.addf %add3A_745, %gather3A_748 : vector<16xf32>
        %broadcast_in_dim3A_758 = vector.shape_cast %get3A_662 : vector<16xi32> to vector<16x1xi32>
        %gather3A_759 = vector.shape_cast %broadcast_in_dim3A_758 : vector<16x1xi32> to vector<16xi32>
        %gather3A_760 = tpu.dynamic_gather %get3A_35[%gather3A_759] in [0] : vector<16xf32>, vector<16xi32> -> vector<16xf32>
        %swap3A_761 = arith.constant 0 : i32
        %swap3A_762 = arith.constant 8 : i32
        %swap3A_763 = arith.constant 0 : i32
        %swap3A_764 = arith.index_cast %swap3A_761 : i32 to index
        %swap3A_765 = arith.index_cast %swap3A_762 : i32 to index
        %swap3A_766 = arith.index_cast %swap3A_763 : i32 to index
        %swap3A_767 = arith.index_cast %mul3A_656 : i32 to index
        %swap3A_768 = tpu.vector_load %arg8[%swap3A_764, %swap3A_765, %swap3A_766, %swap3A_767] {strides = array<i32>} : memref<2x10x8x256xf32, #tpu.memory_space<vmem>>, vector<16xf32>,
        tpu.vector_store %arg8[%swap3A_764, %swap3A_765, %swap3A_766, %swap3A_767], %gather3A_760 {strides = array<i32>} : memref<2x10x8x256xf32, #tpu.memory_space<vmem>>, vector<16xf32>,
        %add3A_769 = arith.addf %add3A_757, %gather3A_760 : vector<16xf32>
        %broadcast_in_dim3A_770 = vector.shape_cast %get3A_662 : vector<16xi32> to vector<16x1xi32>
        %gather3A_771 = vector.shape_cast %broadcast_in_dim3A_770 : vector<16x1xi32> to vector<16xi32>
        %gather3A_772 = tpu.dynamic_gather %get3A_39[%gather3A_771] in [0] : vector<16xf32>, vector<16xi32> -> vector<16xf32>
        %swap3A_773 = arith.constant 0 : i32
        %swap3A_774 = arith.constant 9 : i32
        %swap3A_775 = arith.constant 0 : i32
        %swap3A_776 = arith.index_cast %swap3A_773 : i32 to index
        %swap3A_777 = arith.index_cast %swap3A_774 : i32 to index
        %swap3A_778 = arith.index_cast %swap3A_775 : i32 to index
        %swap3A_779 = arith.index_cast %mul3A_656 : i32 to index
        %swap3A_780 = tpu.vector_load %arg8[%swap3A_776, %swap3A_777, %swap3A_778, %swap3A_779] {strides = array<i32>} : memref<2x10x8x256xf32, #tpu.memory_space<vmem>>, vector<16xf32>,
        tpu.vector_store %arg8[%swap3A_776, %swap3A_777, %swap3A_778, %swap3A_779], %gather3A_772 {strides = array<i32>} : memref<2x10x8x256xf32, #tpu.memory_space<vmem>>, vector<16xf32>,
        %add3A_781 = arith.addf %add3A_769, %gather3A_772 : vector<16xf32>
        %get3A_782 = arith.constant 0 : i32
        %get3A_783 = arith.constant 1 : i32
        %get3A_784 = arith.index_cast %get3A_782 : i32 to index
        %get3A_785 = arith.index_cast %get3A_783 : i32 to index
        %get3A_786 = arith.index_cast %mul3A_656 : i32 to index
        %get3A_787 = tpu.vector_load %arg7[%get3A_784, %get3A_785, %get3A_786] {strides = array<i32>} : memref<2x8x256xi32, #tpu.memory_space<vmem>>, vector<16xi32>,
        %broadcast_in_dim3A_788 = vector.shape_cast %get3A_787 : vector<16xi32> to vector<16x1xi32>
        %gather3A_789 = vector.shape_cast %broadcast_in_dim3A_788 : vector<16x1xi32> to vector<16xi32>
        %gather3A_790 = tpu.dynamic_gather %get3A_3[%gather3A_789] in [0] : vector<16xf32>, vector<16xi32> -> vector<16xf32>
        %swap3A_791 = arith.constant 0 : i32
        %swap3A_792 = arith.constant 0 : i32
        %swap3A_793 = arith.constant 1 : i32
        %swap3A_794 = arith.index_cast %swap3A_791 : i32 to index
        %swap3A_795 = arith.index_cast %swap3A_792 : i32 to index
        %swap3A_796 = arith.index_cast %swap3A_793 : i32 to index
        %swap3A_797 = arith.index_cast %mul3A_656 : i32 to index
        %swap3A_798 = tpu.vector_load %arg8[%swap3A_794, %swap3A_795, %swap3A_796, %swap3A_797] {strides = array<i32>} : memref<2x10x8x256xf32, #tpu.memory_space<vmem>>, vector<16xf32>,
        tpu.vector_store %arg8[%swap3A_794, %swap3A_795, %swap3A_796, %swap3A_797], %gather3A_790 {strides = array<i32>} : memref<2x10x8x256xf32, #tpu.memory_space<vmem>>, vector<16xf32>,
        %add3A_799 = arith.addf %add3A_781, %gather3A_790 : vector<16xf32>
        %broadcast_in_dim3A_800 = vector.shape_cast %get3A_787 : vector<16xi32> to vector<16x1xi32>
        %gather3A_801 = vector.shape_cast %broadcast_in_dim3A_800 : vector<16x1xi32> to vector<16xi32>
        %gather3A_802 = tpu.dynamic_gather %get3A_7[%gather3A_801] in [0] : vector<16xf32>, vector<16xi32> -> vector<16xf32>
        %swap3A_803 = arith.constant 0 : i32
        %swap3A_804 = arith.constant 1 : i32
        %swap3A_805 = arith.constant 1 : i32
        %swap3A_806 = arith.index_cast %swap3A_803 : i32 to index
        %swap3A_807 = arith.index_cast %swap3A_804 : i32 to index
        %swap3A_808 = arith.index_cast %swap3A_805 : i32 to index
        %swap3A_809 = arith.index_cast %mul3A_656 : i32 to index
        %swap3A_810 = tpu.vector_load %arg8[%swap3A_806, %swap3A_807, %swap3A_808, %swap3A_809] {strides = array<i32>} : memref<2x10x8x256xf32, #tpu.memory_space<vmem>>, vector<16xf32>,
        tpu.vector_store %arg8[%swap3A_806, %swap3A_807, %swap3A_808, %swap3A_809], %gather3A_802 {strides = array<i32>} : memref<2x10x8x256xf32, #tpu.memory_space<vmem>>, vector<16xf32>,
        %add3A_811 = arith.addf %add3A_799, %gather3A_802 : vector<16xf32>
        %broadcast_in_dim3A_812 = vector.shape_cast %get3A_787 : vector<16xi32> to vector<16x1xi32>
        %gather3A_813 = vector.shape_cast %broadcast_in_dim3A_812 : vector<16x1xi32> to vector<16xi32>
        %gather3A_814 = tpu.dynamic_gather %get3A_11[%gather3A_813] in [0] : vector<16xf32>, vector<16xi32> -> vector<16xf32>
        %swap3A_815 = arith.constant 0 : i32
        %swap3A_816 = arith.constant 2 : i32
        %swap3A_817 = arith.constant 1 : i32
        %swap3A_818 = arith.index_cast %swap3A_815 : i32 to index
        %swap3A_819 = arith.index_cast %swap3A_816 : i32 to index
        %swap3A_820 = arith.index_cast %swap3A_817 : i32 to index
        %swap3A_821 = arith.index_cast %mul3A_656 : i32 to index
        %swap3A_822 = tpu.vector_load %arg8[%swap3A_818, %swap3A_819, %swap3A_820, %swap3A_821] {strides = array<i32>} : memref<2x10x8x256xf32, #tpu.memory_space<vmem>>, vector<16xf32>,
        tpu.vector_store %arg8[%swap3A_818, %swap3A_819, %swap3A_820, %swap3A_821], %gather3A_814 {strides = array<i32>} : memref<2x10x8x256xf32, #tpu.memory_space<vmem>>, vector<16xf32>,
        %add3A_823 = arith.addf %add3A_811, %gather3A_814 : vector<16xf32>
        %broadcast_in_dim3A_824 = vector.shape_cast %get3A_787 : vector<16xi32> to vector<16x1xi32>
        %gather3A_825 = vector.shape_cast %broadcast_in_dim3A_824 : vector<16x1xi32> to vector<16xi32>
        %gather3A_826 = tpu.dynamic_gather %get3A_15[%gather3A_825] in [0] : vector<16xf32>, vector<16xi32> -> vector<16xf32>
        %swap3A_827 = arith.constant 0 : i32
        %swap3A_828 = arith.constant 3 : i32
        %swap3A_829 = arith.constant 1 : i32
        %swap3A_830 = arith.index_cast %swap3A_827 : i32 to index
        %swap3A_831 = arith.index_cast %swap3A_828 : i32 to index
        %swap3A_832 = arith.index_cast %swap3A_829 : i32 to index
        %swap3A_833 = arith.index_cast %mul3A_656 : i32 to index
        %swap3A_834 = tpu.vector_load %arg8[%swap3A_830, %swap3A_831, %swap3A_832, %swap3A_833] {strides = array<i32>} : memref<2x10x8x256xf32, #tpu.memory_space<vmem>>, vector<16xf32>,
        tpu.vector_store %arg8[%swap3A_830, %swap3A_831, %swap3A_832, %swap3A_833], %gather3A_826 {strides = array<i32>} : memref<2x10x8x256xf32, #tpu.memory_space<vmem>>, vector<16xf32>,
        %add3A_835 = arith.addf %add3A_823, %gather3A_826 : vector<16xf32>
        %broadcast_in_dim3A_836 = vector.shape_cast %get3A_787 : vector<16xi32> to vector<16x1xi32>
        %gather3A_837 = vector.shape_cast %broadcast_in_dim3A_836 : vector<16x1xi32> to vector<16xi32>
        %gather3A_838 = tpu.dynamic_gather %get3A_19[%gather3A_837] in [0] : vector<16xf32>, vector<16xi32> -> vector<16xf32>
        %swap3A_839 = arith.constant 0 : i32
        %swap3A_840 = arith.constant 4 : i32
        %swap3A_841 = arith.constant 1 : i32
        %swap3A_842 = arith.index_cast %swap3A_839 : i32 to index
        %swap3A_843 = arith.index_cast %swap3A_840 : i32 to index
        %swap3A_844 = arith.index_cast %swap3A_841 : i32 to index
        %swap3A_845 = arith.index_cast %mul3A_656 : i32 to index
        %swap3A_846 = tpu.vector_load %arg8[%swap3A_842, %swap3A_843, %swap3A_844, %swap3A_845] {strides = array<i32>} : memref<2x10x8x256xf32, #tpu.memory_space<vmem>>, vector<16xf32>,
        tpu.vector_store %arg8[%swap3A_842, %swap3A_843, %swap3A_844, %swap3A_845], %gather3A_838 {strides = array<i32>} : memref<2x10x8x256xf32, #tpu.memory_space<vmem>>, vector<16xf32>,
        %add3A_847 = arith.addf %add3A_835, %gather3A_838 : vector<16xf32>
        %broadcast_in_dim3A_848 = vector.shape_cast %get3A_787 : vector<16xi32> to vector<16x1xi32>
        %gather3A_849 = vector.shape_cast %broadcast_in_dim3A_848 : vector<16x1xi32> to vector<16xi32>
        %gather3A_850 = tpu.dynamic_gather %get3A_23[%gather3A_849] in [0] : vector<16xf32>, vector<16xi32> -> vector<16xf32>
        %swap3A_851 = arith.constant 0 : i32
        %swap3A_852 = arith.constant 5 : i32
        %swap3A_853 = arith.constant 1 : i32
        %swap3A_854 = arith.index_cast %swap3A_851 : i32 to index
        %swap3A_855 = arith.index_cast %swap3A_852 : i32 to index
        %swap3A_856 = arith.index_cast %swap3A_853 : i32 to index
        %swap3A_857 = arith.index_cast %mul3A_656 : i32 to index
        %swap3A_858 = tpu.vector_load %arg8[%swap3A_854, %swap3A_855, %swap3A_856, %swap3A_857] {strides = array<i32>} : memref<2x10x8x256xf32, #tpu.memory_space<vmem>>, vector<16xf32>,
        tpu.vector_store %arg8[%swap3A_854, %swap3A_855, %swap3A_856, %swap3A_857], %gather3A_850 {strides = array<i32>} : memref<2x10x8x256xf32, #tpu.memory_space<vmem>>, vector<16xf32>,
        %add3A_859 = arith.addf %add3A_847, %gather3A_850 : vector<16xf32>
        %broadcast_in_dim3A_860 = vector.shape_cast %get3A_787 : vector<16xi32> to vector<16x1xi32>
        %gather3A_861 = vector.shape_cast %broadcast_in_dim3A_860 : vector<16x1xi32> to vector<16xi32>
        %gather3A_862 = tpu.dynamic_gather %get3A_27[%gather3A_861] in [0] : vector<16xf32>, vector<16xi32> -> vector<16xf32>
        %swap3A_863 = arith.constant 0 : i32
        %swap3A_864 = arith.constant 6 : i32
        %swap3A_865 = arith.constant 1 : i32
        %swap3A_866 = arith.index_cast %swap3A_863 : i32 to index
        %swap3A_867 = arith.index_cast %swap3A_864 : i32 to index
        %swap3A_868 = arith.index_cast %swap3A_865 : i32 to index
        %swap3A_869 = arith.index_cast %mul3A_656 : i32 to index
        %swap3A_870 = tpu.vector_load %arg8[%swap3A_866, %swap3A_867, %swap3A_868, %swap3A_869] {strides = array<i32>} : memref<2x10x8x256xf32, #tpu.memory_space<vmem>>, vector<16xf32>,
        tpu.vector_store %arg8[%swap3A_866, %swap3A_867, %swap3A_868, %swap3A_869], %gather3A_862 {strides = array<i32>} : memref<2x10x8x256xf32, #tpu.memory_space<vmem>>, vector<16xf32>,
        %add3A_871 = arith.addf %add3A_859, %gather3A_862 : vector<16xf32>
        %broadcast_in_dim3A_872 = vector.shape_cast %get3A_787 : vector<16xi32> to vector<16x1xi32>
        %gather3A_873 = vector.shape_cast %broadcast_in_dim3A_872 : vector<16x1xi32> to vector<16xi32>
        %gather3A_874 = tpu.dynamic_gather %get3A_31[%gather3A_873] in [0] : vector<16xf32>, vector<16xi32> -> vector<16xf32>
        %swap3A_875 = arith.constant 0 : i32
        %swap3A_876 = arith.constant 7 : i32
        %swap3A_877 = arith.constant 1 : i32
        %swap3A_878 = arith.index_cast %swap3A_875 : i32 to index
        %swap3A_879 = arith.index_cast %swap3A_876 : i32 to index
        %swap3A_880 = arith.index_cast %swap3A_877 : i32 to index
        %swap3A_881 = arith.index_cast %mul3A_656 : i32 to index
        %swap3A_882 = tpu.vector_load %arg8[%swap3A_878, %swap3A_879, %swap3A_880, %swap3A_881] {strides = array<i32>} : memref<2x10x8x256xf32, #tpu.memory_space<vmem>>, vector<16xf32>,
        tpu.vector_store %arg8[%swap3A_878, %swap3A_879, %swap3A_880, %swap3A_881], %gather3A_874 {strides = array<i32>} : memref<2x10x8x256xf32, #tpu.memory_space<vmem>>, vector<16xf32>,
        %add3A_883 = arith.addf %add3A_871, %gather3A_874 : vector<16xf32>
        %broadcast_in_dim3A_884 = vector.shape_cast %get3A_787 : vector<16xi32> to vector<16x1xi32>
        %gather3A_885 = vector.shape_cast %broadcast_in_dim3A_884 : vector<16x1xi32> to vector<16xi32>
        %gather3A_886 = tpu.dynamic_gather %get3A_35[%gather3A_885] in [0] : vector<16xf32>, vector<16xi32> -> vector<16xf32>
        %swap3A_887 = arith.constant 0 : i32
        %swap3A_888 = arith.constant 8 : i32
        %swap3A_889 = arith.constant 1 : i32
        %swap3A_890 = arith.index_cast %swap3A_887 : i32 to index
        %swap3A_891 = arith.index_cast %swap3A_888 : i32 to index
        %swap3A_892 = arith.index_cast %swap3A_889 : i32 to index
        %swap3A_893 = arith.index_cast %mul3A_656 : i32 to index
        %swap3A_894 = tpu.vector_load %arg8[%swap3A_890, %swap3A_891, %swap3A_892, %swap3A_893] {strides = array<i32>} : memref<2x10x8x256xf32, #tpu.memory_space<vmem>>, vector<16xf32>,
        tpu.vector_store %arg8[%swap3A_890, %swap3A_891, %swap3A_892, %swap3A_893], %gather3A_886 {strides = array<i32>} : memref<2x10x8x256xf32, #tpu.memory_space<vmem>>, vector<16xf32>,
        %add3A_895 = arith.addf %add3A_883, %gather3A_886 : vector<16xf32>
        %broadcast_in_dim3A_896 = vector.shape_cast %get3A_787 : vector<16xi32> to vector<16x1xi32>
        %gather3A_897 = vector.shape_cast %broadcast_in_dim3A_896 : vector<16x1xi32> to vector<16xi32>
        %gather3A_898 = tpu.dynamic_gather %get3A_39[%gather3A_897] in [0] : vector<16xf32>, vector<16xi32> -> vector<16xf32>
        %swap3A_899 = arith.constant 0 : i32
        %swap3A_900 = arith.constant 9 : i32
        %swap3A_901 = arith.constant 1 : i32
        %swap3A_902 = arith.index_cast %swap3A_899 : i32 to index
        %swap3A_903 = arith.index_cast %swap3A_900 : i32 to index
        %swap3A_904 = arith.index_cast %swap3A_901 : i32 to index
        %swap3A_905 = arith.index_cast %mul3A_656 : i32 to index
        %swap3A_906 = tpu.vector_load %arg8[%swap3A_902, %swap3A_903, %swap3A_904, %swap3A_905] {strides = array<i32>} : memref<2x10x8x256xf32, #tpu.memory_space<vmem>>, vector<16xf32>,
        tpu.vector_store %arg8[%swap3A_902, %swap3A_903, %swap3A_904, %swap3A_905], %gather3A_898 {strides = array<i32>} : memref<2x10x8x256xf32, #tpu.memory_space<vmem>>, vector<16xf32>,
        %add3A_907 = arith.addf %add3A_895, %gather3A_898 : vector<16xf32>
        %get3A_908 = arith.constant 0 : i32
        %get3A_909 = arith.constant 2 : i32
        %get3A_910 = arith.index_cast %get3A_908 : i32 to index
        %get3A_911 = arith.index_cast %get3A_909 : i32 to index
        %get3A_912 = arith.index_cast %mul3A_656 : i32 to index
        %get3A_913 = tpu.vector_load %arg7[%get3A_910, %get3A_911, %get3A_912] {strides = array<i32>} : memref<2x8x256xi32, #tpu.memory_space<vmem>>, vector<16xi32>,
        %broadcast_in_dim3A_914 = vector.shape_cast %get3A_913 : vector<16xi32> to vector<16x1xi32>
        %gather3A_915 = vector.shape_cast %broadcast_in_dim3A_914 : vector<16x1xi32> to vector<16xi32>
        %gather3A_916 = tpu.dynamic_gather %get3A_3[%gather3A_915] in [0] : vector<16xf32>, vector<16xi32> -> vector<16xf32>
        %swap3A_917 = arith.constant 0 : i32
        %swap3A_918 = arith.constant 0 : i32
        %swap3A_919 = arith.constant 2 : i32
        %swap3A_920 = arith.index_cast %swap3A_917 : i32 to index
        %swap3A_921 = arith.index_cast %swap3A_918 : i32 to index
        %swap3A_922 = arith.index_cast %swap3A_919 : i32 to index
        %swap3A_923 = arith.index_cast %mul3A_656 : i32 to index
        %swap3A_924 = tpu.vector_load %arg8[%swap3A_920, %swap3A_921, %swap3A_922, %swap3A_923] {strides = array<i32>} : memref<2x10x8x256xf32, #tpu.memory_space<vmem>>, vector<16xf32>,
        tpu.vector_store %arg8[%swap3A_920, %swap3A_921, %swap3A_922, %swap3A_923], %gather3A_916 {strides = array<i32>} : memref<2x10x8x256xf32, #tpu.memory_space<vmem>>, vector<16xf32>,
        %add3A_925 = arith.addf %add3A_907, %gather3A_916 : vector<16xf32>
        %broadcast_in_dim3A_926 = vector.shape_cast %get3A_913 : vector<16xi32> to vector<16x1xi32>
        %gather3A_927 = vector.shape_cast %broadcast_in_dim3A_926 : vector<16x1xi32> to vector<16xi32>
        %gather3A_928 = tpu.dynamic_gather %get3A_7[%gather3A_927] in [0] : vector<16xf32>, vector<16xi32> -> vector<16xf32>
        %swap3A_929 = arith.constant 0 : i32
        %swap3A_930 = arith.constant 1 : i32
        %swap3A_931 = arith.constant 2 : i32
        %swap3A_932 = arith.index_cast %swap3A_929 : i32 to index
        %swap3A_933 = arith.index_cast %swap3A_930 : i32 to index
        %swap3A_934 = arith.index_cast %swap3A_931 : i32 to index
        %swap3A_935 = arith.index_cast %mul3A_656 : i32 to index
        %swap3A_936 = tpu.vector_load %arg8[%swap3A_932, %swap3A_933, %swap3A_934, %swap3A_935] {strides = array<i32>} : memref<2x10x8x256xf32, #tpu.memory_space<vmem>>, vector<16xf32>,
        tpu.vector_store %arg8[%swap3A_932, %swap3A_933, %swap3A_934, %swap3A_935], %gather3A_928 {strides = array<i32>} : memref<2x10x8x256xf32, #tpu.memory_space<vmem>>, vector<16xf32>,
        %add3A_937 = arith.addf %add3A_925, %gather3A_928 : vector<16xf32>
        %broadcast_in_dim3A_938 = vector.shape_cast %get3A_913 : vector<16xi32> to vector<16x1xi32>
        %gather3A_939 = vector.shape_cast %broadcast_in_dim3A_938 : vector<16x1xi32> to vector<16xi32>
        %gather3A_940 = tpu.dynamic_gather %get3A_11[%gather3A_939] in [0] : vector<16xf32>, vector<16xi32> -> vector<16xf32>
        %swap3A_941 = arith.constant 0 : i32
        %swap3A_942 = arith.constant 2 : i32
        %swap3A_943 = arith.constant 2 : i32
        %swap3A_944 = arith.index_cast %swap3A_941 : i32 to index
        %swap3A_945 = arith.index_cast %swap3A_942 : i32 to index
        %swap3A_946 = arith.index_cast %swap3A_943 : i32 to index
        %swap3A_947 = arith.index_cast %mul3A_656 : i32 to index
        %swap3A_948 = tpu.vector_load %arg8[%swap3A_944, %swap3A_945, %swap3A_946, %swap3A_947] {strides = array<i32>} : memref<2x10x8x256xf32, #tpu.memory_space<vmem>>, vector<16xf32>,
        tpu.vector_store %arg8[%swap3A_944, %swap3A_945, %swap3A_946, %swap3A_947], %gather3A_940 {strides = array<i32>} : memref<2x10x8x256xf32, #tpu.memory_space<vmem>>, vector<16xf32>,
        %add3A_949 = arith.addf %add3A_937, %gather3A_940 : vector<16xf32>
        %broadcast_in_dim3A_950 = vector.shape_cast %get3A_913 : vector<16xi32> to vector<16x1xi32>
        %gather3A_951 = vector.shape_cast %broadcast_in_dim3A_950 : vector<16x1xi32> to vector<16xi32>
        %gather3A_952 = tpu.dynamic_gather %get3A_15[%gather3A_951] in [0] : vector<16xf32>, vector<16xi32> -> vector<16xf32>
        %swap3A_953 = arith.constant 0 : i32
        %swap3A_954 = arith.constant 3 : i32
        %swap3A_955 = arith.constant 2 : i32
        %swap3A_956 = arith.index_cast %swap3A_953 : i32 to index
        %swap3A_957 = arith.index_cast %swap3A_954 : i32 to index
        %swap3A_958 = arith.index_cast %swap3A_955 : i32 to index
        %swap3A_959 = arith.index_cast %mul3A_656 : i32 to index
        %swap3A_960 = tpu.vector_load %arg8[%swap3A_956, %swap3A_957, %swap3A_958, %swap3A_959] {strides = array<i32>} : memref<2x10x8x256xf32, #tpu.memory_space<vmem>>, vector<16xf32>,
        tpu.vector_store %arg8[%swap3A_956, %swap3A_957, %swap3A_958, %swap3A_959], %gather3A_952 {strides = array<i32>} : memref<2x10x8x256xf32, #tpu.memory_space<vmem>>, vector<16xf32>,
        %add3A_961 = arith.addf %add3A_949, %gather3A_952 : vector<16xf32>
        %broadcast_in_dim3A_962 = vector.shape_cast %get3A_913 : vector<16xi32> to vector<16x1xi32>
        %gather3A_963 = vector.shape_cast %broadcast_in_dim3A_962 : vector<16x1xi32> to vector<16xi32>
        %gather3A_964 = tpu.dynamic_gather %get3A_19[%gather3A_963] in [0] : vector<16xf32>, vector<16xi32> -> vector<16xf32>
        %swap3A_965 = arith.constant 0 : i32
        %swap3A_966 = arith.constant 4 : i32
        %swap3A_967 = arith.constant 2 : i32
        %swap3A_968 = arith.index_cast %swap3A_965 : i32 to index
        %swap3A_969 = arith.index_cast %swap3A_966 : i32 to index
        %swap3A_970 = arith.index_cast %swap3A_967 : i32 to index
        %swap3A_971 = arith.index_cast %mul3A_656 : i32 to index
        %swap3A_972 = tpu.vector_load %arg8[%swap3A_968, %swap3A_969, %swap3A_970, %swap3A_971] {strides = array<i32>} : memref<2x10x8x256xf32, #tpu.memory_space<vmem>>, vector<16xf32>,
        tpu.vector_store %arg8[%swap3A_968, %swap3A_969, %swap3A_970, %swap3A_971], %gather3A_964 {strides = array<i32>} : memref<2x10x8x256xf32, #tpu.memory_space<vmem>>, vector<16xf32>,
        %add3A_973 = arith.addf %add3A_961, %gather3A_964 : vector<16xf32>
        %broadcast_in_dim3A_974 = vector.shape_cast %get3A_913 : vector<16xi32> to vector<16x1xi32>
        %gather3A_975 = vector.shape_cast %broadcast_in_dim3A_974 : vector<16x1xi32> to vector<16xi32>
        %gather3A_976 = tpu.dynamic_gather %get3A_23[%gather3A_975] in [0] : vector<16xf32>, vector<16xi32> -> vector<16xf32>
        %swap3A_977 = arith.constant 0 : i32
        %swap3A_978 = arith.constant 5 : i32
        %swap3A_979 = arith.constant 2 : i32
        %swap3A_980 = arith.index_cast %swap3A_977 : i32 to index
        %swap3A_981 = arith.index_cast %swap3A_978 : i32 to index
        %swap3A_982 = arith.index_cast %swap3A_979 : i32 to index
        %swap3A_983 = arith.index_cast %mul3A_656 : i32 to index
        %swap3A_984 = tpu.vector_load %arg8[%swap3A_980, %swap3A_981, %swap3A_982, %swap3A_983] {strides = array<i32>} : memref<2x10x8x256xf32, #tpu.memory_space<vmem>>, vector<16xf32>,
        tpu.vector_store %arg8[%swap3A_980, %swap3A_981, %swap3A_982, %swap3A_983], %gather3A_976 {strides = array<i32>} : memref<2x10x8x256xf32, #tpu.memory_space<vmem>>, vector<16xf32>,
        %add3A_985 = arith.addf %add3A_973, %gather3A_976 : vector<16xf32>
        %broadcast_in_dim3A_986 = vector.shape_cast %get3A_913 : vector<16xi32> to vector<16x1xi32>
        %gather3A_987 = vector.shape_cast %broadcast_in_dim3A_986 : vector<16x1xi32> to vector<16xi32>
        %gather3A_988 = tpu.dynamic_gather %get3A_27[%gather3A_987] in [0] : vector<16xf32>, vector<16xi32> -> vector<16xf32>
        %swap3A_989 = arith.constant 0 : i32
        %swap3A_990 = arith.constant 6 : i32
        %swap3A_991 = arith.constant 2 : i32
        %swap3A_992 = arith.index_cast %swap3A_989 : i32 to index
        %swap3A_993 = arith.index_cast %swap3A_990 : i32 to index
        %swap3A_994 = arith.index_cast %swap3A_991 : i32 to index
        %swap3A_995 = arith.index_cast %mul3A_656 : i32 to index
        %swap3A_996 = tpu.vector_load %arg8[%swap3A_992, %swap3A_993, %swap3A_994, %swap3A_995] {strides = array<i32>} : memref<2x10x8x256xf32, #tpu.memory_space<vmem>>, vector<16xf32>,
        tpu.vector_store %arg8[%swap3A_992, %swap3A_993, %swap3A_994, %swap3A_995], %gather3A_988 {strides = array<i32>} : memref<2x10x8x256xf32, #tpu.memory_space<vmem>>, vector<16xf32>,
        %add3A_997 = arith.addf %add3A_985, %gather3A_988 : vector<16xf32>
        %broadcast_in_dim3A_998 = vector.shape_cast %get3A_913 : vector<16xi32> to vector<16x1xi32>
        %gather3A_999 = vector.shape_cast %broadcast_in_dim3A_998 : vector<16x1xi32> to vector<16xi32>
        %gather3A_1000 = tpu.dynamic_gather %get3A_31[%gather3A_999] in [0] : vector<16xf32>, vector<16xi32> -> vector<16xf32>
        %swap3A_1001 = arith.constant 0 : i32
        %swap3A_1002 = arith.constant 7 : i32
        %swap3A_1003 = arith.constant 2 : i32
        %swap3A_1004 = arith.index_cast %swap3A_1001 : i32 to index
        %swap3A_1005 = arith.index_cast %swap3A_1002 : i32 to index
        %swap3A_1006 = arith.index_cast %swap3A_1003 : i32 to index
        %swap3A_1007 = arith.index_cast %mul3A_656 : i32 to index
        %swap3A_1008 = tpu.vector_load %arg8[%swap3A_1004, %swap3A_1005, %swap3A_1006, %swap3A_1007] {strides = array<i32>} : memref<2x10x8x256xf32, #tpu.memory_space<vmem>>, vector<16xf32>,
        tpu.vector_store %arg8[%swap3A_1004, %swap3A_1005, %swap3A_1006, %swap3A_1007], %gather3A_1000 {strides = array<i32>} : memref<2x10x8x256xf32, #tpu.memory_space<vmem>>, vector<16xf32>,
        %add3A_1009 = arith.addf %add3A_997, %gather3A_1000 : vector<16xf32>
        %broadcast_in_dim3A_1010 = vector.shape_cast %get3A_913 : vector<16xi32> to vector<16x1xi32>
        %gather3A_1011 = vector.shape_cast %broadcast_in_dim3A_1010 : vector<16x1xi32> to vector<16xi32>
        %gather3A_1012 = tpu.dynamic_gather %get3A_35[%gather3A_1011] in [0] : vector<16xf32>, vector<16xi32> -> vector<16xf32>
        %swap3A_1013 = arith.constant 0 : i32
        %swap3A_1014 = arith.constant 8 : i32
        %swap3A_1015 = arith.constant 2 : i32
        %swap3A_1016 = arith.index_cast %swap3A_1013 : i32 to index
        %swap3A_1017 = arith.index_cast %swap3A_1014 : i32 to index
        %swap3A_1018 = arith.index_cast %swap3A_1015 : i32 to index
        %swap3A_1019 = arith.index_cast %mul3A_656 : i32 to index
        %swap3A_1020 = tpu.vector_load %arg8[%swap3A_1016, %swap3A_1017, %swap3A_1018, %swap3A_1019] {strides = array<i32>} : memref<2x10x8x256xf32, #tpu.memory_space<vmem>>, vector<16xf32>,
        tpu.vector_store %arg8[%swap3A_1016, %swap3A_1017, %swap3A_1018, %swap3A_1019], %gather3A_1012 {strides = array<i32>} : memref<2x10x8x256xf32, #tpu.memory_space<vmem>>, vector<16xf32>,
        %add3A_1021 = arith.addf %add3A_1009, %gather3A_1012 : vector<16xf32>
        %broadcast_in_dim3A_1022 = vector.shape_cast %get3A_913 : vector<16xi32> to vector<16x1xi32>
        %gather3A_1023 = vector.shape_cast %broadcast_in_dim3A_1022 : vector<16x1xi32> to vector<16xi32>
        %gather3A_1024 = tpu.dynamic_gather %get3A_39[%gather3A_1023] in [0] : vector<16xf32>, vector<16xi32> -> vector<16xf32>
        %swap3A_1025 = arith.constant 0 : i32
        %swap3A_1026 = arith.constant 9 : i32
        %swap3A_1027 = arith.constant 2 : i32
        %swap3A_1028 = arith.index_cast %swap3A_1025 : i32 to index
        %swap3A_1029 = arith.index_cast %swap3A_1026 : i32 to index
        %swap3A_1030 = arith.index_cast %swap3A_1027 : i32 to index
        %swap3A_1031 = arith.index_cast %mul3A_656 : i32 to index
        %swap3A_1032 = tpu.vector_load %arg8[%swap3A_1028, %swap3A_1029, %swap3A_1030, %swap3A_1031] {strides = array<i32>} : memref<2x10x8x256xf32, #tpu.memory_space<vmem>>, vector<16xf32>,
        tpu.vector_store %arg8[%swap3A_1028, %swap3A_1029, %swap3A_1030, %swap3A_1031], %gather3A_1024 {strides = array<i32>} : memref<2x10x8x256xf32, #tpu.memory_space<vmem>>, vector<16xf32>,
        %add3A_1033 = arith.addf %add3A_1021, %gather3A_1024 : vector<16xf32>
        %get3A_1034 = arith.constant 0 : i32
        %get3A_1035 = arith.constant 3 : i32
        %get3A_1036 = arith.index_cast %get3A_1034 : i32 to index
        %get3A_1037 = arith.index_cast %get3A_1035 : i32 to index
        %get3A_1038 = arith.index_cast %mul3A_656 : i32 to index
        %get3A_1039 = tpu.vector_load %arg7[%get3A_1036, %get3A_1037, %get3A_1038] {strides = array<i32>} : memref<2x8x256xi32, #tpu.memory_space<vmem>>, vector<16xi32>,
        %broadcast_in_dim3A_1040 = vector.shape_cast %get3A_1039 : vector<16xi32> to vector<16x1xi32>
        %gather3A_1041 = vector.shape_cast %broadcast_in_dim3A_1040 : vector<16x1xi32> to vector<16xi32>
        %gather3A_1042 = tpu.dynamic_gather %get3A_3[%gather3A_1041] in [0] : vector<16xf32>, vector<16xi32> -> vector<16xf32>
        %swap3A_1043 = arith.constant 0 : i32
        %swap3A_1044 = arith.constant 0 : i32
        %swap3A_1045 = arith.constant 3 : i32
        %swap3A_1046 = arith.index_cast %swap3A_1043 : i32 to index
        %swap3A_1047 = arith.index_cast %swap3A_1044 : i32 to index
        %swap3A_1048 = arith.index_cast %swap3A_1045 : i32 to index
        %swap3A_1049 = arith.index_cast %mul3A_656 : i32 to index
        %swap3A_1050 = tpu.vector_load %arg8[%swap3A_1046, %swap3A_1047, %swap3A_1048, %swap3A_1049] {strides = array<i32>} : memref<2x10x8x256xf32, #tpu.memory_space<vmem>>, vector<16xf32>,
        tpu.vector_store %arg8[%swap3A_1046, %swap3A_1047, %swap3A_1048, %swap3A_1049], %gather3A_1042 {strides = array<i32>} : memref<2x10x8x256xf32, #tpu.memory_space<vmem>>, vector<16xf32>,
        %add3A_1051 = arith.addf %add3A_1033, %gather3A_1042 : vector<16xf32>
        %broadcast_in_dim3A_1052 = vector.shape_cast %get3A_1039 : vector<16xi32> to vector<16x1xi32>
        %gather3A_1053 = vector.shape_cast %broadcast_in_dim3A_1052 : vector<16x1xi32> to vector<16xi32>
        %gather3A_1054 = tpu.dynamic_gather %get3A_7[%gather3A_1053] in [0] : vector<16xf32>, vector<16xi32> -> vector<16xf32>
        %swap3A_1055 = arith.constant 0 : i32
        %swap3A_1056 = arith.constant 1 : i32
        %swap3A_1057 = arith.constant 3 : i32
        %swap3A_1058 = arith.index_cast %swap3A_1055 : i32 to index
        %swap3A_1059 = arith.index_cast %swap3A_1056 : i32 to index
        %swap3A_1060 = arith.index_cast %swap3A_1057 : i32 to index
        %swap3A_1061 = arith.index_cast %mul3A_656 : i32 to index
        %swap3A_1062 = tpu.vector_load %arg8[%swap3A_1058, %swap3A_1059, %swap3A_1060, %swap3A_1061] {strides = array<i32>} : memref<2x10x8x256xf32, #tpu.memory_space<vmem>>, vector<16xf32>,
        tpu.vector_store %arg8[%swap3A_1058, %swap3A_1059, %swap3A_1060, %swap3A_1061], %gather3A_1054 {strides = array<i32>} : memref<2x10x8x256xf32, #tpu.memory_space<vmem>>, vector<16xf32>,
        %add3A_1063 = arith.addf %add3A_1051, %gather3A_1054 : vector<16xf32>
        %broadcast_in_dim3A_1064 = vector.shape_cast %get3A_1039 : vector<16xi32> to vector<16x1xi32>
        %gather3A_1065 = vector.shape_cast %broadcast_in_dim3A_1064 : vector<16x1xi32> to vector<16xi32>
        %gather3A_1066 = tpu.dynamic_gather %get3A_11[%gather3A_1065] in [0] : vector<16xf32>, vector<16xi32> -> vector<16xf32>
        %swap3A_1067 = arith.constant 0 : i32
        %swap3A_1068 = arith.constant 2 : i32
        %swap3A_1069 = arith.constant 3 : i32
        %swap3A_1070 = arith.index_cast %swap3A_1067 : i32 to index
        %swap3A_1071 = arith.index_cast %swap3A_1068 : i32 to index
        %swap3A_1072 = arith.index_cast %swap3A_1069 : i32 to index
        %swap3A_1073 = arith.index_cast %mul3A_656 : i32 to index
        %swap3A_1074 = tpu.vector_load %arg8[%swap3A_1070, %swap3A_1071, %swap3A_1072, %swap3A_1073] {strides = array<i32>} : memref<2x10x8x256xf32, #tpu.memory_space<vmem>>, vector<16xf32>,
        tpu.vector_store %arg8[%swap3A_1070, %swap3A_1071, %swap3A_1072, %swap3A_1073], %gather3A_1066 {strides = array<i32>} : memref<2x10x8x256xf32, #tpu.memory_space<vmem>>, vector<16xf32>,
        %add3A_1075 = arith.addf %add3A_1063, %gather3A_1066 : vector<16xf32>
        %broadcast_in_dim3A_1076 = vector.shape_cast %get3A_1039 : vector<16xi32> to vector<16x1xi32>
        %gather3A_1077 = vector.shape_cast %broadcast_in_dim3A_1076 : vector<16x1xi32> to vector<16xi32>
        %gather3A_1078 = tpu.dynamic_gather %get3A_15[%gather3A_1077] in [0] : vector<16xf32>, vector<16xi32> -> vector<16xf32>
        %swap3A_1079 = arith.constant 0 : i32
        %swap3A_1080 = arith.constant 3 : i32
        %swap3A_1081 = arith.constant 3 : i32
        %swap3A_1082 = arith.index_cast %swap3A_1079 : i32 to index
        %swap3A_1083 = arith.index_cast %swap3A_1080 : i32 to index
        %swap3A_1084 = arith.index_cast %swap3A_1081 : i32 to index
        %swap3A_1085 = arith.index_cast %mul3A_656 : i32 to index
        %swap3A_1086 = tpu.vector_load %arg8[%swap3A_1082, %swap3A_1083, %swap3A_1084, %swap3A_1085] {strides = array<i32>} : memref<2x10x8x256xf32, #tpu.memory_space<vmem>>, vector<16xf32>,
        tpu.vector_store %arg8[%swap3A_1082, %swap3A_1083, %swap3A_1084, %swap3A_1085], %gather3A_1078 {strides = array<i32>} : memref<2x10x8x256xf32, #tpu.memory_space<vmem>>, vector<16xf32>,
        %add3A_1087 = arith.addf %add3A_1075, %gather3A_1078 : vector<16xf32>
        %broadcast_in_dim3A_1088 = vector.shape_cast %get3A_1039 : vector<16xi32> to vector<16x1xi32>
        %gather3A_1089 = vector.shape_cast %broadcast_in_dim3A_1088 : vector<16x1xi32> to vector<16xi32>
        %gather3A_1090 = tpu.dynamic_gather %get3A_19[%gather3A_1089] in [0] : vector<16xf32>, vector<16xi32> -> vector<16xf32>
        %swap3A_1091 = arith.constant 0 : i32
        %swap3A_1092 = arith.constant 4 : i32
        %swap3A_1093 = arith.constant 3 : i32
        %swap3A_1094 = arith.index_cast %swap3A_1091 : i32 to index
        %swap3A_1095 = arith.index_cast %swap3A_1092 : i32 to index
        %swap3A_1096 = arith.index_cast %swap3A_1093 : i32 to index
        %swap3A_1097 = arith.index_cast %mul3A_656 : i32 to index
        %swap3A_1098 = tpu.vector_load %arg8[%swap3A_1094, %swap3A_1095, %swap3A_1096, %swap3A_1097] {strides = array<i32>} : memref<2x10x8x256xf32, #tpu.memory_space<vmem>>, vector<16xf32>,
        tpu.vector_store %arg8[%swap3A_1094, %swap3A_1095, %swap3A_1096, %swap3A_1097], %gather3A_1090 {strides = array<i32>} : memref<2x10x8x256xf32, #tpu.memory_space<vmem>>, vector<16xf32>,
        %add3A_1099 = arith.addf %add3A_1087, %gather3A_1090 : vector<16xf32>
        %broadcast_in_dim3A_1100 = vector.shape_cast %get3A_1039 : vector<16xi32> to vector<16x1xi32>
        %gather3A_1101 = vector.shape_cast %broadcast_in_dim3A_1100 : vector<16x1xi32> to vector<16xi32>
        %gather3A_1102 = tpu.dynamic_gather %get3A_23[%gather3A_1101] in [0] : vector<16xf32>, vector<16xi32> -> vector<16xf32>
        %swap3A_1103 = arith.constant 0 : i32
        %swap3A_1104 = arith.constant 5 : i32
        %swap3A_1105 = arith.constant 3 : i32
        %swap3A_1106 = arith.index_cast %swap3A_1103 : i32 to index
        %swap3A_1107 = arith.index_cast %swap3A_1104 : i32 to index
        %swap3A_1108 = arith.index_cast %swap3A_1105 : i32 to index
        %swap3A_1109 = arith.index_cast %mul3A_656 : i32 to index
        %swap3A_1110 = tpu.vector_load %arg8[%swap3A_1106, %swap3A_1107, %swap3A_1108, %swap3A_1109] {strides = array<i32>} : memref<2x10x8x256xf32, #tpu.memory_space<vmem>>, vector<16xf32>,
        tpu.vector_store %arg8[%swap3A_1106, %swap3A_1107, %swap3A_1108, %swap3A_1109], %gather3A_1102 {strides = array<i32>} : memref<2x10x8x256xf32, #tpu.memory_space<vmem>>, vector<16xf32>,
        %add3A_1111 = arith.addf %add3A_1099, %gather3A_1102 : vector<16xf32>
        %broadcast_in_dim3A_1112 = vector.shape_cast %get3A_1039 : vector<16xi32> to vector<16x1xi32>
        %gather3A_1113 = vector.shape_cast %broadcast_in_dim3A_1112 : vector<16x1xi32> to vector<16xi32>
        %gather3A_1114 = tpu.dynamic_gather %get3A_27[%gather3A_1113] in [0] : vector<16xf32>, vector<16xi32> -> vector<16xf32>
        %swap3A_1115 = arith.constant 0 : i32
        %swap3A_1116 = arith.constant 6 : i32
        %swap3A_1117 = arith.constant 3 : i32
        %swap3A_1118 = arith.index_cast %swap3A_1115 : i32 to index
        %swap3A_1119 = arith.index_cast %swap3A_1116 : i32 to index
        %swap3A_1120 = arith.index_cast %swap3A_1117 : i32 to index
        %swap3A_1121 = arith.index_cast %mul3A_656 : i32 to index
        %swap3A_1122 = tpu.vector_load %arg8[%swap3A_1118, %swap3A_1119, %swap3A_1120, %swap3A_1121] {strides = array<i32>} : memref<2x10x8x256xf32, #tpu.memory_space<vmem>>, vector<16xf32>,
        tpu.vector_store %arg8[%swap3A_1118, %swap3A_1119, %swap3A_1120, %swap3A_1121], %gather3A_1114 {strides = array<i32>} : memref<2x10x8x256xf32, #tpu.memory_space<vmem>>, vector<16xf32>,
        %add3A_1123 = arith.addf %add3A_1111, %gather3A_1114 : vector<16xf32>
        %broadcast_in_dim3A_1124 = vector.shape_cast %get3A_1039 : vector<16xi32> to vector<16x1xi32>
        %gather3A_1125 = vector.shape_cast %broadcast_in_dim3A_1124 : vector<16x1xi32> to vector<16xi32>
        %gather3A_1126 = tpu.dynamic_gather %get3A_31[%gather3A_1125] in [0] : vector<16xf32>, vector<16xi32> -> vector<16xf32>
        %swap3A_1127 = arith.constant 0 : i32
        %swap3A_1128 = arith.constant 7 : i32
        %swap3A_1129 = arith.constant 3 : i32
        %swap3A_1130 = arith.index_cast %swap3A_1127 : i32 to index
        %swap3A_1131 = arith.index_cast %swap3A_1128 : i32 to index
        %swap3A_1132 = arith.index_cast %swap3A_1129 : i32 to index
        %swap3A_1133 = arith.index_cast %mul3A_656 : i32 to index
        %swap3A_1134 = tpu.vector_load %arg8[%swap3A_1130, %swap3A_1131, %swap3A_1132, %swap3A_1133] {strides = array<i32>} : memref<2x10x8x256xf32, #tpu.memory_space<vmem>>, vector<16xf32>,
        tpu.vector_store %arg8[%swap3A_1130, %swap3A_1131, %swap3A_1132, %swap3A_1133], %gather3A_1126 {strides = array<i32>} : memref<2x10x8x256xf32, #tpu.memory_space<vmem>>, vector<16xf32>,
        %add3A_1135 = arith.addf %add3A_1123, %gather3A_1126 : vector<16xf32>
        %broadcast_in_dim3A_1136 = vector.shape_cast %get3A_1039 : vector<16xi32> to vector<16x1xi32>
        %gather3A_1137 = vector.shape_cast %broadcast_in_dim3A_1136 : vector<16x1xi32> to vector<16xi32>
        %gather3A_1138 = tpu.dynamic_gather %get3A_35[%gather3A_1137] in [0] : vector<16xf32>, vector<16xi32> -> vector<16xf32>
        %swap3A_1139 = arith.constant 0 : i32
        %swap3A_1140 = arith.constant 8 : i32
        %swap3A_1141 = arith.constant 3 : i32
        %swap3A_1142 = arith.index_cast %swap3A_1139 : i32 to index
        %swap3A_1143 = arith.index_cast %swap3A_1140 : i32 to index
        %swap3A_1144 = arith.index_cast %swap3A_1141 : i32 to index
        %swap3A_1145 = arith.index_cast %mul3A_656 : i32 to index
        %swap3A_1146 = tpu.vector_load %arg8[%swap3A_1142, %swap3A_1143, %swap3A_1144, %swap3A_1145] {strides = array<i32>} : memref<2x10x8x256xf32, #tpu.memory_space<vmem>>, vector<16xf32>,
        tpu.vector_store %arg8[%swap3A_1142, %swap3A_1143, %swap3A_1144, %swap3A_1145], %gather3A_1138 {strides = array<i32>} : memref<2x10x8x256xf32, #tpu.memory_space<vmem>>, vector<16xf32>,
        %add3A_1147 = arith.addf %add3A_1135, %gather3A_1138 : vector<16xf32>
        %broadcast_in_dim3A_1148 = vector.shape_cast %get3A_1039 : vector<16xi32> to vector<16x1xi32>
        %gather3A_1149 = vector.shape_cast %broadcast_in_dim3A_1148 : vector<16x1xi32> to vector<16xi32>
        %gather3A_1150 = tpu.dynamic_gather %get3A_39[%gather3A_1149] in [0] : vector<16xf32>, vector<16xi32> -> vector<16xf32>
        %swap3A_1151 = arith.constant 0 : i32
        %swap3A_1152 = arith.constant 9 : i32
        %swap3A_1153 = arith.constant 3 : i32
        %swap3A_1154 = arith.index_cast %swap3A_1151 : i32 to index
        %swap3A_1155 = arith.index_cast %swap3A_1152 : i32 to index
        %swap3A_1156 = arith.index_cast %swap3A_1153 : i32 to index
        %swap3A_1157 = arith.index_cast %mul3A_656 : i32 to index
        %swap3A_1158 = tpu.vector_load %arg8[%swap3A_1154, %swap3A_1155, %swap3A_1156, %swap3A_1157] {strides = array<i32>} : memref<2x10x8x256xf32, #tpu.memory_space<vmem>>, vector<16xf32>,
        tpu.vector_store %arg8[%swap3A_1154, %swap3A_1155, %swap3A_1156, %swap3A_1157], %gather3A_1150 {strides = array<i32>} : memref<2x10x8x256xf32, #tpu.memory_space<vmem>>, vector<16xf32>,
        %add3A_1159 = arith.addf %add3A_1147, %gather3A_1150 : vector<16xf32>
        %get3A_1160 = arith.constant 0 : i32
        %get3A_1161 = arith.constant 4 : i32
        %get3A_1162 = arith.index_cast %get3A_1160 : i32 to index
        %get3A_1163 = arith.index_cast %get3A_1161 : i32 to index
        %get3A_1164 = arith.index_cast %mul3A_656 : i32 to index
        %get3A_1165 = tpu.vector_load %arg7[%get3A_1162, %get3A_1163, %get3A_1164] {strides = array<i32>} : memref<2x8x256xi32, #tpu.memory_space<vmem>>, vector<16xi32>,
        %broadcast_in_dim3A_1166 = vector.shape_cast %get3A_1165 : vector<16xi32> to vector<16x1xi32>
        %gather3A_1167 = vector.shape_cast %broadcast_in_dim3A_1166 : vector<16x1xi32> to vector<16xi32>
        %gather3A_1168 = tpu.dynamic_gather %get3A_3[%gather3A_1167] in [0] : vector<16xf32>, vector<16xi32> -> vector<16xf32>
        %swap3A_1169 = arith.constant 0 : i32
        %swap3A_1170 = arith.constant 0 : i32
        %swap3A_1171 = arith.constant 4 : i32
        %swap3A_1172 = arith.index_cast %swap3A_1169 : i32 to index
        %swap3A_1173 = arith.index_cast %swap3A_1170 : i32 to index
        %swap3A_1174 = arith.index_cast %swap3A_1171 : i32 to index
        %swap3A_1175 = arith.index_cast %mul3A_656 : i32 to index
        %swap3A_1176 = tpu.vector_load %arg8[%swap3A_1172, %swap3A_1173, %swap3A_1174, %swap3A_1175] {strides = array<i32>} : memref<2x10x8x256xf32, #tpu.memory_space<vmem>>, vector<16xf32>,
        tpu.vector_store %arg8[%swap3A_1172, %swap3A_1173, %swap3A_1174, %swap3A_1175], %gather3A_1168 {strides = array<i32>} : memref<2x10x8x256xf32, #tpu.memory_space<vmem>>, vector<16xf32>,
        %add3A_1177 = arith.addf %add3A_1159, %gather3A_1168 : vector<16xf32>
        %broadcast_in_dim3A_1178 = vector.shape_cast %get3A_1165 : vector<16xi32> to vector<16x1xi32>
        %gather3A_1179 = vector.shape_cast %broadcast_in_dim3A_1178 : vector<16x1xi32> to vector<16xi32>
        %gather3A_1180 = tpu.dynamic_gather %get3A_7[%gather3A_1179] in [0] : vector<16xf32>, vector<16xi32> -> vector<16xf32>
        %swap3A_1181 = arith.constant 0 : i32
        %swap3A_1182 = arith.constant 1 : i32
        %swap3A_1183 = arith.constant 4 : i32
        %swap3A_1184 = arith.index_cast %swap3A_1181 : i32 to index
        %swap3A_1185 = arith.index_cast %swap3A_1182 : i32 to index
        %swap3A_1186 = arith.index_cast %swap3A_1183 : i32 to index
        %swap3A_1187 = arith.index_cast %mul3A_656 : i32 to index
        %swap3A_1188 = tpu.vector_load %arg8[%swap3A_1184, %swap3A_1185, %swap3A_1186, %swap3A_1187] {strides = array<i32>} : memref<2x10x8x256xf32, #tpu.memory_space<vmem>>, vector<16xf32>,
        tpu.vector_store %arg8[%swap3A_1184, %swap3A_1185, %swap3A_1186, %swap3A_1187], %gather3A_1180 {strides = array<i32>} : memref<2x10x8x256xf32, #tpu.memory_space<vmem>>, vector<16xf32>,
        %add3A_1189 = arith.addf %add3A_1177, %gather3A_1180 : vector<16xf32>
        %broadcast_in_dim3A_1190 = vector.shape_cast %get3A_1165 : vector<16xi32> to vector<16x1xi32>
        %gather3A_1191 = vector.shape_cast %broadcast_in_dim3A_1190 : vector<16x1xi32> to vector<16xi32>
        %gather3A_1192 = tpu.dynamic_gather %get3A_11[%gather3A_1191] in [0] : vector<16xf32>, vector<16xi32> -> vector<16xf32>
        %swap3A_1193 = arith.constant 0 : i32
        %swap3A_1194 = arith.constant 2 : i32
        %swap3A_1195 = arith.constant 4 : i32
        %swap3A_1196 = arith.index_cast %swap3A_1193 : i32 to index
        %swap3A_1197 = arith.index_cast %swap3A_1194 : i32 to index
        %swap3A_1198 = arith.index_cast %swap3A_1195 : i32 to index
        %swap3A_1199 = arith.index_cast %mul3A_656 : i32 to index
        %swap3A_1200 = tpu.vector_load %arg8[%swap3A_1196, %swap3A_1197, %swap3A_1198, %swap3A_1199] {strides = array<i32>} : memref<2x10x8x256xf32, #tpu.memory_space<vmem>>, vector<16xf32>,
        tpu.vector_store %arg8[%swap3A_1196, %swap3A_1197, %swap3A_1198, %swap3A_1199], %gather3A_1192 {strides = array<i32>} : memref<2x10x8x256xf32, #tpu.memory_space<vmem>>, vector<16xf32>,
        %add3A_1201 = arith.addf %add3A_1189, %gather3A_1192 : vector<16xf32>
        %broadcast_in_dim3A_1202 = vector.shape_cast %get3A_1165 : vector<16xi32> to vector<16x1xi32>
        %gather3A_1203 = vector.shape_cast %broadcast_in_dim3A_1202 : vector<16x1xi32> to vector<16xi32>
        %gather3A_1204 = tpu.dynamic_gather %get3A_15[%gather3A_1203] in [0] : vector<16xf32>, vector<16xi32> -> vector<16xf32>
        %swap3A_1205 = arith.constant 0 : i32
        %swap3A_1206 = arith.constant 3 : i32
        %swap3A_1207 = arith.constant 4 : i32
        %swap3A_1208 = arith.index_cast %swap3A_1205 : i32 to index
        %swap3A_1209 = arith.index_cast %swap3A_1206 : i32 to index
        %swap3A_1210 = arith.index_cast %swap3A_1207 : i32 to index
        %swap3A_1211 = arith.index_cast %mul3A_656 : i32 to index
        %swap3A_1212 = tpu.vector_load %arg8[%swap3A_1208, %swap3A_1209, %swap3A_1210, %swap3A_1211] {strides = array<i32>} : memref<2x10x8x256xf32, #tpu.memory_space<vmem>>, vector<16xf32>,
        tpu.vector_store %arg8[%swap3A_1208, %swap3A_1209, %swap3A_1210, %swap3A_1211], %gather3A_1204 {strides = array<i32>} : memref<2x10x8x256xf32, #tpu.memory_space<vmem>>, vector<16xf32>,
        %add3A_1213 = arith.addf %add3A_1201, %gather3A_1204 : vector<16xf32>
        %broadcast_in_dim3A_1214 = vector.shape_cast %get3A_1165 : vector<16xi32> to vector<16x1xi32>
        %gather3A_1215 = vector.shape_cast %broadcast_in_dim3A_1214 : vector<16x1xi32> to vector<16xi32>
        %gather3A_1216 = tpu.dynamic_gather %get3A_19[%gather3A_1215] in [0] : vector<16xf32>, vector<16xi32> -> vector<16xf32>
        %swap3A_1217 = arith.constant 0 : i32
        %swap3A_1218 = arith.constant 4 : i32
        %swap3A_1219 = arith.constant 4 : i32
        %swap3A_1220 = arith.index_cast %swap3A_1217 : i32 to index
        %swap3A_1221 = arith.index_cast %swap3A_1218 : i32 to index
        %swap3A_1222 = arith.index_cast %swap3A_1219 : i32 to index
        %swap3A_1223 = arith.index_cast %mul3A_656 : i32 to index
        %swap3A_1224 = tpu.vector_load %arg8[%swap3A_1220, %swap3A_1221, %swap3A_1222, %swap3A_1223] {strides = array<i32>} : memref<2x10x8x256xf32, #tpu.memory_space<vmem>>, vector<16xf32>,
        tpu.vector_store %arg8[%swap3A_1220, %swap3A_1221, %swap3A_1222, %swap3A_1223], %gather3A_1216 {strides = array<i32>} : memref<2x10x8x256xf32, #tpu.memory_space<vmem>>, vector<16xf32>,
        %add3A_1225 = arith.addf %add3A_1213, %gather3A_1216 : vector<16xf32>
        %broadcast_in_dim3A_1226 = vector.shape_cast %get3A_1165 : vector<16xi32> to vector<16x1xi32>
        %gather3A_1227 = vector.shape_cast %broadcast_in_dim3A_1226 : vector<16x1xi32> to vector<16xi32>
        %gather3A_1228 = tpu.dynamic_gather %get3A_23[%gather3A_1227] in [0] : vector<16xf32>, vector<16xi32> -> vector<16xf32>
        %swap3A_1229 = arith.constant 0 : i32
        %swap3A_1230 = arith.constant 5 : i32
        %swap3A_1231 = arith.constant 4 : i32
        %swap3A_1232 = arith.index_cast %swap3A_1229 : i32 to index
        %swap3A_1233 = arith.index_cast %swap3A_1230 : i32 to index
        %swap3A_1234 = arith.index_cast %swap3A_1231 : i32 to index
        %swap3A_1235 = arith.index_cast %mul3A_656 : i32 to index
        %swap3A_1236 = tpu.vector_load %arg8[%swap3A_1232, %swap3A_1233, %swap3A_1234, %swap3A_1235] {strides = array<i32>} : memref<2x10x8x256xf32, #tpu.memory_space<vmem>>, vector<16xf32>,
        tpu.vector_store %arg8[%swap3A_1232, %swap3A_1233, %swap3A_1234, %swap3A_1235], %gather3A_1228 {strides = array<i32>} : memref<2x10x8x256xf32, #tpu.memory_space<vmem>>, vector<16xf32>,
        %add3A_1237 = arith.addf %add3A_1225, %gather3A_1228 : vector<16xf32>
        %broadcast_in_dim3A_1238 = vector.shape_cast %get3A_1165 : vector<16xi32> to vector<16x1xi32>
        %gather3A_1239 = vector.shape_cast %broadcast_in_dim3A_1238 : vector<16x1xi32> to vector<16xi32>
        %gather3A_1240 = tpu.dynamic_gather %get3A_27[%gather3A_1239] in [0] : vector<16xf32>, vector<16xi32> -> vector<16xf32>
        %swap3A_1241 = arith.constant 0 : i32
        %swap3A_1242 = arith.constant 6 : i32
        %swap3A_1243 = arith.constant 4 : i32
        %swap3A_1244 = arith.index_cast %swap3A_1241 : i32 to index
        %swap3A_1245 = arith.index_cast %swap3A_1242 : i32 to index
        %swap3A_1246 = arith.index_cast %swap3A_1243 : i32 to index
        %swap3A_1247 = arith.index_cast %mul3A_656 : i32 to index
        %swap3A_1248 = tpu.vector_load %arg8[%swap3A_1244, %swap3A_1245, %swap3A_1246, %swap3A_1247] {strides = array<i32>} : memref<2x10x8x256xf32, #tpu.memory_space<vmem>>, vector<16xf32>,
        tpu.vector_store %arg8[%swap3A_1244, %swap3A_1245, %swap3A_1246, %swap3A_1247], %gather3A_1240 {strides = array<i32>} : memref<2x10x8x256xf32, #tpu.memory_space<vmem>>, vector<16xf32>,
        %add3A_1249 = arith.addf %add3A_1237, %gather3A_1240 : vector<16xf32>
        %broadcast_in_dim3A_1250 = vector.shape_cast %get3A_1165 : vector<16xi32> to vector<16x1xi32>
        %gather3A_1251 = vector.shape_cast %broadcast_in_dim3A_1250 : vector<16x1xi32> to vector<16xi32>
        %gather3A_1252 = tpu.dynamic_gather %get3A_31[%gather3A_1251] in [0] : vector<16xf32>, vector<16xi32> -> vector<16xf32>
        %swap3A_1253 = arith.constant 0 : i32
        %swap3A_1254 = arith.constant 7 : i32
        %swap3A_1255 = arith.constant 4 : i32
        %swap3A_1256 = arith.index_cast %swap3A_1253 : i32 to index
        %swap3A_1257 = arith.index_cast %swap3A_1254 : i32 to index
        %swap3A_1258 = arith.index_cast %swap3A_1255 : i32 to index
        %swap3A_1259 = arith.index_cast %mul3A_656 : i32 to index
        %swap3A_1260 = tpu.vector_load %arg8[%swap3A_1256, %swap3A_1257, %swap3A_1258, %swap3A_1259] {strides = array<i32>} : memref<2x10x8x256xf32, #tpu.memory_space<vmem>>, vector<16xf32>,
        tpu.vector_store %arg8[%swap3A_1256, %swap3A_1257, %swap3A_1258, %swap3A_1259], %gather3A_1252 {strides = array<i32>} : memref<2x10x8x256xf32, #tpu.memory_space<vmem>>, vector<16xf32>,
        %add3A_1261 = arith.addf %add3A_1249, %gather3A_1252 : vector<16xf32>
        %broadcast_in_dim3A_1262 = vector.shape_cast %get3A_1165 : vector<16xi32> to vector<16x1xi32>
        %gather3A_1263 = vector.shape_cast %broadcast_in_dim3A_1262 : vector<16x1xi32> to vector<16xi32>
        %gather3A_1264 = tpu.dynamic_gather %get3A_35[%gather3A_1263] in [0] : vector<16xf32>, vector<16xi32> -> vector<16xf32>
        %swap3A_1265 = arith.constant 0 : i32
        %swap3A_1266 = arith.constant 8 : i32
        %swap3A_1267 = arith.constant 4 : i32
        %swap3A_1268 = arith.index_cast %swap3A_1265 : i32 to index
        %swap3A_1269 = arith.index_cast %swap3A_1266 : i32 to index
        %swap3A_1270 = arith.index_cast %swap3A_1267 : i32 to index
        %swap3A_1271 = arith.index_cast %mul3A_656 : i32 to index
        %swap3A_1272 = tpu.vector_load %arg8[%swap3A_1268, %swap3A_1269, %swap3A_1270, %swap3A_1271] {strides = array<i32>} : memref<2x10x8x256xf32, #tpu.memory_space<vmem>>, vector<16xf32>,
        tpu.vector_store %arg8[%swap3A_1268, %swap3A_1269, %swap3A_1270, %swap3A_1271], %gather3A_1264 {strides = array<i32>} : memref<2x10x8x256xf32, #tpu.memory_space<vmem>>, vector<16xf32>,
        %add3A_1273 = arith.addf %add3A_1261, %gather3A_1264 : vector<16xf32>
        %broadcast_in_dim3A_1274 = vector.shape_cast %get3A_1165 : vector<16xi32> to vector<16x1xi32>
        %gather3A_1275 = vector.shape_cast %broadcast_in_dim3A_1274 : vector<16x1xi32> to vector<16xi32>
        %gather3A_1276 = tpu.dynamic_gather %get3A_39[%gather3A_1275] in [0] : vector<16xf32>, vector<16xi32> -> vector<16xf32>
        %swap3A_1277 = arith.constant 0 : i32
        %swap3A_1278 = arith.constant 9 : i32
        %swap3A_1279 = arith.constant 4 : i32
        %swap3A_1280 = arith.index_cast %swap3A_1277 : i32 to index
        %swap3A_1281 = arith.index_cast %swap3A_1278 : i32 to index
        %swap3A_1282 = arith.index_cast %swap3A_1279 : i32 to index
        %swap3A_1283 = arith.index_cast %mul3A_656 : i32 to index
        %swap3A_1284 = tpu.vector_load %arg8[%swap3A_1280, %swap3A_1281, %swap3A_1282, %swap3A_1283] {strides = array<i32>} : memref<2x10x8x256xf32, #tpu.memory_space<vmem>>, vector<16xf32>,
        tpu.vector_store %arg8[%swap3A_1280, %swap3A_1281, %swap3A_1282, %swap3A_1283], %gather3A_1276 {strides = array<i32>} : memref<2x10x8x256xf32, #tpu.memory_space<vmem>>, vector<16xf32>,
        %add3A_1285 = arith.addf %add3A_1273, %gather3A_1276 : vector<16xf32>
        %get3A_1286 = arith.constant 0 : i32
        %get3A_1287 = arith.constant 5 : i32
        %get3A_1288 = arith.index_cast %get3A_1286 : i32 to index
        %get3A_1289 = arith.index_cast %get3A_1287 : i32 to index
        %get3A_1290 = arith.index_cast %mul3A_656 : i32 to index
        %get3A_1291 = tpu.vector_load %arg7[%get3A_1288, %get3A_1289, %get3A_1290] {strides = array<i32>} : memref<2x8x256xi32, #tpu.memory_space<vmem>>, vector<16xi32>,
        %broadcast_in_dim3A_1292 = vector.shape_cast %get3A_1291 : vector<16xi32> to vector<16x1xi32>
        %gather3A_1293 = vector.shape_cast %broadcast_in_dim3A_1292 : vector<16x1xi32> to vector<16xi32>
        %gather3A_1294 = tpu.dynamic_gather %get3A_3[%gather3A_1293] in [0] : vector<16xf32>, vector<16xi32> -> vector<16xf32>
        %swap3A_1295 = arith.constant 0 : i32
        %swap3A_1296 = arith.constant 0 : i32
        %swap3A_1297 = arith.constant 5 : i32
        %swap3A_1298 = arith.index_cast %swap3A_1295 : i32 to index
        %swap3A_1299 = arith.index_cast %swap3A_1296 : i32 to index
        %swap3A_1300 = arith.index_cast %swap3A_1297 : i32 to index
        %swap3A_1301 = arith.index_cast %mul3A_656 : i32 to index
        %swap3A_1302 = tpu.vector_load %arg8[%swap3A_1298, %swap3A_1299, %swap3A_1300, %swap3A_1301] {strides = array<i32>} : memref<2x10x8x256xf32, #tpu.memory_space<vmem>>, vector<16xf32>,
        tpu.vector_store %arg8[%swap3A_1298, %swap3A_1299, %swap3A_1300, %swap3A_1301], %gather3A_1294 {strides = array<i32>} : memref<2x10x8x256xf32, #tpu.memory_space<vmem>>, vector<16xf32>,
        %add3A_1303 = arith.addf %add3A_1285, %gather3A_1294 : vector<16xf32>
        %broadcast_in_dim3A_1304 = vector.shape_cast %get3A_1291 : vector<16xi32> to vector<16x1xi32>
        %gather3A_1305 = vector.shape_cast %broadcast_in_dim3A_1304 : vector<16x1xi32> to vector<16xi32>
        %gather3A_1306 = tpu.dynamic_gather %get3A_7[%gather3A_1305] in [0] : vector<16xf32>, vector<16xi32> -> vector<16xf32>
        %swap3A_1307 = arith.constant 0 : i32
        %swap3A_1308 = arith.constant 1 : i32
        %swap3A_1309 = arith.constant 5 : i32
        %swap3A_1310 = arith.index_cast %swap3A_1307 : i32 to index
        %swap3A_1311 = arith.index_cast %swap3A_1308 : i32 to index
        %swap3A_1312 = arith.index_cast %swap3A_1309 : i32 to index
        %swap3A_1313 = arith.index_cast %mul3A_656 : i32 to index
        %swap3A_1314 = tpu.vector_load %arg8[%swap3A_1310, %swap3A_1311, %swap3A_1312, %swap3A_1313] {strides = array<i32>} : memref<2x10x8x256xf32, #tpu.memory_space<vmem>>, vector<16xf32>,
        tpu.vector_store %arg8[%swap3A_1310, %swap3A_1311, %swap3A_1312, %swap3A_1313], %gather3A_1306 {strides = array<i32>} : memref<2x10x8x256xf32, #tpu.memory_space<vmem>>, vector<16xf32>,
        %add3A_1315 = arith.addf %add3A_1303, %gather3A_1306 : vector<16xf32>
        %broadcast_in_dim3A_1316 = vector.shape_cast %get3A_1291 : vector<16xi32> to vector<16x1xi32>
        %gather3A_1317 = vector.shape_cast %broadcast_in_dim3A_1316 : vector<16x1xi32> to vector<16xi32>
        %gather3A_1318 = tpu.dynamic_gather %get3A_11[%gather3A_1317] in [0] : vector<16xf32>, vector<16xi32> -> vector<16xf32>
        %swap3A_1319 = arith.constant 0 : i32
        %swap3A_1320 = arith.constant 2 : i32
        %swap3A_1321 = arith.constant 5 : i32
        %swap3A_1322 = arith.index_cast %swap3A_1319 : i32 to index
        %swap3A_1323 = arith.index_cast %swap3A_1320 : i32 to index
        %swap3A_1324 = arith.index_cast %swap3A_1321 : i32 to index
        %swap3A_1325 = arith.index_cast %mul3A_656 : i32 to index
        %swap3A_1326 = tpu.vector_load %arg8[%swap3A_1322, %swap3A_1323, %swap3A_1324, %swap3A_1325] {strides = array<i32>} : memref<2x10x8x256xf32, #tpu.memory_space<vmem>>, vector<16xf32>,
        tpu.vector_store %arg8[%swap3A_1322, %swap3A_1323, %swap3A_1324, %swap3A_1325], %gather3A_1318 {strides = array<i32>} : memref<2x10x8x256xf32, #tpu.memory_space<vmem>>, vector<16xf32>,
        %add3A_1327 = arith.addf %add3A_1315, %gather3A_1318 : vector<16xf32>
        %broadcast_in_dim3A_1328 = vector.shape_cast %get3A_1291 : vector<16xi32> to vector<16x1xi32>
        %gather3A_1329 = vector.shape_cast %broadcast_in_dim3A_1328 : vector<16x1xi32> to vector<16xi32>
        %gather3A_1330 = tpu.dynamic_gather %get3A_15[%gather3A_1329] in [0] : vector<16xf32>, vector<16xi32> -> vector<16xf32>
        %swap3A_1331 = arith.constant 0 : i32
        %swap3A_1332 = arith.constant 3 : i32
        %swap3A_1333 = arith.constant 5 : i32
        %swap3A_1334 = arith.index_cast %swap3A_1331 : i32 to index
        %swap3A_1335 = arith.index_cast %swap3A_1332 : i32 to index
        %swap3A_1336 = arith.index_cast %swap3A_1333 : i32 to index
        %swap3A_1337 = arith.index_cast %mul3A_656 : i32 to index
        %swap3A_1338 = tpu.vector_load %arg8[%swap3A_1334, %swap3A_1335, %swap3A_1336, %swap3A_1337] {strides = array<i32>} : memref<2x10x8x256xf32, #tpu.memory_space<vmem>>, vector<16xf32>,
        tpu.vector_store %arg8[%swap3A_1334, %swap3A_1335, %swap3A_1336, %swap3A_1337], %gather3A_1330 {strides = array<i32>} : memref<2x10x8x256xf32, #tpu.memory_space<vmem>>, vector<16xf32>,
        %add3A_1339 = arith.addf %add3A_1327, %gather3A_1330 : vector<16xf32>
        %broadcast_in_dim3A_1340 = vector.shape_cast %get3A_1291 : vector<16xi32> to vector<16x1xi32>
        %gather3A_1341 = vector.shape_cast %broadcast_in_dim3A_1340 : vector<16x1xi32> to vector<16xi32>
        %gather3A_1342 = tpu.dynamic_gather %get3A_19[%gather3A_1341] in [0] : vector<16xf32>, vector<16xi32> -> vector<16xf32>
        %swap3A_1343 = arith.constant 0 : i32
        %swap3A_1344 = arith.constant 4 : i32
        %swap3A_1345 = arith.constant 5 : i32
        %swap3A_1346 = arith.index_cast %swap3A_1343 : i32 to index
        %swap3A_1347 = arith.index_cast %swap3A_1344 : i32 to index
        %swap3A_1348 = arith.index_cast %swap3A_1345 : i32 to index
        %swap3A_1349 = arith.index_cast %mul3A_656 : i32 to index
        %swap3A_1350 = tpu.vector_load %arg8[%swap3A_1346, %swap3A_1347, %swap3A_1348, %swap3A_1349] {strides = array<i32>} : memref<2x10x8x256xf32, #tpu.memory_space<vmem>>, vector<16xf32>,
        tpu.vector_store %arg8[%swap3A_1346, %swap3A_1347, %swap3A_1348, %swap3A_1349], %gather3A_1342 {strides = array<i32>} : memref<2x10x8x256xf32, #tpu.memory_space<vmem>>, vector<16xf32>,
        %add3A_1351 = arith.addf %add3A_1339, %gather3A_1342 : vector<16xf32>
        %broadcast_in_dim3A_1352 = vector.shape_cast %get3A_1291 : vector<16xi32> to vector<16x1xi32>
        %gather3A_1353 = vector.shape_cast %broadcast_in_dim3A_1352 : vector<16x1xi32> to vector<16xi32>
        %gather3A_1354 = tpu.dynamic_gather %get3A_23[%gather3A_1353] in [0] : vector<16xf32>, vector<16xi32> -> vector<16xf32>
        %swap3A_1355 = arith.constant 0 : i32
        %swap3A_1356 = arith.constant 5 : i32
        %swap3A_1357 = arith.constant 5 : i32
        %swap3A_1358 = arith.index_cast %swap3A_1355 : i32 to index
        %swap3A_1359 = arith.index_cast %swap3A_1356 : i32 to index
        %swap3A_1360 = arith.index_cast %swap3A_1357 : i32 to index
        %swap3A_1361 = arith.index_cast %mul3A_656 : i32 to index
        %swap3A_1362 = tpu.vector_load %arg8[%swap3A_1358, %swap3A_1359, %swap3A_1360, %swap3A_1361] {strides = array<i32>} : memref<2x10x8x256xf32, #tpu.memory_space<vmem>>, vector<16xf32>,
        tpu.vector_store %arg8[%swap3A_1358, %swap3A_1359, %swap3A_1360, %swap3A_1361], %gather3A_1354 {strides = array<i32>} : memref<2x10x8x256xf32, #tpu.memory_space<vmem>>, vector<16xf32>,
        %add3A_1363 = arith.addf %add3A_1351, %gather3A_1354 : vector<16xf32>
        %broadcast_in_dim3A_1364 = vector.shape_cast %get3A_1291 : vector<16xi32> to vector<16x1xi32>
        %gather3A_1365 = vector.shape_cast %broadcast_in_dim3A_1364 : vector<16x1xi32> to vector<16xi32>
        %gather3A_1366 = tpu.dynamic_gather %get3A_27[%gather3A_1365] in [0] : vector<16xf32>, vector<16xi32> -> vector<16xf32>
        %swap3A_1367 = arith.constant 0 : i32
        %swap3A_1368 = arith.constant 6 : i32
        %swap3A_1369 = arith.constant 5 : i32
        %swap3A_1370 = arith.index_cast %swap3A_1367 : i32 to index
        %swap3A_1371 = arith.index_cast %swap3A_1368 : i32 to index
        %swap3A_1372 = arith.index_cast %swap3A_1369 : i32 to index
        %swap3A_1373 = arith.index_cast %mul3A_656 : i32 to index
        %swap3A_1374 = tpu.vector_load %arg8[%swap3A_1370, %swap3A_1371, %swap3A_1372, %swap3A_1373] {strides = array<i32>} : memref<2x10x8x256xf32, #tpu.memory_space<vmem>>, vector<16xf32>,
        tpu.vector_store %arg8[%swap3A_1370, %swap3A_1371, %swap3A_1372, %swap3A_1373], %gather3A_1366 {strides = array<i32>} : memref<2x10x8x256xf32, #tpu.memory_space<vmem>>, vector<16xf32>,
        %add3A_1375 = arith.addf %add3A_1363, %gather3A_1366 : vector<16xf32>
        %broadcast_in_dim3A_1376 = vector.shape_cast %get3A_1291 : vector<16xi32> to vector<16x1xi32>
        %gather3A_1377 = vector.shape_cast %broadcast_in_dim3A_1376 : vector<16x1xi32> to vector<16xi32>
        %gather3A_1378 = tpu.dynamic_gather %get3A_31[%gather3A_1377] in [0] : vector<16xf32>, vector<16xi32> -> vector<16xf32>
        %swap3A_1379 = arith.constant 0 : i32
        %swap3A_1380 = arith.constant 7 : i32
        %swap3A_1381 = arith.constant 5 : i32
        %swap3A_1382 = arith.index_cast %swap3A_1379 : i32 to index
        %swap3A_1383 = arith.index_cast %swap3A_1380 : i32 to index
        %swap3A_1384 = arith.index_cast %swap3A_1381 : i32 to index
        %swap3A_1385 = arith.index_cast %mul3A_656 : i32 to index
        %swap3A_1386 = tpu.vector_load %arg8[%swap3A_1382, %swap3A_1383, %swap3A_1384, %swap3A_1385] {strides = array<i32>} : memref<2x10x8x256xf32, #tpu.memory_space<vmem>>, vector<16xf32>,
        tpu.vector_store %arg8[%swap3A_1382, %swap3A_1383, %swap3A_1384, %swap3A_1385], %gather3A_1378 {strides = array<i32>} : memref<2x10x8x256xf32, #tpu.memory_space<vmem>>, vector<16xf32>,
        %add3A_1387 = arith.addf %add3A_1375, %gather3A_1378 : vector<16xf32>
        %broadcast_in_dim3A_1388 = vector.shape_cast %get3A_1291 : vector<16xi32> to vector<16x1xi32>
        %gather3A_1389 = vector.shape_cast %broadcast_in_dim3A_1388 : vector<16x1xi32> to vector<16xi32>
        %gather3A_1390 = tpu.dynamic_gather %get3A_35[%gather3A_1389] in [0] : vector<16xf32>, vector<16xi32> -> vector<16xf32>
        %swap3A_1391 = arith.constant 0 : i32
        %swap3A_1392 = arith.constant 8 : i32
        %swap3A_1393 = arith.constant 5 : i32
        %swap3A_1394 = arith.index_cast %swap3A_1391 : i32 to index
        %swap3A_1395 = arith.index_cast %swap3A_1392 : i32 to index
        %swap3A_1396 = arith.index_cast %swap3A_1393 : i32 to index
        %swap3A_1397 = arith.index_cast %mul3A_656 : i32 to index
        %swap3A_1398 = tpu.vector_load %arg8[%swap3A_1394, %swap3A_1395, %swap3A_1396, %swap3A_1397] {strides = array<i32>} : memref<2x10x8x256xf32, #tpu.memory_space<vmem>>, vector<16xf32>,
        tpu.vector_store %arg8[%swap3A_1394, %swap3A_1395, %swap3A_1396, %swap3A_1397], %gather3A_1390 {strides = array<i32>} : memref<2x10x8x256xf32, #tpu.memory_space<vmem>>, vector<16xf32>,
        %add3A_1399 = arith.addf %add3A_1387, %gather3A_1390 : vector<16xf32>
        %broadcast_in_dim3A_1400 = vector.shape_cast %get3A_1291 : vector<16xi32> to vector<16x1xi32>
        %gather3A_1401 = vector.shape_cast %broadcast_in_dim3A_1400 : vector<16x1xi32> to vector<16xi32>
        %gather3A_1402 = tpu.dynamic_gather %get3A_39[%gather3A_1401] in [0] : vector<16xf32>, vector<16xi32> -> vector<16xf32>
        %swap3A_1403 = arith.constant 0 : i32
        %swap3A_1404 = arith.constant 9 : i32
        %swap3A_1405 = arith.constant 5 : i32
        %swap3A_1406 = arith.index_cast %swap3A_1403 : i32 to index
        %swap3A_1407 = arith.index_cast %swap3A_1404 : i32 to index
        %swap3A_1408 = arith.index_cast %swap3A_1405 : i32 to index
        %swap3A_1409 = arith.index_cast %mul3A_656 : i32 to index
        %swap3A_1410 = tpu.vector_load %arg8[%swap3A_1406, %swap3A_1407, %swap3A_1408, %swap3A_1409] {strides = array<i32>} : memref<2x10x8x256xf32, #tpu.memory_space<vmem>>, vector<16xf32>,
        tpu.vector_store %arg8[%swap3A_1406, %swap3A_1407, %swap3A_1408, %swap3A_1409], %gather3A_1402 {strides = array<i32>} : memref<2x10x8x256xf32, #tpu.memory_space<vmem>>, vector<16xf32>,
        %add3A_1411 = arith.addf %add3A_1399, %gather3A_1402 : vector<16xf32>
        %get3A_1412 = arith.constant 0 : i32
        %get3A_1413 = arith.constant 6 : i32
        %get3A_1414 = arith.index_cast %get3A_1412 : i32 to index
        %get3A_1415 = arith.index_cast %get3A_1413 : i32 to index
        %get3A_1416 = arith.index_cast %mul3A_656 : i32 to index
        %get3A_1417 = tpu.vector_load %arg7[%get3A_1414, %get3A_1415, %get3A_1416] {strides = array<i32>} : memref<2x8x256xi32, #tpu.memory_space<vmem>>, vector<16xi32>,
        %broadcast_in_dim3A_1418 = vector.shape_cast %get3A_1417 : vector<16xi32> to vector<16x1xi32>
        %gather3A_1419 = vector.shape_cast %broadcast_in_dim3A_1418 : vector<16x1xi32> to vector<16xi32>
        %gather3A_1420 = tpu.dynamic_gather %get3A_3[%gather3A_1419] in [0] : vector<16xf32>, vector<16xi32> -> vector<16xf32>
        %swap3A_1421 = arith.constant 0 : i32
        %swap3A_1422 = arith.constant 0 : i32
        %swap3A_1423 = arith.constant 6 : i32
        %swap3A_1424 = arith.index_cast %swap3A_1421 : i32 to index
        %swap3A_1425 = arith.index_cast %swap3A_1422 : i32 to index
        %swap3A_1426 = arith.index_cast %swap3A_1423 : i32 to index
        %swap3A_1427 = arith.index_cast %mul3A_656 : i32 to index
        %swap3A_1428 = tpu.vector_load %arg8[%swap3A_1424, %swap3A_1425, %swap3A_1426, %swap3A_1427] {strides = array<i32>} : memref<2x10x8x256xf32, #tpu.memory_space<vmem>>, vector<16xf32>,
        tpu.vector_store %arg8[%swap3A_1424, %swap3A_1425, %swap3A_1426, %swap3A_1427], %gather3A_1420 {strides = array<i32>} : memref<2x10x8x256xf32, #tpu.memory_space<vmem>>, vector<16xf32>,
        %add3A_1429 = arith.addf %add3A_1411, %gather3A_1420 : vector<16xf32>
        %broadcast_in_dim3A_1430 = vector.shape_cast %get3A_1417 : vector<16xi32> to vector<16x1xi32>
        %gather3A_1431 = vector.shape_cast %broadcast_in_dim3A_1430 : vector<16x1xi32> to vector<16xi32>
        %gather3A_1432 = tpu.dynamic_gather %get3A_7[%gather3A_1431] in [0] : vector<16xf32>, vector<16xi32> -> vector<16xf32>
        %swap3A_1433 = arith.constant 0 : i32
        %swap3A_1434 = arith.constant 1 : i32
        %swap3A_1435 = arith.constant 6 : i32
        %swap3A_1436 = arith.index_cast %swap3A_1433 : i32 to index
        %swap3A_1437 = arith.index_cast %swap3A_1434 : i32 to index
        %swap3A_1438 = arith.index_cast %swap3A_1435 : i32 to index
        %swap3A_1439 = arith.index_cast %mul3A_656 : i32 to index
        %swap3A_1440 = tpu.vector_load %arg8[%swap3A_1436, %swap3A_1437, %swap3A_1438, %swap3A_1439] {strides = array<i32>} : memref<2x10x8x256xf32, #tpu.memory_space<vmem>>, vector<16xf32>,
        tpu.vector_store %arg8[%swap3A_1436, %swap3A_1437, %swap3A_1438, %swap3A_1439], %gather3A_1432 {strides = array<i32>} : memref<2x10x8x256xf32, #tpu.memory_space<vmem>>, vector<16xf32>,
        %add3A_1441 = arith.addf %add3A_1429, %gather3A_1432 : vector<16xf32>
        %broadcast_in_dim3A_1442 = vector.shape_cast %get3A_1417 : vector<16xi32> to vector<16x1xi32>
        %gather3A_1443 = vector.shape_cast %broadcast_in_dim3A_1442 : vector<16x1xi32> to vector<16xi32>
        %gather3A_1444 = tpu.dynamic_gather %get3A_11[%gather3A_1443] in [0] : vector<16xf32>, vector<16xi32> -> vector<16xf32>
        %swap3A_1445 = arith.constant 0 : i32
        %swap3A_1446 = arith.constant 2 : i32
        %swap3A_1447 = arith.constant 6 : i32
        %swap3A_1448 = arith.index_cast %swap3A_1445 : i32 to index
        %swap3A_1449 = arith.index_cast %swap3A_1446 : i32 to index
        %swap3A_1450 = arith.index_cast %swap3A_1447 : i32 to index
        %swap3A_1451 = arith.index_cast %mul3A_656 : i32 to index
        %swap3A_1452 = tpu.vector_load %arg8[%swap3A_1448, %swap3A_1449, %swap3A_1450, %swap3A_1451] {strides = array<i32>} : memref<2x10x8x256xf32, #tpu.memory_space<vmem>>, vector<16xf32>,
        tpu.vector_store %arg8[%swap3A_1448, %swap3A_1449, %swap3A_1450, %swap3A_1451], %gather3A_1444 {strides = array<i32>} : memref<2x10x8x256xf32, #tpu.memory_space<vmem>>, vector<16xf32>,
        %add3A_1453 = arith.addf %add3A_1441, %gather3A_1444 : vector<16xf32>
        %broadcast_in_dim3A_1454 = vector.shape_cast %get3A_1417 : vector<16xi32> to vector<16x1xi32>
        %gather3A_1455 = vector.shape_cast %broadcast_in_dim3A_1454 : vector<16x1xi32> to vector<16xi32>
        %gather3A_1456 = tpu.dynamic_gather %get3A_15[%gather3A_1455] in [0] : vector<16xf32>, vector<16xi32> -> vector<16xf32>
        %swap3A_1457 = arith.constant 0 : i32
        %swap3A_1458 = arith.constant 3 : i32
        %swap3A_1459 = arith.constant 6 : i32
        %swap3A_1460 = arith.index_cast %swap3A_1457 : i32 to index
        %swap3A_1461 = arith.index_cast %swap3A_1458 : i32 to index
        %swap3A_1462 = arith.index_cast %swap3A_1459 : i32 to index
        %swap3A_1463 = arith.index_cast %mul3A_656 : i32 to index
        %swap3A_1464 = tpu.vector_load %arg8[%swap3A_1460, %swap3A_1461, %swap3A_1462, %swap3A_1463] {strides = array<i32>} : memref<2x10x8x256xf32, #tpu.memory_space<vmem>>, vector<16xf32>,
        tpu.vector_store %arg8[%swap3A_1460, %swap3A_1461, %swap3A_1462, %swap3A_1463], %gather3A_1456 {strides = array<i32>} : memref<2x10x8x256xf32, #tpu.memory_space<vmem>>, vector<16xf32>,
        %add3A_1465 = arith.addf %add3A_1453, %gather3A_1456 : vector<16xf32>
        %broadcast_in_dim3A_1466 = vector.shape_cast %get3A_1417 : vector<16xi32> to vector<16x1xi32>
        %gather3A_1467 = vector.shape_cast %broadcast_in_dim3A_1466 : vector<16x1xi32> to vector<16xi32>
        %gather3A_1468 = tpu.dynamic_gather %get3A_19[%gather3A_1467] in [0] : vector<16xf32>, vector<16xi32> -> vector<16xf32>
        %swap3A_1469 = arith.constant 0 : i32
        %swap3A_1470 = arith.constant 4 : i32
        %swap3A_1471 = arith.constant 6 : i32
        %swap3A_1472 = arith.index_cast %swap3A_1469 : i32 to index
        %swap3A_1473 = arith.index_cast %swap3A_1470 : i32 to index
        %swap3A_1474 = arith.index_cast %swap3A_1471 : i32 to index
        %swap3A_1475 = arith.index_cast %mul3A_656 : i32 to index
        %swap3A_1476 = tpu.vector_load %arg8[%swap3A_1472, %swap3A_1473, %swap3A_1474, %swap3A_1475] {strides = array<i32>} : memref<2x10x8x256xf32, #tpu.memory_space<vmem>>, vector<16xf32>,
        tpu.vector_store %arg8[%swap3A_1472, %swap3A_1473, %swap3A_1474, %swap3A_1475], %gather3A_1468 {strides = array<i32>} : memref<2x10x8x256xf32, #tpu.memory_space<vmem>>, vector<16xf32>,
        %add3A_1477 = arith.addf %add3A_1465, %gather3A_1468 : vector<16xf32>
        %broadcast_in_dim3A_1478 = vector.shape_cast %get3A_1417 : vector<16xi32> to vector<16x1xi32>
        %gather3A_1479 = vector.shape_cast %broadcast_in_dim3A_1478 : vector<16x1xi32> to vector<16xi32>
        %gather3A_1480 = tpu.dynamic_gather %get3A_23[%gather3A_1479] in [0] : vector<16xf32>, vector<16xi32> -> vector<16xf32>
        %swap3A_1481 = arith.constant 0 : i32
        %swap3A_1482 = arith.constant 5 : i32
        %swap3A_1483 = arith.constant 6 : i32
        %swap3A_1484 = arith.index_cast %swap3A_1481 : i32 to index
        %swap3A_1485 = arith.index_cast %swap3A_1482 : i32 to index
        %swap3A_1486 = arith.index_cast %swap3A_1483 : i32 to index
        %swap3A_1487 = arith.index_cast %mul3A_656 : i32 to index
        %swap3A_1488 = tpu.vector_load %arg8[%swap3A_1484, %swap3A_1485, %swap3A_1486, %swap3A_1487] {strides = array<i32>} : memref<2x10x8x256xf32, #tpu.memory_space<vmem>>, vector<16xf32>,
        tpu.vector_store %arg8[%swap3A_1484, %swap3A_1485, %swap3A_1486, %swap3A_1487], %gather3A_1480 {strides = array<i32>} : memref<2x10x8x256xf32, #tpu.memory_space<vmem>>, vector<16xf32>,
        %add3A_1489 = arith.addf %add3A_1477, %gather3A_1480 : vector<16xf32>
        %broadcast_in_dim3A_1490 = vector.shape_cast %get3A_1417 : vector<16xi32> to vector<16x1xi32>
        %gather3A_1491 = vector.shape_cast %broadcast_in_dim3A_1490 : vector<16x1xi32> to vector<16xi32>
        %gather3A_1492 = tpu.dynamic_gather %get3A_27[%gather3A_1491] in [0] : vector<16xf32>, vector<16xi32> -> vector<16xf32>
        %swap3A_1493 = arith.constant 0 : i32
        %swap3A_1494 = arith.constant 6 : i32
        %swap3A_1495 = arith.constant 6 : i32
        %swap3A_1496 = arith.index_cast %swap3A_1493 : i32 to index
        %swap3A_1497 = arith.index_cast %swap3A_1494 : i32 to index
        %swap3A_1498 = arith.index_cast %swap3A_1495 : i32 to index
        %swap3A_1499 = arith.index_cast %mul3A_656 : i32 to index
        %swap3A_1500 = tpu.vector_load %arg8[%swap3A_1496, %swap3A_1497, %swap3A_1498, %swap3A_1499] {strides = array<i32>} : memref<2x10x8x256xf32, #tpu.memory_space<vmem>>, vector<16xf32>,
        tpu.vector_store %arg8[%swap3A_1496, %swap3A_1497, %swap3A_1498, %swap3A_1499], %gather3A_1492 {strides = array<i32>} : memref<2x10x8x256xf32, #tpu.memory_space<vmem>>, vector<16xf32>,
        %add3A_1501 = arith.addf %add3A_1489, %gather3A_1492 : vector<16xf32>
        %broadcast_in_dim3A_1502 = vector.shape_cast %get3A_1417 : vector<16xi32> to vector<16x1xi32>
        %gather3A_1503 = vector.shape_cast %broadcast_in_dim3A_1502 : vector<16x1xi32> to vector<16xi32>
        %gather3A_1504 = tpu.dynamic_gather %get3A_31[%gather3A_1503] in [0] : vector<16xf32>, vector<16xi32> -> vector<16xf32>
        %swap3A_1505 = arith.constant 0 : i32
        %swap3A_1506 = arith.constant 7 : i32
        %swap3A_1507 = arith.constant 6 : i32
        %swap3A_1508 = arith.index_cast %swap3A_1505 : i32 to index
        %swap3A_1509 = arith.index_cast %swap3A_1506 : i32 to index
        %swap3A_1510 = arith.index_cast %swap3A_1507 : i32 to index
        %swap3A_1511 = arith.index_cast %mul3A_656 : i32 to index
        %swap3A_1512 = tpu.vector_load %arg8[%swap3A_1508, %swap3A_1509, %swap3A_1510, %swap3A_1511] {strides = array<i32>} : memref<2x10x8x256xf32, #tpu.memory_space<vmem>>, vector<16xf32>,
        tpu.vector_store %arg8[%swap3A_1508, %swap3A_1509, %swap3A_1510, %swap3A_1511], %gather3A_1504 {strides = array<i32>} : memref<2x10x8x256xf32, #tpu.memory_space<vmem>>, vector<16xf32>,
        %add3A_1513 = arith.addf %add3A_1501, %gather3A_1504 : vector<16xf32>
        %broadcast_in_dim3A_1514 = vector.shape_cast %get3A_1417 : vector<16xi32> to vector<16x1xi32>
        %gather3A_1515 = vector.shape_cast %broadcast_in_dim3A_1514 : vector<16x1xi32> to vector<16xi32>
        %gather3A_1516 = tpu.dynamic_gather %get3A_35[%gather3A_1515] in [0] : vector<16xf32>, vector<16xi32> -> vector<16xf32>
        %swap3A_1517 = arith.constant 0 : i32
        %swap3A_1518 = arith.constant 8 : i32
        %swap3A_1519 = arith.constant 6 : i32
        %swap3A_1520 = arith.index_cast %swap3A_1517 : i32 to index
        %swap3A_1521 = arith.index_cast %swap3A_1518 : i32 to index
        %swap3A_1522 = arith.index_cast %swap3A_1519 : i32 to index
        %swap3A_1523 = arith.index_cast %mul3A_656 : i32 to index
        %swap3A_1524 = tpu.vector_load %arg8[%swap3A_1520, %swap3A_1521, %swap3A_1522, %swap3A_1523] {strides = array<i32>} : memref<2x10x8x256xf32, #tpu.memory_space<vmem>>, vector<16xf32>,
        tpu.vector_store %arg8[%swap3A_1520, %swap3A_1521, %swap3A_1522, %swap3A_1523], %gather3A_1516 {strides = array<i32>} : memref<2x10x8x256xf32, #tpu.memory_space<vmem>>, vector<16xf32>,
        %add3A_1525 = arith.addf %add3A_1513, %gather3A_1516 : vector<16xf32>
        %broadcast_in_dim3A_1526 = vector.shape_cast %get3A_1417 : vector<16xi32> to vector<16x1xi32>
        %gather3A_1527 = vector.shape_cast %broadcast_in_dim3A_1526 : vector<16x1xi32> to vector<16xi32>
        %gather3A_1528 = tpu.dynamic_gather %get3A_39[%gather3A_1527] in [0] : vector<16xf32>, vector<16xi32> -> vector<16xf32>
        %swap3A_1529 = arith.constant 0 : i32
        %swap3A_1530 = arith.constant 9 : i32
        %swap3A_1531 = arith.constant 6 : i32
        %swap3A_1532 = arith.index_cast %swap3A_1529 : i32 to index
        %swap3A_1533 = arith.index_cast %swap3A_1530 : i32 to index
        %swap3A_1534 = arith.index_cast %swap3A_1531 : i32 to index
        %swap3A_1535 = arith.index_cast %mul3A_656 : i32 to index
        %swap3A_1536 = tpu.vector_load %arg8[%swap3A_1532, %swap3A_1533, %swap3A_1534, %swap3A_1535] {strides = array<i32>} : memref<2x10x8x256xf32, #tpu.memory_space<vmem>>, vector<16xf32>,
        tpu.vector_store %arg8[%swap3A_1532, %swap3A_1533, %swap3A_1534, %swap3A_1535], %gather3A_1528 {strides = array<i32>} : memref<2x10x8x256xf32, #tpu.memory_space<vmem>>, vector<16xf32>,
        %add3A_1537 = arith.addf %add3A_1525, %gather3A_1528 : vector<16xf32>
        %get3A_1538 = arith.constant 0 : i32
        %get3A_1539 = arith.constant 7 : i32
        %get3A_1540 = arith.index_cast %get3A_1538 : i32 to index
        %get3A_1541 = arith.index_cast %get3A_1539 : i32 to index
        %get3A_1542 = arith.index_cast %mul3A_656 : i32 to index
        %get3A_1543 = tpu.vector_load %arg7[%get3A_1540, %get3A_1541, %get3A_1542] {strides = array<i32>} : memref<2x8x256xi32, #tpu.memory_space<vmem>>, vector<16xi32>,
        %broadcast_in_dim3A_1544 = vector.shape_cast %get3A_1543 : vector<16xi32> to vector<16x1xi32>
        %gather3A_1545 = vector.shape_cast %broadcast_in_dim3A_1544 : vector<16x1xi32> to vector<16xi32>
        %gather3A_1546 = tpu.dynamic_gather %get3A_3[%gather3A_1545] in [0] : vector<16xf32>, vector<16xi32> -> vector<16xf32>
        %swap3A_1547 = arith.constant 0 : i32
        %swap3A_1548 = arith.constant 0 : i32
        %swap3A_1549 = arith.constant 7 : i32
        %swap3A_1550 = arith.index_cast %swap3A_1547 : i32 to index
        %swap3A_1551 = arith.index_cast %swap3A_1548 : i32 to index
        %swap3A_1552 = arith.index_cast %swap3A_1549 : i32 to index
        %swap3A_1553 = arith.index_cast %mul3A_656 : i32 to index
        %swap3A_1554 = tpu.vector_load %arg8[%swap3A_1550, %swap3A_1551, %swap3A_1552, %swap3A_1553] {strides = array<i32>} : memref<2x10x8x256xf32, #tpu.memory_space<vmem>>, vector<16xf32>,
        tpu.vector_store %arg8[%swap3A_1550, %swap3A_1551, %swap3A_1552, %swap3A_1553], %gather3A_1546 {strides = array<i32>} : memref<2x10x8x256xf32, #tpu.memory_space<vmem>>, vector<16xf32>,
        %add3A_1555 = arith.addf %add3A_1537, %gather3A_1546 : vector<16xf32>
        %broadcast_in_dim3A_1556 = vector.shape_cast %get3A_1543 : vector<16xi32> to vector<16x1xi32>
        %gather3A_1557 = vector.shape_cast %broadcast_in_dim3A_1556 : vector<16x1xi32> to vector<16xi32>
        %gather3A_1558 = tpu.dynamic_gather %get3A_7[%gather3A_1557] in [0] : vector<16xf32>, vector<16xi32> -> vector<16xf32>
        %swap3A_1559 = arith.constant 0 : i32
        %swap3A_1560 = arith.constant 1 : i32
        %swap3A_1561 = arith.constant 7 : i32
        %swap3A_1562 = arith.index_cast %swap3A_1559 : i32 to index
        %swap3A_1563 = arith.index_cast %swap3A_1560 : i32 to index
        %swap3A_1564 = arith.index_cast %swap3A_1561 : i32 to index
        %swap3A_1565 = arith.index_cast %mul3A_656 : i32 to index
        %swap3A_1566 = tpu.vector_load %arg8[%swap3A_1562, %swap3A_1563, %swap3A_1564, %swap3A_1565] {strides = array<i32>} : memref<2x10x8x256xf32, #tpu.memory_space<vmem>>, vector<16xf32>,
        tpu.vector_store %arg8[%swap3A_1562, %swap3A_1563, %swap3A_1564, %swap3A_1565], %gather3A_1558 {strides = array<i32>} : memref<2x10x8x256xf32, #tpu.memory_space<vmem>>, vector<16xf32>,
        %add3A_1567 = arith.addf %add3A_1555, %gather3A_1558 : vector<16xf32>
        %broadcast_in_dim3A_1568 = vector.shape_cast %get3A_1543 : vector<16xi32> to vector<16x1xi32>
        %gather3A_1569 = vector.shape_cast %broadcast_in_dim3A_1568 : vector<16x1xi32> to vector<16xi32>
        %gather3A_1570 = tpu.dynamic_gather %get3A_11[%gather3A_1569] in [0] : vector<16xf32>, vector<16xi32> -> vector<16xf32>
        %swap3A_1571 = arith.constant 0 : i32
        %swap3A_1572 = arith.constant 2 : i32
        %swap3A_1573 = arith.constant 7 : i32
        %swap3A_1574 = arith.index_cast %swap3A_1571 : i32 to index
        %swap3A_1575 = arith.index_cast %swap3A_1572 : i32 to index
        %swap3A_1576 = arith.index_cast %swap3A_1573 : i32 to index
        %swap3A_1577 = arith.index_cast %mul3A_656 : i32 to index
        %swap3A_1578 = tpu.vector_load %arg8[%swap3A_1574, %swap3A_1575, %swap3A_1576, %swap3A_1577] {strides = array<i32>} : memref<2x10x8x256xf32, #tpu.memory_space<vmem>>, vector<16xf32>,
        tpu.vector_store %arg8[%swap3A_1574, %swap3A_1575, %swap3A_1576, %swap3A_1577], %gather3A_1570 {strides = array<i32>} : memref<2x10x8x256xf32, #tpu.memory_space<vmem>>, vector<16xf32>,
        %add3A_1579 = arith.addf %add3A_1567, %gather3A_1570 : vector<16xf32>
        %broadcast_in_dim3A_1580 = vector.shape_cast %get3A_1543 : vector<16xi32> to vector<16x1xi32>
        %gather3A_1581 = vector.shape_cast %broadcast_in_dim3A_1580 : vector<16x1xi32> to vector<16xi32>
        %gather3A_1582 = tpu.dynamic_gather %get3A_15[%gather3A_1581] in [0] : vector<16xf32>, vector<16xi32> -> vector<16xf32>
        %swap3A_1583 = arith.constant 0 : i32
        %swap3A_1584 = arith.constant 3 : i32
        %swap3A_1585 = arith.constant 7 : i32
        %swap3A_1586 = arith.index_cast %swap3A_1583 : i32 to index
        %swap3A_1587 = arith.index_cast %swap3A_1584 : i32 to index
        %swap3A_1588 = arith.index_cast %swap3A_1585 : i32 to index
        %swap3A_1589 = arith.index_cast %mul3A_656 : i32 to index
        %swap3A_1590 = tpu.vector_load %arg8[%swap3A_1586, %swap3A_1587, %swap3A_1588, %swap3A_1589] {strides = array<i32>} : memref<2x10x8x256xf32, #tpu.memory_space<vmem>>, vector<16xf32>,
        tpu.vector_store %arg8[%swap3A_1586, %swap3A_1587, %swap3A_1588, %swap3A_1589], %gather3A_1582 {strides = array<i32>} : memref<2x10x8x256xf32, #tpu.memory_space<vmem>>, vector<16xf32>,
        %add3A_1591 = arith.addf %add3A_1579, %gather3A_1582 : vector<16xf32>
        %broadcast_in_dim3A_1592 = vector.shape_cast %get3A_1543 : vector<16xi32> to vector<16x1xi32>
        %gather3A_1593 = vector.shape_cast %broadcast_in_dim3A_1592 : vector<16x1xi32> to vector<16xi32>
        %gather3A_1594 = tpu.dynamic_gather %get3A_19[%gather3A_1593] in [0] : vector<16xf32>, vector<16xi32> -> vector<16xf32>
        %swap3A_1595 = arith.constant 0 : i32
        %swap3A_1596 = arith.constant 4 : i32
        %swap3A_1597 = arith.constant 7 : i32
        %swap3A_1598 = arith.index_cast %swap3A_1595 : i32 to index
        %swap3A_1599 = arith.index_cast %swap3A_1596 : i32 to index
        %swap3A_1600 = arith.index_cast %swap3A_1597 : i32 to index
        %swap3A_1601 = arith.index_cast %mul3A_656 : i32 to index
        %swap3A_1602 = tpu.vector_load %arg8[%swap3A_1598, %swap3A_1599, %swap3A_1600, %swap3A_1601] {strides = array<i32>} : memref<2x10x8x256xf32, #tpu.memory_space<vmem>>, vector<16xf32>,
        tpu.vector_store %arg8[%swap3A_1598, %swap3A_1599, %swap3A_1600, %swap3A_1601], %gather3A_1594 {strides = array<i32>} : memref<2x10x8x256xf32, #tpu.memory_space<vmem>>, vector<16xf32>,
        %add3A_1603 = arith.addf %add3A_1591, %gather3A_1594 : vector<16xf32>
        %broadcast_in_dim3A_1604 = vector.shape_cast %get3A_1543 : vector<16xi32> to vector<16x1xi32>
        %gather3A_1605 = vector.shape_cast %broadcast_in_dim3A_1604 : vector<16x1xi32> to vector<16xi32>
        %gather3A_1606 = tpu.dynamic_gather %get3A_23[%gather3A_1605] in [0] : vector<16xf32>, vector<16xi32> -> vector<16xf32>
        %swap3A_1607 = arith.constant 0 : i32
        %swap3A_1608 = arith.constant 5 : i32
        %swap3A_1609 = arith.constant 7 : i32
        %swap3A_1610 = arith.index_cast %swap3A_1607 : i32 to index
        %swap3A_1611 = arith.index_cast %swap3A_1608 : i32 to index
        %swap3A_1612 = arith.index_cast %swap3A_1609 : i32 to index
        %swap3A_1613 = arith.index_cast %mul3A_656 : i32 to index
        %swap3A_1614 = tpu.vector_load %arg8[%swap3A_1610, %swap3A_1611, %swap3A_1612, %swap3A_1613] {strides = array<i32>} : memref<2x10x8x256xf32, #tpu.memory_space<vmem>>, vector<16xf32>,
        tpu.vector_store %arg8[%swap3A_1610, %swap3A_1611, %swap3A_1612, %swap3A_1613], %gather3A_1606 {strides = array<i32>} : memref<2x10x8x256xf32, #tpu.memory_space<vmem>>, vector<16xf32>,
        %add3A_1615 = arith.addf %add3A_1603, %gather3A_1606 : vector<16xf32>
        %broadcast_in_dim3A_1616 = vector.shape_cast %get3A_1543 : vector<16xi32> to vector<16x1xi32>
        %gather3A_1617 = vector.shape_cast %broadcast_in_dim3A_1616 : vector<16x1xi32> to vector<16xi32>
        %gather3A_1618 = tpu.dynamic_gather %get3A_27[%gather3A_1617] in [0] : vector<16xf32>, vector<16xi32> -> vector<16xf32>
        %swap3A_1619 = arith.constant 0 : i32
        %swap3A_1620 = arith.constant 6 : i32
        %swap3A_1621 = arith.constant 7 : i32
        %swap3A_1622 = arith.index_cast %swap3A_1619 : i32 to index
        %swap3A_1623 = arith.index_cast %swap3A_1620 : i32 to index
        %swap3A_1624 = arith.index_cast %swap3A_1621 : i32 to index
        %swap3A_1625 = arith.index_cast %mul3A_656 : i32 to index
        %swap3A_1626 = tpu.vector_load %arg8[%swap3A_1622, %swap3A_1623, %swap3A_1624, %swap3A_1625] {strides = array<i32>} : memref<2x10x8x256xf32, #tpu.memory_space<vmem>>, vector<16xf32>,
        tpu.vector_store %arg8[%swap3A_1622, %swap3A_1623, %swap3A_1624, %swap3A_1625], %gather3A_1618 {strides = array<i32>} : memref<2x10x8x256xf32, #tpu.memory_space<vmem>>, vector<16xf32>,
        %add3A_1627 = arith.addf %add3A_1615, %gather3A_1618 : vector<16xf32>
        %broadcast_in_dim3A_1628 = vector.shape_cast %get3A_1543 : vector<16xi32> to vector<16x1xi32>
        %gather3A_1629 = vector.shape_cast %broadcast_in_dim3A_1628 : vector<16x1xi32> to vector<16xi32>
        %gather3A_1630 = tpu.dynamic_gather %get3A_31[%gather3A_1629] in [0] : vector<16xf32>, vector<16xi32> -> vector<16xf32>
        %swap3A_1631 = arith.constant 0 : i32
        %swap3A_1632 = arith.constant 7 : i32
        %swap3A_1633 = arith.constant 7 : i32
        %swap3A_1634 = arith.index_cast %swap3A_1631 : i32 to index
        %swap3A_1635 = arith.index_cast %swap3A_1632 : i32 to index
        %swap3A_1636 = arith.index_cast %swap3A_1633 : i32 to index
        %swap3A_1637 = arith.index_cast %mul3A_656 : i32 to index
        %swap3A_1638 = tpu.vector_load %arg8[%swap3A_1634, %swap3A_1635, %swap3A_1636, %swap3A_1637] {strides = array<i32>} : memref<2x10x8x256xf32, #tpu.memory_space<vmem>>, vector<16xf32>,
        tpu.vector_store %arg8[%swap3A_1634, %swap3A_1635, %swap3A_1636, %swap3A_1637], %gather3A_1630 {strides = array<i32>} : memref<2x10x8x256xf32, #tpu.memory_space<vmem>>, vector<16xf32>,
        %add3A_1639 = arith.addf %add3A_1627, %gather3A_1630 : vector<16xf32>
        %broadcast_in_dim3A_1640 = vector.shape_cast %get3A_1543 : vector<16xi32> to vector<16x1xi32>
        %gather3A_1641 = vector.shape_cast %broadcast_in_dim3A_1640 : vector<16x1xi32> to vector<16xi32>
        %gather3A_1642 = tpu.dynamic_gather %get3A_35[%gather3A_1641] in [0] : vector<16xf32>, vector<16xi32> -> vector<16xf32>
        %swap3A_1643 = arith.constant 0 : i32
        %swap3A_1644 = arith.constant 8 : i32
        %swap3A_1645 = arith.constant 7 : i32
        %swap3A_1646 = arith.index_cast %swap3A_1643 : i32 to index
        %swap3A_1647 = arith.index_cast %swap3A_1644 : i32 to index
        %swap3A_1648 = arith.index_cast %swap3A_1645 : i32 to index
        %swap3A_1649 = arith.index_cast %mul3A_656 : i32 to index
        %swap3A_1650 = tpu.vector_load %arg8[%swap3A_1646, %swap3A_1647, %swap3A_1648, %swap3A_1649] {strides = array<i32>} : memref<2x10x8x256xf32, #tpu.memory_space<vmem>>, vector<16xf32>,
        tpu.vector_store %arg8[%swap3A_1646, %swap3A_1647, %swap3A_1648, %swap3A_1649], %gather3A_1642 {strides = array<i32>} : memref<2x10x8x256xf32, #tpu.memory_space<vmem>>, vector<16xf32>,
        %add3A_1651 = arith.addf %add3A_1639, %gather3A_1642 : vector<16xf32>
        %broadcast_in_dim3A_1652 = vector.shape_cast %get3A_1543 : vector<16xi32> to vector<16x1xi32>
        %gather3A_1653 = vector.shape_cast %broadcast_in_dim3A_1652 : vector<16x1xi32> to vector<16xi32>
        %gather3A_1654 = tpu.dynamic_gather %get3A_39[%gather3A_1653] in [0] : vector<16xf32>, vector<16xi32> -> vector<16xf32>
        %swap3A_1655 = arith.constant 0 : i32
        %swap3A_1656 = arith.constant 9 : i32
        %swap3A_1657 = arith.constant 7 : i32
        %swap3A_1658 = arith.index_cast %swap3A_1655 : i32 to index
        %swap3A_1659 = arith.index_cast %swap3A_1656 : i32 to index
        %swap3A_1660 = arith.index_cast %swap3A_1657 : i32 to index
        %swap3A_1661 = arith.index_cast %mul3A_656 : i32 to index
        %swap3A_1662 = tpu.vector_load %arg8[%swap3A_1658, %swap3A_1659, %swap3A_1660, %swap3A_1661] {strides = array<i32>} : memref<2x10x8x256xf32, #tpu.memory_space<vmem>>, vector<16xf32>,
        tpu.vector_store %arg8[%swap3A_1658, %swap3A_1659, %swap3A_1660, %swap3A_1661], %gather3A_1654 {strides = array<i32>} : memref<2x10x8x256xf32, #tpu.memory_space<vmem>>, vector<16xf32>,
        %add3A_1663 = arith.addf %add3A_1651, %gather3A_1654 : vector<16xf32>
        scf.yield %add3A_1663 : vector<16xf32>
      }
      %scan3A_401 = arith.constant 16 : i32
      %add3A_402 = arith.addi %mul3A_41, %add3A_278 : i32
      %jit3A_403 = arith.constant 64 : i32
      %div3A_404 = arith.divsi %add3A_402, %jit3A_403 : i32
      %sign3A_405 = arith.constant 0 : i32
      %sign3A_406 = arith.cmpi sgt, %add3A_402, %sign3A_405 : i32
      %sign3A_407 = arith.extui %sign3A_406 : i1 to i32
      %sign3A_408 = arith.constant 0 : i32
      %sign3A_409 = arith.cmpi slt, %add3A_402, %sign3A_408 : i32
      %sign3A_410 = arith.extui %sign3A_409 : i1 to i32
      %sign3A_411 = arith.subi %sign3A_407, %sign3A_410 : i32
      %sign3A_412 = arith.constant 0 : i32
      %sign3A_413 = arith.cmpi sgt, %jit3A_403, %sign3A_412 : i32
      %sign3A_414 = arith.extui %sign3A_413 : i1 to i32
      %sign3A_415 = arith.constant 0 : i32
      %sign3A_416 = arith.cmpi slt, %jit3A_403, %sign3A_415 : i32
      %sign3A_417 = arith.extui %sign3A_416 : i1 to i32
      %sign3A_418 = arith.subi %sign3A_414, %sign3A_417 : i32
      %ne3A_419 = arith.cmpi ne, %sign3A_411, %sign3A_418 : i32
      %rem3A_420 = arith.remsi %add3A_402, %jit3A_403 : i32
      %ne3A_421 = arith.constant 0 : i32
      %ne3A_422 = arith.cmpi ne, %rem3A_420, %ne3A_421 : i32
      %and3A_423 = arith.andi %ne3A_419, %ne3A_422 : i1
      %sub3A_424 = arith.constant 1 : i32
      %sub3A_425 = arith.subi %div3A_404, %sub3A_424 : i32
      %select_n3A_426 = arith.select %and3A_423, %sub3A_425, %div3A_404 : i32
      %mul3A_427 = arith.constant 8 : i32
      %mul3A_428 = arith.muli %select_n3A_426, %mul3A_427 : i32
      %jit3A_429 = arith.constant 64 : i32
      %eq3A_430 = arith.constant 0 : i32
      %eq3A_431 = arith.cmpi eq, %jit3A_429, %eq3A_430 : i32
      %jit3A_432 = arith.constant 1 : i32
      %select_n3A_433 = arith.select %eq3A_431, %jit3A_432, %jit3A_429 : i32
      %rem3A_434 = arith.remsi %add3A_402, %select_n3A_433 : i32
      %ne3A_435 = arith.constant 0 : i32
      %ne3A_436 = arith.cmpi ne, %rem3A_434, %ne3A_435 : i32
      %lt3A_437 = arith.constant 0 : i32
      %lt3A_438 = arith.cmpi slt, %rem3A_434, %lt3A_437 : i32
      %lt3A_439 = arith.constant 0 : i32
      %lt3A_440 = arith.cmpi slt, %select_n3A_433, %lt3A_439 : i32
      %ne3A_441 = arith.xori %lt3A_438, %lt3A_440 : i1
      %and3A_442 = arith.andi %ne3A_441, %ne3A_436 : i1
      %add3A_443 = arith.addi %rem3A_434, %select_n3A_433 : i32
      %select_n3A_444 = arith.select %and3A_442, %add3A_443, %rem3A_434 : i32
      %mul3A_445 = arith.constant 256 : i32
      %mul3A_446 = arith.muli %select_n3A_444, %mul3A_445 : i32
      %dma_start3A_447 = arith.constant 0 : i32
      %dma_start3A_448 = arith.constant 0 : i32
      %dma_start3A_449 = arith.constant 0 : i32
      %dma_start3A_450 = arith.constant 0 : i32
      %dma_start3A_451 = tpu.memref_slice %arg8[%dma_start3A_447, %dma_start3A_448, %dma_start3A_449, %dma_start3A_450] : memref<2x10x8x256xf32, #tpu.memory_space<vmem>> -> memref<1x10x8x256xf32, #tpu.memory_space<vmem>>
      %dma_start3A_452 = tpu.memref_squeeze %dma_start3A_451 : memref<1x10x8x256xf32, #tpu.memory_space<vmem>> -> memref<10x8x256xf32, #tpu.memory_space<vmem>>
      %dma_start3A_453 = arith.constant 0 : i32
      %dma_start3A_454 = tpu.memref_slice %arg4[%dma_start3A_453, %mul3A_428, %mul3A_446] : memref<10x200x16384xf32, #tpu.memory_space<hbm>> -> memref<10x8x256xf32, #tpu.memory_space<hbm>>
      %dma_start3A_455 = arith.constant 0 : i32
      %dma_start3A_456 = tpu.memref_slice %arg4[%dma_start3A_455, %mul3A_428, %mul3A_446] : memref<10x200x16384xf32, #tpu.memory_space<hbm>> -> memref<10x8x256xf32, #tpu.memory_space<hbm>>
      %dma_start3A_457 = arith.constant 0 : i32
      %dma_start3A_458 = arith.constant 0 : i32
      %dma_start3A_459 = arith.constant 0 : i32
      %dma_start3A_460 = tpu.memref_slice %arg8[%dma_start3A_447, %dma_start3A_457, %dma_start3A_458, %dma_start3A_459] : memref<2x10x8x256xf32, #tpu.memory_space<vmem>> -> memref<1x10x8x256xf32, #tpu.memory_space<vmem>>
      %dma_start3A_461 = tpu.memref_squeeze %dma_start3A_460 : memref<1x10x8x256xf32, #tpu.memory_space<vmem>> -> memref<10x8x256xf32, #tpu.memory_space<vmem>>
      tpu.enqueue_dma source(%dma_start3A_461 : memref<10x8x256xf32, #tpu.memory_space<vmem>>) target(%dma_start3A_456 : memref<10x8x256xf32, #tpu.memory_space<hbm>>) target_semaphore(%arg12 : memref<!tpu.dma_semaphore, #tpu.memory_space<semaphore_mem>>)
      %mul3A_462 = arith.constant 2 : i32
      %mul3A_463 = arith.muli %mul3A_462, %scan3A_273 : i32
      %add3A_464 = arith.constant 1 : i32
      %add3A_465 = arith.addi %mul3A_463, %add3A_464 : i32
      %add3A_466 = arith.constant 1 : i32
      %add3A_467 = arith.addi %add3A_465, %add3A_466 : i32
      %min3A_468 = arith.constant 49 : i32
      %min3A_469 = arith.minsi %add3A_467, %min3A_468 : i32
      %add3A_470 = arith.addi %mul3A_41, %min3A_469 : i32
      %jit3A_471 = arith.constant 64 : i32
      %div3A_472 = arith.divsi %add3A_470, %jit3A_471 : i32
      %sign3A_473 = arith.constant 0 : i32
      %sign3A_474 = arith.cmpi sgt, %add3A_470, %sign3A_473 : i32
      %sign3A_475 = arith.extui %sign3A_474 : i1 to i32
      %sign3A_476 = arith.constant 0 : i32
      %sign3A_477 = arith.cmpi slt, %add3A_470, %sign3A_476 : i32
      %sign3A_478 = arith.extui %sign3A_477 : i1 to i32
      %sign3A_479 = arith.subi %sign3A_475, %sign3A_478 : i32
      %sign3A_480 = arith.constant 0 : i32
      %sign3A_481 = arith.cmpi sgt, %jit3A_471, %sign3A_480 : i32
      %sign3A_482 = arith.extui %sign3A_481 : i1 to i32
      %sign3A_483 = arith.constant 0 : i32
      %sign3A_484 = arith.cmpi slt, %jit3A_471, %sign3A_483 : i32
      %sign3A_485 = arith.extui %sign3A_484 : i1 to i32
      %sign3A_486 = arith.subi %sign3A_482, %sign3A_485 : i32
      %ne3A_487 = arith.cmpi ne, %sign3A_479, %sign3A_486 : i32
      %rem3A_488 = arith.remsi %add3A_470, %jit3A_471 : i32
      %ne3A_489 = arith.constant 0 : i32
      %ne3A_490 = arith.cmpi ne, %rem3A_488, %ne3A_489 : i32
      %and3A_491 = arith.andi %ne3A_487, %ne3A_490 : i1
      %sub3A_492 = arith.constant 1 : i32
      %sub3A_493 = arith.subi %div3A_472, %sub3A_492 : i32
      %select_n3A_494 = arith.select %and3A_491, %sub3A_493, %div3A_472 : i32
      %mul3A_495 = arith.constant 8 : i32
      %mul3A_496 = arith.muli %select_n3A_494, %mul3A_495 : i32
      %jit3A_497 = arith.constant 64 : i32
      %eq3A_498 = arith.constant 0 : i32
      %eq3A_499 = arith.cmpi eq, %jit3A_497, %eq3A_498 : i32
      %jit3A_500 = arith.constant 1 : i32
      %select_n3A_501 = arith.select %eq3A_499, %jit3A_500, %jit3A_497 : i32
      %rem3A_502 = arith.remsi %add3A_470, %select_n3A_501 : i32
      %ne3A_503 = arith.constant 0 : i32
      %ne3A_504 = arith.cmpi ne, %rem3A_502, %ne3A_503 : i32
      %lt3A_505 = arith.constant 0 : i32
      %lt3A_506 = arith.cmpi slt, %rem3A_502, %lt3A_505 : i32
      %lt3A_507 = arith.constant 0 : i32
      %lt3A_508 = arith.cmpi slt, %select_n3A_501, %lt3A_507 : i32
      %ne3A_509 = arith.xori %lt3A_506, %lt3A_508 : i1
      %and3A_510 = arith.andi %ne3A_509, %ne3A_504 : i1
      %add3A_511 = arith.addi %rem3A_502, %select_n3A_501 : i32
      %select_n3A_512 = arith.select %and3A_510, %add3A_511, %rem3A_502 : i32
      %mul3A_513 = arith.constant 256 : i32
      %mul3A_514 = arith.muli %select_n3A_512, %mul3A_513 : i32
      %dma_start3A_515 = arith.constant 0 : i32
      %dma_start3A_516 = arith.constant 0 : i32
      %dma_start3A_517 = arith.constant 0 : i32
      %dma_start3A_518 = tpu.memref_slice %arg7[%dma_start3A_515, %dma_start3A_516, %dma_start3A_517] : memref<2x8x256xi32, #tpu.memory_space<vmem>> -> memref<1x8x256xi32, #tpu.memory_space<vmem>>
      %dma_start3A_519 = tpu.memref_squeeze %dma_start3A_518 : memref<1x8x256xi32, #tpu.memory_space<vmem>> -> memref<8x256xi32, #tpu.memory_space<vmem>>
      %dma_start3A_520 = tpu.memref_slice %arg3[%mul3A_496, %mul3A_514] : memref<200x16384xi32, #tpu.memory_space<hbm>> -> memref<8x256xi32, #tpu.memory_space<hbm>>
      %dma_start3A_521 = arith.constant 0 : i32
      %dma_start3A_522 = arith.constant 0 : i32
      %dma_start3A_523 = tpu.memref_slice %arg7[%dma_start3A_515, %dma_start3A_521, %dma_start3A_522] : memref<2x8x256xi32, #tpu.memory_space<vmem>> -> memref<1x8x256xi32, #tpu.memory_space<vmem>>
      %dma_start3A_524 = tpu.memref_squeeze %dma_start3A_523 : memref<1x8x256xi32, #tpu.memory_space<vmem>> -> memref<8x256xi32, #tpu.memory_space<vmem>>
      %dma_start3A_525 = tpu.memref_slice %arg3[%mul3A_496, %mul3A_514] : memref<200x16384xi32, #tpu.memory_space<hbm>> -> memref<8x256xi32, #tpu.memory_space<hbm>>
      tpu.enqueue_dma source(%dma_start3A_525 : memref<8x256xi32, #tpu.memory_space<hbm>>) target(%dma_start3A_524 : memref<8x256xi32, #tpu.memory_space<vmem>>) target_semaphore(%arg10 : memref<!tpu.dma_semaphore, #tpu.memory_space<semaphore_mem>>)
      %add3A_526 = arith.addi %mul3A_41, %add3A_465 : i32
      %jit3A_527 = arith.constant 64 : i32
      %div3A_528 = arith.divsi %add3A_526, %jit3A_527 : i32
      %sign3A_529 = arith.constant 0 : i32
      %sign3A_530 = arith.cmpi sgt, %add3A_526, %sign3A_529 : i32
      %sign3A_531 = arith.extui %sign3A_530 : i1 to i32
      %sign3A_532 = arith.constant 0 : i32
      %sign3A_533 = arith.cmpi slt, %add3A_526, %sign3A_532 : i32
      %sign3A_534 = arith.extui %sign3A_533 : i1 to i32
      %sign3A_535 = arith.subi %sign3A_531, %sign3A_534 : i32
      %sign3A_536 = arith.constant 0 : i32
      %sign3A_537 = arith.cmpi sgt, %jit3A_527, %sign3A_536 : i32
      %sign3A_538 = arith.extui %sign3A_537 : i1 to i32
      %sign3A_539 = arith.constant 0 : i32
      %sign3A_540 = arith.cmpi slt, %jit3A_527, %sign3A_539 : i32
      %sign3A_541 = arith.extui %sign3A_540 : i1 to i32
      %sign3A_542 = arith.subi %sign3A_538, %sign3A_541 : i32
      %ne3A_543 = arith.cmpi ne, %sign3A_535, %sign3A_542 : i32
      %rem3A_544 = arith.remsi %add3A_526, %jit3A_527 : i32
      %ne3A_545 = arith.constant 0 : i32
      %ne3A_546 = arith.cmpi ne, %rem3A_544, %ne3A_545 : i32
      %and3A_547 = arith.andi %ne3A_543, %ne3A_546 : i1
      %sub3A_548 = arith.constant 1 : i32
      %sub3A_549 = arith.subi %div3A_528, %sub3A_548 : i32
      %select_n3A_550 = arith.select %and3A_547, %sub3A_549, %div3A_528 : i32
      %mul3A_551 = arith.constant 8 : i32
      %mul3A_552 = arith.muli %select_n3A_550, %mul3A_551 : i32
      %jit3A_553 = arith.constant 64 : i32
      %eq3A_554 = arith.constant 0 : i32
      %eq3A_555 = arith.cmpi eq, %jit3A_553, %eq3A_554 : i32
      %jit3A_556 = arith.constant 1 : i32
      %select_n3A_557 = arith.select %eq3A_555, %jit3A_556, %jit3A_553 : i32
      %rem3A_558 = arith.remsi %add3A_526, %select_n3A_557 : i32
      %ne3A_559 = arith.constant 0 : i32
      %ne3A_560 = arith.cmpi ne, %rem3A_558, %ne3A_559 : i32
      %lt3A_561 = arith.constant 0 : i32
      %lt3A_562 = arith.cmpi slt, %rem3A_558, %lt3A_561 : i32
      %lt3A_563 = arith.constant 0 : i32
      %lt3A_564 = arith.cmpi slt, %select_n3A_557, %lt3A_563 : i32
      %ne3A_565 = arith.xori %lt3A_562, %lt3A_564 : i1
      %and3A_566 = arith.andi %ne3A_565, %ne3A_560 : i1
      %add3A_567 = arith.addi %rem3A_558, %select_n3A_557 : i32
      %select_n3A_568 = arith.select %and3A_566, %add3A_567, %rem3A_558 : i32
      %mul3A_569 = arith.constant 256 : i32
      %mul3A_570 = arith.muli %select_n3A_568, %mul3A_569 : i32
      %dma_wait3A_571 = arith.constant 1 : i32
      %dma_wait3A_572 = arith.constant 0 : i32
      %dma_wait3A_573 = arith.constant 0 : i32
      %dma_wait3A_574 = tpu.memref_slice %arg7[%dma_wait3A_571, %dma_wait3A_572, %dma_wait3A_573] : memref<2x8x256xi32, #tpu.memory_space<vmem>> -> memref<1x8x256xi32, #tpu.memory_space<vmem>>
      %dma_wait3A_575 = tpu.memref_squeeze %dma_wait3A_574 : memref<1x8x256xi32, #tpu.memory_space<vmem>> -> memref<8x256xi32, #tpu.memory_space<vmem>>
      %dma_wait3A_576 = tpu.memref_slice %arg3[%mul3A_552, %mul3A_570] : memref<200x16384xi32, #tpu.memory_space<hbm>> -> memref<8x256xi32, #tpu.memory_space<hbm>>
      %dma_wait3A_577 = arith.constant 0 : i32
      %dma_wait3A_578 = arith.constant 0 : i32
      %dma_wait3A_579 = tpu.memref_slice %arg7[%dma_wait3A_571, %dma_wait3A_577, %dma_wait3A_578] : memref<2x8x256xi32, #tpu.memory_space<vmem>> -> memref<1x8x256xi32, #tpu.memory_space<vmem>>
      %dma_wait3A_580 = tpu.memref_squeeze %dma_wait3A_579 : memref<1x8x256xi32, #tpu.memory_space<vmem>> -> memref<8x256xi32, #tpu.memory_space<vmem>>
      %dma_wait3A_581 = tpu.memref_slice %arg3[%mul3A_552, %mul3A_570] : memref<200x16384xi32, #tpu.memory_space<hbm>> -> memref<8x256xi32, #tpu.memory_space<hbm>>
      tpu.wait_dma2 semaphore(%arg11 : memref<!tpu.dma_semaphore, #tpu.memory_space<semaphore_mem>>) src(%dma_wait3A_581 : memref<8x256xi32, #tpu.memory_space<hbm>>) dst(%dma_wait3A_580 : memref<8x256xi32, #tpu.memory_space<vmem>>)
      %gt3A_582 = arith.constant 0 : i32
      %gt3A_583 = arith.cmpi sgt, %scan3A_273, %gt3A_582 : i32
      %convert_element_type3A_584 = arith.extui %gt3A_583 : i1 to i32
      %cond3A_585 = arith.constant 0 : i32
      %cond3A_586 = arith.cmpi ne, %convert_element_type3A_584, %cond3A_585 : i32
      scf.if %cond3A_586 {
        %add3A_653 = arith.addi %mul3A_41, %add3A_465 : i32
        %jit3A_654 = arith.constant 64 : i32
        %div3A_655 = arith.divsi %add3A_653, %jit3A_654 : i32
        %sign3A_656 = arith.constant 0 : i32
        %sign3A_657 = arith.cmpi sgt, %add3A_653, %sign3A_656 : i32
        %sign3A_658 = arith.extui %sign3A_657 : i1 to i32
        %sign3A_659 = arith.constant 0 : i32
        %sign3A_660 = arith.cmpi slt, %add3A_653, %sign3A_659 : i32
        %sign3A_661 = arith.extui %sign3A_660 : i1 to i32
        %sign3A_662 = arith.subi %sign3A_658, %sign3A_661 : i32
        %sign3A_663 = arith.constant 0 : i32
        %sign3A_664 = arith.cmpi sgt, %jit3A_654, %sign3A_663 : i32
        %sign3A_665 = arith.extui %sign3A_664 : i1 to i32
        %sign3A_666 = arith.constant 0 : i32
        %sign3A_667 = arith.cmpi slt, %jit3A_654, %sign3A_666 : i32
        %sign3A_668 = arith.extui %sign3A_667 : i1 to i32
        %sign3A_669 = arith.subi %sign3A_665, %sign3A_668 : i32
        %ne3A_670 = arith.cmpi ne, %sign3A_662, %sign3A_669 : i32
        %rem3A_671 = arith.remsi %add3A_653, %jit3A_654 : i32
        %ne3A_672 = arith.constant 0 : i32
        %ne3A_673 = arith.cmpi ne, %rem3A_671, %ne3A_672 : i32
        %and3A_674 = arith.andi %ne3A_670, %ne3A_673 : i1
        %sub3A_675 = arith.constant 1 : i32
        %sub3A_676 = arith.subi %div3A_655, %sub3A_675 : i32
        %select_n3A_677 = arith.select %and3A_674, %sub3A_676, %div3A_655 : i32
        %mul3A_678 = arith.constant 8 : i32
        %mul3A_679 = arith.muli %select_n3A_677, %mul3A_678 : i32
        %jit3A_680 = arith.constant 64 : i32
        %eq3A_681 = arith.constant 0 : i32
        %eq3A_682 = arith.cmpi eq, %jit3A_680, %eq3A_681 : i32
        %jit3A_683 = arith.constant 1 : i32
        %select_n3A_684 = arith.select %eq3A_682, %jit3A_683, %jit3A_680 : i32
        %rem3A_685 = arith.remsi %add3A_653, %select_n3A_684 : i32
        %ne3A_686 = arith.constant 0 : i32
        %ne3A_687 = arith.cmpi ne, %rem3A_685, %ne3A_686 : i32
        %lt3A_688 = arith.constant 0 : i32
        %lt3A_689 = arith.cmpi slt, %rem3A_685, %lt3A_688 : i32
        %lt3A_690 = arith.constant 0 : i32
        %lt3A_691 = arith.cmpi slt, %select_n3A_684, %lt3A_690 : i32
        %ne3A_692 = arith.xori %lt3A_689, %lt3A_691 : i1
        %and3A_693 = arith.andi %ne3A_692, %ne3A_687 : i1
        %add3A_694 = arith.addi %rem3A_685, %select_n3A_684 : i32
        %select_n3A_695 = arith.select %and3A_693, %add3A_694, %rem3A_685 : i32
        %mul3A_696 = arith.constant 256 : i32
        %mul3A_697 = arith.muli %select_n3A_695, %mul3A_696 : i32
        %dma_wait3A_698 = arith.constant 1 : i32
        %dma_wait3A_699 = arith.constant 0 : i32
        %dma_wait3A_700 = arith.constant 0 : i32
        %dma_wait3A_701 = arith.constant 0 : i32
        %dma_wait3A_702 = tpu.memref_slice %arg8[%dma_wait3A_698, %dma_wait3A_699, %dma_wait3A_700, %dma_wait3A_701] : memref<2x10x8x256xf32, #tpu.memory_space<vmem>> -> memref<1x10x8x256xf32, #tpu.memory_space<vmem>>
        %dma_wait3A_703 = tpu.memref_squeeze %dma_wait3A_702 : memref<1x10x8x256xf32, #tpu.memory_space<vmem>> -> memref<10x8x256xf32, #tpu.memory_space<vmem>>
        %dma_wait3A_704 = arith.constant 0 : i32
        %dma_wait3A_705 = tpu.memref_slice %arg4[%dma_wait3A_704, %mul3A_679, %mul3A_697] : memref<10x200x16384xf32, #tpu.memory_space<hbm>> -> memref<10x8x256xf32, #tpu.memory_space<hbm>>
        %dma_wait3A_706 = arith.constant 0 : i32
        %dma_wait3A_707 = tpu.memref_slice %arg4[%dma_wait3A_706, %mul3A_679, %mul3A_697] : memref<10x200x16384xf32, #tpu.memory_space<hbm>> -> memref<10x8x256xf32, #tpu.memory_space<hbm>>
        %dma_wait3A_708 = arith.constant 0 : i32
        %dma_wait3A_709 = arith.constant 0 : i32
        %dma_wait3A_710 = arith.constant 0 : i32
        %dma_wait3A_711 = tpu.memref_slice %arg8[%dma_wait3A_698, %dma_wait3A_708, %dma_wait3A_709, %dma_wait3A_710] : memref<2x10x8x256xf32, #tpu.memory_space<vmem>> -> memref<1x10x8x256xf32, #tpu.memory_space<vmem>>
        %dma_wait3A_712 = tpu.memref_squeeze %dma_wait3A_711 : memref<1x10x8x256xf32, #tpu.memory_space<vmem>> -> memref<10x8x256xf32, #tpu.memory_space<vmem>>
        tpu.wait_dma2 semaphore(%arg13 : memref<!tpu.dma_semaphore, #tpu.memory_space<semaphore_mem>>) src(%dma_wait3A_712 : memref<10x8x256xf32, #tpu.memory_space<vmem>>) dst(%dma_wait3A_707 : memref<10x8x256xf32, #tpu.memory_space<hbm>>)
      } else {
      }
      %scan3A_587 = arith.constant 0 : i32
      %scan3A_588 = arith.constant 16 : i32
      %scan3A_589 = arith.addi %scan3A_587, %scan3A_588 : i32
      %scan3A_590 = arith.constant 1 : i32
      %scan3A_591 = scf.for %scan3A_653 = %scan3A_587 to %scan3A_589 step %scan3A_590 iter_args(%scan3A_654 = %scan3A_400) -> (vector<16xf32>)  : i32 {
        %mul3A_655 = arith.constant 16 : i32
        %mul3A_656 = arith.muli %scan3A_653, %mul3A_655 : i32
        %get3A_657 = arith.constant 1 : i32
        %get3A_658 = arith.constant 0 : i32
        %get3A_659 = arith.index_cast %get3A_657 : i32 to index
        %get3A_660 = arith.index_cast %get3A_658 : i32 to index
        %get3A_661 = arith.index_cast %mul3A_656 : i32 to index
        %get3A_662 = tpu.vector_load %arg7[%get3A_659, %get3A_660, %get3A_661] {strides = array<i32>} : memref<2x8x256xi32, #tpu.memory_space<vmem>>, vector<16xi32>,
        %broadcast_in_dim3A_663 = vector.shape_cast %get3A_662 : vector<16xi32> to vector<16x1xi32>
        %gather3A = vector.shape_cast %broadcast_in_dim3A_663 : vector<16x1xi32> to vector<16xi32>
        %gather3A_664 = tpu.dynamic_gather %get3A_3[%gather3A] in [0] : vector<16xf32>, vector<16xi32> -> vector<16xf32>
        %swap3A_665 = arith.constant 1 : i32
        %swap3A_666 = arith.constant 0 : i32
        %swap3A_667 = arith.constant 0 : i32
        %swap3A_668 = arith.index_cast %swap3A_665 : i32 to index
        %swap3A_669 = arith.index_cast %swap3A_666 : i32 to index
        %swap3A_670 = arith.index_cast %swap3A_667 : i32 to index
        %swap3A_671 = arith.index_cast %mul3A_656 : i32 to index
        %swap3A_672 = tpu.vector_load %arg8[%swap3A_668, %swap3A_669, %swap3A_670, %swap3A_671] {strides = array<i32>} : memref<2x10x8x256xf32, #tpu.memory_space<vmem>>, vector<16xf32>,
        tpu.vector_store %arg8[%swap3A_668, %swap3A_669, %swap3A_670, %swap3A_671], %gather3A_664 {strides = array<i32>} : memref<2x10x8x256xf32, #tpu.memory_space<vmem>>, vector<16xf32>,
        %add3A_673 = arith.addf %scan3A_654, %gather3A_664 : vector<16xf32>
        %broadcast_in_dim3A_674 = vector.shape_cast %get3A_662 : vector<16xi32> to vector<16x1xi32>
        %gather3A_675 = vector.shape_cast %broadcast_in_dim3A_674 : vector<16x1xi32> to vector<16xi32>
        %gather3A_676 = tpu.dynamic_gather %get3A_7[%gather3A_675] in [0] : vector<16xf32>, vector<16xi32> -> vector<16xf32>
        %swap3A_677 = arith.constant 1 : i32
        %swap3A_678 = arith.constant 1 : i32
        %swap3A_679 = arith.constant 0 : i32
        %swap3A_680 = arith.index_cast %swap3A_677 : i32 to index
        %swap3A_681 = arith.index_cast %swap3A_678 : i32 to index
        %swap3A_682 = arith.index_cast %swap3A_679 : i32 to index
        %swap3A_683 = arith.index_cast %mul3A_656 : i32 to index
        %swap3A_684 = tpu.vector_load %arg8[%swap3A_680, %swap3A_681, %swap3A_682, %swap3A_683] {strides = array<i32>} : memref<2x10x8x256xf32, #tpu.memory_space<vmem>>, vector<16xf32>,
        tpu.vector_store %arg8[%swap3A_680, %swap3A_681, %swap3A_682, %swap3A_683], %gather3A_676 {strides = array<i32>} : memref<2x10x8x256xf32, #tpu.memory_space<vmem>>, vector<16xf32>,
        %add3A_685 = arith.addf %add3A_673, %gather3A_676 : vector<16xf32>
        %broadcast_in_dim3A_686 = vector.shape_cast %get3A_662 : vector<16xi32> to vector<16x1xi32>
        %gather3A_687 = vector.shape_cast %broadcast_in_dim3A_686 : vector<16x1xi32> to vector<16xi32>
        %gather3A_688 = tpu.dynamic_gather %get3A_11[%gather3A_687] in [0] : vector<16xf32>, vector<16xi32> -> vector<16xf32>
        %swap3A_689 = arith.constant 1 : i32
        %swap3A_690 = arith.constant 2 : i32
        %swap3A_691 = arith.constant 0 : i32
        %swap3A_692 = arith.index_cast %swap3A_689 : i32 to index
        %swap3A_693 = arith.index_cast %swap3A_690 : i32 to index
        %swap3A_694 = arith.index_cast %swap3A_691 : i32 to index
        %swap3A_695 = arith.index_cast %mul3A_656 : i32 to index
        %swap3A_696 = tpu.vector_load %arg8[%swap3A_692, %swap3A_693, %swap3A_694, %swap3A_695] {strides = array<i32>} : memref<2x10x8x256xf32, #tpu.memory_space<vmem>>, vector<16xf32>,
        tpu.vector_store %arg8[%swap3A_692, %swap3A_693, %swap3A_694, %swap3A_695], %gather3A_688 {strides = array<i32>} : memref<2x10x8x256xf32, #tpu.memory_space<vmem>>, vector<16xf32>,
        %add3A_697 = arith.addf %add3A_685, %gather3A_688 : vector<16xf32>
        %broadcast_in_dim3A_698 = vector.shape_cast %get3A_662 : vector<16xi32> to vector<16x1xi32>
        %gather3A_699 = vector.shape_cast %broadcast_in_dim3A_698 : vector<16x1xi32> to vector<16xi32>
        %gather3A_700 = tpu.dynamic_gather %get3A_15[%gather3A_699] in [0] : vector<16xf32>, vector<16xi32> -> vector<16xf32>
        %swap3A_701 = arith.constant 1 : i32
        %swap3A_702 = arith.constant 3 : i32
        %swap3A_703 = arith.constant 0 : i32
        %swap3A_704 = arith.index_cast %swap3A_701 : i32 to index
        %swap3A_705 = arith.index_cast %swap3A_702 : i32 to index
        %swap3A_706 = arith.index_cast %swap3A_703 : i32 to index
        %swap3A_707 = arith.index_cast %mul3A_656 : i32 to index
        %swap3A_708 = tpu.vector_load %arg8[%swap3A_704, %swap3A_705, %swap3A_706, %swap3A_707] {strides = array<i32>} : memref<2x10x8x256xf32, #tpu.memory_space<vmem>>, vector<16xf32>,
        tpu.vector_store %arg8[%swap3A_704, %swap3A_705, %swap3A_706, %swap3A_707], %gather3A_700 {strides = array<i32>} : memref<2x10x8x256xf32, #tpu.memory_space<vmem>>, vector<16xf32>,
        %add3A_709 = arith.addf %add3A_697, %gather3A_700 : vector<16xf32>
        %broadcast_in_dim3A_710 = vector.shape_cast %get3A_662 : vector<16xi32> to vector<16x1xi32>
        %gather3A_711 = vector.shape_cast %broadcast_in_dim3A_710 : vector<16x1xi32> to vector<16xi32>
        %gather3A_712 = tpu.dynamic_gather %get3A_19[%gather3A_711] in [0] : vector<16xf32>, vector<16xi32> -> vector<16xf32>
        %swap3A_713 = arith.constant 1 : i32
        %swap3A_714 = arith.constant 4 : i32
        %swap3A_715 = arith.constant 0 : i32
        %swap3A_716 = arith.index_cast %swap3A_713 : i32 to index
        %swap3A_717 = arith.index_cast %swap3A_714 : i32 to index
        %swap3A_718 = arith.index_cast %swap3A_715 : i32 to index
        %swap3A_719 = arith.index_cast %mul3A_656 : i32 to index
        %swap3A_720 = tpu.vector_load %arg8[%swap3A_716, %swap3A_717, %swap3A_718, %swap3A_719] {strides = array<i32>} : memref<2x10x8x256xf32, #tpu.memory_space<vmem>>, vector<16xf32>,
        tpu.vector_store %arg8[%swap3A_716, %swap3A_717, %swap3A_718, %swap3A_719], %gather3A_712 {strides = array<i32>} : memref<2x10x8x256xf32, #tpu.memory_space<vmem>>, vector<16xf32>,
        %add3A_721 = arith.addf %add3A_709, %gather3A_712 : vector<16xf32>
        %broadcast_in_dim3A_722 = vector.shape_cast %get3A_662 : vector<16xi32> to vector<16x1xi32>
        %gather3A_723 = vector.shape_cast %broadcast_in_dim3A_722 : vector<16x1xi32> to vector<16xi32>
        %gather3A_724 = tpu.dynamic_gather %get3A_23[%gather3A_723] in [0] : vector<16xf32>, vector<16xi32> -> vector<16xf32>
        %swap3A_725 = arith.constant 1 : i32
        %swap3A_726 = arith.constant 5 : i32
        %swap3A_727 = arith.constant 0 : i32
        %swap3A_728 = arith.index_cast %swap3A_725 : i32 to index
        %swap3A_729 = arith.index_cast %swap3A_726 : i32 to index
        %swap3A_730 = arith.index_cast %swap3A_727 : i32 to index
        %swap3A_731 = arith.index_cast %mul3A_656 : i32 to index
        %swap3A_732 = tpu.vector_load %arg8[%swap3A_728, %swap3A_729, %swap3A_730, %swap3A_731] {strides = array<i32>} : memref<2x10x8x256xf32, #tpu.memory_space<vmem>>, vector<16xf32>,
        tpu.vector_store %arg8[%swap3A_728, %swap3A_729, %swap3A_730, %swap3A_731], %gather3A_724 {strides = array<i32>} : memref<2x10x8x256xf32, #tpu.memory_space<vmem>>, vector<16xf32>,
        %add3A_733 = arith.addf %add3A_721, %gather3A_724 : vector<16xf32>
        %broadcast_in_dim3A_734 = vector.shape_cast %get3A_662 : vector<16xi32> to vector<16x1xi32>
        %gather3A_735 = vector.shape_cast %broadcast_in_dim3A_734 : vector<16x1xi32> to vector<16xi32>
        %gather3A_736 = tpu.dynamic_gather %get3A_27[%gather3A_735] in [0] : vector<16xf32>, vector<16xi32> -> vector<16xf32>
        %swap3A_737 = arith.constant 1 : i32
        %swap3A_738 = arith.constant 6 : i32
        %swap3A_739 = arith.constant 0 : i32
        %swap3A_740 = arith.index_cast %swap3A_737 : i32 to index
        %swap3A_741 = arith.index_cast %swap3A_738 : i32 to index
        %swap3A_742 = arith.index_cast %swap3A_739 : i32 to index
        %swap3A_743 = arith.index_cast %mul3A_656 : i32 to index
        %swap3A_744 = tpu.vector_load %arg8[%swap3A_740, %swap3A_741, %swap3A_742, %swap3A_743] {strides = array<i32>} : memref<2x10x8x256xf32, #tpu.memory_space<vmem>>, vector<16xf32>,
        tpu.vector_store %arg8[%swap3A_740, %swap3A_741, %swap3A_742, %swap3A_743], %gather3A_736 {strides = array<i32>} : memref<2x10x8x256xf32, #tpu.memory_space<vmem>>, vector<16xf32>,
        %add3A_745 = arith.addf %add3A_733, %gather3A_736 : vector<16xf32>
        %broadcast_in_dim3A_746 = vector.shape_cast %get3A_662 : vector<16xi32> to vector<16x1xi32>
        %gather3A_747 = vector.shape_cast %broadcast_in_dim3A_746 : vector<16x1xi32> to vector<16xi32>
        %gather3A_748 = tpu.dynamic_gather %get3A_31[%gather3A_747] in [0] : vector<16xf32>, vector<16xi32> -> vector<16xf32>
        %swap3A_749 = arith.constant 1 : i32
        %swap3A_750 = arith.constant 7 : i32
        %swap3A_751 = arith.constant 0 : i32
        %swap3A_752 = arith.index_cast %swap3A_749 : i32 to index
        %swap3A_753 = arith.index_cast %swap3A_750 : i32 to index
        %swap3A_754 = arith.index_cast %swap3A_751 : i32 to index
        %swap3A_755 = arith.index_cast %mul3A_656 : i32 to index
        %swap3A_756 = tpu.vector_load %arg8[%swap3A_752, %swap3A_753, %swap3A_754, %swap3A_755] {strides = array<i32>} : memref<2x10x8x256xf32, #tpu.memory_space<vmem>>, vector<16xf32>,
        tpu.vector_store %arg8[%swap3A_752, %swap3A_753, %swap3A_754, %swap3A_755], %gather3A_748 {strides = array<i32>} : memref<2x10x8x256xf32, #tpu.memory_space<vmem>>, vector<16xf32>,
        %add3A_757 = arith.addf %add3A_745, %gather3A_748 : vector<16xf32>
        %broadcast_in_dim3A_758 = vector.shape_cast %get3A_662 : vector<16xi32> to vector<16x1xi32>
        %gather3A_759 = vector.shape_cast %broadcast_in_dim3A_758 : vector<16x1xi32> to vector<16xi32>
        %gather3A_760 = tpu.dynamic_gather %get3A_35[%gather3A_759] in [0] : vector<16xf32>, vector<16xi32> -> vector<16xf32>
        %swap3A_761 = arith.constant 1 : i32
        %swap3A_762 = arith.constant 8 : i32
        %swap3A_763 = arith.constant 0 : i32
        %swap3A_764 = arith.index_cast %swap3A_761 : i32 to index
        %swap3A_765 = arith.index_cast %swap3A_762 : i32 to index
        %swap3A_766 = arith.index_cast %swap3A_763 : i32 to index
        %swap3A_767 = arith.index_cast %mul3A_656 : i32 to index
        %swap3A_768 = tpu.vector_load %arg8[%swap3A_764, %swap3A_765, %swap3A_766, %swap3A_767] {strides = array<i32>} : memref<2x10x8x256xf32, #tpu.memory_space<vmem>>, vector<16xf32>,
        tpu.vector_store %arg8[%swap3A_764, %swap3A_765, %swap3A_766, %swap3A_767], %gather3A_760 {strides = array<i32>} : memref<2x10x8x256xf32, #tpu.memory_space<vmem>>, vector<16xf32>,
        %add3A_769 = arith.addf %add3A_757, %gather3A_760 : vector<16xf32>
        %broadcast_in_dim3A_770 = vector.shape_cast %get3A_662 : vector<16xi32> to vector<16x1xi32>
        %gather3A_771 = vector.shape_cast %broadcast_in_dim3A_770 : vector<16x1xi32> to vector<16xi32>
        %gather3A_772 = tpu.dynamic_gather %get3A_39[%gather3A_771] in [0] : vector<16xf32>, vector<16xi32> -> vector<16xf32>
        %swap3A_773 = arith.constant 1 : i32
        %swap3A_774 = arith.constant 9 : i32
        %swap3A_775 = arith.constant 0 : i32
        %swap3A_776 = arith.index_cast %swap3A_773 : i32 to index
        %swap3A_777 = arith.index_cast %swap3A_774 : i32 to index
        %swap3A_778 = arith.index_cast %swap3A_775 : i32 to index
        %swap3A_779 = arith.index_cast %mul3A_656 : i32 to index
        %swap3A_780 = tpu.vector_load %arg8[%swap3A_776, %swap3A_777, %swap3A_778, %swap3A_779] {strides = array<i32>} : memref<2x10x8x256xf32, #tpu.memory_space<vmem>>, vector<16xf32>,
        tpu.vector_store %arg8[%swap3A_776, %swap3A_777, %swap3A_778, %swap3A_779], %gather3A_772 {strides = array<i32>} : memref<2x10x8x256xf32, #tpu.memory_space<vmem>>, vector<16xf32>,
        %add3A_781 = arith.addf %add3A_769, %gather3A_772 : vector<16xf32>
        %get3A_782 = arith.constant 1 : i32
        %get3A_783 = arith.constant 1 : i32
        %get3A_784 = arith.index_cast %get3A_782 : i32 to index
        %get3A_785 = arith.index_cast %get3A_783 : i32 to index
        %get3A_786 = arith.index_cast %mul3A_656 : i32 to index
        %get3A_787 = tpu.vector_load %arg7[%get3A_784, %get3A_785, %get3A_786] {strides = array<i32>} : memref<2x8x256xi32, #tpu.memory_space<vmem>>, vector<16xi32>,
        %broadcast_in_dim3A_788 = vector.shape_cast %get3A_787 : vector<16xi32> to vector<16x1xi32>
        %gather3A_789 = vector.shape_cast %broadcast_in_dim3A_788 : vector<16x1xi32> to vector<16xi32>
        %gather3A_790 = tpu.dynamic_gather %get3A_3[%gather3A_789] in [0] : vector<16xf32>, vector<16xi32> -> vector<16xf32>
        %swap3A_791 = arith.constant 1 : i32
        %swap3A_792 = arith.constant 0 : i32
        %swap3A_793 = arith.constant 1 : i32
        %swap3A_794 = arith.index_cast %swap3A_791 : i32 to index
        %swap3A_795 = arith.index_cast %swap3A_792 : i32 to index
        %swap3A_796 = arith.index_cast %swap3A_793 : i32 to index
        %swap3A_797 = arith.index_cast %mul3A_656 : i32 to index
        %swap3A_798 = tpu.vector_load %arg8[%swap3A_794, %swap3A_795, %swap3A_796, %swap3A_797] {strides = array<i32>} : memref<2x10x8x256xf32, #tpu.memory_space<vmem>>, vector<16xf32>,
        tpu.vector_store %arg8[%swap3A_794, %swap3A_795, %swap3A_796, %swap3A_797], %gather3A_790 {strides = array<i32>} : memref<2x10x8x256xf32, #tpu.memory_space<vmem>>, vector<16xf32>,
        %add3A_799 = arith.addf %add3A_781, %gather3A_790 : vector<16xf32>
        %broadcast_in_dim3A_800 = vector.shape_cast %get3A_787 : vector<16xi32> to vector<16x1xi32>
        %gather3A_801 = vector.shape_cast %broadcast_in_dim3A_800 : vector<16x1xi32> to vector<16xi32>
        %gather3A_802 = tpu.dynamic_gather %get3A_7[%gather3A_801] in [0] : vector<16xf32>, vector<16xi32> -> vector<16xf32>
        %swap3A_803 = arith.constant 1 : i32
        %swap3A_804 = arith.constant 1 : i32
        %swap3A_805 = arith.constant 1 : i32
        %swap3A_806 = arith.index_cast %swap3A_803 : i32 to index
        %swap3A_807 = arith.index_cast %swap3A_804 : i32 to index
        %swap3A_808 = arith.index_cast %swap3A_805 : i32 to index
        %swap3A_809 = arith.index_cast %mul3A_656 : i32 to index
        %swap3A_810 = tpu.vector_load %arg8[%swap3A_806, %swap3A_807, %swap3A_808, %swap3A_809] {strides = array<i32>} : memref<2x10x8x256xf32, #tpu.memory_space<vmem>>, vector<16xf32>,
        tpu.vector_store %arg8[%swap3A_806, %swap3A_807, %swap3A_808, %swap3A_809], %gather3A_802 {strides = array<i32>} : memref<2x10x8x256xf32, #tpu.memory_space<vmem>>, vector<16xf32>,
        %add3A_811 = arith.addf %add3A_799, %gather3A_802 : vector<16xf32>
        %broadcast_in_dim3A_812 = vector.shape_cast %get3A_787 : vector<16xi32> to vector<16x1xi32>
        %gather3A_813 = vector.shape_cast %broadcast_in_dim3A_812 : vector<16x1xi32> to vector<16xi32>
        %gather3A_814 = tpu.dynamic_gather %get3A_11[%gather3A_813] in [0] : vector<16xf32>, vector<16xi32> -> vector<16xf32>
        %swap3A_815 = arith.constant 1 : i32
        %swap3A_816 = arith.constant 2 : i32
        %swap3A_817 = arith.constant 1 : i32
        %swap3A_818 = arith.index_cast %swap3A_815 : i32 to index
        %swap3A_819 = arith.index_cast %swap3A_816 : i32 to index
        %swap3A_820 = arith.index_cast %swap3A_817 : i32 to index
        %swap3A_821 = arith.index_cast %mul3A_656 : i32 to index
        %swap3A_822 = tpu.vector_load %arg8[%swap3A_818, %swap3A_819, %swap3A_820, %swap3A_821] {strides = array<i32>} : memref<2x10x8x256xf32, #tpu.memory_space<vmem>>, vector<16xf32>,
        tpu.vector_store %arg8[%swap3A_818, %swap3A_819, %swap3A_820, %swap3A_821], %gather3A_814 {strides = array<i32>} : memref<2x10x8x256xf32, #tpu.memory_space<vmem>>, vector<16xf32>,
        %add3A_823 = arith.addf %add3A_811, %gather3A_814 : vector<16xf32>
        %broadcast_in_dim3A_824 = vector.shape_cast %get3A_787 : vector<16xi32> to vector<16x1xi32>
        %gather3A_825 = vector.shape_cast %broadcast_in_dim3A_824 : vector<16x1xi32> to vector<16xi32>
        %gather3A_826 = tpu.dynamic_gather %get3A_15[%gather3A_825] in [0] : vector<16xf32>, vector<16xi32> -> vector<16xf32>
        %swap3A_827 = arith.constant 1 : i32
        %swap3A_828 = arith.constant 3 : i32
        %swap3A_829 = arith.constant 1 : i32
        %swap3A_830 = arith.index_cast %swap3A_827 : i32 to index
        %swap3A_831 = arith.index_cast %swap3A_828 : i32 to index
        %swap3A_832 = arith.index_cast %swap3A_829 : i32 to index
        %swap3A_833 = arith.index_cast %mul3A_656 : i32 to index
        %swap3A_834 = tpu.vector_load %arg8[%swap3A_830, %swap3A_831, %swap3A_832, %swap3A_833] {strides = array<i32>} : memref<2x10x8x256xf32, #tpu.memory_space<vmem>>, vector<16xf32>,
        tpu.vector_store %arg8[%swap3A_830, %swap3A_831, %swap3A_832, %swap3A_833], %gather3A_826 {strides = array<i32>} : memref<2x10x8x256xf32, #tpu.memory_space<vmem>>, vector<16xf32>,
        %add3A_835 = arith.addf %add3A_823, %gather3A_826 : vector<16xf32>
        %broadcast_in_dim3A_836 = vector.shape_cast %get3A_787 : vector<16xi32> to vector<16x1xi32>
        %gather3A_837 = vector.shape_cast %broadcast_in_dim3A_836 : vector<16x1xi32> to vector<16xi32>
        %gather3A_838 = tpu.dynamic_gather %get3A_19[%gather3A_837] in [0] : vector<16xf32>, vector<16xi32> -> vector<16xf32>
        %swap3A_839 = arith.constant 1 : i32
        %swap3A_840 = arith.constant 4 : i32
        %swap3A_841 = arith.constant 1 : i32
        %swap3A_842 = arith.index_cast %swap3A_839 : i32 to index
        %swap3A_843 = arith.index_cast %swap3A_840 : i32 to index
        %swap3A_844 = arith.index_cast %swap3A_841 : i32 to index
        %swap3A_845 = arith.index_cast %mul3A_656 : i32 to index
        %swap3A_846 = tpu.vector_load %arg8[%swap3A_842, %swap3A_843, %swap3A_844, %swap3A_845] {strides = array<i32>} : memref<2x10x8x256xf32, #tpu.memory_space<vmem>>, vector<16xf32>,
        tpu.vector_store %arg8[%swap3A_842, %swap3A_843, %swap3A_844, %swap3A_845], %gather3A_838 {strides = array<i32>} : memref<2x10x8x256xf32, #tpu.memory_space<vmem>>, vector<16xf32>,
        %add3A_847 = arith.addf %add3A_835, %gather3A_838 : vector<16xf32>
        %broadcast_in_dim3A_848 = vector.shape_cast %get3A_787 : vector<16xi32> to vector<16x1xi32>
        %gather3A_849 = vector.shape_cast %broadcast_in_dim3A_848 : vector<16x1xi32> to vector<16xi32>
        %gather3A_850 = tpu.dynamic_gather %get3A_23[%gather3A_849] in [0] : vector<16xf32>, vector<16xi32> -> vector<16xf32>
        %swap3A_851 = arith.constant 1 : i32
        %swap3A_852 = arith.constant 5 : i32
        %swap3A_853 = arith.constant 1 : i32
        %swap3A_854 = arith.index_cast %swap3A_851 : i32 to index
        %swap3A_855 = arith.index_cast %swap3A_852 : i32 to index
        %swap3A_856 = arith.index_cast %swap3A_853 : i32 to index
        %swap3A_857 = arith.index_cast %mul3A_656 : i32 to index
        %swap3A_858 = tpu.vector_load %arg8[%swap3A_854, %swap3A_855, %swap3A_856, %swap3A_857] {strides = array<i32>} : memref<2x10x8x256xf32, #tpu.memory_space<vmem>>, vector<16xf32>,
        tpu.vector_store %arg8[%swap3A_854, %swap3A_855, %swap3A_856, %swap3A_857], %gather3A_850 {strides = array<i32>} : memref<2x10x8x256xf32, #tpu.memory_space<vmem>>, vector<16xf32>,
        %add3A_859 = arith.addf %add3A_847, %gather3A_850 : vector<16xf32>
        %broadcast_in_dim3A_860 = vector.shape_cast %get3A_787 : vector<16xi32> to vector<16x1xi32>
        %gather3A_861 = vector.shape_cast %broadcast_in_dim3A_860 : vector<16x1xi32> to vector<16xi32>
        %gather3A_862 = tpu.dynamic_gather %get3A_27[%gather3A_861] in [0] : vector<16xf32>, vector<16xi32> -> vector<16xf32>
        %swap3A_863 = arith.constant 1 : i32
        %swap3A_864 = arith.constant 6 : i32
        %swap3A_865 = arith.constant 1 : i32
        %swap3A_866 = arith.index_cast %swap3A_863 : i32 to index
        %swap3A_867 = arith.index_cast %swap3A_864 : i32 to index
        %swap3A_868 = arith.index_cast %swap3A_865 : i32 to index
        %swap3A_869 = arith.index_cast %mul3A_656 : i32 to index
        %swap3A_870 = tpu.vector_load %arg8[%swap3A_866, %swap3A_867, %swap3A_868, %swap3A_869] {strides = array<i32>} : memref<2x10x8x256xf32, #tpu.memory_space<vmem>>, vector<16xf32>,
        tpu.vector_store %arg8[%swap3A_866, %swap3A_867, %swap3A_868, %swap3A_869], %gather3A_862 {strides = array<i32>} : memref<2x10x8x256xf32, #tpu.memory_space<vmem>>, vector<16xf32>,
        %add3A_871 = arith.addf %add3A_859, %gather3A_862 : vector<16xf32>
        %broadcast_in_dim3A_872 = vector.shape_cast %get3A_787 : vector<16xi32> to vector<16x1xi32>
        %gather3A_873 = vector.shape_cast %broadcast_in_dim3A_872 : vector<16x1xi32> to vector<16xi32>
        %gather3A_874 = tpu.dynamic_gather %get3A_31[%gather3A_873] in [0] : vector<16xf32>, vector<16xi32> -> vector<16xf32>
        %swap3A_875 = arith.constant 1 : i32
        %swap3A_876 = arith.constant 7 : i32
        %swap3A_877 = arith.constant 1 : i32
        %swap3A_878 = arith.index_cast %swap3A_875 : i32 to index
        %swap3A_879 = arith.index_cast %swap3A_876 : i32 to index
        %swap3A_880 = arith.index_cast %swap3A_877 : i32 to index
        %swap3A_881 = arith.index_cast %mul3A_656 : i32 to index
        %swap3A_882 = tpu.vector_load %arg8[%swap3A_878, %swap3A_879, %swap3A_880, %swap3A_881] {strides = array<i32>} : memref<2x10x8x256xf32, #tpu.memory_space<vmem>>, vector<16xf32>,
        tpu.vector_store %arg8[%swap3A_878, %swap3A_879, %swap3A_880, %swap3A_881], %gather3A_874 {strides = array<i32>} : memref<2x10x8x256xf32, #tpu.memory_space<vmem>>, vector<16xf32>,
        %add3A_883 = arith.addf %add3A_871, %gather3A_874 : vector<16xf32>
        %broadcast_in_dim3A_884 = vector.shape_cast %get3A_787 : vector<16xi32> to vector<16x1xi32>
        %gather3A_885 = vector.shape_cast %broadcast_in_dim3A_884 : vector<16x1xi32> to vector<16xi32>
        %gather3A_886 = tpu.dynamic_gather %get3A_35[%gather3A_885] in [0] : vector<16xf32>, vector<16xi32> -> vector<16xf32>
        %swap3A_887 = arith.constant 1 : i32
        %swap3A_888 = arith.constant 8 : i32
        %swap3A_889 = arith.constant 1 : i32
        %swap3A_890 = arith.index_cast %swap3A_887 : i32 to index
        %swap3A_891 = arith.index_cast %swap3A_888 : i32 to index
        %swap3A_892 = arith.index_cast %swap3A_889 : i32 to index
        %swap3A_893 = arith.index_cast %mul3A_656 : i32 to index
        %swap3A_894 = tpu.vector_load %arg8[%swap3A_890, %swap3A_891, %swap3A_892, %swap3A_893] {strides = array<i32>} : memref<2x10x8x256xf32, #tpu.memory_space<vmem>>, vector<16xf32>,
        tpu.vector_store %arg8[%swap3A_890, %swap3A_891, %swap3A_892, %swap3A_893], %gather3A_886 {strides = array<i32>} : memref<2x10x8x256xf32, #tpu.memory_space<vmem>>, vector<16xf32>,
        %add3A_895 = arith.addf %add3A_883, %gather3A_886 : vector<16xf32>
        %broadcast_in_dim3A_896 = vector.shape_cast %get3A_787 : vector<16xi32> to vector<16x1xi32>
        %gather3A_897 = vector.shape_cast %broadcast_in_dim3A_896 : vector<16x1xi32> to vector<16xi32>
        %gather3A_898 = tpu.dynamic_gather %get3A_39[%gather3A_897] in [0] : vector<16xf32>, vector<16xi32> -> vector<16xf32>
        %swap3A_899 = arith.constant 1 : i32
        %swap3A_900 = arith.constant 9 : i32
        %swap3A_901 = arith.constant 1 : i32
        %swap3A_902 = arith.index_cast %swap3A_899 : i32 to index
        %swap3A_903 = arith.index_cast %swap3A_900 : i32 to index
        %swap3A_904 = arith.index_cast %swap3A_901 : i32 to index
        %swap3A_905 = arith.index_cast %mul3A_656 : i32 to index
        %swap3A_906 = tpu.vector_load %arg8[%swap3A_902, %swap3A_903, %swap3A_904, %swap3A_905] {strides = array<i32>} : memref<2x10x8x256xf32, #tpu.memory_space<vmem>>, vector<16xf32>,
        tpu.vector_store %arg8[%swap3A_902, %swap3A_903, %swap3A_904, %swap3A_905], %gather3A_898 {strides = array<i32>} : memref<2x10x8x256xf32, #tpu.memory_space<vmem>>, vector<16xf32>,
        %add3A_907 = arith.addf %add3A_895, %gather3A_898 : vector<16xf32>
        %get3A_908 = arith.constant 1 : i32
        %get3A_909 = arith.constant 2 : i32
        %get3A_910 = arith.index_cast %get3A_908 : i32 to index
        %get3A_911 = arith.index_cast %get3A_909 : i32 to index
        %get3A_912 = arith.index_cast %mul3A_656 : i32 to index
        %get3A_913 = tpu.vector_load %arg7[%get3A_910, %get3A_911, %get3A_912] {strides = array<i32>} : memref<2x8x256xi32, #tpu.memory_space<vmem>>, vector<16xi32>,
        %broadcast_in_dim3A_914 = vector.shape_cast %get3A_913 : vector<16xi32> to vector<16x1xi32>
        %gather3A_915 = vector.shape_cast %broadcast_in_dim3A_914 : vector<16x1xi32> to vector<16xi32>
        %gather3A_916 = tpu.dynamic_gather %get3A_3[%gather3A_915] in [0] : vector<16xf32>, vector<16xi32> -> vector<16xf32>
        %swap3A_917 = arith.constant 1 : i32
        %swap3A_918 = arith.constant 0 : i32
        %swap3A_919 = arith.constant 2 : i32
        %swap3A_920 = arith.index_cast %swap3A_917 : i32 to index
        %swap3A_921 = arith.index_cast %swap3A_918 : i32 to index
        %swap3A_922 = arith.index_cast %swap3A_919 : i32 to index
        %swap3A_923 = arith.index_cast %mul3A_656 : i32 to index
        %swap3A_924 = tpu.vector_load %arg8[%swap3A_920, %swap3A_921, %swap3A_922, %swap3A_923] {strides = array<i32>} : memref<2x10x8x256xf32, #tpu.memory_space<vmem>>, vector<16xf32>,
        tpu.vector_store %arg8[%swap3A_920, %swap3A_921, %swap3A_922, %swap3A_923], %gather3A_916 {strides = array<i32>} : memref<2x10x8x256xf32, #tpu.memory_space<vmem>>, vector<16xf32>,
        %add3A_925 = arith.addf %add3A_907, %gather3A_916 : vector<16xf32>
        %broadcast_in_dim3A_926 = vector.shape_cast %get3A_913 : vector<16xi32> to vector<16x1xi32>
        %gather3A_927 = vector.shape_cast %broadcast_in_dim3A_926 : vector<16x1xi32> to vector<16xi32>
        %gather3A_928 = tpu.dynamic_gather %get3A_7[%gather3A_927] in [0] : vector<16xf32>, vector<16xi32> -> vector<16xf32>
        %swap3A_929 = arith.constant 1 : i32
        %swap3A_930 = arith.constant 1 : i32
        %swap3A_931 = arith.constant 2 : i32
        %swap3A_932 = arith.index_cast %swap3A_929 : i32 to index
        %swap3A_933 = arith.index_cast %swap3A_930 : i32 to index
        %swap3A_934 = arith.index_cast %swap3A_931 : i32 to index
        %swap3A_935 = arith.index_cast %mul3A_656 : i32 to index
        %swap3A_936 = tpu.vector_load %arg8[%swap3A_932, %swap3A_933, %swap3A_934, %swap3A_935] {strides = array<i32>} : memref<2x10x8x256xf32, #tpu.memory_space<vmem>>, vector<16xf32>,
        tpu.vector_store %arg8[%swap3A_932, %swap3A_933, %swap3A_934, %swap3A_935], %gather3A_928 {strides = array<i32>} : memref<2x10x8x256xf32, #tpu.memory_space<vmem>>, vector<16xf32>,
        %add3A_937 = arith.addf %add3A_925, %gather3A_928 : vector<16xf32>
        %broadcast_in_dim3A_938 = vector.shape_cast %get3A_913 : vector<16xi32> to vector<16x1xi32>
        %gather3A_939 = vector.shape_cast %broadcast_in_dim3A_938 : vector<16x1xi32> to vector<16xi32>
        %gather3A_940 = tpu.dynamic_gather %get3A_11[%gather3A_939] in [0] : vector<16xf32>, vector<16xi32> -> vector<16xf32>
        %swap3A_941 = arith.constant 1 : i32
        %swap3A_942 = arith.constant 2 : i32
        %swap3A_943 = arith.constant 2 : i32
        %swap3A_944 = arith.index_cast %swap3A_941 : i32 to index
        %swap3A_945 = arith.index_cast %swap3A_942 : i32 to index
        %swap3A_946 = arith.index_cast %swap3A_943 : i32 to index
        %swap3A_947 = arith.index_cast %mul3A_656 : i32 to index
        %swap3A_948 = tpu.vector_load %arg8[%swap3A_944, %swap3A_945, %swap3A_946, %swap3A_947] {strides = array<i32>} : memref<2x10x8x256xf32, #tpu.memory_space<vmem>>, vector<16xf32>,
        tpu.vector_store %arg8[%swap3A_944, %swap3A_945, %swap3A_946, %swap3A_947], %gather3A_940 {strides = array<i32>} : memref<2x10x8x256xf32, #tpu.memory_space<vmem>>, vector<16xf32>,
        %add3A_949 = arith.addf %add3A_937, %gather3A_940 : vector<16xf32>
        %broadcast_in_dim3A_950 = vector.shape_cast %get3A_913 : vector<16xi32> to vector<16x1xi32>
        %gather3A_951 = vector.shape_cast %broadcast_in_dim3A_950 : vector<16x1xi32> to vector<16xi32>
        %gather3A_952 = tpu.dynamic_gather %get3A_15[%gather3A_951] in [0] : vector<16xf32>, vector<16xi32> -> vector<16xf32>
        %swap3A_953 = arith.constant 1 : i32
        %swap3A_954 = arith.constant 3 : i32
        %swap3A_955 = arith.constant 2 : i32
        %swap3A_956 = arith.index_cast %swap3A_953 : i32 to index
        %swap3A_957 = arith.index_cast %swap3A_954 : i32 to index
        %swap3A_958 = arith.index_cast %swap3A_955 : i32 to index
        %swap3A_959 = arith.index_cast %mul3A_656 : i32 to index
        %swap3A_960 = tpu.vector_load %arg8[%swap3A_956, %swap3A_957, %swap3A_958, %swap3A_959] {strides = array<i32>} : memref<2x10x8x256xf32, #tpu.memory_space<vmem>>, vector<16xf32>,
        tpu.vector_store %arg8[%swap3A_956, %swap3A_957, %swap3A_958, %swap3A_959], %gather3A_952 {strides = array<i32>} : memref<2x10x8x256xf32, #tpu.memory_space<vmem>>, vector<16xf32>,
        %add3A_961 = arith.addf %add3A_949, %gather3A_952 : vector<16xf32>
        %broadcast_in_dim3A_962 = vector.shape_cast %get3A_913 : vector<16xi32> to vector<16x1xi32>
        %gather3A_963 = vector.shape_cast %broadcast_in_dim3A_962 : vector<16x1xi32> to vector<16xi32>
        %gather3A_964 = tpu.dynamic_gather %get3A_19[%gather3A_963] in [0] : vector<16xf32>, vector<16xi32> -> vector<16xf32>
        %swap3A_965 = arith.constant 1 : i32
        %swap3A_966 = arith.constant 4 : i32
        %swap3A_967 = arith.constant 2 : i32
        %swap3A_968 = arith.index_cast %swap3A_965 : i32 to index
        %swap3A_969 = arith.index_cast %swap3A_966 : i32 to index
        %swap3A_970 = arith.index_cast %swap3A_967 : i32 to index
        %swap3A_971 = arith.index_cast %mul3A_656 : i32 to index
        %swap3A_972 = tpu.vector_load %arg8[%swap3A_968, %swap3A_969, %swap3A_970, %swap3A_971] {strides = array<i32>} : memref<2x10x8x256xf32, #tpu.memory_space<vmem>>, vector<16xf32>,
        tpu.vector_store %arg8[%swap3A_968, %swap3A_969, %swap3A_970, %swap3A_971], %gather3A_964 {strides = array<i32>} : memref<2x10x8x256xf32, #tpu.memory_space<vmem>>, vector<16xf32>,
        %add3A_973 = arith.addf %add3A_961, %gather3A_964 : vector<16xf32>
        %broadcast_in_dim3A_974 = vector.shape_cast %get3A_913 : vector<16xi32> to vector<16x1xi32>
        %gather3A_975 = vector.shape_cast %broadcast_in_dim3A_974 : vector<16x1xi32> to vector<16xi32>
        %gather3A_976 = tpu.dynamic_gather %get3A_23[%gather3A_975] in [0] : vector<16xf32>, vector<16xi32> -> vector<16xf32>
        %swap3A_977 = arith.constant 1 : i32
        %swap3A_978 = arith.constant 5 : i32
        %swap3A_979 = arith.constant 2 : i32
        %swap3A_980 = arith.index_cast %swap3A_977 : i32 to index
        %swap3A_981 = arith.index_cast %swap3A_978 : i32 to index
        %swap3A_982 = arith.index_cast %swap3A_979 : i32 to index
        %swap3A_983 = arith.index_cast %mul3A_656 : i32 to index
        %swap3A_984 = tpu.vector_load %arg8[%swap3A_980, %swap3A_981, %swap3A_982, %swap3A_983] {strides = array<i32>} : memref<2x10x8x256xf32, #tpu.memory_space<vmem>>, vector<16xf32>,
        tpu.vector_store %arg8[%swap3A_980, %swap3A_981, %swap3A_982, %swap3A_983], %gather3A_976 {strides = array<i32>} : memref<2x10x8x256xf32, #tpu.memory_space<vmem>>, vector<16xf32>,
        %add3A_985 = arith.addf %add3A_973, %gather3A_976 : vector<16xf32>
        %broadcast_in_dim3A_986 = vector.shape_cast %get3A_913 : vector<16xi32> to vector<16x1xi32>
        %gather3A_987 = vector.shape_cast %broadcast_in_dim3A_986 : vector<16x1xi32> to vector<16xi32>
        %gather3A_988 = tpu.dynamic_gather %get3A_27[%gather3A_987] in [0] : vector<16xf32>, vector<16xi32> -> vector<16xf32>
        %swap3A_989 = arith.constant 1 : i32
        %swap3A_990 = arith.constant 6 : i32
        %swap3A_991 = arith.constant 2 : i32
        %swap3A_992 = arith.index_cast %swap3A_989 : i32 to index
        %swap3A_993 = arith.index_cast %swap3A_990 : i32 to index
        %swap3A_994 = arith.index_cast %swap3A_991 : i32 to index
        %swap3A_995 = arith.index_cast %mul3A_656 : i32 to index
        %swap3A_996 = tpu.vector_load %arg8[%swap3A_992, %swap3A_993, %swap3A_994, %swap3A_995] {strides = array<i32>} : memref<2x10x8x256xf32, #tpu.memory_space<vmem>>, vector<16xf32>,
        tpu.vector_store %arg8[%swap3A_992, %swap3A_993, %swap3A_994, %swap3A_995], %gather3A_988 {strides = array<i32>} : memref<2x10x8x256xf32, #tpu.memory_space<vmem>>, vector<16xf32>,
        %add3A_997 = arith.addf %add3A_985, %gather3A_988 : vector<16xf32>
        %broadcast_in_dim3A_998 = vector.shape_cast %get3A_913 : vector<16xi32> to vector<16x1xi32>
        %gather3A_999 = vector.shape_cast %broadcast_in_dim3A_998 : vector<16x1xi32> to vector<16xi32>
        %gather3A_1000 = tpu.dynamic_gather %get3A_31[%gather3A_999] in [0] : vector<16xf32>, vector<16xi32> -> vector<16xf32>
        %swap3A_1001 = arith.constant 1 : i32
        %swap3A_1002 = arith.constant 7 : i32
        %swap3A_1003 = arith.constant 2 : i32
        %swap3A_1004 = arith.index_cast %swap3A_1001 : i32 to index
        %swap3A_1005 = arith.index_cast %swap3A_1002 : i32 to index
        %swap3A_1006 = arith.index_cast %swap3A_1003 : i32 to index
        %swap3A_1007 = arith.index_cast %mul3A_656 : i32 to index
        %swap3A_1008 = tpu.vector_load %arg8[%swap3A_1004, %swap3A_1005, %swap3A_1006, %swap3A_1007] {strides = array<i32>} : memref<2x10x8x256xf32, #tpu.memory_space<vmem>>, vector<16xf32>,
        tpu.vector_store %arg8[%swap3A_1004, %swap3A_1005, %swap3A_1006, %swap3A_1007], %gather3A_1000 {strides = array<i32>} : memref<2x10x8x256xf32, #tpu.memory_space<vmem>>, vector<16xf32>,
        %add3A_1009 = arith.addf %add3A_997, %gather3A_1000 : vector<16xf32>
        %broadcast_in_dim3A_1010 = vector.shape_cast %get3A_913 : vector<16xi32> to vector<16x1xi32>
        %gather3A_1011 = vector.shape_cast %broadcast_in_dim3A_1010 : vector<16x1xi32> to vector<16xi32>
        %gather3A_1012 = tpu.dynamic_gather %get3A_35[%gather3A_1011] in [0] : vector<16xf32>, vector<16xi32> -> vector<16xf32>
        %swap3A_1013 = arith.constant 1 : i32
        %swap3A_1014 = arith.constant 8 : i32
        %swap3A_1015 = arith.constant 2 : i32
        %swap3A_1016 = arith.index_cast %swap3A_1013 : i32 to index
        %swap3A_1017 = arith.index_cast %swap3A_1014 : i32 to index
        %swap3A_1018 = arith.index_cast %swap3A_1015 : i32 to index
        %swap3A_1019 = arith.index_cast %mul3A_656 : i32 to index
        %swap3A_1020 = tpu.vector_load %arg8[%swap3A_1016, %swap3A_1017, %swap3A_1018, %swap3A_1019] {strides = array<i32>} : memref<2x10x8x256xf32, #tpu.memory_space<vmem>>, vector<16xf32>,
        tpu.vector_store %arg8[%swap3A_1016, %swap3A_1017, %swap3A_1018, %swap3A_1019], %gather3A_1012 {strides = array<i32>} : memref<2x10x8x256xf32, #tpu.memory_space<vmem>>, vector<16xf32>,
        %add3A_1021 = arith.addf %add3A_1009, %gather3A_1012 : vector<16xf32>
        %broadcast_in_dim3A_1022 = vector.shape_cast %get3A_913 : vector<16xi32> to vector<16x1xi32>
        %gather3A_1023 = vector.shape_cast %broadcast_in_dim3A_1022 : vector<16x1xi32> to vector<16xi32>
        %gather3A_1024 = tpu.dynamic_gather %get3A_39[%gather3A_1023] in [0] : vector<16xf32>, vector<16xi32> -> vector<16xf32>
        %swap3A_1025 = arith.constant 1 : i32
        %swap3A_1026 = arith.constant 9 : i32
        %swap3A_1027 = arith.constant 2 : i32
        %swap3A_1028 = arith.index_cast %swap3A_1025 : i32 to index
        %swap3A_1029 = arith.index_cast %swap3A_1026 : i32 to index
        %swap3A_1030 = arith.index_cast %swap3A_1027 : i32 to index
        %swap3A_1031 = arith.index_cast %mul3A_656 : i32 to index
        %swap3A_1032 = tpu.vector_load %arg8[%swap3A_1028, %swap3A_1029, %swap3A_1030, %swap3A_1031] {strides = array<i32>} : memref<2x10x8x256xf32, #tpu.memory_space<vmem>>, vector<16xf32>,
        tpu.vector_store %arg8[%swap3A_1028, %swap3A_1029, %swap3A_1030, %swap3A_1031], %gather3A_1024 {strides = array<i32>} : memref<2x10x8x256xf32, #tpu.memory_space<vmem>>, vector<16xf32>,
        %add3A_1033 = arith.addf %add3A_1021, %gather3A_1024 : vector<16xf32>
        %get3A_1034 = arith.constant 1 : i32
        %get3A_1035 = arith.constant 3 : i32
        %get3A_1036 = arith.index_cast %get3A_1034 : i32 to index
        %get3A_1037 = arith.index_cast %get3A_1035 : i32 to index
        %get3A_1038 = arith.index_cast %mul3A_656 : i32 to index
        %get3A_1039 = tpu.vector_load %arg7[%get3A_1036, %get3A_1037, %get3A_1038] {strides = array<i32>} : memref<2x8x256xi32, #tpu.memory_space<vmem>>, vector<16xi32>,
        %broadcast_in_dim3A_1040 = vector.shape_cast %get3A_1039 : vector<16xi32> to vector<16x1xi32>
        %gather3A_1041 = vector.shape_cast %broadcast_in_dim3A_1040 : vector<16x1xi32> to vector<16xi32>
        %gather3A_1042 = tpu.dynamic_gather %get3A_3[%gather3A_1041] in [0] : vector<16xf32>, vector<16xi32> -> vector<16xf32>
        %swap3A_1043 = arith.constant 1 : i32
        %swap3A_1044 = arith.constant 0 : i32
        %swap3A_1045 = arith.constant 3 : i32
        %swap3A_1046 = arith.index_cast %swap3A_1043 : i32 to index
        %swap3A_1047 = arith.index_cast %swap3A_1044 : i32 to index
        %swap3A_1048 = arith.index_cast %swap3A_1045 : i32 to index
        %swap3A_1049 = arith.index_cast %mul3A_656 : i32 to index
        %swap3A_1050 = tpu.vector_load %arg8[%swap3A_1046, %swap3A_1047, %swap3A_1048, %swap3A_1049] {strides = array<i32>} : memref<2x10x8x256xf32, #tpu.memory_space<vmem>>, vector<16xf32>,
        tpu.vector_store %arg8[%swap3A_1046, %swap3A_1047, %swap3A_1048, %swap3A_1049], %gather3A_1042 {strides = array<i32>} : memref<2x10x8x256xf32, #tpu.memory_space<vmem>>, vector<16xf32>,
        %add3A_1051 = arith.addf %add3A_1033, %gather3A_1042 : vector<16xf32>
        %broadcast_in_dim3A_1052 = vector.shape_cast %get3A_1039 : vector<16xi32> to vector<16x1xi32>
        %gather3A_1053 = vector.shape_cast %broadcast_in_dim3A_1052 : vector<16x1xi32> to vector<16xi32>
        %gather3A_1054 = tpu.dynamic_gather %get3A_7[%gather3A_1053] in [0] : vector<16xf32>, vector<16xi32> -> vector<16xf32>
        %swap3A_1055 = arith.constant 1 : i32
        %swap3A_1056 = arith.constant 1 : i32
        %swap3A_1057 = arith.constant 3 : i32
        %swap3A_1058 = arith.index_cast %swap3A_1055 : i32 to index
        %swap3A_1059 = arith.index_cast %swap3A_1056 : i32 to index
        %swap3A_1060 = arith.index_cast %swap3A_1057 : i32 to index
        %swap3A_1061 = arith.index_cast %mul3A_656 : i32 to index
        %swap3A_1062 = tpu.vector_load %arg8[%swap3A_1058, %swap3A_1059, %swap3A_1060, %swap3A_1061] {strides = array<i32>} : memref<2x10x8x256xf32, #tpu.memory_space<vmem>>, vector<16xf32>,
        tpu.vector_store %arg8[%swap3A_1058, %swap3A_1059, %swap3A_1060, %swap3A_1061], %gather3A_1054 {strides = array<i32>} : memref<2x10x8x256xf32, #tpu.memory_space<vmem>>, vector<16xf32>,
        %add3A_1063 = arith.addf %add3A_1051, %gather3A_1054 : vector<16xf32>
        %broadcast_in_dim3A_1064 = vector.shape_cast %get3A_1039 : vector<16xi32> to vector<16x1xi32>
        %gather3A_1065 = vector.shape_cast %broadcast_in_dim3A_1064 : vector<16x1xi32> to vector<16xi32>
        %gather3A_1066 = tpu.dynamic_gather %get3A_11[%gather3A_1065] in [0] : vector<16xf32>, vector<16xi32> -> vector<16xf32>
        %swap3A_1067 = arith.constant 1 : i32
        %swap3A_1068 = arith.constant 2 : i32
        %swap3A_1069 = arith.constant 3 : i32
        %swap3A_1070 = arith.index_cast %swap3A_1067 : i32 to index
        %swap3A_1071 = arith.index_cast %swap3A_1068 : i32 to index
        %swap3A_1072 = arith.index_cast %swap3A_1069 : i32 to index
        %swap3A_1073 = arith.index_cast %mul3A_656 : i32 to index
        %swap3A_1074 = tpu.vector_load %arg8[%swap3A_1070, %swap3A_1071, %swap3A_1072, %swap3A_1073] {strides = array<i32>} : memref<2x10x8x256xf32, #tpu.memory_space<vmem>>, vector<16xf32>,
        tpu.vector_store %arg8[%swap3A_1070, %swap3A_1071, %swap3A_1072, %swap3A_1073], %gather3A_1066 {strides = array<i32>} : memref<2x10x8x256xf32, #tpu.memory_space<vmem>>, vector<16xf32>,
        %add3A_1075 = arith.addf %add3A_1063, %gather3A_1066 : vector<16xf32>
        %broadcast_in_dim3A_1076 = vector.shape_cast %get3A_1039 : vector<16xi32> to vector<16x1xi32>
        %gather3A_1077 = vector.shape_cast %broadcast_in_dim3A_1076 : vector<16x1xi32> to vector<16xi32>
        %gather3A_1078 = tpu.dynamic_gather %get3A_15[%gather3A_1077] in [0] : vector<16xf32>, vector<16xi32> -> vector<16xf32>
        %swap3A_1079 = arith.constant 1 : i32
        %swap3A_1080 = arith.constant 3 : i32
        %swap3A_1081 = arith.constant 3 : i32
        %swap3A_1082 = arith.index_cast %swap3A_1079 : i32 to index
        %swap3A_1083 = arith.index_cast %swap3A_1080 : i32 to index
        %swap3A_1084 = arith.index_cast %swap3A_1081 : i32 to index
        %swap3A_1085 = arith.index_cast %mul3A_656 : i32 to index
        %swap3A_1086 = tpu.vector_load %arg8[%swap3A_1082, %swap3A_1083, %swap3A_1084, %swap3A_1085] {strides = array<i32>} : memref<2x10x8x256xf32, #tpu.memory_space<vmem>>, vector<16xf32>,
        tpu.vector_store %arg8[%swap3A_1082, %swap3A_1083, %swap3A_1084, %swap3A_1085], %gather3A_1078 {strides = array<i32>} : memref<2x10x8x256xf32, #tpu.memory_space<vmem>>, vector<16xf32>,
        %add3A_1087 = arith.addf %add3A_1075, %gather3A_1078 : vector<16xf32>
        %broadcast_in_dim3A_1088 = vector.shape_cast %get3A_1039 : vector<16xi32> to vector<16x1xi32>
        %gather3A_1089 = vector.shape_cast %broadcast_in_dim3A_1088 : vector<16x1xi32> to vector<16xi32>
        %gather3A_1090 = tpu.dynamic_gather %get3A_19[%gather3A_1089] in [0] : vector<16xf32>, vector<16xi32> -> vector<16xf32>
        %swap3A_1091 = arith.constant 1 : i32
        %swap3A_1092 = arith.constant 4 : i32
        %swap3A_1093 = arith.constant 3 : i32
        %swap3A_1094 = arith.index_cast %swap3A_1091 : i32 to index
        %swap3A_1095 = arith.index_cast %swap3A_1092 : i32 to index
        %swap3A_1096 = arith.index_cast %swap3A_1093 : i32 to index
        %swap3A_1097 = arith.index_cast %mul3A_656 : i32 to index
        %swap3A_1098 = tpu.vector_load %arg8[%swap3A_1094, %swap3A_1095, %swap3A_1096, %swap3A_1097] {strides = array<i32>} : memref<2x10x8x256xf32, #tpu.memory_space<vmem>>, vector<16xf32>,
        tpu.vector_store %arg8[%swap3A_1094, %swap3A_1095, %swap3A_1096, %swap3A_1097], %gather3A_1090 {strides = array<i32>} : memref<2x10x8x256xf32, #tpu.memory_space<vmem>>, vector<16xf32>,
        %add3A_1099 = arith.addf %add3A_1087, %gather3A_1090 : vector<16xf32>
        %broadcast_in_dim3A_1100 = vector.shape_cast %get3A_1039 : vector<16xi32> to vector<16x1xi32>
        %gather3A_1101 = vector.shape_cast %broadcast_in_dim3A_1100 : vector<16x1xi32> to vector<16xi32>
        %gather3A_1102 = tpu.dynamic_gather %get3A_23[%gather3A_1101] in [0] : vector<16xf32>, vector<16xi32> -> vector<16xf32>
        %swap3A_1103 = arith.constant 1 : i32
        %swap3A_1104 = arith.constant 5 : i32
        %swap3A_1105 = arith.constant 3 : i32
        %swap3A_1106 = arith.index_cast %swap3A_1103 : i32 to index
        %swap3A_1107 = arith.index_cast %swap3A_1104 : i32 to index
        %swap3A_1108 = arith.index_cast %swap3A_1105 : i32 to index
        %swap3A_1109 = arith.index_cast %mul3A_656 : i32 to index
        %swap3A_1110 = tpu.vector_load %arg8[%swap3A_1106, %swap3A_1107, %swap3A_1108, %swap3A_1109] {strides = array<i32>} : memref<2x10x8x256xf32, #tpu.memory_space<vmem>>, vector<16xf32>,
        tpu.vector_store %arg8[%swap3A_1106, %swap3A_1107, %swap3A_1108, %swap3A_1109], %gather3A_1102 {strides = array<i32>} : memref<2x10x8x256xf32, #tpu.memory_space<vmem>>, vector<16xf32>,
        %add3A_1111 = arith.addf %add3A_1099, %gather3A_1102 : vector<16xf32>
        %broadcast_in_dim3A_1112 = vector.shape_cast %get3A_1039 : vector<16xi32> to vector<16x1xi32>
        %gather3A_1113 = vector.shape_cast %broadcast_in_dim3A_1112 : vector<16x1xi32> to vector<16xi32>
        %gather3A_1114 = tpu.dynamic_gather %get3A_27[%gather3A_1113] in [0] : vector<16xf32>, vector<16xi32> -> vector<16xf32>
        %swap3A_1115 = arith.constant 1 : i32
        %swap3A_1116 = arith.constant 6 : i32
        %swap3A_1117 = arith.constant 3 : i32
        %swap3A_1118 = arith.index_cast %swap3A_1115 : i32 to index
        %swap3A_1119 = arith.index_cast %swap3A_1116 : i32 to index
        %swap3A_1120 = arith.index_cast %swap3A_1117 : i32 to index
        %swap3A_1121 = arith.index_cast %mul3A_656 : i32 to index
        %swap3A_1122 = tpu.vector_load %arg8[%swap3A_1118, %swap3A_1119, %swap3A_1120, %swap3A_1121] {strides = array<i32>} : memref<2x10x8x256xf32, #tpu.memory_space<vmem>>, vector<16xf32>,
        tpu.vector_store %arg8[%swap3A_1118, %swap3A_1119, %swap3A_1120, %swap3A_1121], %gather3A_1114 {strides = array<i32>} : memref<2x10x8x256xf32, #tpu.memory_space<vmem>>, vector<16xf32>,
        %add3A_1123 = arith.addf %add3A_1111, %gather3A_1114 : vector<16xf32>
        %broadcast_in_dim3A_1124 = vector.shape_cast %get3A_1039 : vector<16xi32> to vector<16x1xi32>
        %gather3A_1125 = vector.shape_cast %broadcast_in_dim3A_1124 : vector<16x1xi32> to vector<16xi32>
        %gather3A_1126 = tpu.dynamic_gather %get3A_31[%gather3A_1125] in [0] : vector<16xf32>, vector<16xi32> -> vector<16xf32>
        %swap3A_1127 = arith.constant 1 : i32
        %swap3A_1128 = arith.constant 7 : i32
        %swap3A_1129 = arith.constant 3 : i32
        %swap3A_1130 = arith.index_cast %swap3A_1127 : i32 to index
        %swap3A_1131 = arith.index_cast %swap3A_1128 : i32 to index
        %swap3A_1132 = arith.index_cast %swap3A_1129 : i32 to index
        %swap3A_1133 = arith.index_cast %mul3A_656 : i32 to index
        %swap3A_1134 = tpu.vector_load %arg8[%swap3A_1130, %swap3A_1131, %swap3A_1132, %swap3A_1133] {strides = array<i32>} : memref<2x10x8x256xf32, #tpu.memory_space<vmem>>, vector<16xf32>,
        tpu.vector_store %arg8[%swap3A_1130, %swap3A_1131, %swap3A_1132, %swap3A_1133], %gather3A_1126 {strides = array<i32>} : memref<2x10x8x256xf32, #tpu.memory_space<vmem>>, vector<16xf32>,
        %add3A_1135 = arith.addf %add3A_1123, %gather3A_1126 : vector<16xf32>
        %broadcast_in_dim3A_1136 = vector.shape_cast %get3A_1039 : vector<16xi32> to vector<16x1xi32>
        %gather3A_1137 = vector.shape_cast %broadcast_in_dim3A_1136 : vector<16x1xi32> to vector<16xi32>
        %gather3A_1138 = tpu.dynamic_gather %get3A_35[%gather3A_1137] in [0] : vector<16xf32>, vector<16xi32> -> vector<16xf32>
        %swap3A_1139 = arith.constant 1 : i32
        %swap3A_1140 = arith.constant 8 : i32
        %swap3A_1141 = arith.constant 3 : i32
        %swap3A_1142 = arith.index_cast %swap3A_1139 : i32 to index
        %swap3A_1143 = arith.index_cast %swap3A_1140 : i32 to index
        %swap3A_1144 = arith.index_cast %swap3A_1141 : i32 to index
        %swap3A_1145 = arith.index_cast %mul3A_656 : i32 to index
        %swap3A_1146 = tpu.vector_load %arg8[%swap3A_1142, %swap3A_1143, %swap3A_1144, %swap3A_1145] {strides = array<i32>} : memref<2x10x8x256xf32, #tpu.memory_space<vmem>>, vector<16xf32>,
        tpu.vector_store %arg8[%swap3A_1142, %swap3A_1143, %swap3A_1144, %swap3A_1145], %gather3A_1138 {strides = array<i32>} : memref<2x10x8x256xf32, #tpu.memory_space<vmem>>, vector<16xf32>,
        %add3A_1147 = arith.addf %add3A_1135, %gather3A_1138 : vector<16xf32>
        %broadcast_in_dim3A_1148 = vector.shape_cast %get3A_1039 : vector<16xi32> to vector<16x1xi32>
        %gather3A_1149 = vector.shape_cast %broadcast_in_dim3A_1148 : vector<16x1xi32> to vector<16xi32>
        %gather3A_1150 = tpu.dynamic_gather %get3A_39[%gather3A_1149] in [0] : vector<16xf32>, vector<16xi32> -> vector<16xf32>
        %swap3A_1151 = arith.constant 1 : i32
        %swap3A_1152 = arith.constant 9 : i32
        %swap3A_1153 = arith.constant 3 : i32
        %swap3A_1154 = arith.index_cast %swap3A_1151 : i32 to index
        %swap3A_1155 = arith.index_cast %swap3A_1152 : i32 to index
        %swap3A_1156 = arith.index_cast %swap3A_1153 : i32 to index
        %swap3A_1157 = arith.index_cast %mul3A_656 : i32 to index
        %swap3A_1158 = tpu.vector_load %arg8[%swap3A_1154, %swap3A_1155, %swap3A_1156, %swap3A_1157] {strides = array<i32>} : memref<2x10x8x256xf32, #tpu.memory_space<vmem>>, vector<16xf32>,
        tpu.vector_store %arg8[%swap3A_1154, %swap3A_1155, %swap3A_1156, %swap3A_1157], %gather3A_1150 {strides = array<i32>} : memref<2x10x8x256xf32, #tpu.memory_space<vmem>>, vector<16xf32>,
        %add3A_1159 = arith.addf %add3A_1147, %gather3A_1150 : vector<16xf32>
        %get3A_1160 = arith.constant 1 : i32
        %get3A_1161 = arith.constant 4 : i32
        %get3A_1162 = arith.index_cast %get3A_1160 : i32 to index
        %get3A_1163 = arith.index_cast %get3A_1161 : i32 to index
        %get3A_1164 = arith.index_cast %mul3A_656 : i32 to index
        %get3A_1165 = tpu.vector_load %arg7[%get3A_1162, %get3A_1163, %get3A_1164] {strides = array<i32>} : memref<2x8x256xi32, #tpu.memory_space<vmem>>, vector<16xi32>,
        %broadcast_in_dim3A_1166 = vector.shape_cast %get3A_1165 : vector<16xi32> to vector<16x1xi32>
        %gather3A_1167 = vector.shape_cast %broadcast_in_dim3A_1166 : vector<16x1xi32> to vector<16xi32>
        %gather3A_1168 = tpu.dynamic_gather %get3A_3[%gather3A_1167] in [0] : vector<16xf32>, vector<16xi32> -> vector<16xf32>
        %swap3A_1169 = arith.constant 1 : i32
        %swap3A_1170 = arith.constant 0 : i32
        %swap3A_1171 = arith.constant 4 : i32
        %swap3A_1172 = arith.index_cast %swap3A_1169 : i32 to index
        %swap3A_1173 = arith.index_cast %swap3A_1170 : i32 to index
        %swap3A_1174 = arith.index_cast %swap3A_1171 : i32 to index
        %swap3A_1175 = arith.index_cast %mul3A_656 : i32 to index
        %swap3A_1176 = tpu.vector_load %arg8[%swap3A_1172, %swap3A_1173, %swap3A_1174, %swap3A_1175] {strides = array<i32>} : memref<2x10x8x256xf32, #tpu.memory_space<vmem>>, vector<16xf32>,
        tpu.vector_store %arg8[%swap3A_1172, %swap3A_1173, %swap3A_1174, %swap3A_1175], %gather3A_1168 {strides = array<i32>} : memref<2x10x8x256xf32, #tpu.memory_space<vmem>>, vector<16xf32>,
        %add3A_1177 = arith.addf %add3A_1159, %gather3A_1168 : vector<16xf32>
        %broadcast_in_dim3A_1178 = vector.shape_cast %get3A_1165 : vector<16xi32> to vector<16x1xi32>
        %gather3A_1179 = vector.shape_cast %broadcast_in_dim3A_1178 : vector<16x1xi32> to vector<16xi32>
        %gather3A_1180 = tpu.dynamic_gather %get3A_7[%gather3A_1179] in [0] : vector<16xf32>, vector<16xi32> -> vector<16xf32>
        %swap3A_1181 = arith.constant 1 : i32
        %swap3A_1182 = arith.constant 1 : i32
        %swap3A_1183 = arith.constant 4 : i32
        %swap3A_1184 = arith.index_cast %swap3A_1181 : i32 to index
        %swap3A_1185 = arith.index_cast %swap3A_1182 : i32 to index
        %swap3A_1186 = arith.index_cast %swap3A_1183 : i32 to index
        %swap3A_1187 = arith.index_cast %mul3A_656 : i32 to index
        %swap3A_1188 = tpu.vector_load %arg8[%swap3A_1184, %swap3A_1185, %swap3A_1186, %swap3A_1187] {strides = array<i32>} : memref<2x10x8x256xf32, #tpu.memory_space<vmem>>, vector<16xf32>,
        tpu.vector_store %arg8[%swap3A_1184, %swap3A_1185, %swap3A_1186, %swap3A_1187], %gather3A_1180 {strides = array<i32>} : memref<2x10x8x256xf32, #tpu.memory_space<vmem>>, vector<16xf32>,
        %add3A_1189 = arith.addf %add3A_1177, %gather3A_1180 : vector<16xf32>
        %broadcast_in_dim3A_1190 = vector.shape_cast %get3A_1165 : vector<16xi32> to vector<16x1xi32>
        %gather3A_1191 = vector.shape_cast %broadcast_in_dim3A_1190 : vector<16x1xi32> to vector<16xi32>
        %gather3A_1192 = tpu.dynamic_gather %get3A_11[%gather3A_1191] in [0] : vector<16xf32>, vector<16xi32> -> vector<16xf32>
        %swap3A_1193 = arith.constant 1 : i32
        %swap3A_1194 = arith.constant 2 : i32
        %swap3A_1195 = arith.constant 4 : i32
        %swap3A_1196 = arith.index_cast %swap3A_1193 : i32 to index
        %swap3A_1197 = arith.index_cast %swap3A_1194 : i32 to index
        %swap3A_1198 = arith.index_cast %swap3A_1195 : i32 to index
        %swap3A_1199 = arith.index_cast %mul3A_656 : i32 to index
        %swap3A_1200 = tpu.vector_load %arg8[%swap3A_1196, %swap3A_1197, %swap3A_1198, %swap3A_1199] {strides = array<i32>} : memref<2x10x8x256xf32, #tpu.memory_space<vmem>>, vector<16xf32>,
        tpu.vector_store %arg8[%swap3A_1196, %swap3A_1197, %swap3A_1198, %swap3A_1199], %gather3A_1192 {strides = array<i32>} : memref<2x10x8x256xf32, #tpu.memory_space<vmem>>, vector<16xf32>,
        %add3A_1201 = arith.addf %add3A_1189, %gather3A_1192 : vector<16xf32>
        %broadcast_in_dim3A_1202 = vector.shape_cast %get3A_1165 : vector<16xi32> to vector<16x1xi32>
        %gather3A_1203 = vector.shape_cast %broadcast_in_dim3A_1202 : vector<16x1xi32> to vector<16xi32>
        %gather3A_1204 = tpu.dynamic_gather %get3A_15[%gather3A_1203] in [0] : vector<16xf32>, vector<16xi32> -> vector<16xf32>
        %swap3A_1205 = arith.constant 1 : i32
        %swap3A_1206 = arith.constant 3 : i32
        %swap3A_1207 = arith.constant 4 : i32
        %swap3A_1208 = arith.index_cast %swap3A_1205 : i32 to index
        %swap3A_1209 = arith.index_cast %swap3A_1206 : i32 to index
        %swap3A_1210 = arith.index_cast %swap3A_1207 : i32 to index
        %swap3A_1211 = arith.index_cast %mul3A_656 : i32 to index
        %swap3A_1212 = tpu.vector_load %arg8[%swap3A_1208, %swap3A_1209, %swap3A_1210, %swap3A_1211] {strides = array<i32>} : memref<2x10x8x256xf32, #tpu.memory_space<vmem>>, vector<16xf32>,
        tpu.vector_store %arg8[%swap3A_1208, %swap3A_1209, %swap3A_1210, %swap3A_1211], %gather3A_1204 {strides = array<i32>} : memref<2x10x8x256xf32, #tpu.memory_space<vmem>>, vector<16xf32>,
        %add3A_1213 = arith.addf %add3A_1201, %gather3A_1204 : vector<16xf32>
        %broadcast_in_dim3A_1214 = vector.shape_cast %get3A_1165 : vector<16xi32> to vector<16x1xi32>
        %gather3A_1215 = vector.shape_cast %broadcast_in_dim3A_1214 : vector<16x1xi32> to vector<16xi32>
        %gather3A_1216 = tpu.dynamic_gather %get3A_19[%gather3A_1215] in [0] : vector<16xf32>, vector<16xi32> -> vector<16xf32>
        %swap3A_1217 = arith.constant 1 : i32
        %swap3A_1218 = arith.constant 4 : i32
        %swap3A_1219 = arith.constant 4 : i32
        %swap3A_1220 = arith.index_cast %swap3A_1217 : i32 to index
        %swap3A_1221 = arith.index_cast %swap3A_1218 : i32 to index
        %swap3A_1222 = arith.index_cast %swap3A_1219 : i32 to index
        %swap3A_1223 = arith.index_cast %mul3A_656 : i32 to index
        %swap3A_1224 = tpu.vector_load %arg8[%swap3A_1220, %swap3A_1221, %swap3A_1222, %swap3A_1223] {strides = array<i32>} : memref<2x10x8x256xf32, #tpu.memory_space<vmem>>, vector<16xf32>,
        tpu.vector_store %arg8[%swap3A_1220, %swap3A_1221, %swap3A_1222, %swap3A_1223], %gather3A_1216 {strides = array<i32>} : memref<2x10x8x256xf32, #tpu.memory_space<vmem>>, vector<16xf32>,
        %add3A_1225 = arith.addf %add3A_1213, %gather3A_1216 : vector<16xf32>
        %broadcast_in_dim3A_1226 = vector.shape_cast %get3A_1165 : vector<16xi32> to vector<16x1xi32>
        %gather3A_1227 = vector.shape_cast %broadcast_in_dim3A_1226 : vector<16x1xi32> to vector<16xi32>
        %gather3A_1228 = tpu.dynamic_gather %get3A_23[%gather3A_1227] in [0] : vector<16xf32>, vector<16xi32> -> vector<16xf32>
        %swap3A_1229 = arith.constant 1 : i32
        %swap3A_1230 = arith.constant 5 : i32
        %swap3A_1231 = arith.constant 4 : i32
        %swap3A_1232 = arith.index_cast %swap3A_1229 : i32 to index
        %swap3A_1233 = arith.index_cast %swap3A_1230 : i32 to index
        %swap3A_1234 = arith.index_cast %swap3A_1231 : i32 to index
        %swap3A_1235 = arith.index_cast %mul3A_656 : i32 to index
        %swap3A_1236 = tpu.vector_load %arg8[%swap3A_1232, %swap3A_1233, %swap3A_1234, %swap3A_1235] {strides = array<i32>} : memref<2x10x8x256xf32, #tpu.memory_space<vmem>>, vector<16xf32>,
        tpu.vector_store %arg8[%swap3A_1232, %swap3A_1233, %swap3A_1234, %swap3A_1235], %gather3A_1228 {strides = array<i32>} : memref<2x10x8x256xf32, #tpu.memory_space<vmem>>, vector<16xf32>,
        %add3A_1237 = arith.addf %add3A_1225, %gather3A_1228 : vector<16xf32>
        %broadcast_in_dim3A_1238 = vector.shape_cast %get3A_1165 : vector<16xi32> to vector<16x1xi32>
        %gather3A_1239 = vector.shape_cast %broadcast_in_dim3A_1238 : vector<16x1xi32> to vector<16xi32>
        %gather3A_1240 = tpu.dynamic_gather %get3A_27[%gather3A_1239] in [0] : vector<16xf32>, vector<16xi32> -> vector<16xf32>
        %swap3A_1241 = arith.constant 1 : i32
        %swap3A_1242 = arith.constant 6 : i32
        %swap3A_1243 = arith.constant 4 : i32
        %swap3A_1244 = arith.index_cast %swap3A_1241 : i32 to index
        %swap3A_1245 = arith.index_cast %swap3A_1242 : i32 to index
        %swap3A_1246 = arith.index_cast %swap3A_1243 : i32 to index
        %swap3A_1247 = arith.index_cast %mul3A_656 : i32 to index
        %swap3A_1248 = tpu.vector_load %arg8[%swap3A_1244, %swap3A_1245, %swap3A_1246, %swap3A_1247] {strides = array<i32>} : memref<2x10x8x256xf32, #tpu.memory_space<vmem>>, vector<16xf32>,
        tpu.vector_store %arg8[%swap3A_1244, %swap3A_1245, %swap3A_1246, %swap3A_1247], %gather3A_1240 {strides = array<i32>} : memref<2x10x8x256xf32, #tpu.memory_space<vmem>>, vector<16xf32>,
        %add3A_1249 = arith.addf %add3A_1237, %gather3A_1240 : vector<16xf32>
        %broadcast_in_dim3A_1250 = vector.shape_cast %get3A_1165 : vector<16xi32> to vector<16x1xi32>
        %gather3A_1251 = vector.shape_cast %broadcast_in_dim3A_1250 : vector<16x1xi32> to vector<16xi32>
        %gather3A_1252 = tpu.dynamic_gather %get3A_31[%gather3A_1251] in [0] : vector<16xf32>, vector<16xi32> -> vector<16xf32>
        %swap3A_1253 = arith.constant 1 : i32
        %swap3A_1254 = arith.constant 7 : i32
        %swap3A_1255 = arith.constant 4 : i32
        %swap3A_1256 = arith.index_cast %swap3A_1253 : i32 to index
        %swap3A_1257 = arith.index_cast %swap3A_1254 : i32 to index
        %swap3A_1258 = arith.index_cast %swap3A_1255 : i32 to index
        %swap3A_1259 = arith.index_cast %mul3A_656 : i32 to index
        %swap3A_1260 = tpu.vector_load %arg8[%swap3A_1256, %swap3A_1257, %swap3A_1258, %swap3A_1259] {strides = array<i32>} : memref<2x10x8x256xf32, #tpu.memory_space<vmem>>, vector<16xf32>,
        tpu.vector_store %arg8[%swap3A_1256, %swap3A_1257, %swap3A_1258, %swap3A_1259], %gather3A_1252 {strides = array<i32>} : memref<2x10x8x256xf32, #tpu.memory_space<vmem>>, vector<16xf32>,
        %add3A_1261 = arith.addf %add3A_1249, %gather3A_1252 : vector<16xf32>
        %broadcast_in_dim3A_1262 = vector.shape_cast %get3A_1165 : vector<16xi32> to vector<16x1xi32>
        %gather3A_1263 = vector.shape_cast %broadcast_in_dim3A_1262 : vector<16x1xi32> to vector<16xi32>
        %gather3A_1264 = tpu.dynamic_gather %get3A_35[%gather3A_1263] in [0] : vector<16xf32>, vector<16xi32> -> vector<16xf32>
        %swap3A_1265 = arith.constant 1 : i32
        %swap3A_1266 = arith.constant 8 : i32
        %swap3A_1267 = arith.constant 4 : i32
        %swap3A_1268 = arith.index_cast %swap3A_1265 : i32 to index
        %swap3A_1269 = arith.index_cast %swap3A_1266 : i32 to index
        %swap3A_1270 = arith.index_cast %swap3A_1267 : i32 to index
        %swap3A_1271 = arith.index_cast %mul3A_656 : i32 to index
        %swap3A_1272 = tpu.vector_load %arg8[%swap3A_1268, %swap3A_1269, %swap3A_1270, %swap3A_1271] {strides = array<i32>} : memref<2x10x8x256xf32, #tpu.memory_space<vmem>>, vector<16xf32>,
        tpu.vector_store %arg8[%swap3A_1268, %swap3A_1269, %swap3A_1270, %swap3A_1271], %gather3A_1264 {strides = array<i32>} : memref<2x10x8x256xf32, #tpu.memory_space<vmem>>, vector<16xf32>,
        %add3A_1273 = arith.addf %add3A_1261, %gather3A_1264 : vector<16xf32>
        %broadcast_in_dim3A_1274 = vector.shape_cast %get3A_1165 : vector<16xi32> to vector<16x1xi32>
        %gather3A_1275 = vector.shape_cast %broadcast_in_dim3A_1274 : vector<16x1xi32> to vector<16xi32>
        %gather3A_1276 = tpu.dynamic_gather %get3A_39[%gather3A_1275] in [0] : vector<16xf32>, vector<16xi32> -> vector<16xf32>
        %swap3A_1277 = arith.constant 1 : i32
        %swap3A_1278 = arith.constant 9 : i32
        %swap3A_1279 = arith.constant 4 : i32
        %swap3A_1280 = arith.index_cast %swap3A_1277 : i32 to index
        %swap3A_1281 = arith.index_cast %swap3A_1278 : i32 to index
        %swap3A_1282 = arith.index_cast %swap3A_1279 : i32 to index
        %swap3A_1283 = arith.index_cast %mul3A_656 : i32 to index
        %swap3A_1284 = tpu.vector_load %arg8[%swap3A_1280, %swap3A_1281, %swap3A_1282, %swap3A_1283] {strides = array<i32>} : memref<2x10x8x256xf32, #tpu.memory_space<vmem>>, vector<16xf32>,
        tpu.vector_store %arg8[%swap3A_1280, %swap3A_1281, %swap3A_1282, %swap3A_1283], %gather3A_1276 {strides = array<i32>} : memref<2x10x8x256xf32, #tpu.memory_space<vmem>>, vector<16xf32>,
        %add3A_1285 = arith.addf %add3A_1273, %gather3A_1276 : vector<16xf32>
        %get3A_1286 = arith.constant 1 : i32
        %get3A_1287 = arith.constant 5 : i32
        %get3A_1288 = arith.index_cast %get3A_1286 : i32 to index
        %get3A_1289 = arith.index_cast %get3A_1287 : i32 to index
        %get3A_1290 = arith.index_cast %mul3A_656 : i32 to index
        %get3A_1291 = tpu.vector_load %arg7[%get3A_1288, %get3A_1289, %get3A_1290] {strides = array<i32>} : memref<2x8x256xi32, #tpu.memory_space<vmem>>, vector<16xi32>,
        %broadcast_in_dim3A_1292 = vector.shape_cast %get3A_1291 : vector<16xi32> to vector<16x1xi32>
        %gather3A_1293 = vector.shape_cast %broadcast_in_dim3A_1292 : vector<16x1xi32> to vector<16xi32>
        %gather3A_1294 = tpu.dynamic_gather %get3A_3[%gather3A_1293] in [0] : vector<16xf32>, vector<16xi32> -> vector<16xf32>
        %swap3A_1295 = arith.constant 1 : i32
        %swap3A_1296 = arith.constant 0 : i32
        %swap3A_1297 = arith.constant 5 : i32
        %swap3A_1298 = arith.index_cast %swap3A_1295 : i32 to index
        %swap3A_1299 = arith.index_cast %swap3A_1296 : i32 to index
        %swap3A_1300 = arith.index_cast %swap3A_1297 : i32 to index
        %swap3A_1301 = arith.index_cast %mul3A_656 : i32 to index
        %swap3A_1302 = tpu.vector_load %arg8[%swap3A_1298, %swap3A_1299, %swap3A_1300, %swap3A_1301] {strides = array<i32>} : memref<2x10x8x256xf32, #tpu.memory_space<vmem>>, vector<16xf32>,
        tpu.vector_store %arg8[%swap3A_1298, %swap3A_1299, %swap3A_1300, %swap3A_1301], %gather3A_1294 {strides = array<i32>} : memref<2x10x8x256xf32, #tpu.memory_space<vmem>>, vector<16xf32>,
        %add3A_1303 = arith.addf %add3A_1285, %gather3A_1294 : vector<16xf32>
        %broadcast_in_dim3A_1304 = vector.shape_cast %get3A_1291 : vector<16xi32> to vector<16x1xi32>
        %gather3A_1305 = vector.shape_cast %broadcast_in_dim3A_1304 : vector<16x1xi32> to vector<16xi32>
        %gather3A_1306 = tpu.dynamic_gather %get3A_7[%gather3A_1305] in [0] : vector<16xf32>, vector<16xi32> -> vector<16xf32>
        %swap3A_1307 = arith.constant 1 : i32
        %swap3A_1308 = arith.constant 1 : i32
        %swap3A_1309 = arith.constant 5 : i32
        %swap3A_1310 = arith.index_cast %swap3A_1307 : i32 to index
        %swap3A_1311 = arith.index_cast %swap3A_1308 : i32 to index
        %swap3A_1312 = arith.index_cast %swap3A_1309 : i32 to index
        %swap3A_1313 = arith.index_cast %mul3A_656 : i32 to index
        %swap3A_1314 = tpu.vector_load %arg8[%swap3A_1310, %swap3A_1311, %swap3A_1312, %swap3A_1313] {strides = array<i32>} : memref<2x10x8x256xf32, #tpu.memory_space<vmem>>, vector<16xf32>,
        tpu.vector_store %arg8[%swap3A_1310, %swap3A_1311, %swap3A_1312, %swap3A_1313], %gather3A_1306 {strides = array<i32>} : memref<2x10x8x256xf32, #tpu.memory_space<vmem>>, vector<16xf32>,
        %add3A_1315 = arith.addf %add3A_1303, %gather3A_1306 : vector<16xf32>
        %broadcast_in_dim3A_1316 = vector.shape_cast %get3A_1291 : vector<16xi32> to vector<16x1xi32>
        %gather3A_1317 = vector.shape_cast %broadcast_in_dim3A_1316 : vector<16x1xi32> to vector<16xi32>
        %gather3A_1318 = tpu.dynamic_gather %get3A_11[%gather3A_1317] in [0] : vector<16xf32>, vector<16xi32> -> vector<16xf32>
        %swap3A_1319 = arith.constant 1 : i32
        %swap3A_1320 = arith.constant 2 : i32
        %swap3A_1321 = arith.constant 5 : i32
        %swap3A_1322 = arith.index_cast %swap3A_1319 : i32 to index
        %swap3A_1323 = arith.index_cast %swap3A_1320 : i32 to index
        %swap3A_1324 = arith.index_cast %swap3A_1321 : i32 to index
        %swap3A_1325 = arith.index_cast %mul3A_656 : i32 to index
        %swap3A_1326 = tpu.vector_load %arg8[%swap3A_1322, %swap3A_1323, %swap3A_1324, %swap3A_1325] {strides = array<i32>} : memref<2x10x8x256xf32, #tpu.memory_space<vmem>>, vector<16xf32>,
        tpu.vector_store %arg8[%swap3A_1322, %swap3A_1323, %swap3A_1324, %swap3A_1325], %gather3A_1318 {strides = array<i32>} : memref<2x10x8x256xf32, #tpu.memory_space<vmem>>, vector<16xf32>,
        %add3A_1327 = arith.addf %add3A_1315, %gather3A_1318 : vector<16xf32>
        %broadcast_in_dim3A_1328 = vector.shape_cast %get3A_1291 : vector<16xi32> to vector<16x1xi32>
        %gather3A_1329 = vector.shape_cast %broadcast_in_dim3A_1328 : vector<16x1xi32> to vector<16xi32>
        %gather3A_1330 = tpu.dynamic_gather %get3A_15[%gather3A_1329] in [0] : vector<16xf32>, vector<16xi32> -> vector<16xf32>
        %swap3A_1331 = arith.constant 1 : i32
        %swap3A_1332 = arith.constant 3 : i32
        %swap3A_1333 = arith.constant 5 : i32
        %swap3A_1334 = arith.index_cast %swap3A_1331 : i32 to index
        %swap3A_1335 = arith.index_cast %swap3A_1332 : i32 to index
        %swap3A_1336 = arith.index_cast %swap3A_1333 : i32 to index
        %swap3A_1337 = arith.index_cast %mul3A_656 : i32 to index
        %swap3A_1338 = tpu.vector_load %arg8[%swap3A_1334, %swap3A_1335, %swap3A_1336, %swap3A_1337] {strides = array<i32>} : memref<2x10x8x256xf32, #tpu.memory_space<vmem>>, vector<16xf32>,
        tpu.vector_store %arg8[%swap3A_1334, %swap3A_1335, %swap3A_1336, %swap3A_1337], %gather3A_1330 {strides = array<i32>} : memref<2x10x8x256xf32, #tpu.memory_space<vmem>>, vector<16xf32>,
        %add3A_1339 = arith.addf %add3A_1327, %gather3A_1330 : vector<16xf32>
        %broadcast_in_dim3A_1340 = vector.shape_cast %get3A_1291 : vector<16xi32> to vector<16x1xi32>
        %gather3A_1341 = vector.shape_cast %broadcast_in_dim3A_1340 : vector<16x1xi32> to vector<16xi32>
        %gather3A_1342 = tpu.dynamic_gather %get3A_19[%gather3A_1341] in [0] : vector<16xf32>, vector<16xi32> -> vector<16xf32>
        %swap3A_1343 = arith.constant 1 : i32
        %swap3A_1344 = arith.constant 4 : i32
        %swap3A_1345 = arith.constant 5 : i32
        %swap3A_1346 = arith.index_cast %swap3A_1343 : i32 to index
        %swap3A_1347 = arith.index_cast %swap3A_1344 : i32 to index
        %swap3A_1348 = arith.index_cast %swap3A_1345 : i32 to index
        %swap3A_1349 = arith.index_cast %mul3A_656 : i32 to index
        %swap3A_1350 = tpu.vector_load %arg8[%swap3A_1346, %swap3A_1347, %swap3A_1348, %swap3A_1349] {strides = array<i32>} : memref<2x10x8x256xf32, #tpu.memory_space<vmem>>, vector<16xf32>,
        tpu.vector_store %arg8[%swap3A_1346, %swap3A_1347, %swap3A_1348, %swap3A_1349], %gather3A_1342 {strides = array<i32>} : memref<2x10x8x256xf32, #tpu.memory_space<vmem>>, vector<16xf32>,
        %add3A_1351 = arith.addf %add3A_1339, %gather3A_1342 : vector<16xf32>
        %broadcast_in_dim3A_1352 = vector.shape_cast %get3A_1291 : vector<16xi32> to vector<16x1xi32>
        %gather3A_1353 = vector.shape_cast %broadcast_in_dim3A_1352 : vector<16x1xi32> to vector<16xi32>
        %gather3A_1354 = tpu.dynamic_gather %get3A_23[%gather3A_1353] in [0] : vector<16xf32>, vector<16xi32> -> vector<16xf32>
        %swap3A_1355 = arith.constant 1 : i32
        %swap3A_1356 = arith.constant 5 : i32
        %swap3A_1357 = arith.constant 5 : i32
        %swap3A_1358 = arith.index_cast %swap3A_1355 : i32 to index
        %swap3A_1359 = arith.index_cast %swap3A_1356 : i32 to index
        %swap3A_1360 = arith.index_cast %swap3A_1357 : i32 to index
        %swap3A_1361 = arith.index_cast %mul3A_656 : i32 to index
        %swap3A_1362 = tpu.vector_load %arg8[%swap3A_1358, %swap3A_1359, %swap3A_1360, %swap3A_1361] {strides = array<i32>} : memref<2x10x8x256xf32, #tpu.memory_space<vmem>>, vector<16xf32>,
        tpu.vector_store %arg8[%swap3A_1358, %swap3A_1359, %swap3A_1360, %swap3A_1361], %gather3A_1354 {strides = array<i32>} : memref<2x10x8x256xf32, #tpu.memory_space<vmem>>, vector<16xf32>,
        %add3A_1363 = arith.addf %add3A_1351, %gather3A_1354 : vector<16xf32>
        %broadcast_in_dim3A_1364 = vector.shape_cast %get3A_1291 : vector<16xi32> to vector<16x1xi32>
        %gather3A_1365 = vector.shape_cast %broadcast_in_dim3A_1364 : vector<16x1xi32> to vector<16xi32>
        %gather3A_1366 = tpu.dynamic_gather %get3A_27[%gather3A_1365] in [0] : vector<16xf32>, vector<16xi32> -> vector<16xf32>
        %swap3A_1367 = arith.constant 1 : i32
        %swap3A_1368 = arith.constant 6 : i32
        %swap3A_1369 = arith.constant 5 : i32
        %swap3A_1370 = arith.index_cast %swap3A_1367 : i32 to index
        %swap3A_1371 = arith.index_cast %swap3A_1368 : i32 to index
        %swap3A_1372 = arith.index_cast %swap3A_1369 : i32 to index
        %swap3A_1373 = arith.index_cast %mul3A_656 : i32 to index
        %swap3A_1374 = tpu.vector_load %arg8[%swap3A_1370, %swap3A_1371, %swap3A_1372, %swap3A_1373] {strides = array<i32>} : memref<2x10x8x256xf32, #tpu.memory_space<vmem>>, vector<16xf32>,
        tpu.vector_store %arg8[%swap3A_1370, %swap3A_1371, %swap3A_1372, %swap3A_1373], %gather3A_1366 {strides = array<i32>} : memref<2x10x8x256xf32, #tpu.memory_space<vmem>>, vector<16xf32>,
        %add3A_1375 = arith.addf %add3A_1363, %gather3A_1366 : vector<16xf32>
        %broadcast_in_dim3A_1376 = vector.shape_cast %get3A_1291 : vector<16xi32> to vector<16x1xi32>
        %gather3A_1377 = vector.shape_cast %broadcast_in_dim3A_1376 : vector<16x1xi32> to vector<16xi32>
        %gather3A_1378 = tpu.dynamic_gather %get3A_31[%gather3A_1377] in [0] : vector<16xf32>, vector<16xi32> -> vector<16xf32>
        %swap3A_1379 = arith.constant 1 : i32
        %swap3A_1380 = arith.constant 7 : i32
        %swap3A_1381 = arith.constant 5 : i32
        %swap3A_1382 = arith.index_cast %swap3A_1379 : i32 to index
        %swap3A_1383 = arith.index_cast %swap3A_1380 : i32 to index
        %swap3A_1384 = arith.index_cast %swap3A_1381 : i32 to index
        %swap3A_1385 = arith.index_cast %mul3A_656 : i32 to index
        %swap3A_1386 = tpu.vector_load %arg8[%swap3A_1382, %swap3A_1383, %swap3A_1384, %swap3A_1385] {strides = array<i32>} : memref<2x10x8x256xf32, #tpu.memory_space<vmem>>, vector<16xf32>,
        tpu.vector_store %arg8[%swap3A_1382, %swap3A_1383, %swap3A_1384, %swap3A_1385], %gather3A_1378 {strides = array<i32>} : memref<2x10x8x256xf32, #tpu.memory_space<vmem>>, vector<16xf32>,
        %add3A_1387 = arith.addf %add3A_1375, %gather3A_1378 : vector<16xf32>
        %broadcast_in_dim3A_1388 = vector.shape_cast %get3A_1291 : vector<16xi32> to vector<16x1xi32>
        %gather3A_1389 = vector.shape_cast %broadcast_in_dim3A_1388 : vector<16x1xi32> to vector<16xi32>
        %gather3A_1390 = tpu.dynamic_gather %get3A_35[%gather3A_1389] in [0] : vector<16xf32>, vector<16xi32> -> vector<16xf32>
        %swap3A_1391 = arith.constant 1 : i32
        %swap3A_1392 = arith.constant 8 : i32
        %swap3A_1393 = arith.constant 5 : i32
        %swap3A_1394 = arith.index_cast %swap3A_1391 : i32 to index
        %swap3A_1395 = arith.index_cast %swap3A_1392 : i32 to index
        %swap3A_1396 = arith.index_cast %swap3A_1393 : i32 to index
        %swap3A_1397 = arith.index_cast %mul3A_656 : i32 to index
        %swap3A_1398 = tpu.vector_load %arg8[%swap3A_1394, %swap3A_1395, %swap3A_1396, %swap3A_1397] {strides = array<i32>} : memref<2x10x8x256xf32, #tpu.memory_space<vmem>>, vector<16xf32>,
        tpu.vector_store %arg8[%swap3A_1394, %swap3A_1395, %swap3A_1396, %swap3A_1397], %gather3A_1390 {strides = array<i32>} : memref<2x10x8x256xf32, #tpu.memory_space<vmem>>, vector<16xf32>,
        %add3A_1399 = arith.addf %add3A_1387, %gather3A_1390 : vector<16xf32>
        %broadcast_in_dim3A_1400 = vector.shape_cast %get3A_1291 : vector<16xi32> to vector<16x1xi32>
        %gather3A_1401 = vector.shape_cast %broadcast_in_dim3A_1400 : vector<16x1xi32> to vector<16xi32>
        %gather3A_1402 = tpu.dynamic_gather %get3A_39[%gather3A_1401] in [0] : vector<16xf32>, vector<16xi32> -> vector<16xf32>
        %swap3A_1403 = arith.constant 1 : i32
        %swap3A_1404 = arith.constant 9 : i32
        %swap3A_1405 = arith.constant 5 : i32
        %swap3A_1406 = arith.index_cast %swap3A_1403 : i32 to index
        %swap3A_1407 = arith.index_cast %swap3A_1404 : i32 to index
        %swap3A_1408 = arith.index_cast %swap3A_1405 : i32 to index
        %swap3A_1409 = arith.index_cast %mul3A_656 : i32 to index
        %swap3A_1410 = tpu.vector_load %arg8[%swap3A_1406, %swap3A_1407, %swap3A_1408, %swap3A_1409] {strides = array<i32>} : memref<2x10x8x256xf32, #tpu.memory_space<vmem>>, vector<16xf32>,
        tpu.vector_store %arg8[%swap3A_1406, %swap3A_1407, %swap3A_1408, %swap3A_1409], %gather3A_1402 {strides = array<i32>} : memref<2x10x8x256xf32, #tpu.memory_space<vmem>>, vector<16xf32>,
        %add3A_1411 = arith.addf %add3A_1399, %gather3A_1402 : vector<16xf32>
        %get3A_1412 = arith.constant 1 : i32
        %get3A_1413 = arith.constant 6 : i32
        %get3A_1414 = arith.index_cast %get3A_1412 : i32 to index
        %get3A_1415 = arith.index_cast %get3A_1413 : i32 to index
        %get3A_1416 = arith.index_cast %mul3A_656 : i32 to index
        %get3A_1417 = tpu.vector_load %arg7[%get3A_1414, %get3A_1415, %get3A_1416] {strides = array<i32>} : memref<2x8x256xi32, #tpu.memory_space<vmem>>, vector<16xi32>,
        %broadcast_in_dim3A_1418 = vector.shape_cast %get3A_1417 : vector<16xi32> to vector<16x1xi32>
        %gather3A_1419 = vector.shape_cast %broadcast_in_dim3A_1418 : vector<16x1xi32> to vector<16xi32>
        %gather3A_1420 = tpu.dynamic_gather %get3A_3[%gather3A_1419] in [0] : vector<16xf32>, vector<16xi32> -> vector<16xf32>
        %swap3A_1421 = arith.constant 1 : i32
        %swap3A_1422 = arith.constant 0 : i32
        %swap3A_1423 = arith.constant 6 : i32
        %swap3A_1424 = arith.index_cast %swap3A_1421 : i32 to index
        %swap3A_1425 = arith.index_cast %swap3A_1422 : i32 to index
        %swap3A_1426 = arith.index_cast %swap3A_1423 : i32 to index
        %swap3A_1427 = arith.index_cast %mul3A_656 : i32 to index
        %swap3A_1428 = tpu.vector_load %arg8[%swap3A_1424, %swap3A_1425, %swap3A_1426, %swap3A_1427] {strides = array<i32>} : memref<2x10x8x256xf32, #tpu.memory_space<vmem>>, vector<16xf32>,
        tpu.vector_store %arg8[%swap3A_1424, %swap3A_1425, %swap3A_1426, %swap3A_1427], %gather3A_1420 {strides = array<i32>} : memref<2x10x8x256xf32, #tpu.memory_space<vmem>>, vector<16xf32>,
        %add3A_1429 = arith.addf %add3A_1411, %gather3A_1420 : vector<16xf32>
        %broadcast_in_dim3A_1430 = vector.shape_cast %get3A_1417 : vector<16xi32> to vector<16x1xi32>
        %gather3A_1431 = vector.shape_cast %broadcast_in_dim3A_1430 : vector<16x1xi32> to vector<16xi32>
        %gather3A_1432 = tpu.dynamic_gather %get3A_7[%gather3A_1431] in [0] : vector<16xf32>, vector<16xi32> -> vector<16xf32>
        %swap3A_1433 = arith.constant 1 : i32
        %swap3A_1434 = arith.constant 1 : i32
        %swap3A_1435 = arith.constant 6 : i32
        %swap3A_1436 = arith.index_cast %swap3A_1433 : i32 to index
        %swap3A_1437 = arith.index_cast %swap3A_1434 : i32 to index
        %swap3A_1438 = arith.index_cast %swap3A_1435 : i32 to index
        %swap3A_1439 = arith.index_cast %mul3A_656 : i32 to index
        %swap3A_1440 = tpu.vector_load %arg8[%swap3A_1436, %swap3A_1437, %swap3A_1438, %swap3A_1439] {strides = array<i32>} : memref<2x10x8x256xf32, #tpu.memory_space<vmem>>, vector<16xf32>,
        tpu.vector_store %arg8[%swap3A_1436, %swap3A_1437, %swap3A_1438, %swap3A_1439], %gather3A_1432 {strides = array<i32>} : memref<2x10x8x256xf32, #tpu.memory_space<vmem>>, vector<16xf32>,
        %add3A_1441 = arith.addf %add3A_1429, %gather3A_1432 : vector<16xf32>
        %broadcast_in_dim3A_1442 = vector.shape_cast %get3A_1417 : vector<16xi32> to vector<16x1xi32>
        %gather3A_1443 = vector.shape_cast %broadcast_in_dim3A_1442 : vector<16x1xi32> to vector<16xi32>
        %gather3A_1444 = tpu.dynamic_gather %get3A_11[%gather3A_1443] in [0] : vector<16xf32>, vector<16xi32> -> vector<16xf32>
        %swap3A_1445 = arith.constant 1 : i32
        %swap3A_1446 = arith.constant 2 : i32
        %swap3A_1447 = arith.constant 6 : i32
        %swap3A_1448 = arith.index_cast %swap3A_1445 : i32 to index
        %swap3A_1449 = arith.index_cast %swap3A_1446 : i32 to index
        %swap3A_1450 = arith.index_cast %swap3A_1447 : i32 to index
        %swap3A_1451 = arith.index_cast %mul3A_656 : i32 to index
        %swap3A_1452 = tpu.vector_load %arg8[%swap3A_1448, %swap3A_1449, %swap3A_1450, %swap3A_1451] {strides = array<i32>} : memref<2x10x8x256xf32, #tpu.memory_space<vmem>>, vector<16xf32>,
        tpu.vector_store %arg8[%swap3A_1448, %swap3A_1449, %swap3A_1450, %swap3A_1451], %gather3A_1444 {strides = array<i32>} : memref<2x10x8x256xf32, #tpu.memory_space<vmem>>, vector<16xf32>,
        %add3A_1453 = arith.addf %add3A_1441, %gather3A_1444 : vector<16xf32>
        %broadcast_in_dim3A_1454 = vector.shape_cast %get3A_1417 : vector<16xi32> to vector<16x1xi32>
        %gather3A_1455 = vector.shape_cast %broadcast_in_dim3A_1454 : vector<16x1xi32> to vector<16xi32>
        %gather3A_1456 = tpu.dynamic_gather %get3A_15[%gather3A_1455] in [0] : vector<16xf32>, vector<16xi32> -> vector<16xf32>
        %swap3A_1457 = arith.constant 1 : i32
        %swap3A_1458 = arith.constant 3 : i32
        %swap3A_1459 = arith.constant 6 : i32
        %swap3A_1460 = arith.index_cast %swap3A_1457 : i32 to index
        %swap3A_1461 = arith.index_cast %swap3A_1458 : i32 to index
        %swap3A_1462 = arith.index_cast %swap3A_1459 : i32 to index
        %swap3A_1463 = arith.index_cast %mul3A_656 : i32 to index
        %swap3A_1464 = tpu.vector_load %arg8[%swap3A_1460, %swap3A_1461, %swap3A_1462, %swap3A_1463] {strides = array<i32>} : memref<2x10x8x256xf32, #tpu.memory_space<vmem>>, vector<16xf32>,
        tpu.vector_store %arg8[%swap3A_1460, %swap3A_1461, %swap3A_1462, %swap3A_1463], %gather3A_1456 {strides = array<i32>} : memref<2x10x8x256xf32, #tpu.memory_space<vmem>>, vector<16xf32>,
        %add3A_1465 = arith.addf %add3A_1453, %gather3A_1456 : vector<16xf32>
        %broadcast_in_dim3A_1466 = vector.shape_cast %get3A_1417 : vector<16xi32> to vector<16x1xi32>
        %gather3A_1467 = vector.shape_cast %broadcast_in_dim3A_1466 : vector<16x1xi32> to vector<16xi32>
        %gather3A_1468 = tpu.dynamic_gather %get3A_19[%gather3A_1467] in [0] : vector<16xf32>, vector<16xi32> -> vector<16xf32>
        %swap3A_1469 = arith.constant 1 : i32
        %swap3A_1470 = arith.constant 4 : i32
        %swap3A_1471 = arith.constant 6 : i32
        %swap3A_1472 = arith.index_cast %swap3A_1469 : i32 to index
        %swap3A_1473 = arith.index_cast %swap3A_1470 : i32 to index
        %swap3A_1474 = arith.index_cast %swap3A_1471 : i32 to index
        %swap3A_1475 = arith.index_cast %mul3A_656 : i32 to index
        %swap3A_1476 = tpu.vector_load %arg8[%swap3A_1472, %swap3A_1473, %swap3A_1474, %swap3A_1475] {strides = array<i32>} : memref<2x10x8x256xf32, #tpu.memory_space<vmem>>, vector<16xf32>,
        tpu.vector_store %arg8[%swap3A_1472, %swap3A_1473, %swap3A_1474, %swap3A_1475], %gather3A_1468 {strides = array<i32>} : memref<2x10x8x256xf32, #tpu.memory_space<vmem>>, vector<16xf32>,
        %add3A_1477 = arith.addf %add3A_1465, %gather3A_1468 : vector<16xf32>
        %broadcast_in_dim3A_1478 = vector.shape_cast %get3A_1417 : vector<16xi32> to vector<16x1xi32>
        %gather3A_1479 = vector.shape_cast %broadcast_in_dim3A_1478 : vector<16x1xi32> to vector<16xi32>
        %gather3A_1480 = tpu.dynamic_gather %get3A_23[%gather3A_1479] in [0] : vector<16xf32>, vector<16xi32> -> vector<16xf32>
        %swap3A_1481 = arith.constant 1 : i32
        %swap3A_1482 = arith.constant 5 : i32
        %swap3A_1483 = arith.constant 6 : i32
        %swap3A_1484 = arith.index_cast %swap3A_1481 : i32 to index
        %swap3A_1485 = arith.index_cast %swap3A_1482 : i32 to index
        %swap3A_1486 = arith.index_cast %swap3A_1483 : i32 to index
        %swap3A_1487 = arith.index_cast %mul3A_656 : i32 to index
        %swap3A_1488 = tpu.vector_load %arg8[%swap3A_1484, %swap3A_1485, %swap3A_1486, %swap3A_1487] {strides = array<i32>} : memref<2x10x8x256xf32, #tpu.memory_space<vmem>>, vector<16xf32>,
        tpu.vector_store %arg8[%swap3A_1484, %swap3A_1485, %swap3A_1486, %swap3A_1487], %gather3A_1480 {strides = array<i32>} : memref<2x10x8x256xf32, #tpu.memory_space<vmem>>, vector<16xf32>,
        %add3A_1489 = arith.addf %add3A_1477, %gather3A_1480 : vector<16xf32>
        %broadcast_in_dim3A_1490 = vector.shape_cast %get3A_1417 : vector<16xi32> to vector<16x1xi32>
        %gather3A_1491 = vector.shape_cast %broadcast_in_dim3A_1490 : vector<16x1xi32> to vector<16xi32>
        %gather3A_1492 = tpu.dynamic_gather %get3A_27[%gather3A_1491] in [0] : vector<16xf32>, vector<16xi32> -> vector<16xf32>
        %swap3A_1493 = arith.constant 1 : i32
        %swap3A_1494 = arith.constant 6 : i32
        %swap3A_1495 = arith.constant 6 : i32
        %swap3A_1496 = arith.index_cast %swap3A_1493 : i32 to index
        %swap3A_1497 = arith.index_cast %swap3A_1494 : i32 to index
        %swap3A_1498 = arith.index_cast %swap3A_1495 : i32 to index
        %swap3A_1499 = arith.index_cast %mul3A_656 : i32 to index
        %swap3A_1500 = tpu.vector_load %arg8[%swap3A_1496, %swap3A_1497, %swap3A_1498, %swap3A_1499] {strides = array<i32>} : memref<2x10x8x256xf32, #tpu.memory_space<vmem>>, vector<16xf32>,
        tpu.vector_store %arg8[%swap3A_1496, %swap3A_1497, %swap3A_1498, %swap3A_1499], %gather3A_1492 {strides = array<i32>} : memref<2x10x8x256xf32, #tpu.memory_space<vmem>>, vector<16xf32>,
        %add3A_1501 = arith.addf %add3A_1489, %gather3A_1492 : vector<16xf32>
        %broadcast_in_dim3A_1502 = vector.shape_cast %get3A_1417 : vector<16xi32> to vector<16x1xi32>
        %gather3A_1503 = vector.shape_cast %broadcast_in_dim3A_1502 : vector<16x1xi32> to vector<16xi32>
        %gather3A_1504 = tpu.dynamic_gather %get3A_31[%gather3A_1503] in [0] : vector<16xf32>, vector<16xi32> -> vector<16xf32>
        %swap3A_1505 = arith.constant 1 : i32
        %swap3A_1506 = arith.constant 7 : i32
        %swap3A_1507 = arith.constant 6 : i32
        %swap3A_1508 = arith.index_cast %swap3A_1505 : i32 to index
        %swap3A_1509 = arith.index_cast %swap3A_1506 : i32 to index
        %swap3A_1510 = arith.index_cast %swap3A_1507 : i32 to index
        %swap3A_1511 = arith.index_cast %mul3A_656 : i32 to index
        %swap3A_1512 = tpu.vector_load %arg8[%swap3A_1508, %swap3A_1509, %swap3A_1510, %swap3A_1511] {strides = array<i32>} : memref<2x10x8x256xf32, #tpu.memory_space<vmem>>, vector<16xf32>,
        tpu.vector_store %arg8[%swap3A_1508, %swap3A_1509, %swap3A_1510, %swap3A_1511], %gather3A_1504 {strides = array<i32>} : memref<2x10x8x256xf32, #tpu.memory_space<vmem>>, vector<16xf32>,
        %add3A_1513 = arith.addf %add3A_1501, %gather3A_1504 : vector<16xf32>
        %broadcast_in_dim3A_1514 = vector.shape_cast %get3A_1417 : vector<16xi32> to vector<16x1xi32>
        %gather3A_1515 = vector.shape_cast %broadcast_in_dim3A_1514 : vector<16x1xi32> to vector<16xi32>
        %gather3A_1516 = tpu.dynamic_gather %get3A_35[%gather3A_1515] in [0] : vector<16xf32>, vector<16xi32> -> vector<16xf32>
        %swap3A_1517 = arith.constant 1 : i32
        %swap3A_1518 = arith.constant 8 : i32
        %swap3A_1519 = arith.constant 6 : i32
        %swap3A_1520 = arith.index_cast %swap3A_1517 : i32 to index
        %swap3A_1521 = arith.index_cast %swap3A_1518 : i32 to index
        %swap3A_1522 = arith.index_cast %swap3A_1519 : i32 to index
        %swap3A_1523 = arith.index_cast %mul3A_656 : i32 to index
        %swap3A_1524 = tpu.vector_load %arg8[%swap3A_1520, %swap3A_1521, %swap3A_1522, %swap3A_1523] {strides = array<i32>} : memref<2x10x8x256xf32, #tpu.memory_space<vmem>>, vector<16xf32>,
        tpu.vector_store %arg8[%swap3A_1520, %swap3A_1521, %swap3A_1522, %swap3A_1523], %gather3A_1516 {strides = array<i32>} : memref<2x10x8x256xf32, #tpu.memory_space<vmem>>, vector<16xf32>,
        %add3A_1525 = arith.addf %add3A_1513, %gather3A_1516 : vector<16xf32>
        %broadcast_in_dim3A_1526 = vector.shape_cast %get3A_1417 : vector<16xi32> to vector<16x1xi32>
        %gather3A_1527 = vector.shape_cast %broadcast_in_dim3A_1526 : vector<16x1xi32> to vector<16xi32>
        %gather3A_1528 = tpu.dynamic_gather %get3A_39[%gather3A_1527] in [0] : vector<16xf32>, vector<16xi32> -> vector<16xf32>
        %swap3A_1529 = arith.constant 1 : i32
        %swap3A_1530 = arith.constant 9 : i32
        %swap3A_1531 = arith.constant 6 : i32
        %swap3A_1532 = arith.index_cast %swap3A_1529 : i32 to index
        %swap3A_1533 = arith.index_cast %swap3A_1530 : i32 to index
        %swap3A_1534 = arith.index_cast %swap3A_1531 : i32 to index
        %swap3A_1535 = arith.index_cast %mul3A_656 : i32 to index
        %swap3A_1536 = tpu.vector_load %arg8[%swap3A_1532, %swap3A_1533, %swap3A_1534, %swap3A_1535] {strides = array<i32>} : memref<2x10x8x256xf32, #tpu.memory_space<vmem>>, vector<16xf32>,
        tpu.vector_store %arg8[%swap3A_1532, %swap3A_1533, %swap3A_1534, %swap3A_1535], %gather3A_1528 {strides = array<i32>} : memref<2x10x8x256xf32, #tpu.memory_space<vmem>>, vector<16xf32>,
        %add3A_1537 = arith.addf %add3A_1525, %gather3A_1528 : vector<16xf32>
        %get3A_1538 = arith.constant 1 : i32
        %get3A_1539 = arith.constant 7 : i32
        %get3A_1540 = arith.index_cast %get3A_1538 : i32 to index
        %get3A_1541 = arith.index_cast %get3A_1539 : i32 to index
        %get3A_1542 = arith.index_cast %mul3A_656 : i32 to index
        %get3A_1543 = tpu.vector_load %arg7[%get3A_1540, %get3A_1541, %get3A_1542] {strides = array<i32>} : memref<2x8x256xi32, #tpu.memory_space<vmem>>, vector<16xi32>,
        %broadcast_in_dim3A_1544 = vector.shape_cast %get3A_1543 : vector<16xi32> to vector<16x1xi32>
        %gather3A_1545 = vector.shape_cast %broadcast_in_dim3A_1544 : vector<16x1xi32> to vector<16xi32>
        %gather3A_1546 = tpu.dynamic_gather %get3A_3[%gather3A_1545] in [0] : vector<16xf32>, vector<16xi32> -> vector<16xf32>
        %swap3A_1547 = arith.constant 1 : i32
        %swap3A_1548 = arith.constant 0 : i32
        %swap3A_1549 = arith.constant 7 : i32
        %swap3A_1550 = arith.index_cast %swap3A_1547 : i32 to index
        %swap3A_1551 = arith.index_cast %swap3A_1548 : i32 to index
        %swap3A_1552 = arith.index_cast %swap3A_1549 : i32 to index
        %swap3A_1553 = arith.index_cast %mul3A_656 : i32 to index
        %swap3A_1554 = tpu.vector_load %arg8[%swap3A_1550, %swap3A_1551, %swap3A_1552, %swap3A_1553] {strides = array<i32>} : memref<2x10x8x256xf32, #tpu.memory_space<vmem>>, vector<16xf32>,
        tpu.vector_store %arg8[%swap3A_1550, %swap3A_1551, %swap3A_1552, %swap3A_1553], %gather3A_1546 {strides = array<i32>} : memref<2x10x8x256xf32, #tpu.memory_space<vmem>>, vector<16xf32>,
        %add3A_1555 = arith.addf %add3A_1537, %gather3A_1546 : vector<16xf32>
        %broadcast_in_dim3A_1556 = vector.shape_cast %get3A_1543 : vector<16xi32> to vector<16x1xi32>
        %gather3A_1557 = vector.shape_cast %broadcast_in_dim3A_1556 : vector<16x1xi32> to vector<16xi32>
        %gather3A_1558 = tpu.dynamic_gather %get3A_7[%gather3A_1557] in [0] : vector<16xf32>, vector<16xi32> -> vector<16xf32>
        %swap3A_1559 = arith.constant 1 : i32
        %swap3A_1560 = arith.constant 1 : i32
        %swap3A_1561 = arith.constant 7 : i32
        %swap3A_1562 = arith.index_cast %swap3A_1559 : i32 to index
        %swap3A_1563 = arith.index_cast %swap3A_1560 : i32 to index
        %swap3A_1564 = arith.index_cast %swap3A_1561 : i32 to index
        %swap3A_1565 = arith.index_cast %mul3A_656 : i32 to index
        %swap3A_1566 = tpu.vector_load %arg8[%swap3A_1562, %swap3A_1563, %swap3A_1564, %swap3A_1565] {strides = array<i32>} : memref<2x10x8x256xf32, #tpu.memory_space<vmem>>, vector<16xf32>,
        tpu.vector_store %arg8[%swap3A_1562, %swap3A_1563, %swap3A_1564, %swap3A_1565], %gather3A_1558 {strides = array<i32>} : memref<2x10x8x256xf32, #tpu.memory_space<vmem>>, vector<16xf32>,
        %add3A_1567 = arith.addf %add3A_1555, %gather3A_1558 : vector<16xf32>
        %broadcast_in_dim3A_1568 = vector.shape_cast %get3A_1543 : vector<16xi32> to vector<16x1xi32>
        %gather3A_1569 = vector.shape_cast %broadcast_in_dim3A_1568 : vector<16x1xi32> to vector<16xi32>
        %gather3A_1570 = tpu.dynamic_gather %get3A_11[%gather3A_1569] in [0] : vector<16xf32>, vector<16xi32> -> vector<16xf32>
        %swap3A_1571 = arith.constant 1 : i32
        %swap3A_1572 = arith.constant 2 : i32
        %swap3A_1573 = arith.constant 7 : i32
        %swap3A_1574 = arith.index_cast %swap3A_1571 : i32 to index
        %swap3A_1575 = arith.index_cast %swap3A_1572 : i32 to index
        %swap3A_1576 = arith.index_cast %swap3A_1573 : i32 to index
        %swap3A_1577 = arith.index_cast %mul3A_656 : i32 to index
        %swap3A_1578 = tpu.vector_load %arg8[%swap3A_1574, %swap3A_1575, %swap3A_1576, %swap3A_1577] {strides = array<i32>} : memref<2x10x8x256xf32, #tpu.memory_space<vmem>>, vector<16xf32>,
        tpu.vector_store %arg8[%swap3A_1574, %swap3A_1575, %swap3A_1576, %swap3A_1577], %gather3A_1570 {strides = array<i32>} : memref<2x10x8x256xf32, #tpu.memory_space<vmem>>, vector<16xf32>,
        %add3A_1579 = arith.addf %add3A_1567, %gather3A_1570 : vector<16xf32>
        %broadcast_in_dim3A_1580 = vector.shape_cast %get3A_1543 : vector<16xi32> to vector<16x1xi32>
        %gather3A_1581 = vector.shape_cast %broadcast_in_dim3A_1580 : vector<16x1xi32> to vector<16xi32>
        %gather3A_1582 = tpu.dynamic_gather %get3A_15[%gather3A_1581] in [0] : vector<16xf32>, vector<16xi32> -> vector<16xf32>
        %swap3A_1583 = arith.constant 1 : i32
        %swap3A_1584 = arith.constant 3 : i32
        %swap3A_1585 = arith.constant 7 : i32
        %swap3A_1586 = arith.index_cast %swap3A_1583 : i32 to index
        %swap3A_1587 = arith.index_cast %swap3A_1584 : i32 to index
        %swap3A_1588 = arith.index_cast %swap3A_1585 : i32 to index
        %swap3A_1589 = arith.index_cast %mul3A_656 : i32 to index
        %swap3A_1590 = tpu.vector_load %arg8[%swap3A_1586, %swap3A_1587, %swap3A_1588, %swap3A_1589] {strides = array<i32>} : memref<2x10x8x256xf32, #tpu.memory_space<vmem>>, vector<16xf32>,
        tpu.vector_store %arg8[%swap3A_1586, %swap3A_1587, %swap3A_1588, %swap3A_1589], %gather3A_1582 {strides = array<i32>} : memref<2x10x8x256xf32, #tpu.memory_space<vmem>>, vector<16xf32>,
        %add3A_1591 = arith.addf %add3A_1579, %gather3A_1582 : vector<16xf32>
        %broadcast_in_dim3A_1592 = vector.shape_cast %get3A_1543 : vector<16xi32> to vector<16x1xi32>
        %gather3A_1593 = vector.shape_cast %broadcast_in_dim3A_1592 : vector<16x1xi32> to vector<16xi32>
        %gather3A_1594 = tpu.dynamic_gather %get3A_19[%gather3A_1593] in [0] : vector<16xf32>, vector<16xi32> -> vector<16xf32>
        %swap3A_1595 = arith.constant 1 : i32
        %swap3A_1596 = arith.constant 4 : i32
        %swap3A_1597 = arith.constant 7 : i32
        %swap3A_1598 = arith.index_cast %swap3A_1595 : i32 to index
        %swap3A_1599 = arith.index_cast %swap3A_1596 : i32 to index
        %swap3A_1600 = arith.index_cast %swap3A_1597 : i32 to index
        %swap3A_1601 = arith.index_cast %mul3A_656 : i32 to index
        %swap3A_1602 = tpu.vector_load %arg8[%swap3A_1598, %swap3A_1599, %swap3A_1600, %swap3A_1601] {strides = array<i32>} : memref<2x10x8x256xf32, #tpu.memory_space<vmem>>, vector<16xf32>,
        tpu.vector_store %arg8[%swap3A_1598, %swap3A_1599, %swap3A_1600, %swap3A_1601], %gather3A_1594 {strides = array<i32>} : memref<2x10x8x256xf32, #tpu.memory_space<vmem>>, vector<16xf32>,
        %add3A_1603 = arith.addf %add3A_1591, %gather3A_1594 : vector<16xf32>
        %broadcast_in_dim3A_1604 = vector.shape_cast %get3A_1543 : vector<16xi32> to vector<16x1xi32>
        %gather3A_1605 = vector.shape_cast %broadcast_in_dim3A_1604 : vector<16x1xi32> to vector<16xi32>
        %gather3A_1606 = tpu.dynamic_gather %get3A_23[%gather3A_1605] in [0] : vector<16xf32>, vector<16xi32> -> vector<16xf32>
        %swap3A_1607 = arith.constant 1 : i32
        %swap3A_1608 = arith.constant 5 : i32
        %swap3A_1609 = arith.constant 7 : i32
        %swap3A_1610 = arith.index_cast %swap3A_1607 : i32 to index
        %swap3A_1611 = arith.index_cast %swap3A_1608 : i32 to index
        %swap3A_1612 = arith.index_cast %swap3A_1609 : i32 to index
        %swap3A_1613 = arith.index_cast %mul3A_656 : i32 to index
        %swap3A_1614 = tpu.vector_load %arg8[%swap3A_1610, %swap3A_1611, %swap3A_1612, %swap3A_1613] {strides = array<i32>} : memref<2x10x8x256xf32, #tpu.memory_space<vmem>>, vector<16xf32>,
        tpu.vector_store %arg8[%swap3A_1610, %swap3A_1611, %swap3A_1612, %swap3A_1613], %gather3A_1606 {strides = array<i32>} : memref<2x10x8x256xf32, #tpu.memory_space<vmem>>, vector<16xf32>,
        %add3A_1615 = arith.addf %add3A_1603, %gather3A_1606 : vector<16xf32>
        %broadcast_in_dim3A_1616 = vector.shape_cast %get3A_1543 : vector<16xi32> to vector<16x1xi32>
        %gather3A_1617 = vector.shape_cast %broadcast_in_dim3A_1616 : vector<16x1xi32> to vector<16xi32>
        %gather3A_1618 = tpu.dynamic_gather %get3A_27[%gather3A_1617] in [0] : vector<16xf32>, vector<16xi32> -> vector<16xf32>
        %swap3A_1619 = arith.constant 1 : i32
        %swap3A_1620 = arith.constant 6 : i32
        %swap3A_1621 = arith.constant 7 : i32
        %swap3A_1622 = arith.index_cast %swap3A_1619 : i32 to index
        %swap3A_1623 = arith.index_cast %swap3A_1620 : i32 to index
        %swap3A_1624 = arith.index_cast %swap3A_1621 : i32 to index
        %swap3A_1625 = arith.index_cast %mul3A_656 : i32 to index
        %swap3A_1626 = tpu.vector_load %arg8[%swap3A_1622, %swap3A_1623, %swap3A_1624, %swap3A_1625] {strides = array<i32>} : memref<2x10x8x256xf32, #tpu.memory_space<vmem>>, vector<16xf32>,
        tpu.vector_store %arg8[%swap3A_1622, %swap3A_1623, %swap3A_1624, %swap3A_1625], %gather3A_1618 {strides = array<i32>} : memref<2x10x8x256xf32, #tpu.memory_space<vmem>>, vector<16xf32>,
        %add3A_1627 = arith.addf %add3A_1615, %gather3A_1618 : vector<16xf32>
        %broadcast_in_dim3A_1628 = vector.shape_cast %get3A_1543 : vector<16xi32> to vector<16x1xi32>
        %gather3A_1629 = vector.shape_cast %broadcast_in_dim3A_1628 : vector<16x1xi32> to vector<16xi32>
        %gather3A_1630 = tpu.dynamic_gather %get3A_31[%gather3A_1629] in [0] : vector<16xf32>, vector<16xi32> -> vector<16xf32>
        %swap3A_1631 = arith.constant 1 : i32
        %swap3A_1632 = arith.constant 7 : i32
        %swap3A_1633 = arith.constant 7 : i32
        %swap3A_1634 = arith.index_cast %swap3A_1631 : i32 to index
        %swap3A_1635 = arith.index_cast %swap3A_1632 : i32 to index
        %swap3A_1636 = arith.index_cast %swap3A_1633 : i32 to index
        %swap3A_1637 = arith.index_cast %mul3A_656 : i32 to index
        %swap3A_1638 = tpu.vector_load %arg8[%swap3A_1634, %swap3A_1635, %swap3A_1636, %swap3A_1637] {strides = array<i32>} : memref<2x10x8x256xf32, #tpu.memory_space<vmem>>, vector<16xf32>,
        tpu.vector_store %arg8[%swap3A_1634, %swap3A_1635, %swap3A_1636, %swap3A_1637], %gather3A_1630 {strides = array<i32>} : memref<2x10x8x256xf32, #tpu.memory_space<vmem>>, vector<16xf32>,
        %add3A_1639 = arith.addf %add3A_1627, %gather3A_1630 : vector<16xf32>
        %broadcast_in_dim3A_1640 = vector.shape_cast %get3A_1543 : vector<16xi32> to vector<16x1xi32>
        %gather3A_1641 = vector.shape_cast %broadcast_in_dim3A_1640 : vector<16x1xi32> to vector<16xi32>
        %gather3A_1642 = tpu.dynamic_gather %get3A_35[%gather3A_1641] in [0] : vector<16xf32>, vector<16xi32> -> vector<16xf32>
        %swap3A_1643 = arith.constant 1 : i32
        %swap3A_1644 = arith.constant 8 : i32
        %swap3A_1645 = arith.constant 7 : i32
        %swap3A_1646 = arith.index_cast %swap3A_1643 : i32 to index
        %swap3A_1647 = arith.index_cast %swap3A_1644 : i32 to index
        %swap3A_1648 = arith.index_cast %swap3A_1645 : i32 to index
        %swap3A_1649 = arith.index_cast %mul3A_656 : i32 to index
        %swap3A_1650 = tpu.vector_load %arg8[%swap3A_1646, %swap3A_1647, %swap3A_1648, %swap3A_1649] {strides = array<i32>} : memref<2x10x8x256xf32, #tpu.memory_space<vmem>>, vector<16xf32>,
        tpu.vector_store %arg8[%swap3A_1646, %swap3A_1647, %swap3A_1648, %swap3A_1649], %gather3A_1642 {strides = array<i32>} : memref<2x10x8x256xf32, #tpu.memory_space<vmem>>, vector<16xf32>,
        %add3A_1651 = arith.addf %add3A_1639, %gather3A_1642 : vector<16xf32>
        %broadcast_in_dim3A_1652 = vector.shape_cast %get3A_1543 : vector<16xi32> to vector<16x1xi32>
        %gather3A_1653 = vector.shape_cast %broadcast_in_dim3A_1652 : vector<16x1xi32> to vector<16xi32>
        %gather3A_1654 = tpu.dynamic_gather %get3A_39[%gather3A_1653] in [0] : vector<16xf32>, vector<16xi32> -> vector<16xf32>
        %swap3A_1655 = arith.constant 1 : i32
        %swap3A_1656 = arith.constant 9 : i32
        %swap3A_1657 = arith.constant 7 : i32
        %swap3A_1658 = arith.index_cast %swap3A_1655 : i32 to index
        %swap3A_1659 = arith.index_cast %swap3A_1656 : i32 to index
        %swap3A_1660 = arith.index_cast %swap3A_1657 : i32 to index
        %swap3A_1661 = arith.index_cast %mul3A_656 : i32 to index
        %swap3A_1662 = tpu.vector_load %arg8[%swap3A_1658, %swap3A_1659, %swap3A_1660, %swap3A_1661] {strides = array<i32>} : memref<2x10x8x256xf32, #tpu.memory_space<vmem>>, vector<16xf32>,
        tpu.vector_store %arg8[%swap3A_1658, %swap3A_1659, %swap3A_1660, %swap3A_1661], %gather3A_1654 {strides = array<i32>} : memref<2x10x8x256xf32, #tpu.memory_space<vmem>>, vector<16xf32>,
        %add3A_1663 = arith.addf %add3A_1651, %gather3A_1654 : vector<16xf32>
        scf.yield %add3A_1663 : vector<16xf32>
      }
      %scan3A_592 = arith.constant 16 : i32
      %add3A_593 = arith.addi %mul3A_41, %add3A_465 : i32
      %jit3A_594 = arith.constant 64 : i32
      %div3A_595 = arith.divsi %add3A_593, %jit3A_594 : i32
      %sign3A_596 = arith.constant 0 : i32
      %sign3A_597 = arith.cmpi sgt, %add3A_593, %sign3A_596 : i32
      %sign3A_598 = arith.extui %sign3A_597 : i1 to i32
      %sign3A_599 = arith.constant 0 : i32
      %sign3A_600 = arith.cmpi slt, %add3A_593, %sign3A_599 : i32
      %sign3A_601 = arith.extui %sign3A_600 : i1 to i32
      %sign3A_602 = arith.subi %sign3A_598, %sign3A_601 : i32
      %sign3A_603 = arith.constant 0 : i32
      %sign3A_604 = arith.cmpi sgt, %jit3A_594, %sign3A_603 : i32
      %sign3A_605 = arith.extui %sign3A_604 : i1 to i32
      %sign3A_606 = arith.constant 0 : i32
      %sign3A_607 = arith.cmpi slt, %jit3A_594, %sign3A_606 : i32
      %sign3A_608 = arith.extui %sign3A_607 : i1 to i32
      %sign3A_609 = arith.subi %sign3A_605, %sign3A_608 : i32
      %ne3A_610 = arith.cmpi ne, %sign3A_602, %sign3A_609 : i32
      %rem3A_611 = arith.remsi %add3A_593, %jit3A_594 : i32
      %ne3A_612 = arith.constant 0 : i32
      %ne3A_613 = arith.cmpi ne, %rem3A_611, %ne3A_612 : i32
      %and3A_614 = arith.andi %ne3A_610, %ne3A_613 : i1
      %sub3A_615 = arith.constant 1 : i32
      %sub3A_616 = arith.subi %div3A_595, %sub3A_615 : i32
      %select_n3A_617 = arith.select %and3A_614, %sub3A_616, %div3A_595 : i32
      %mul3A_618 = arith.constant 8 : i32
      %mul3A_619 = arith.muli %select_n3A_617, %mul3A_618 : i32
      %jit3A_620 = arith.constant 64 : i32
      %eq3A_621 = arith.constant 0 : i32
      %eq3A_622 = arith.cmpi eq, %jit3A_620, %eq3A_621 : i32
      %jit3A_623 = arith.constant 1 : i32
      %select_n3A_624 = arith.select %eq3A_622, %jit3A_623, %jit3A_620 : i32
      %rem3A_625 = arith.remsi %add3A_593, %select_n3A_624 : i32
      %ne3A_626 = arith.constant 0 : i32
      %ne3A_627 = arith.cmpi ne, %rem3A_625, %ne3A_626 : i32
      %lt3A_628 = arith.constant 0 : i32
      %lt3A_629 = arith.cmpi slt, %rem3A_625, %lt3A_628 : i32
      %lt3A_630 = arith.constant 0 : i32
      %lt3A_631 = arith.cmpi slt, %select_n3A_624, %lt3A_630 : i32
      %ne3A_632 = arith.xori %lt3A_629, %lt3A_631 : i1
      %and3A_633 = arith.andi %ne3A_632, %ne3A_627 : i1
      %add3A_634 = arith.addi %rem3A_625, %select_n3A_624 : i32
      %select_n3A_635 = arith.select %and3A_633, %add3A_634, %rem3A_625 : i32
      %mul3A_636 = arith.constant 256 : i32
      %mul3A_637 = arith.muli %select_n3A_635, %mul3A_636 : i32
      %dma_start3A_638 = arith.constant 1 : i32
      %dma_start3A_639 = arith.constant 0 : i32
      %dma_start3A_640 = arith.constant 0 : i32
      %dma_start3A_641 = arith.constant 0 : i32
      %dma_start3A_642 = tpu.memref_slice %arg8[%dma_start3A_638, %dma_start3A_639, %dma_start3A_640, %dma_start3A_641] : memref<2x10x8x256xf32, #tpu.memory_space<vmem>> -> memref<1x10x8x256xf32, #tpu.memory_space<vmem>>
      %dma_start3A_643 = tpu.memref_squeeze %dma_start3A_642 : memref<1x10x8x256xf32, #tpu.memory_space<vmem>> -> memref<10x8x256xf32, #tpu.memory_space<vmem>>
      %dma_start3A_644 = arith.constant 0 : i32
      %dma_start3A_645 = tpu.memref_slice %arg4[%dma_start3A_644, %mul3A_619, %mul3A_637] : memref<10x200x16384xf32, #tpu.memory_space<hbm>> -> memref<10x8x256xf32, #tpu.memory_space<hbm>>
      %dma_start3A_646 = arith.constant 0 : i32
      %dma_start3A_647 = tpu.memref_slice %arg4[%dma_start3A_646, %mul3A_619, %mul3A_637] : memref<10x200x16384xf32, #tpu.memory_space<hbm>> -> memref<10x8x256xf32, #tpu.memory_space<hbm>>
      %dma_start3A_648 = arith.constant 0 : i32
      %dma_start3A_649 = arith.constant 0 : i32
      %dma_start3A_650 = arith.constant 0 : i32
      %dma_start3A_651 = tpu.memref_slice %arg8[%dma_start3A_638, %dma_start3A_648, %dma_start3A_649, %dma_start3A_650] : memref<2x10x8x256xf32, #tpu.memory_space<vmem>> -> memref<1x10x8x256xf32, #tpu.memory_space<vmem>>
      %dma_start3A_652 = tpu.memref_squeeze %dma_start3A_651 : memref<1x10x8x256xf32, #tpu.memory_space<vmem>> -> memref<10x8x256xf32, #tpu.memory_space<vmem>>
      tpu.enqueue_dma source(%dma_start3A_652 : memref<10x8x256xf32, #tpu.memory_space<vmem>>) target(%dma_start3A_647 : memref<10x8x256xf32, #tpu.memory_space<hbm>>) target_semaphore(%arg13 : memref<!tpu.dma_semaphore, #tpu.memory_space<semaphore_mem>>)
      scf.yield %scan3A_591 : vector<16xf32>
    }
    %scan3A_93 = arith.constant 25 : i32
    %add3A_94 = arith.constant 48 : i32
    %add3A_95 = arith.addi %mul3A_41, %add3A_94 : i32
    %jit3A_96 = arith.constant 64 : i32
    %div3A_97 = arith.divsi %add3A_95, %jit3A_96 : i32
    %sign3A_98 = arith.constant 0 : i32
    %sign3A_99 = arith.cmpi sgt, %add3A_95, %sign3A_98 : i32
    %sign3A_100 = arith.extui %sign3A_99 : i1 to i32
    %sign3A_101 = arith.constant 0 : i32
    %sign3A_102 = arith.cmpi slt, %add3A_95, %sign3A_101 : i32
    %sign3A_103 = arith.extui %sign3A_102 : i1 to i32
    %sign3A_104 = arith.subi %sign3A_100, %sign3A_103 : i32
    %sign3A_105 = arith.constant 0 : i32
    %sign3A_106 = arith.cmpi sgt, %jit3A_96, %sign3A_105 : i32
    %sign3A_107 = arith.extui %sign3A_106 : i1 to i32
    %sign3A_108 = arith.constant 0 : i32
    %sign3A_109 = arith.cmpi slt, %jit3A_96, %sign3A_108 : i32
    %sign3A_110 = arith.extui %sign3A_109 : i1 to i32
    %sign3A_111 = arith.subi %sign3A_107, %sign3A_110 : i32
    %ne3A_112 = arith.cmpi ne, %sign3A_104, %sign3A_111 : i32
    %rem3A_113 = arith.remsi %add3A_95, %jit3A_96 : i32
    %ne3A_114 = arith.constant 0 : i32
    %ne3A_115 = arith.cmpi ne, %rem3A_113, %ne3A_114 : i32
    %and3A_116 = arith.andi %ne3A_112, %ne3A_115 : i1
    %sub3A_117 = arith.constant 1 : i32
    %sub3A_118 = arith.subi %div3A_97, %sub3A_117 : i32
    %select_n3A_119 = arith.select %and3A_116, %sub3A_118, %div3A_97 : i32
    %mul3A_120 = arith.constant 8 : i32
    %mul3A_121 = arith.muli %select_n3A_119, %mul3A_120 : i32
    %jit3A_122 = arith.constant 64 : i32
    %eq3A_123 = arith.constant 0 : i32
    %eq3A_124 = arith.cmpi eq, %jit3A_122, %eq3A_123 : i32
    %jit3A_125 = arith.constant 1 : i32
    %select_n3A_126 = arith.select %eq3A_124, %jit3A_125, %jit3A_122 : i32
    %rem3A_127 = arith.remsi %add3A_95, %select_n3A_126 : i32
    %ne3A_128 = arith.constant 0 : i32
    %ne3A_129 = arith.cmpi ne, %rem3A_127, %ne3A_128 : i32
    %lt3A_130 = arith.constant 0 : i32
    %lt3A_131 = arith.cmpi slt, %rem3A_127, %lt3A_130 : i32
    %lt3A_132 = arith.constant 0 : i32
    %lt3A_133 = arith.cmpi slt, %select_n3A_126, %lt3A_132 : i32
    %ne3A_134 = arith.xori %lt3A_131, %lt3A_133 : i1
    %and3A_135 = arith.andi %ne3A_134, %ne3A_129 : i1
    %add3A_136 = arith.addi %rem3A_127, %select_n3A_126 : i32
    %select_n3A_137 = arith.select %and3A_135, %add3A_136, %rem3A_127 : i32
    %mul3A_138 = arith.constant 256 : i32
    %mul3A_139 = arith.muli %select_n3A_137, %mul3A_138 : i32
    %dma_wait3A = arith.constant 0 : i32
    %dma_wait3A_140 = arith.constant 0 : i32
    %dma_wait3A_141 = arith.constant 0 : i32
    %dma_wait3A_142 = arith.constant 0 : i32
    %dma_wait3A_143 = tpu.memref_slice %arg8[%dma_wait3A, %dma_wait3A_140, %dma_wait3A_141, %dma_wait3A_142] : memref<2x10x8x256xf32, #tpu.memory_space<vmem>> -> memref<1x10x8x256xf32, #tpu.memory_space<vmem>>
    %dma_wait3A_144 = tpu.memref_squeeze %dma_wait3A_143 : memref<1x10x8x256xf32, #tpu.memory_space<vmem>> -> memref<10x8x256xf32, #tpu.memory_space<vmem>>
    %dma_wait3A_145 = arith.constant 0 : i32
    %dma_wait3A_146 = tpu.memref_slice %arg4[%dma_wait3A_145, %mul3A_121, %mul3A_139] : memref<10x200x16384xf32, #tpu.memory_space<hbm>> -> memref<10x8x256xf32, #tpu.memory_space<hbm>>
    %dma_wait3A_147 = arith.constant 0 : i32
    %dma_wait3A_148 = tpu.memref_slice %arg4[%dma_wait3A_147, %mul3A_121, %mul3A_139] : memref<10x200x16384xf32, #tpu.memory_space<hbm>> -> memref<10x8x256xf32, #tpu.memory_space<hbm>>
    %dma_wait3A_149 = arith.constant 0 : i32
    %dma_wait3A_150 = arith.constant 0 : i32
    %dma_wait3A_151 = arith.constant 0 : i32
    %dma_wait3A_152 = tpu.memref_slice %arg8[%dma_wait3A, %dma_wait3A_149, %dma_wait3A_150, %dma_wait3A_151] : memref<2x10x8x256xf32, #tpu.memory_space<vmem>> -> memref<1x10x8x256xf32, #tpu.memory_space<vmem>>
    %dma_wait3A_153 = tpu.memref_squeeze %dma_wait3A_152 : memref<1x10x8x256xf32, #tpu.memory_space<vmem>> -> memref<10x8x256xf32, #tpu.memory_space<vmem>>
    tpu.wait_dma2 semaphore(%arg12 : memref<!tpu.dma_semaphore, #tpu.memory_space<semaphore_mem>>) src(%dma_wait3A_153 : memref<10x8x256xf32, #tpu.memory_space<vmem>>) dst(%dma_wait3A_148 : memref<10x8x256xf32, #tpu.memory_space<hbm>>)
    %add3A_154 = arith.constant 49 : i32
    %add3A_155 = arith.addi %mul3A_41, %add3A_154 : i32
    %jit3A_156 = arith.constant 64 : i32
    %div3A_157 = arith.divsi %add3A_155, %jit3A_156 : i32
    %sign3A_158 = arith.constant 0 : i32
    %sign3A_159 = arith.cmpi sgt, %add3A_155, %sign3A_158 : i32
    %sign3A_160 = arith.extui %sign3A_159 : i1 to i32
    %sign3A_161 = arith.constant 0 : i32
    %sign3A_162 = arith.cmpi slt, %add3A_155, %sign3A_161 : i32
    %sign3A_163 = arith.extui %sign3A_162 : i1 to i32
    %sign3A_164 = arith.subi %sign3A_160, %sign3A_163 : i32
    %sign3A_165 = arith.constant 0 : i32
    %sign3A_166 = arith.cmpi sgt, %jit3A_156, %sign3A_165 : i32
    %sign3A_167 = arith.extui %sign3A_166 : i1 to i32
    %sign3A_168 = arith.constant 0 : i32
    %sign3A_169 = arith.cmpi slt, %jit3A_156, %sign3A_168 : i32
    %sign3A_170 = arith.extui %sign3A_169 : i1 to i32
    %sign3A_171 = arith.subi %sign3A_167, %sign3A_170 : i32
    %ne3A_172 = arith.cmpi ne, %sign3A_164, %sign3A_171 : i32
    %rem3A_173 = arith.remsi %add3A_155, %jit3A_156 : i32
    %ne3A_174 = arith.constant 0 : i32
    %ne3A_175 = arith.cmpi ne, %rem3A_173, %ne3A_174 : i32
    %and3A_176 = arith.andi %ne3A_172, %ne3A_175 : i1
    %sub3A_177 = arith.constant 1 : i32
    %sub3A_178 = arith.subi %div3A_157, %sub3A_177 : i32
    %select_n3A_179 = arith.select %and3A_176, %sub3A_178, %div3A_157 : i32
    %mul3A_180 = arith.constant 8 : i32
    %mul3A_181 = arith.muli %select_n3A_179, %mul3A_180 : i32
    %jit3A_182 = arith.constant 64 : i32
    %eq3A_183 = arith.constant 0 : i32
    %eq3A_184 = arith.cmpi eq, %jit3A_182, %eq3A_183 : i32
    %jit3A_185 = arith.constant 1 : i32
    %select_n3A_186 = arith.select %eq3A_184, %jit3A_185, %jit3A_182 : i32
    %rem3A_187 = arith.remsi %add3A_155, %select_n3A_186 : i32
    %ne3A_188 = arith.constant 0 : i32
    %ne3A_189 = arith.cmpi ne, %rem3A_187, %ne3A_188 : i32
    %lt3A_190 = arith.constant 0 : i32
    %lt3A_191 = arith.cmpi slt, %rem3A_187, %lt3A_190 : i32
    %lt3A_192 = arith.constant 0 : i32
    %lt3A_193 = arith.cmpi slt, %select_n3A_186, %lt3A_192 : i32
    %ne3A_194 = arith.xori %lt3A_191, %lt3A_193 : i1
    %and3A_195 = arith.andi %ne3A_194, %ne3A_189 : i1
    %add3A_196 = arith.addi %rem3A_187, %select_n3A_186 : i32
    %select_n3A_197 = arith.select %and3A_195, %add3A_196, %rem3A_187 : i32
    %mul3A_198 = arith.constant 256 : i32
    %mul3A_199 = arith.muli %select_n3A_197, %mul3A_198 : i32
    %dma_wait3A_200 = arith.constant 1 : i32
    %dma_wait3A_201 = arith.constant 0 : i32
    %dma_wait3A_202 = arith.constant 0 : i32
    %dma_wait3A_203 = arith.constant 0 : i32
    %dma_wait3A_204 = tpu.memref_slice %arg8[%dma_wait3A_200, %dma_wait3A_201, %dma_wait3A_202, %dma_wait3A_203] : memref<2x10x8x256xf32, #tpu.memory_space<vmem>> -> memref<1x10x8x256xf32, #tpu.memory_space<vmem>>
    %dma_wait3A_205 = tpu.memref_squeeze %dma_wait3A_204 : memref<1x10x8x256xf32, #tpu.memory_space<vmem>> -> memref<10x8x256xf32, #tpu.memory_space<vmem>>
    %dma_wait3A_206 = arith.constant 0 : i32
    %dma_wait3A_207 = tpu.memref_slice %arg4[%dma_wait3A_206, %mul3A_181, %mul3A_199] : memref<10x200x16384xf32, #tpu.memory_space<hbm>> -> memref<10x8x256xf32, #tpu.memory_space<hbm>>
    %dma_wait3A_208 = arith.constant 0 : i32
    %dma_wait3A_209 = tpu.memref_slice %arg4[%dma_wait3A_208, %mul3A_181, %mul3A_199] : memref<10x200x16384xf32, #tpu.memory_space<hbm>> -> memref<10x8x256xf32, #tpu.memory_space<hbm>>
    %dma_wait3A_210 = arith.constant 0 : i32
    %dma_wait3A_211 = arith.constant 0 : i32
    %dma_wait3A_212 = arith.constant 0 : i32
    %dma_wait3A_213 = tpu.memref_slice %arg8[%dma_wait3A_200, %dma_wait3A_210, %dma_wait3A_211, %dma_wait3A_212] : memref<2x10x8x256xf32, #tpu.memory_space<vmem>> -> memref<1x10x8x256xf32, #tpu.memory_space<vmem>>
    %dma_wait3A_214 = tpu.memref_squeeze %dma_wait3A_213 : memref<1x10x8x256xf32, #tpu.memory_space<vmem>> -> memref<10x8x256xf32, #tpu.memory_space<vmem>>
    tpu.wait_dma2 semaphore(%arg13 : memref<!tpu.dma_semaphore, #tpu.memory_space<semaphore_mem>>) src(%dma_wait3A_214 : memref<10x8x256xf32, #tpu.memory_space<vmem>>) dst(%dma_wait3A_209 : memref<10x8x256xf32, #tpu.memory_space<hbm>>)
    %add3A_215 = arith.constant 49 : i32
    %add3A_216 = arith.addi %mul3A_41, %add3A_215 : i32
    %jit3A_217 = arith.constant 64 : i32
    %div3A_218 = arith.divsi %add3A_216, %jit3A_217 : i32
    %sign3A_219 = arith.constant 0 : i32
    %sign3A_220 = arith.cmpi sgt, %add3A_216, %sign3A_219 : i32
    %sign3A_221 = arith.extui %sign3A_220 : i1 to i32
    %sign3A_222 = arith.constant 0 : i32
    %sign3A_223 = arith.cmpi slt, %add3A_216, %sign3A_222 : i32
    %sign3A_224 = arith.extui %sign3A_223 : i1 to i32
    %sign3A_225 = arith.subi %sign3A_221, %sign3A_224 : i32
    %sign3A_226 = arith.constant 0 : i32
    %sign3A_227 = arith.cmpi sgt, %jit3A_217, %sign3A_226 : i32
    %sign3A_228 = arith.extui %sign3A_227 : i1 to i32
    %sign3A_229 = arith.constant 0 : i32
    %sign3A_230 = arith.cmpi slt, %jit3A_217, %sign3A_229 : i32
    %sign3A_231 = arith.extui %sign3A_230 : i1 to i32
    %sign3A_232 = arith.subi %sign3A_228, %sign3A_231 : i32
    %ne3A_233 = arith.cmpi ne, %sign3A_225, %sign3A_232 : i32
    %rem3A_234 = arith.remsi %add3A_216, %jit3A_217 : i32
    %ne3A_235 = arith.constant 0 : i32
    %ne3A_236 = arith.cmpi ne, %rem3A_234, %ne3A_235 : i32
    %and3A_237 = arith.andi %ne3A_233, %ne3A_236 : i1
    %sub3A_238 = arith.constant 1 : i32
    %sub3A_239 = arith.subi %div3A_218, %sub3A_238 : i32
    %select_n3A_240 = arith.select %and3A_237, %sub3A_239, %div3A_218 : i32
    %mul3A_241 = arith.constant 8 : i32
    %mul3A_242 = arith.muli %select_n3A_240, %mul3A_241 : i32
    %jit3A_243 = arith.constant 64 : i32
    %eq3A_244 = arith.constant 0 : i32
    %eq3A_245 = arith.cmpi eq, %jit3A_243, %eq3A_244 : i32
    %jit3A_246 = arith.constant 1 : i32
    %select_n3A_247 = arith.select %eq3A_245, %jit3A_246, %jit3A_243 : i32
    %rem3A_248 = arith.remsi %add3A_216, %select_n3A_247 : i32
    %ne3A_249 = arith.constant 0 : i32
    %ne3A_250 = arith.cmpi ne, %rem3A_248, %ne3A_249 : i32
    %lt3A_251 = arith.constant 0 : i32
    %lt3A_252 = arith.cmpi slt, %rem3A_248, %lt3A_251 : i32
    %lt3A_253 = arith.constant 0 : i32
    %lt3A_254 = arith.cmpi slt, %select_n3A_247, %lt3A_253 : i32
    %ne3A_255 = arith.xori %lt3A_252, %lt3A_254 : i1
    %and3A_256 = arith.andi %ne3A_255, %ne3A_250 : i1
    %add3A_257 = arith.addi %rem3A_248, %select_n3A_247 : i32
    %select_n3A_258 = arith.select %and3A_256, %add3A_257, %rem3A_248 : i32
    %mul3A_259 = arith.constant 256 : i32
    %mul3A_260 = arith.muli %select_n3A_258, %mul3A_259 : i32
    %dma_wait3A_261 = arith.constant 0 : i32
    %dma_wait3A_262 = arith.constant 0 : i32
    %dma_wait3A_263 = arith.constant 0 : i32
    %dma_wait3A_264 = tpu.memref_slice %arg7[%dma_wait3A_261, %dma_wait3A_262, %dma_wait3A_263] : memref<2x8x256xi32, #tpu.memory_space<vmem>> -> memref<1x8x256xi32, #tpu.memory_space<vmem>>
    %dma_wait3A_265 = tpu.memref_squeeze %dma_wait3A_264 : memref<1x8x256xi32, #tpu.memory_space<vmem>> -> memref<8x256xi32, #tpu.memory_space<vmem>>
    %dma_wait3A_266 = tpu.memref_slice %arg3[%mul3A_242, %mul3A_260] : memref<200x16384xi32, #tpu.memory_space<hbm>> -> memref<8x256xi32, #tpu.memory_space<hbm>>
    %dma_wait3A_267 = arith.constant 0 : i32
    %dma_wait3A_268 = arith.constant 0 : i32
    %dma_wait3A_269 = tpu.memref_slice %arg7[%dma_wait3A_261, %dma_wait3A_267, %dma_wait3A_268] : memref<2x8x256xi32, #tpu.memory_space<vmem>> -> memref<1x8x256xi32, #tpu.memory_space<vmem>>
    %dma_wait3A_270 = tpu.memref_squeeze %dma_wait3A_269 : memref<1x8x256xi32, #tpu.memory_space<vmem>> -> memref<8x256xi32, #tpu.memory_space<vmem>>
    %dma_wait3A_271 = tpu.memref_slice %arg3[%mul3A_242, %mul3A_260] : memref<200x16384xi32, #tpu.memory_space<hbm>> -> memref<8x256xi32, #tpu.memory_space<hbm>>
    tpu.wait_dma2 semaphore(%arg10 : memref<!tpu.dma_semaphore, #tpu.memory_space<semaphore_mem>>) src(%dma_wait3A_271 : memref<8x256xi32, #tpu.memory_space<hbm>>) dst(%dma_wait3A_270 : memref<8x256xi32, #tpu.memory_space<vmem>>)
    %swap3A = arith.constant 0 : index
    %swap3A_272 = tpu.vector_load %arg9[%swap3A] {strides = array<i32>} : memref<16xf32, #tpu.memory_space<vmem>>, vector<16xf32>,
    tpu.vector_store %arg9[%swap3A], %scan3A_92 {strides = array<i32>} : memref<16xf32, #tpu.memory_space<vmem>>, vector<16xf32>,
    "tpu.region"() ({
      %run_scoped3A = tpu.sem_alloc : memref<!tpu.dma_semaphore, #tpu.memory_space<semaphore_mem>>
      %dma_start3A_273 = arith.constant 0 : i32
      %dma_start3A_274 = tpu.memref_slice %arg5[%add3A, %dma_start3A_273] : memref<32x16xf32, #tpu.memory_space<hbm>> -> memref<1x16xf32, #tpu.memory_space<hbm>>
      %dma_start3A_275 = tpu.memref_squeeze %dma_start3A_274 : memref<1x16xf32, #tpu.memory_space<hbm>> -> memref<16xf32, #tpu.memory_space<hbm>>
      %dma_start3A_276 = arith.constant 0 : i32
      %dma_start3A_277 = tpu.memref_slice %arg5[%add3A, %dma_start3A_276] : memref<32x16xf32, #tpu.memory_space<hbm>> -> memref<1x16xf32, #tpu.memory_space<hbm>>
      %dma_start3A_278 = tpu.memref_squeeze %dma_start3A_277 : memref<1x16xf32, #tpu.memory_space<hbm>> -> memref<16xf32, #tpu.memory_space<hbm>>
      tpu.enqueue_dma source(%arg9 : memref<16xf32, #tpu.memory_space<vmem>>) target(%dma_start3A_278 : memref<16xf32, #tpu.memory_space<hbm>>) target_semaphore(%run_scoped3A : memref<!tpu.dma_semaphore, #tpu.memory_space<semaphore_mem>>)
      %dma_wait3A_279 = arith.constant 0 : i32
      %dma_wait3A_280 = tpu.memref_slice %arg5[%add3A, %dma_wait3A_279] : memref<32x16xf32, #tpu.memory_space<hbm>> -> memref<1x16xf32, #tpu.memory_space<hbm>>
      %dma_wait3A_281 = tpu.memref_squeeze %dma_wait3A_280 : memref<1x16xf32, #tpu.memory_space<hbm>> -> memref<16xf32, #tpu.memory_space<hbm>>
      %dma_wait3A_282 = arith.constant 0 : i32
      %dma_wait3A_283 = tpu.memref_slice %arg5[%add3A, %dma_wait3A_282] : memref<32x16xf32, #tpu.memory_space<hbm>> -> memref<1x16xf32, #tpu.memory_space<hbm>>
      %dma_wait3A_284 = tpu.memref_squeeze %dma_wait3A_283 : memref<1x16xf32, #tpu.memory_space<hbm>> -> memref<16xf32, #tpu.memory_space<hbm>>
      tpu.wait_dma2 semaphore(%run_scoped3A : memref<!tpu.dma_semaphore, #tpu.memory_space<semaphore_mem>>) src(%arg9 : memref<16xf32, #tpu.memory_space<vmem>>) dst(%dma_wait3A_284 : memref<16xf32, #tpu.memory_space<hbm>>)
      tpu.yield
    }) : () -> ()
    return
  }
}

module attributes {stable_mosaic.version = 14 : i64} {
  func.func @_loss_body(%arg0: memref<32x16xf32, #tpu.memory_space<vmem>>, %arg1: memref<1x1xf32, #tpu.memory_space<smem>>) attributes {dimension_semantics = [], scalar_prefetch = 0 : i64, scratch_operands = 0 : i64, tpu.core_type = #tpu.core_type<tc>} {
    %get3A = arith.constant 0 : index
    %get3A_0 = arith.constant 0 : index
    %get3A_1 = vector.load %arg0[%get3A, %get3A_0] : memref<32x16xf32, #tpu.memory_space<vmem>>, vector<32x16xf32>
    %reduce_sum3A = vector.shape_cast %get3A_1 : vector<32x16xf32> to vector<1x32x16xf32>
    %reduce_sum3A_2 = arith.constant dense<0.000000e+00> : vector<1xf32>
    %reduce_sum3A_3 = vector.multi_reduction <add>, %reduce_sum3A, %reduce_sum3A_2 [1, 2] : vector<1x32x16xf32> to vector<1xf32>
    %reduce_sum3A_4 = vector.shape_cast %reduce_sum3A_3 : vector<1xf32> to vector<1x1x1xf32>
    %reduce_sum3A_5 = vector.extract %reduce_sum3A_4[0, 0, 0] : f32 from vector<1x1x1xf32>
    %mul3A = arith.constant 3.05175796E-8 : f32
    %mul3A_6 = arith.mulf %reduce_sum3A_5, %mul3A : f32
    %swap3A = arith.constant 0 : index
    %swap3A_7 = arith.constant 0 : index
    %swap3A_8 = memref.load %arg1[%swap3A, %swap3A_7] : memref<1x1xf32, #tpu.memory_space<smem>>
    memref.store %mul3A_6, %arg1[%swap3A, %swap3A_7] : memref<1x1xf32, #tpu.memory_space<smem>>
    return
  }
}

module attributes {stable_mosaic.version = 14 : i64} {
  func.func @_prep_body(%arg0: memref<16x8xf32, #tpu.memory_space<vmem>>, %arg1: memref<8x16xf32, #tpu.memory_space<vmem>>, %arg2: memref<16x1xf32, #tpu.memory_space<vmem>>, %arg3: memref<16x16xf32, #tpu.memory_space<vmem>>) attributes {dimension_semantics = [], scalar_prefetch = 0 : i64, scratch_operands = 0 : i64, tpu.core_type = #tpu.core_type<tc>} {
    %get3A = arith.constant 0 : index
    %get3A_0 = arith.constant 0 : index
    %get3A_1 = vector.load %arg0[%get3A, %get3A_0] : memref<16x8xf32, #tpu.memory_space<vmem>>, vector<16x8xf32>
    %get3A_2 = arith.constant 0 : index
    %get3A_3 = arith.constant 0 : index
    %get3A_4 = vector.load %arg1[%get3A_2, %get3A_3] : memref<8x16xf32, #tpu.memory_space<vmem>>, vector<8x16xf32>
    %dot_general3A = arith.constant dense<0.000000e+00> : vector<16x16xf32>
    %dot_general3A_5 = tpu.matmul %get3A_1, %get3A_4, %dot_general3A {dimension_numbers = #tpu.dot_dimension_numbers<[1], [0], [0], [1], [0, 0, 1, 1], [], []>, transpose_lhs_hint = false} : vector<16x8xf32>, vector<8x16xf32>, vector<16x16xf32> -> vector<16x16xf32>
    %get3A_6 = arith.constant 0 : index
    %get3A_7 = arith.constant 0 : index
    %get3A_8 = vector.load %arg2[%get3A_6, %get3A_7] : memref<16x1xf32, #tpu.memory_space<vmem>>, vector<16x1xf32>
    %add3A = vector.broadcast %get3A_8 : vector<16x1xf32> to vector<16x16xf32>
    %add3A_9 = arith.addf %dot_general3A_5, %add3A : vector<16x16xf32>
    %swap3A = arith.constant 0 : index
    %swap3A_10 = arith.constant 0 : index
    %swap3A_11 = vector.load %arg3[%swap3A, %swap3A_10] : memref<16x16xf32, #tpu.memory_space<vmem>>, vector<16x16xf32>
    tpu.vector_store %arg3[%swap3A, %swap3A_10], %add3A_9 {strides = array<i32>} : memref<16x16xf32, #tpu.memory_space<vmem>>, vector<16x16xf32>,
    return
  }
}

</mosaic_0001>

<sc_bundles>
// kernel: kernel.5.cloned.1.call-start
scs
__scs_entry_jumppad:
0x0: {  	(pc) =	sbr.rel $0x88, $3  }
0x1: {  	(tag) =	ssettag $0x0;
	lr =	simm.s32 $0x1  }
0x2: {  	[smem:$0x3F9D] =	sst lr;
	_ =	strace $0xD0000000  }
0x3: {  	_ = 	snop  }
0x4: {  	_ = 	snop  }
0x5: {  	_ = 	snop  }
0x6: {  	_ = 	snop  }
0x7: {  	_ = 	snop  }
__scs_overlays_trampoline_lowered:
0x8: {  	[smem:$0x3FAC] =	sst s0  }
0x9: {  	[smem:$0x3FAD] =	sst s1  }
0xa: {  	[smem:$0x3FAE] =	sst s2  }
0xb: {  	[smem:$0x3FAF] =	sst s3  }
0xc: {  	[smem:$0x3FB0] =	sst s4  }
0xd: {  	[smem:$0x3FB1] =	sst s5  }
0xe: {  	[smem:$0x3FB2] =	sst s6  }
0xf: {  	[smem:$0x3FB3] =	sst s7  }
0x10: {  	[smem:$0x3FB4] =	sst s8  }
0x11: {  	[smem:$0x3FB5] =	sst s9;
	s0 =	simm.s32 @!p0 $0x0  }
0x12: {  	s1 =	sld [smem:$0x3F9B];
	s0 =	simm.s32 @p0 $0x1  }
0x13: {  	[smem:$0x3FB6] =	sst s0;
	s0 =	simm.s32 @!p1 $0x0  }
0x14: {  	s2 =	sld [smem:$0x3F9A];
	s0 =	simm.s32 @p1 $0x1  }
0x15: {  	[smem:$0x3FB7] =	sst s0;
	s0 =	simm.s32 @!p2 $0x0  }
0x16: {  	s3 =	sld [smem:$0x3FDB];
	s0 =	simm.s32 @p2 $0x1  }
0x17: {  	s4 =	simm.s32 $0x1BF5;
	[smem:$0x3FB9] =	sst s0  }
0x18: {  	s0 =	sld [smem:$0x3F9C];
	_ =	swait.ge [sflag:s4], $0x0  }
0x19: {  	s7 =	sld [smem:$0x3F9D]  }
0x1a: {  	s8 =	sadd.s32 $0xFFFFE003, lr  }
0x1b: {  	s9 =	sadd.s32 $0xFFFFFEF7, lr;
	s5 =	simm.s32 $0xFFFFFFFF;
	p2 =	slt.u32 s8, $0xFFFFF086  }
0x1c: {  	p1 =	slt.u32 s9, $0xF7A;
	s5 =	simm.s32 @!p2 $0x0  }
0x1d: {  	s5 =	simm.s32 @p1 $0x1;
	p0 =	seq.s32 s7, s2  }
0x1e: {  	s7 =	smul.u32 @!p0 $0xF7A, s2;
	p2 =	seq.s32 @!p0 s5, $0x0  }
0x1f: {  	s9 =	smul.u32 $0xF7A, s1;
	s8 =	simm.s32 @!p0 $0x1BF5;
	p2 =	por !p2, p0  }
0x20: {  	[sflag:s8] =	ssyncset.s32 @!p0 $0xFFFFF086;
	s6 =	sadd.s32 @!p0 s3, s7;
	s7 =	simm.s32 @!p0 $0x108  }
0x21: {  	s3 =	sadd.s32 s3, s9;
	s6 =	sadd.s32 @!p0 $0x88, s6;
	s7 =	simm.s32 @p2 $0x1082  }
0x22: {  	[simem:s7], [sflag:s8] =	dma.local @!p0 [hbm:s6], $0xF7A  }
0x23: {  	s9 =	sor.u32 $0xD0000000, s2;
	s6 =	simm.s32 $0x108;
	_ =	swait.ge @!p0 [sflag:s8], $0x0  }
0x24: {  	s3 =	sadd.s32 $0x88, s3;
	s6 =	simm.s32 @!p1 $0x1082;
	[sflag:s4] =	ssyncset.s32 $0xFFFFF086  }
0x25: {  	[simem:s6], [sflag:s4] =	dma.local [hbm:s3], $0xF7A  }
0x26: {  	[smem:$0x3F9D] =	sst s1;
	(tag) =	ssettag s2;
	_ =	strace s9  }
0x27: {  	s1 =	sld [smem:$0x3FAD]  }
0x28: {  	s2 =	sld [smem:$0x3FAE]  }
0x29: {  	s4 =	sld [smem:$0x3FB0]  }
0x2a: {  	p0 =	seq.s32 s5, $0x0;
	s5 =	sld [smem:$0x3FB1]  }
0x2b: {  	s6 =	sld [smem:$0x3FB2]  }
0x2c: {  	s7 =	sld [smem:$0x3FB3]  }
0x2d: {  	s3 =	simm.s32 $0x108;
	s8 =	sld [smem:$0x3FB4]  }
0x2e: {  	s3 =	simm.s32 @!p0 $0x1082;
	s9 =	sld [smem:$0x3FB5]  }
0x2f: {  	lr =	sadd.s32 s0, s3;
	s0 =	sld [smem:$0x3FAC]  }
0x30: {  	s3 =	sld [smem:$0x3FAF]  }
0x31: {  	[smem:$0x3FB8] =	sst s10  }
0x32: {  	s10 =	sld [smem:$0x3FB6];
	_ =	sdelay $0x3  }
0x33: {  	p0 =	seq.s32 s10, $0x1;
	s10 =	sld [smem:$0x3FB8];
	_ =	sdelay $0x3  }
0x34: {  	[smem:$0x3FB8] =	sst s10  }
0x35: {  	s10 =	sld [smem:$0x3FB7];
	_ =	sdelay $0x3  }
0x36: {  	p1 =	seq.s32 s10, $0x1;
	s10 =	sld [smem:$0x3FB8];
	_ =	sdelay $0x3  }
0x37: {  	[smem:$0x3FB8] =	sst s10  }
0x38: {  	s10 =	sld [smem:$0x3FB9]  }
0x39: {  	_ = 	snop;
	(pc) =	sbr.ind lr, $3  }
0x3a: {  	_ = 	snop  }
0x3b: {  	_ = 	snop  }
0x3c: {  	p2 =	seq.s32 s10, $0x1;
	s10 =	sld [smem:$0x3FB8]  }
0x3d: {  	_ =	shalt  }
0x3e: {  	_ =	shalt  }
0x3f: {  	_ =	shalt  }
0x40: {  	_ =	shalt  }
0x41: {  	_ =	shalt  }
0x42: {  	_ =	shalt  }
0x43: {  	_ =	shalt  }
0x44: {  	_ =	shalt  }
0x45: {  	_ =	shalt  }
0x46: {  	_ =	shalt  }
0x47: {  	_ =	shalt  }
0x48: {  	_ =	shalt  }
0x49: {  	_ =	shalt  }
0x4a: {  	_ =	shalt  }
0x4b: {  	_ =	shalt  }
0x4c: {  	_ =	shalt  }
0x4d: {  	_ =	shalt  }
0x4e: {  	_ =	shalt  }
0x4f: {  	_ =	shalt  }
0x50: {  	_ =	shalt  }
0x51: {  	_ =	shalt  }
0x52: {  	_ =	shalt  }
0x53: {  	_ =	shalt  }
0x54: {  	_ =	shalt  }
0x55: {  	_ =	shalt  }
0x56: {  	_ =	shalt  }
0x57: {  	_ =	shalt  }
0x58: {  	_ =	shalt  }
0x59: {  	_ =	shalt  }
0x5a: {  	_ =	shalt  }
0x5b: {  	_ =	shalt  }
0x5c: {  	_ =	shalt  }
0x5d: {  	_ =	shalt  }
0x5e: {  	_ =	shalt  }
0x5f: {  	_ =	shalt  }
0x60: {  	_ =	shalt  }
0x61: {  	_ =	shalt  }
0x62: {  	_ =	shalt  }
0x63: {  	_ =	shalt  }
0x64: {  	_ =	shalt  }
0x65: {  	_ =	shalt  }
0x66: {  	_ =	shalt  }
0x67: {  	_ =	shalt  }
0x68: {  	_ =	shalt  }
0x69: {  	_ =	shalt  }
0x6a: {  	_ =	shalt  }
0x6b: {  	_ =	shalt  }
0x6c: {  	_ =	shalt  }
0x6d: {  	_ =	shalt  }
0x6e: {  	_ =	shalt  }
0x6f: {  	_ =	shalt  }
0x70: {  	_ =	shalt  }
0x71: {  	_ =	shalt  }
0x72: {  	_ =	shalt  }
0x73: {  	_ =	shalt  }
0x74: {  	_ =	shalt  }
0x75: {  	_ =	shalt  }
0x76: {  	_ =	shalt  }
0x77: {  	_ =	shalt  }
0x78: {  	_ =	shalt  }
0x79: {  	_ =	shalt  }
0x7a: {  	_ =	shalt  }
0x7b: {  	_ =	shalt  }
0x7c: {  	_ =	shalt  }
0x7d: {  	_ =	shalt  }
0x7e: {  	_ =	shalt  }
0x7f: {  	_ =	shalt  }
0x80: {  	_ =	shalt  }
0x81: {  	_ =	shalt  }
0x82: {  	_ =	shalt  }
0x83: {  	_ =	shalt  }
0x84: {  	_ =	shalt  }
0x85: {  	_ =	shalt  }
0x86: {  	_ =	shalt  }
0x87: {  	_ =	shalt  }
.Lfunc_end0:
.L_simem_size_0:
called_computation_lowered:
.L_overlay_start_0:
0x88: {  	s2 =	sld [smem:$0x3FD9]  }
0x89: {  	s3 =	sld [smem:$0x3FFE];
	_ =	sdelay $0x1  }
0x8a: {  	s1 =	srdreg.scid  }
0x8b: {  	s0 =	sand.u32 $0x1, s1  }
0x8c: {  	s14 =	sshll.u32 s0, $0xA;
	s2 =	sadd.s32 s3, s2  }
0x8d: {  	s2 =	sadd.s32 s2, s14  }
0x8e: {  	[smem:$0x3FC4] =	sst s2  }
0x8f: {  	_ = 	snop  }
0x90: {  	s2 =	sld [smem:$0x3FD0];
	_ =	sdelay $0x2  }
0x91: {  	s4 =	simm.s32 $0xA;
	s5 =	simm.s32 $0x10;
	s15 =	sld [smem:$0x3FC9]  }
0x92: {  	[smem:s5], [sflag:s4] =	dma.local [hbm:s2], $0x1  }
0x93: {  	_ =	swait.eq [sflag:s4], $0x1  }
0x94: {  	[sflag:s4] =	ssyncset.done $0x0  }
0x95: {  	[sflag:s4] =	ssyncadd.s32 $0xFFFFFFFF  }
0x96: {  	s16 =	sld [smem:$0x11];
	(tm) =	ssettm $0x1  }
0x97: {  	s17 =	sld [smem:$0x3FFB];
	_ =	sdelay $0x3  }
0x98: {  	_ =	strace s17  }
0x99: {  	s4 =	sld [smem:$0x3FFC];
	_ =	sdelay $0x3  }
0x9a: {  	_ =	strace s4  }
0x9b: {  	s4 =	sld [smem:$0x3FFD];
	_ =	sdelay $0x3  }
0x9c: {  	_ =	strace s4  }
0x9d: {  	_ =	strace $0x8FFFFFFF  }
0x9e: {  	s18 =	sld [smem:$0x3FDB];
	_ =	sdelay $0x1  }
0x9f: {  	s19 =	simm.s32 $_scs_section_size  }
0xa0: {  	s6 =	simm.s32 $_size__tile_overlayer_lowered;
	s7 =	simm.s32 $_tile_overlayer_lowered  }
0xa1: {  	s22 =	simm.s32 $0x1BFF;
	s21 =	sshll.u32 s7, $0x1;
	s4 =	sadd.s32 s19, s18  }
0xa2: {  	s8 =	simm.s32 $0x0;
	s20 =	sshll.u32 s6, $0x1;
	s6 =	sadd.s32 s21, s4  }
0xa3: {  	[timem:s8], [sflag:s22] =	dma.local [hbm:s6], s20  }
0xa4: {  	_ =	swait.ge [sflag:s22], s20  }
0xa5: {  	s5 =	ssub.s32 $0x0, s20;
	[sflag:s22] =	ssyncset.done $0x0  }
0xa6: {  	[sflag:s22] =	ssyncadd.s32 s5;
	_ =	sdelay $0x1  }
0xa7: {  	s23 =	simm.s32 $0x1B8B  }
0xa8: {  	_ =	swait.ge [sflag:s23], $0x1  }
0xa9: {  	[sflag:s23] =	ssyncset.done $0x0  }
0xaa: {  	s25 =	simm.s32 $0x1B8E;
	s24 =	sld [smem:$0x3FFE];
	[sflag:s23] =	ssyncadd.s32 $0xFFFFFFFF  }
0xab: {  	s26 =	simm.s32 $execute0_lowered;
	[smem:$0x3FD2] =	sst s25  }
0xac: {  	s6 =	sshll.u32 s26, $0x1;
	_ =	strace $0x80000046;
	[dreg:$0x1] =	wrdreg $0xFFFFFFFF  }
0xad: {  	s28 =	simm.s32 $_size_execute0_lowered;
	s4 =	sadd.s32 s4, s6;
	[dreg:$0x0] =	wrdreg $0x0  }
0xae: {  	s6 =	sshll.u32 s28, $0x1;
	[dreg:$0x2] =	wrdreg s4  }
0xaf: {  	[dreg:$0x3] =	wrdreg s6  }
0xb0: {  	[dreg:$0x4] =	wrdreg $0xC0  }
0xb1: {  	_ =	task [dreg:s8], $0x5FFFF  }
0xb2: {  	[dreg:$0x1] =	wrdreg $0xFFFFFFFF  }
0xb3: {  	[dreg:$0x0] =	wrdreg $0x60  }
0xb4: {  	[dreg:$0x2] =	wrdreg s24  }
0xb5: {  	[dreg:$0x3] =	wrdreg s15  }
0xb6: {  	[dreg:$0x4] =	wrdreg s16  }
0xb7: {  	[dreg:$0x5] =	wrdreg $0x9  }
0xb8: {  	_ =	task.clear_ibuf [dreg:s8], $0x6FFFF;
	_ =	strace $0x90000046  }
0xb9: {  	s29 =	simm.s32 $0x9;
	_ =	strace $0x80000048  }
0xba: {  	_ =	swait.ge [sflag:s29], $0x1  }
0xbb: {  	[sflag:s29] =	ssyncadd.s32 $0xFFFFFFFF  }
0xbc: {  	_ =	strace $0x90000048  }
0xbd: {  	_ =	sfence  }
0xbe: {  	s30 =	sld [smem:$0x0];
	_ =	sdelay $0x2  }
0xbf: {  	s31 =	sshll.u32 s1, $0xD;
	s1 =	sshrl.u32 s1, $0x2  }
0xc0: {  	s3 =	sand.u32 $0x4000, s31;
	s1 =	sadd.s32 s1, s30  }
0xc1: {  	s0 =	sor.u32 s3, s0;
	s1 =	sshll.u32 s1, $0x11  }
0xc2: {  	s0 =	sor.u32 s1, s0  }
0xc3: {  	s0 =	sadd.s32 $0x8F2B, s0  }
0xc4: {  	[sflag:s0] =	ssyncadd.remote.s32 $0x1  }
0xc5: {  	_ =	sfence.sel $0xFFFF  }
0xc6: {  	[dreg:$0x0] =	wrdreg $0xFFFFFFFF;
	(pc) =	sbr.abs _section_cstart, $3  }
0xc7: {  	[dreg:$0x1] =	wrdreg $0xFFFFFFFF  }
0xc8: {  	_ =	task.clear_ibuf [dreg:s8], $0x2FFFF;
	_ =	strace $0x9FFFFFFF  }
0xc9: {  	(tm) =	ssettm $0x7FFFFFFF  }
tec
execute0_lowered:
.L_overlay_start_1:
0x0: {  	(tag) =	ssettag $0x1  }
0x1: {  	s0 =	rddreg [dreg:$0x0]  }
0x2: {  	s1 =	rddreg [dreg:$0x1]  }
0x3: {  	s3 =	rddreg [dreg:$0x2];
	s4 =	simm.s32 $0x0  }
0x4: {  	s2 =	srdreg.scid;
	s5 =	stileid.u32;
	s11 =	simm.s32 $0x5  }
0x5: {  	s12 =	simm.s32 $0x800;
	s13 =	simm.s32 $0x1000;
	s14 =	simm.s32 $0x1  }
0x6: {  	s15 =	simm.s32 $0x320000;
	s16 =	simm.s32 $0x1800;
	s17 =	simm.s32 $0x2  }
0x7: {  	s18 =	simm.s32 $0x6800;
	s19 =	simm.s32 $0x3;
	s20 =	simm.s32 $0x4  }
0x8: {  	[smem:$0x7FF] =	sst s4;
	s2 =	sand.u32 $0x1, s2;
	s5 =	sshll.u32 s5, $0x1  }
0x9: {  	s22 =	simm.s32 $0x0;
	_ =	strace $0x80000047;
	s6 =	sor.u32 s2, s5  }
0xa: {  	s5 =	sadd.s32 $0xC00, s0;
	s2 =	ssub.s32 $0x2, s2;
	s7 =	smul.u32 $0x3200, s6  }
0xb: {  	s8 =	sshll.u32 s6, $0x4;
	s9 =	sshrl.u32 s2, $0x1;
	s6 =	smul.u32 $0x32, s6  }
0xc: {  	s0 =	sadd.s32 s8, s0;
	s2 =	ssub.s32 s2, s9;
	s7 =	sadd.s32 s1, s7  }
0xd: {  	s8 =	sadd.s32 $0x2, s6;
	s9 =	sadd.s32 $0xE00, s0;
	s10 =	smax.u32 s2, $0x1  }
.LBB2_1:
0xe: {  	[tilespmem:s4], [sflag:$0x5] =	stream.linear.gather [hbm4b:s5+s4], $0x800, $0x38;
	[tilespmem:$0xB880] =	vst v63  }
0xf: {  	_ =	swait.ge [sflag:s11], $0x800  }
0x10: {  	[sflag:s11] =	ssyncset.done $0x0  }
0x11: {  	[sflag:s11] =	ssyncadd.s32 $0xFFFFF800  }
0x12: {  	v0 =	vld [tilespmem:$0x0]  }
0x13: {  	v1 =	vld [tilespmem:$0x80]  }
0x14: {  	v2 =	vld [tilespmem:$0x100]  }
0x15: {  	v3 =	vld [tilespmem:$0x180]  }
0x16: {  	v4 =	vld [tilespmem:$0x200]  }
0x17: {  	v7 =	vld [tilespmem:$0x380]  }
0x18: {  	v5 =	vld [tilespmem:$0x280]  }
0x19: {  	v8 =	vld [tilespmem:$0x400]  }
0x1a: {  	s23 =	simm.s32 $0x0;
	v6 =	vld [tilespmem:$0x300]  }
0x1b: {  	v10 =	vimm.f32 $0.0e+00;
	v9 =	vld [tilespmem:$0x480];
	[tilespmem:s12], [sflag:$0x1] =	stream.linear.gather [hbm4b:s7+s4], $0x800, $0x38  }
.LBB2_2:
0x1c: {  	s25 =	sshll.u32 s23, $0x1  }
0x1d: {  	s0 =	sadd.s32 s6, s25  }
0x1e: {  	s26 =	sshll.u32 s0, $0x8  }
0x1f: {  	s0 =	sadd.s32 $0x100, s26  }
0x20: {  	s24 =	sand.u32 $0xFFFFF00, s0  }
0x21: {  	s0 =	sadd.s32 s1, s24  }
0x22: {  	[tilespmem:s13], [sflag:$0x2] =	stream.linear.gather [hbm4b:s0+s4], $0x800, $0x38;
	[tilespmem:$0xB880] =	vst v63  }
0x23: {  	_ =	swait.ge [sflag:s14], $0x800  }
0x24: {  	p0 =	seq.s32 s23, $0x0;
	[sflag:s14] =	ssyncset.done $0x0  }
0x25: {  	s2 =	simm.s32 @!p0 $0x3;
	[sflag:s14] =	ssyncadd.s32 $0xFFFFF800  }
0x26: {  	s0 =	simm.s32 $0x0;
	_ =	swait.ge @!p0 [sflag:s2], $0x5000  }
0x27: {  	s28 =	sand.u32 $0x70, s0;
	s29 =	sand.u32 $0x400, s0;
	[sflag:s2] =	ssyncset.done @!p0 $0x0  }
0x28: {  	s28 =	sor.u32 s28, s29;
	[sflag:s2] =	ssyncadd.s32 @!p0 $0xFFFFB000  }
0x29: {  	v11 =	vld [tilespmem:s28+$0x800];
	_ =	sdelay $0x4  }
0x2a: {  	v12 =	vperm.xlane v0, v11;
	_ =	sdelay $0x1  }
0x2b: {  	v13 =	vperm.xlane v1, v11;
	v10 =	vadd.f32 v12, v10;
	_ =	sdelay $0x1  }
0x2c: {  	v14 =	vperm.xlane v2, v11;
	v10 =	vadd.f32 v13, v10  }
0x2d: {  	[tilespmem:s28+$0x2000] =	vst v13  }
0x2e: {  	v15 =	vperm.xlane v4, v11;
	[tilespmem:s28+$0x2800] =	vst v14;
	v13 =	vperm.xlane v3, v11;
	v10 =	vadd.f32 v14, v10  }
0x2f: {  	[tilespmem:s28+$0x1800] =	vst v12;
	v12 =	vperm.xlane v7, v11  }
0x30: {  	[tilespmem:s28+$0x3800] =	vst v15;
	v10 =	vadd.f32 v13, v10  }
0x31: {  	[tilespmem:s28+$0x5000] =	vst v12;
	v14 =	vperm.xlane v5, v11  }
0x32: {  	[tilespmem:s28+$0x3000] =	vst v13;
	v13 =	vperm.xlane v8, v11;
	v10 =	vadd.f32 v15, v10  }
0x33: {  	[tilespmem:s28+$0x4000] =	vst v14;
	v15 =	vperm.xlane v6, v11  }
0x34: {  	s21 =	sand.u32 $0xFFFFFC00, s0;
	v11 =	vperm.xlane v9, v11;
	[tilespmem:s28+$0x5800] =	vst v13;
	v10 =	vadd.f32 v14, v10  }
0x35: {  	s2 =	sadd.s32 $0x0, s21;
	[tilespmem:s28+$0x4800] =	vst v15  }
0x36: {  	s29 =	sor.u32 $0x80, s2;
	[tilespmem:s28+$0x6000] =	vst v11;
	v10 =	vadd.f32 v15, v10  }
0x37: {  	v14 =	vld [tilespmem:s29+$0x800]  }
0x38: {  	v10 =	vadd.f32 v12, v10;
	_ =	sdelay $0x1  }
0x39: {  	v10 =	vadd.f32 v13, v10;
	_ =	sdelay $0x1  }
0x3a: {  	v12 =	vperm.xlane v0, v14;
	v10 =	vadd.f32 v11, v10;
	_ =	sdelay $0x1  }
0x3b: {  	v11 =	vperm.xlane v1, v14;
	v10 =	vadd.f32 v12, v10;
	_ =	sdelay $0x1  }
0x3c: {  	v13 =	vperm.xlane v2, v14;
	v10 =	vadd.f32 v11, v10;
	_ =	sdelay $0x1  }
0x3d: {  	v15 =	vperm.xlane v3, v14;
	v10 =	vadd.f32 v13, v10;
	_ =	sdelay $0x1  }
0x3e: {  	v16 =	vperm.xlane v4, v14;
	v10 =	vadd.f32 v15, v10;
	_ =	sdelay $0x1  }
0x3f: {  	v17 =	vperm.xlane v5, v14;
	v10 =	vadd.f32 v16, v10;
	_ =	sdelay $0x1  }
0x40: {  	v18 =	vperm.xlane v6, v14;
	v10 =	vadd.f32 v17, v10;
	_ =	sdelay $0x1  }
0x41: {  	v19 =	vperm.xlane v7, v14;
	[tilespmem:s29+$0x1800] =	vst v12;
	v10 =	vadd.f32 v18, v10  }
0x42: {  	v12 =	vld [tilespmem:s28+$0x900]  }
0x43: {  	v49 =	vperm.xlane v8, v14;
	[tilespmem:s28+$0x4080] =	vst v17;
	v10 =	vadd.f32 v19, v10  }
0x44: {  	[tilespmem:s28+$0x4880] =	vst v18  }
0x45: {  	v14 =	vperm.xlane v9, v14;
	[tilespmem:s28+$0x5080] =	vst v19;
	v10 =	vadd.f32 v49, v10  }
0x46: {  	[tilespmem:s28+$0x5880] =	vst v49  }
0x47: {  	[tilespmem:s28+$0x2880] =	vst v13;
	v50 =	vperm.xlane v0, v12;
	v10 =	vadd.f32 v14, v10  }
0x48: {  	[tilespmem:s28+$0x3080] =	vst v15  }
0x49: {  	[tilespmem:s28+$0x3880] =	vst v16;
	v51 =	vperm.xlane v1, v12;
	v10 =	vadd.f32 v50, v10  }
0x4a: {  	[tilespmem:s28+$0x6080] =	vst v14  }
0x4b: {  	[tilespmem:s28+$0x2080] =	vst v11;
	v14 =	vperm.xlane v2, v12;
	v10 =	vadd.f32 v51, v10  }
0x4c: {  	v52 =	vperm.xlane v3, v12;
	[tilespmem:s28+$0x1900] =	vst v50  }
0x4d: {  	v11 =	vperm.xlane v4, v12;
	[tilespmem:s28+$0x2100] =	vst v51;
	v10 =	vadd.f32 v14, v10  }
0x4e: {  	v13 =	vperm.xlane v5, v12;
	[tilespmem:s28+$0x3100] =	vst v52  }
0x4f: {  	[tilespmem:s28+$0x3900] =	vst v11;
	v10 =	vadd.f32 v52, v10  }
0x50: {  	v15 =	vperm.xlane v7, v12;
	[tilespmem:s28+$0x4100] =	vst v13  }
0x51: {  	[tilespmem:s28+$0x2900] =	vst v14;
	v14 =	vperm.xlane v6, v12;
	v10 =	vadd.f32 v11, v10  }
0x52: {  	[tilespmem:s28+$0x5100] =	vst v15;
	v11 =	vperm.xlane v9, v12  }
0x53: {  	[tilespmem:s28+$0x4900] =	vst v14;
	v12 =	vperm.xlane v8, v12;
	v10 =	vadd.f32 v13, v10  }
0x54: {  	[tilespmem:s28+$0x6100] =	vst v11  }
0x55: {  	s29 =	sor.u32 $0x180, s2;
	[tilespmem:s28+$0x5900] =	vst v12;
	v10 =	vadd.f32 v14, v10  }
0x56: {  	v13 =	vld [tilespmem:s29+$0x800]  }
0x57: {  	v10 =	vadd.f32 v15, v10;
	_ =	sdelay $0x1  }
0x58: {  	v10 =	vadd.f32 v12, v10;
	_ =	sdelay $0x1  }
0x59: {  	v10 =	vadd.f32 v11, v10;
	v11 =	vperm.xlane v0, v13;
	_ =	sdelay $0x1  }
0x5a: {  	v12 =	vperm.xlane v1, v13;
	v10 =	vadd.f32 v11, v10;
	_ =	sdelay $0x1  }
0x5b: {  	v14 =	vperm.xlane v2, v13;
	v10 =	vadd.f32 v12, v10;
	_ =	sdelay $0x1  }
0x5c: {  	v15 =	vperm.xlane v3, v13;
	v10 =	vadd.f32 v14, v10;
	_ =	sdelay $0x1  }
0x5d: {  	v53 =	vperm.xlane v4, v13;
	v10 =	vadd.f32 v15, v10;
	_ =	sdelay $0x1  }
0x5e: {  	v54 =	vperm.xlane v5, v13;
	v10 =	vadd.f32 v53, v10;
	_ =	sdelay $0x1  }
0x5f: {  	v55 =	vperm.xlane v6, v13;
	v10 =	vadd.f32 v54, v10;
	_ =	sdelay $0x1  }
0x60: {  	[tilespmem:s29+$0x1800] =	vst v11;
	v11 =	vperm.xlane v7, v13;
	v10 =	vadd.f32 v55, v10  }
0x61: {  	[tilespmem:s28+$0x2180] =	vst v12;
	v12 =	vld [tilespmem:s28+$0xA00]  }
0x62: {  	v56 =	vperm.xlane v8, v13;
	v10 =	vadd.f32 v11, v10  }
0x63: {  	[tilespmem:s28+$0x2980] =	vst v14  }
0x64: {  	v13 =	vperm.xlane v9, v13;
	[tilespmem:s28+$0x3180] =	vst v15;
	v10 =	vadd.f32 v56, v10  }
0x65: {  	[tilespmem:s28+$0x3980] =	vst v53  }
0x66: {  	[tilespmem:s28+$0x4180] =	vst v54;
	v14 =	vperm.xlane v0, v12;
	v10 =	vadd.f32 v13, v10  }
0x67: {  	[tilespmem:s28+$0x4980] =	vst v55  }
0x68: {  	[tilespmem:s28+$0x5180] =	vst v11;
	v11 =	vperm.xlane v1, v12;
	v10 =	vadd.f32 v14, v10  }
0x69: {  	[tilespmem:s28+$0x5980] =	vst v56  }
0x6a: {  	[tilespmem:s28+$0x6180] =	vst v13;
	v13 =	vperm.xlane v2, v12;
	v10 =	vadd.f32 v11, v10  }
0x6b: {  	v15 =	vperm.xlane v8, v12;
	[tilespmem:s28+$0x1A00] =	vst v14  }
0x6c: {  	[tilespmem:s28+$0x2200] =	vst v11;
	v11 =	vperm.xlane v3, v12;
	v10 =	vadd.f32 v13, v10  }
0x6d: {  	[tilespmem:s28+$0x5A00] =	vst v15;
	v14 =	vperm.xlane v4, v12  }
0x6e: {  	[tilespmem:s28+$0x2A00] =	vst v13;
	v10 =	vadd.f32 v11, v10  }
0x6f: {  	[tilespmem:s28+$0x3A00] =	vst v14;
	v13 =	vperm.xlane v7, v12  }
0x70: {  	[tilespmem:s28+$0x3200] =	vst v11;
	v11 =	vperm.xlane v5, v12;
	v10 =	vadd.f32 v14, v10  }
0x71: {  	[tilespmem:s28+$0x5200] =	vst v13;
	v14 =	vperm.xlane v9, v12  }
0x72: {  	[tilespmem:s28+$0x4200] =	vst v11;
	v12 =	vperm.xlane v6, v12;
	v10 =	vadd.f32 v11, v10  }
0x73: {  	[tilespmem:s28+$0x6200] =	vst v14  }
0x74: {  	s2 =	sor.u32 $0x280, s2;
	[tilespmem:s28+$0x4A00] =	vst v12;
	v10 =	vadd.f32 v12, v10  }
0x75: {  	v11 =	vld [tilespmem:s2+$0x800]  }
0x76: {  	v10 =	vadd.f32 v13, v10;
	_ =	sdelay $0x1  }
0x77: {  	v10 =	vadd.f32 v15, v10;
	_ =	sdelay $0x1  }
0x78: {  	v12 =	vperm.xlane v0, v11;
	v10 =	vadd.f32 v14, v10;
	_ =	sdelay $0x1  }
0x79: {  	v13 =	vperm.xlane v1, v11;
	v10 =	vadd.f32 v12, v10;
	_ =	sdelay $0x1  }
0x7a: {  	v14 =	vperm.xlane v2, v11;
	v10 =	vadd.f32 v13, v10;
	_ =	sdelay $0x1  }
0x7b: {  	v15 =	vperm.xlane v3, v11;
	v10 =	vadd.f32 v14, v10;
	_ =	sdelay $0x1  }
0x7c: {  	v57 =	vperm.xlane v4, v11;
	v10 =	vadd.f32 v15, v10;
	_ =	sdelay $0x1  }
0x7d: {  	v58 =	vperm.xlane v5, v11;
	v10 =	vadd.f32 v57, v10;
	_ =	sdelay $0x1  }
0x7e: {  	v59 =	vperm.xlane v6, v11;
	v10 =	vadd.f32 v58, v10;
	_ =	sdelay $0x1  }
0x7f: {  	[tilespmem:s2+$0x1800] =	vst v12;
	v12 =	vperm.xlane v7, v11;
	v10 =	vadd.f32 v59, v10  }
0x80: {  	v60 =	vld [tilespmem:s28+$0xB00]  }
0x81: {  	[tilespmem:s28+$0x2280] =	vst v13;
	v13 =	vperm.xlane v8, v11;
	v10 =	vadd.f32 v12, v10  }
0x82: {  	[tilespmem:s28+$0x3280] =	vst v15  }
0x83: {  	[tilespmem:s28+$0x3A80] =	vst v57;
	v11 =	vperm.xlane v9, v11;
	v10 =	vadd.f32 v13, v10  }
0x84: {  	[tilespmem:s28+$0x4280] =	vst v58  }
0x85: {  	[tilespmem:s28+$0x2A80] =	vst v14;
	v14 =	vperm.xlane v0, v60;
	v10 =	vadd.f32 v11, v10  }
0x86: {  	[tilespmem:s28+$0x4A80] =	vst v59  }
0x87: {  	[tilespmem:s28+$0x5280] =	vst v12;
	v12 =	vperm.xlane v1, v60;
	v10 =	vadd.f32 v14, v10  }
0x88: {  	[tilespmem:s28+$0x5A80] =	vst v13  }
0x89: {  	[tilespmem:s28+$0x6280] =	vst v11;
	v11 =	vperm.xlane v2, v60;
	v10 =	vadd.f32 v12, v10  }
0x8a: {  	v61 =	vperm.xlane v7, v60;
	[tilespmem:s28+$0x1B00] =	vst v14  }
0x8b: {  	v15 =	vperm.xlane v6, v60;
	[tilespmem:s28+$0x2300] =	vst v12;
	v12 =	vperm.xlane v3, v60;
	v10 =	vadd.f32 v11, v10  }
0x8c: {  	[tilespmem:s28+$0x5300] =	vst v61;
	v13 =	vperm.xlane v5, v60  }
0x8d: {  	[tilespmem:s28+$0x4B00] =	vst v15;
	v14 =	vperm.xlane v4, v60;
	v10 =	vadd.f32 v12, v10  }
0x8e: {  	[tilespmem:s28+$0x4300] =	vst v13  }
0x8f: {  	[tilespmem:s28+$0x2B00] =	vst v11;
	v10 =	vadd.f32 v14, v10  }
0x90: {  	[tilespmem:s28+$0x3300] =	vst v12;
	v12 =	vperm.xlane v8, v60  }
0x91: {  	[tilespmem:s28+$0x3B00] =	vst v14;
	v14 =	vperm.xlane v9, v60;
	v10 =	vadd.f32 v13, v10  }
0x92: {  	s0 =	sor.u32 s0, s0;
	[tilespmem:s28+$0x5B00] =	vst v12  }
0x93: {  	s0 =	sor.u32 $0x380, s0;
	[tilespmem:s28+$0x6300] =	vst v14;
	v10 =	vadd.f32 v15, v10  }
0x94: {  	v13 =	vld [tilespmem:s0+$0x800]  }
0x95: {  	v10 =	vadd.f32 v61, v10;
	_ =	sdelay $0x1  }
0x96: {  	v10 =	vadd.f32 v12, v10;
	_ =	sdelay $0x1  }
0x97: {  	v12 =	vperm.xlane v0, v13;
	v10 =	vadd.f32 v14, v10;
	_ =	sdelay $0x1  }
0x98: {  	v14 =	vperm.xlane v1, v13;
	v10 =	vadd.f32 v12, v10  }
0x99: {  	v11 =	vperm.xlane v8, v13  }
0x9a: {  	v15 =	vperm.xlane v2, v13;
	[tilespmem:s0+$0x1800] =	vst v12;
	v10 =	vadd.f32 v14, v10  }
0x9b: {  	v62 =	vperm.xlane v3, v13;
	[tilespmem:s28+$0x5B80] =	vst v11  }
0x9c: {  	[tilespmem:s28+$0x2B80] =	vst v15;
	v10 =	vadd.f32 v15, v10  }
0x9d: {  	[tilespmem:s28+$0x3380] =	vst v62;
	v12 =	vperm.xlane v9, v13  }
0x9e: {  	s30 =	simm.s32 $0x80;
	s29 =	simm.s32 $0x10;
	[tilespmem:s28+$0x2380] =	vst v14;
	v14 =	vperm.xlane v4, v13;
	v10 =	vadd.f32 v62, v10  }
0x9f: {  	s21 =	sand.u32 $0x400, s30;
	s2 =	sand.u32 $0x70, s29;
	[tilespmem:s28+$0x6380] =	vst v12  }
0xa0: {  	s2 =	sor.u32 s2, s21;
	v63 =	vperm.xlane v5, v13;
	[tilespmem:s28+$0x3B80] =	vst v14;
	v15 =	vadd.f32 v14, v10  }
0xa1: {  	v10 =	vld [tilespmem:s2+$0x800]  }
0xa2: {  	v14 =	vadd.f32 v63, v15;
	v15 =	vperm.xlane v6, v13  }
0xa3: {  	[tilespmem:s28+$0x4380] =	vst v63  }
0xa4: {  	s31 =	simm.s32 $0x20;
	v13 =	vperm.xlane v7, v13;
	[tilespmem:s28+$0x4B80] =	vst v15;
	v14 =	vadd.f32 v15, v14  }
.LBB2_3:
0xa5: {  	_ = 	snop  }
0xa6: {  	p1 =	sne.s32 s31, $0xF0;
	s0 =	smov.u32 s31;
	s31 =	sadd.s32 $0x10, s31;
	v15 =	vperm.xlane v0, v10;
	v14 =	vadd.f32 v13, v14  }
0xa7: {  	_ = 	snop  }
0xa8: {  	v16 =	vperm.xlane v1, v10;
	v11 =	vadd.f32 v11, v14  }
0xa9: {  	[tilespmem:s28+$0x5380] =	vst v13;
	s28 =	smov.u32 s2  }
0xaa: {  	v13 =	vperm.xlane v2, v10;
	[tilespmem:s28+$0x2000] =	vst v16;
	v11 =	vadd.f32 v12, v11;
	_ =	sdelay $0x1  }
0xab: {  	v12 =	vperm.xlane v3, v10;
	v11 =	vadd.f32 v15, v11;
	[tilespmem:s28+$0x2800] =	vst v13;
	_ =	sdelay $0x1  }
0xac: {  	v14 =	vperm.xlane v4, v10;
	v11 =	vadd.f32 v16, v11;
	[tilespmem:s28+$0x3000] =	vst v12;
	_ =	sdelay $0x1  }
0xad: {  	v11 =	vadd.f32 v13, v11;
	[tilespmem:s28+$0x3800] =	vst v14;
	v13 =	vperm.xlane v5, v10  }
0xae: {  	v16 =	vperm.xlane v8, v10;
	[tilespmem:s28+$0x1800] =	vst v15;
	v15 =	vperm.xlane v7, v10  }
0xaf: {  	v11 =	vadd.f32 v12, v11;
	[tilespmem:s28+$0x4000] =	vst v13;
	v12 =	vperm.xlane v6, v10;
	v10 =	vperm.xlane v9, v10  }
0xb0: {  	s2 =	sand.u32 $0xFFFFFC00, s30;
	[tilespmem:s28+$0x5000] =	vst v15  }
0xb1: {  	s2 =	sadd.s32 s2, s29;
	v11 =	vadd.f32 v14, v11;
	[tilespmem:s28+$0x5800] =	vst v16  }
0xb2: {  	s21 =	sor.u32 $0x80, s2;
	[tilespmem:s28+$0x4800] =	vst v12  }
0xb3: {  	v11 =	vadd.f32 v13, v11;
	[tilespmem:s28+$0x6000] =	vst v10  }
0xb4: {  	v13 =	vld [tilespmem:s21+$0x800]  }
0xb5: {  	v11 =	vadd.f32 v12, v11;
	_ =	sdelay $0x1  }
0xb6: {  	v11 =	vadd.f32 v15, v11;
	_ =	sdelay $0x1  }
0xb7: {  	v11 =	vadd.f32 v16, v11;
	v12 =	vperm.xlane v0, v13  }
0xb8: {  	v14 =	vperm.xlane v1, v13  }
0xb9: {  	v10 =	vadd.f32 v10, v11;
	[tilespmem:s21+$0x1800] =	vst v12  }
0xba: {  	v11 =	vperm.xlane v2, v13;
	v15 =	vld [tilespmem:s28+$0x900]  }
0xbb: {  	v10 =	vadd.f32 v12, v10  }
0xbc: {  	v12 =	vperm.xlane v3, v13  }
0xbd: {  	v10 =	vadd.f32 v14, v10  }
0xbe: {  	v16 =	vperm.xlane v4, v13  }
0xbf: {  	v10 =	vadd.f32 v11, v10  }
0xc0: {  	v17 =	vperm.xlane v5, v13  }
0xc1: {  	v10 =	vadd.f32 v12, v10  }
0xc2: {  	v18 =	vperm.xlane v6, v13;
	[tilespmem:s28+$0x4080] =	vst v17  }
0xc3: {  	v10 =	vadd.f32 v16, v10  }
0xc4: {  	v19 =	vperm.xlane v7, v13;
	[tilespmem:s28+$0x4880] =	vst v18  }
0xc5: {  	v10 =	vadd.f32 v17, v10  }
0xc6: {  	v17 =	vperm.xlane v8, v13;
	[tilespmem:s28+$0x5080] =	vst v19  }
0xc7: {  	v10 =	vadd.f32 v18, v10  }
0xc8: {  	v13 =	vperm.xlane v9, v13;
	[tilespmem:s28+$0x5880] =	vst v17  }
0xc9: {  	v10 =	vadd.f32 v19, v10  }
0xca: {  	v18 =	vperm.xlane v0, v15;
	[tilespmem:s28+$0x6080] =	vst v13  }
0xcb: {  	v10 =	vadd.f32 v17, v10  }
0xcc: {  	v17 =	vperm.xlane v1, v15;
	[tilespmem:s28+$0x1900] =	vst v18  }
0xcd: {  	v10 =	vadd.f32 v13, v10  }
0xce: {  	v13 =	vperm.xlane v2, v15;
	[tilespmem:s28+$0x2100] =	vst v17  }
0xcf: {  	v10 =	vadd.f32 v18, v10  }
0xd0: {  	v18 =	vperm.xlane v3, v15;
	[tilespmem:s28+$0x2900] =	vst v13  }
0xd1: {  	[tilespmem:s28+$0x2080] =	vst v14;
	v10 =	vadd.f32 v17, v10  }
0xd2: {  	v14 =	vperm.xlane v4, v15;
	[tilespmem:s28+$0x3100] =	vst v18  }
0xd3: {  	[tilespmem:s28+$0x2880] =	vst v11;
	v10 =	vadd.f32 v13, v10  }
0xd4: {  	v11 =	vperm.xlane v5, v15;
	[tilespmem:s28+$0x3900] =	vst v14  }
0xd5: {  	[tilespmem:s28+$0x3080] =	vst v12;
	v10 =	vadd.f32 v18, v10  }
0xd6: {  	v13 =	vperm.xlane v7, v15;
	v12 =	vperm.xlane v6, v15;
	[tilespmem:s28+$0x4100] =	vst v11  }
0xd7: {  	[tilespmem:s28+$0x3880] =	vst v16;
	v10 =	vadd.f32 v14, v10;
	v14 =	vperm.xlane v8, v15;
	v15 =	vperm.xlane v9, v15  }
0xd8: {  	[tilespmem:s28+$0x4900] =	vst v12  }
0xd9: {  	v10 =	vadd.f32 v11, v10;
	[tilespmem:s28+$0x6100] =	vst v15  }
0xda: {  	s21 =	sor.u32 $0x180, s2;
	[tilespmem:s28+$0x5100] =	vst v13  }
0xdb: {  	v10 =	vadd.f32 v12, v10;
	[tilespmem:s28+$0x5900] =	vst v14  }
0xdc: {  	v11 =	vld [tilespmem:s21+$0x800]  }
0xdd: {  	v10 =	vadd.f32 v13, v10;
	_ =	sdelay $0x1  }
0xde: {  	v10 =	vadd.f32 v14, v10;
	_ =	sdelay $0x1  }
0xdf: {  	v10 =	vadd.f32 v15, v10;
	v12 =	vperm.xlane v0, v11  }
0xe0: {  	v13 =	vperm.xlane v1, v11  }
0xe1: {  	[tilespmem:s21+$0x1800] =	vst v12;
	v10 =	vadd.f32 v12, v10  }
0xe2: {  	v12 =	vperm.xlane v2, v11;
	[tilespmem:s28+$0x2180] =	vst v13;
	v14 =	vld [tilespmem:s28+$0xA00]  }
0xe3: {  	v10 =	vadd.f32 v13, v10  }
0xe4: {  	v13 =	vperm.xlane v3, v11;
	[tilespmem:s28+$0x2980] =	vst v12  }
0xe5: {  	v10 =	vadd.f32 v12, v10  }
0xe6: {  	v12 =	vperm.xlane v4, v11;
	[tilespmem:s28+$0x3180] =	vst v13  }
0xe7: {  	v10 =	vadd.f32 v13, v10  }
0xe8: {  	v13 =	vperm.xlane v5, v11;
	[tilespmem:s28+$0x3980] =	vst v12  }
0xe9: {  	v10 =	vadd.f32 v12, v10  }
0xea: {  	v12 =	vperm.xlane v6, v11;
	[tilespmem:s28+$0x4180] =	vst v13  }
0xeb: {  	v10 =	vadd.f32 v13, v10  }
0xec: {  	v13 =	vperm.xlane v7, v11;
	[tilespmem:s28+$0x4980] =	vst v12  }
0xed: {  	v10 =	vadd.f32 v12, v10  }
0xee: {  	v12 =	vperm.xlane v8, v11;
	[tilespmem:s28+$0x5180] =	vst v13  }
0xef: {  	v10 =	vadd.f32 v13, v10  }
0xf0: {  	v11 =	vperm.xlane v9, v11;
	[tilespmem:s28+$0x5980] =	vst v12  }
0xf1: {  	v10 =	vadd.f32 v12, v10  }
0xf2: {  	v12 =	vperm.xlane v0, v14;
	[tilespmem:s28+$0x6180] =	vst v11  }
0xf3: {  	v10 =	vadd.f32 v11, v10  }
0xf4: {  	v11 =	vperm.xlane v1, v14;
	[tilespmem:s28+$0x1A00] =	vst v12  }
0xf5: {  	v10 =	vadd.f32 v12, v10  }
0xf6: {  	v12 =	vperm.xlane v2, v14;
	[tilespmem:s28+$0x2200] =	vst v11  }
0xf7: {  	v10 =	vadd.f32 v11, v10  }
0xf8: {  	v13 =	vperm.xlane v8, v14;
	v11 =	vperm.xlane v3, v14;
	[tilespmem:s28+$0x2A00] =	vst v12  }
0xf9: {  	v15 =	vperm.xlane v7, v14;
	v10 =	vadd.f32 v12, v10;
	v12 =	vperm.xlane v6, v14  }
0xfa: {  	v16 =	vperm.xlane v4, v14;
	v17 =	vperm.xlane v5, v14;
	[tilespmem:s28+$0x3200] =	vst v11  }
0xfb: {  	v10 =	vadd.f32 v11, v10;
	[tilespmem:s28+$0x5200] =	vst v15  }
0xfc: {  	[tilespmem:s28+$0x3A00] =	vst v16  }
0xfd: {  	v11 =	vperm.xlane v9, v14;
	v10 =	vadd.f32 v16, v10;
	[tilespmem:s28+$0x4200] =	vst v17  }
0xfe: {  	[tilespmem:s28+$0x5A00] =	vst v13  }
0xff: {  	v10 =	vadd.f32 v17, v10;
	[tilespmem:s28+$0x6200] =	vst v11  }
0x100: {  	s2 =	sor.u32 $0x280, s2;
	[tilespmem:s28+$0x4A00] =	vst v12  }
0x101: {  	v10 =	vadd.f32 v12, v10;
	v12 =	vld [tilespmem:s2+$0x800];
	_ =	sdelay $0x1  }
0x102: {  	v10 =	vadd.f32 v15, v10;
	_ =	sdelay $0x1  }
0x103: {  	v10 =	vadd.f32 v13, v10;
	_ =	sdelay $0x1  }
0x104: {  	v10 =	vadd.f32 v11, v10;
	v11 =	vperm.xlane v0, v12;
	_ =	sdelay $0x1  }
0x105: {  	[tilespmem:s2+$0x1800] =	vst v11;
	v10 =	vadd.f32 v11, v10;
	v11 =	vperm.xlane v1, v12  }
0x106: {  	v13 =	vld [tilespmem:s28+$0xB00]  }
0x107: {  	[tilespmem:s28+$0x2280] =	vst v11;
	v10 =	vadd.f32 v11, v10;
	v11 =	vperm.xlane v2, v12;
	_ =	sdelay $0x1  }
0x108: {  	[tilespmem:s28+$0x2A80] =	vst v11;
	v10 =	vadd.f32 v11, v10;
	v11 =	vperm.xlane v3, v12;
	_ =	sdelay $0x1  }
0x109: {  	[tilespmem:s28+$0x3280] =	vst v11;
	v10 =	vadd.f32 v11, v10;
	v11 =	vperm.xlane v4, v12;
	_ =	sdelay $0x1  }
0x10a: {  	[tilespmem:s28+$0x3A80] =	vst v11;
	v10 =	vadd.f32 v11, v10;
	v11 =	vperm.xlane v5, v12;
	_ =	sdelay $0x1  }
0x10b: {  	[tilespmem:s28+$0x4280] =	vst v11;
	v10 =	vadd.f32 v11, v10;
	v11 =	vperm.xlane v6, v12;
	_ =	sdelay $0x1  }
0x10c: {  	[tilespmem:s28+$0x4A80] =	vst v11;
	v10 =	vadd.f32 v11, v10;
	v11 =	vperm.xlane v7, v12;
	_ =	sdelay $0x1  }
0x10d: {  	[tilespmem:s28+$0x5280] =	vst v11;
	v10 =	vadd.f32 v11, v10;
	v11 =	vperm.xlane v8, v12;
	_ =	sdelay $0x1  }
0x10e: {  	[tilespmem:s28+$0x5A80] =	vst v11;
	v10 =	vadd.f32 v11, v10;
	v11 =	vperm.xlane v9, v12;
	_ =	sdelay $0x1  }
0x10f: {  	[tilespmem:s28+$0x6280] =	vst v11;
	v10 =	vadd.f32 v11, v10;
	v11 =	vperm.xlane v0, v13;
	_ =	sdelay $0x1  }
0x110: {  	v12 =	vperm.xlane v6, v13;
	[tilespmem:s28+$0x1B00] =	vst v11;
	v10 =	vadd.f32 v11, v10;
	v11 =	vperm.xlane v1, v13  }
0x111: {  	v14 =	vperm.xlane v4, v13;
	v15 =	vperm.xlane v5, v13  }
0x112: {  	v16 =	vperm.xlane v3, v13;
	[tilespmem:s28+$0x2300] =	vst v11;
	v10 =	vadd.f32 v11, v10;
	v11 =	vperm.xlane v2, v13  }
0x113: {  	[tilespmem:s28+$0x4300] =	vst v15  }
0x114: {  	v10 =	vadd.f32 v11, v10;
	[tilespmem:s28+$0x3300] =	vst v16  }
0x115: {  	v17 =	vperm.xlane v8, v13;
	[tilespmem:s28+$0x3B00] =	vst v14  }
0x116: {  	v10 =	vadd.f32 v16, v10;
	[tilespmem:s28+$0x4B00] =	vst v12;
	v16 =	vperm.xlane v7, v13;
	v13 =	vperm.xlane v9, v13  }
0x117: {  	[tilespmem:s28+$0x5B00] =	vst v17  }
0x118: {  	v10 =	vadd.f32 v14, v10;
	[tilespmem:s28+$0x5300] =	vst v16  }
0x119: {  	s2 =	sor.u32 s30, s29;
	s29 =	smov.u32 s0;
	[tilespmem:s28+$0x2B00] =	vst v11  }
0x11a: {  	s0 =	sor.u32 $0x380, s2;
	v10 =	vadd.f32 v15, v10;
	[tilespmem:s28+$0x6300] =	vst v13  }
0x11b: {  	v15 =	vld [tilespmem:s0+$0x800]  }
0x11c: {  	v10 =	vadd.f32 v12, v10;
	_ =	sdelay $0x1  }
0x11d: {  	v10 =	vadd.f32 v16, v10;
	_ =	sdelay $0x1  }
0x11e: {  	v10 =	vadd.f32 v17, v10;
	_ =	sdelay $0x1  }
0x11f: {  	v12 =	vperm.xlane v0, v15;
	v10 =	vadd.f32 v13, v10  }
0x120: {  	v11 =	vperm.xlane v8, v15  }
0x121: {  	v13 =	vperm.xlane v1, v15;
	[tilespmem:s0+$0x1800] =	vst v12;
	v10 =	vadd.f32 v12, v10  }
0x122: {  	v12 =	vperm.xlane v9, v15;
	[tilespmem:s28+$0x5B80] =	vst v11  }
0x123: {  	[tilespmem:s28+$0x2380] =	vst v13;
	v10 =	vadd.f32 v13, v10;
	v13 =	vperm.xlane v2, v15  }
0x124: {  	[tilespmem:s28+$0x6380] =	vst v12  }
0x125: {  	[tilespmem:s28+$0x2B80] =	vst v13;
	v10 =	vadd.f32 v13, v10;
	v13 =	vperm.xlane v3, v15;
	_ =	sdelay $0x1  }
0x126: {  	s30 =	sadd.s32 $0x80, s30;
	[tilespmem:s28+$0x3380] =	vst v13;
	v10 =	vadd.f32 v13, v10;
	v13 =	vperm.xlane v4, v15  }
0x127: {  	s2 =	sand.u32 $0x400, s30;
	s0 =	sand.u32 $0x70, s29  }
.Ltmp0:
0x128: {  	v14 =	vperm.xlane v5, v15;
	s2 =	sor.u32 s0, s2;
	[tilespmem:s28+$0x3B80] =	vst v13;
	v13 =	vadd.f32 v13, v10;
	(pc) =	sbr.rel @p1 .LBB2_3-.Ltmp0, $3  }
0x129: {  	v10 =	vld [tilespmem:s2+$0x800]  }
0x12a: {  	[tilespmem:s28+$0x4380] =	vst v14;
	v13 =	vadd.f32 v14, v13;
	v14 =	vperm.xlane v6, v15;
	_ =	sdelay $0x1  }
0x12b: {  	[tilespmem:s28+$0x4B80] =	vst v14;
	v14 =	vadd.f32 v14, v13;
	v13 =	vperm.xlane v7, v15  }
0x12c: {  	_ = 	snop  }
0x12d: {  	v14 =	vadd.f32 v13, v14;
	_ =	sdelay $0x1  }
0x12e: {  	v11 =	vadd.f32 v11, v14;
	_ =	sdelay $0x1  }
0x12f: {  	v14 =	vperm.xlane v0, v10;
	v11 =	vadd.f32 v12, v11;
	_ =	sdelay $0x1  }
0x130: {  	v12 =	vperm.xlane v1, v10;
	v11 =	vadd.f32 v14, v11  }
0x131: {  	[tilespmem:s28+$0x5380] =	vst v13;
	v13 =	vperm.xlane v2, v10  }
0x132: {  	v11 =	vadd.f32 v12, v11  }
0x133: {  	[tilespmem:s2+$0x2800] =	vst v13  }
0x134: {  	v15 =	vperm.xlane v4, v10;
	[tilespmem:s2+$0x2000] =	vst v12;
	v12 =	vperm.xlane v3, v10;
	v11 =	vadd.f32 v13, v11  }
0x135: {  	[tilespmem:s2+$0x1800] =	vst v14;
	v14 =	vperm.xlane v8, v10  }
0x136: {  	[tilespmem:s2+$0x3800] =	vst v15;
	v11 =	vadd.f32 v12, v11  }
0x137: {  	[tilespmem:s2+$0x5800] =	vst v14;
	v13 =	vperm.xlane v5, v10  }
0x138: {  	[tilespmem:s2+$0x3000] =	vst v12;
	v12 =	vperm.xlane v7, v10;
	v11 =	vadd.f32 v15, v11  }
0x139: {  	[tilespmem:s2+$0x4000] =	vst v13;
	v15 =	vperm.xlane v6, v10  }
0x13a: {  	s0 =	sand.u32 $0xFFFFFC00, s30;
	[tilespmem:s2+$0x5000] =	vst v12;
	v10 =	vperm.xlane v9, v10;
	v11 =	vadd.f32 v13, v11  }
0x13b: {  	s0 =	sadd.s32 s0, s29;
	[tilespmem:s2+$0x4800] =	vst v15  }
0x13c: {  	s21 =	sor.u32 $0x80, s0;
	[tilespmem:s2+$0x6000] =	vst v10;
	v11 =	vadd.f32 v15, v11  }
0x13d: {  	v13 =	vld [tilespmem:s21+$0x800]  }
0x13e: {  	v11 =	vadd.f32 v12, v11;
	_ =	sdelay $0x1  }
0x13f: {  	v11 =	vadd.f32 v14, v11;
	_ =	sdelay $0x1  }
0x140: {  	v12 =	vperm.xlane v0, v13;
	v10 =	vadd.f32 v10, v11;
	_ =	sdelay $0x1  }
0x141: {  	v11 =	vperm.xlane v1, v13;
	v10 =	vadd.f32 v12, v10;
	_ =	sdelay $0x1  }
0x142: {  	v14 =	vperm.xlane v2, v13;
	v10 =	vadd.f32 v11, v10;
	_ =	sdelay $0x1  }
0x143: {  	v15 =	vperm.xlane v3, v13;
	v10 =	vadd.f32 v14, v10;
	_ =	sdelay $0x1  }
0x144: {  	v16 =	vperm.xlane v4, v13;
	v10 =	vadd.f32 v15, v10;
	_ =	sdelay $0x1  }
0x145: {  	v17 =	vperm.xlane v5, v13;
	v10 =	vadd.f32 v16, v10;
	_ =	sdelay $0x1  }
0x146: {  	v18 =	vperm.xlane v6, v13;
	v10 =	vadd.f32 v17, v10;
	_ =	sdelay $0x1  }
0x147: {  	v19 =	vperm.xlane v7, v13;
	[tilespmem:s21+$0x1800] =	vst v12;
	v10 =	vadd.f32 v18, v10  }
0x148: {  	v12 =	vld [tilespmem:s2+$0x900]  }
0x149: {  	v35 =	vperm.xlane v8, v13;
	[tilespmem:s2+$0x4080] =	vst v17;
	v10 =	vadd.f32 v19, v10  }
0x14a: {  	[tilespmem:s2+$0x4880] =	vst v18  }
0x14b: {  	v13 =	vperm.xlane v9, v13;
	[tilespmem:s2+$0x5080] =	vst v19;
	v10 =	vadd.f32 v35, v10  }
0x14c: {  	[tilespmem:s2+$0x5880] =	vst v35  }
0x14d: {  	[tilespmem:s2+$0x2880] =	vst v14;
	v36 =	vperm.xlane v0, v12;
	v10 =	vadd.f32 v13, v10  }
0x14e: {  	[tilespmem:s2+$0x3080] =	vst v15  }
0x14f: {  	[tilespmem:s2+$0x3880] =	vst v16;
	v37 =	vperm.xlane v1, v12;
	v10 =	vadd.f32 v36, v10  }
0x150: {  	[tilespmem:s2+$0x6080] =	vst v13  }
0x151: {  	[tilespmem:s2+$0x2080] =	vst v11;
	v13 =	vperm.xlane v2, v12;
	v10 =	vadd.f32 v37, v10  }
0x152: {  	v38 =	vperm.xlane v3, v12;
	[tilespmem:s2+$0x1900] =	vst v36  }
0x153: {  	v11 =	vperm.xlane v4, v12;
	[tilespmem:s2+$0x2100] =	vst v37;
	v10 =	vadd.f32 v13, v10  }
0x154: {  	v14 =	vperm.xlane v6, v12;
	[tilespmem:s2+$0x3100] =	vst v38  }
0x155: {  	[tilespmem:s2+$0x3900] =	vst v11;
	v10 =	vadd.f32 v38, v10  }
0x156: {  	v15 =	vperm.xlane v7, v12;
	[tilespmem:s2+$0x4900] =	vst v14  }
0x157: {  	[tilespmem:s2+$0x2900] =	vst v13;
	v13 =	vperm.xlane v5, v12;
	v10 =	vadd.f32 v11, v10  }
0x158: {  	[tilespmem:s2+$0x5100] =	vst v15;
	v11 =	vperm.xlane v9, v12  }
0x159: {  	[tilespmem:s2+$0x4100] =	vst v13;
	v12 =	vperm.xlane v8, v12;
	v10 =	vadd.f32 v13, v10  }
0x15a: {  	[tilespmem:s2+$0x6100] =	vst v11  }
0x15b: {  	s31 =	sor.u32 $0x180, s0;
	[tilespmem:s2+$0x5900] =	vst v12;
	v10 =	vadd.f32 v14, v10  }
0x15c: {  	v13 =	vld [tilespmem:s31+$0x800]  }
0x15d: {  	v10 =	vadd.f32 v15, v10;
	_ =	sdelay $0x1  }
0x15e: {  	v10 =	vadd.f32 v12, v10;
	_ =	sdelay $0x1  }
0x15f: {  	v10 =	vadd.f32 v11, v10;
	v11 =	vperm.xlane v0, v13;
	_ =	sdelay $0x1  }
0x160: {  	v12 =	vperm.xlane v1, v13;
	v10 =	vadd.f32 v11, v10;
	_ =	sdelay $0x1  }
0x161: {  	v14 =	vperm.xlane v2, v13;
	v10 =	vadd.f32 v12, v10;
	_ =	sdelay $0x1  }
0x162: {  	v15 =	vperm.xlane v3, v13;
	v10 =	vadd.f32 v14, v10;
	_ =	sdelay $0x1  }
0x163: {  	v39 =	vperm.xlane v4, v13;
	v10 =	vadd.f32 v15, v10;
	_ =	sdelay $0x1  }
0x164: {  	v40 =	vperm.xlane v5, v13;
	v10 =	vadd.f32 v39, v10;
	_ =	sdelay $0x1  }
0x165: {  	v41 =	vperm.xlane v6, v13;
	v10 =	vadd.f32 v40, v10;
	_ =	sdelay $0x1  }
0x166: {  	[tilespmem:s31+$0x1800] =	vst v11;
	v11 =	vperm.xlane v7, v13;
	v10 =	vadd.f32 v41, v10  }
0x167: {  	[tilespmem:s2+$0x2180] =	vst v12;
	v12 =	vld [tilespmem:s2+$0xA00]  }
0x168: {  	v42 =	vperm.xlane v8, v13;
	v10 =	vadd.f32 v11, v10  }
0x169: {  	[tilespmem:s2+$0x2980] =	vst v14  }
0x16a: {  	v13 =	vperm.xlane v9, v13;
	[tilespmem:s2+$0x3180] =	vst v15;
	v10 =	vadd.f32 v42, v10  }
0x16b: {  	[tilespmem:s2+$0x3980] =	vst v39  }
0x16c: {  	[tilespmem:s2+$0x4180] =	vst v40;
	v14 =	vperm.xlane v0, v12;
	v10 =	vadd.f32 v13, v10  }
0x16d: {  	[tilespmem:s2+$0x4980] =	vst v41  }
0x16e: {  	[tilespmem:s2+$0x5180] =	vst v11;
	v11 =	vperm.xlane v1, v12;
	v10 =	vadd.f32 v14, v10  }
0x16f: {  	[tilespmem:s2+$0x5980] =	vst v42  }
0x170: {  	[tilespmem:s2+$0x6180] =	vst v13;
	v13 =	vperm.xlane v2, v12;
	v10 =	vadd.f32 v11, v10  }
0x171: {  	v15 =	vperm.xlane v8, v12;
	[tilespmem:s2+$0x1A00] =	vst v14  }
0x172: {  	[tilespmem:s2+$0x2200] =	vst v11;
	v11 =	vperm.xlane v3, v12;
	v10 =	vadd.f32 v13, v10  }
0x173: {  	[tilespmem:s2+$0x5A00] =	vst v15;
	v14 =	vperm.xlane v4, v12  }
0x174: {  	[tilespmem:s2+$0x2A00] =	vst v13;
	v10 =	vadd.f32 v11, v10  }
0x175: {  	[tilespmem:s2+$0x3A00] =	vst v14;
	v13 =	vperm.xlane v7, v12  }
0x176: {  	[tilespmem:s2+$0x3200] =	vst v11;
	v11 =	vperm.xlane v5, v12;
	v10 =	vadd.f32 v14, v10  }
0x177: {  	[tilespmem:s2+$0x5200] =	vst v13;
	v14 =	vperm.xlane v9, v12  }
0x178: {  	[tilespmem:s2+$0x4200] =	vst v11;
	v12 =	vperm.xlane v6, v12;
	v10 =	vadd.f32 v11, v10  }
0x179: {  	[tilespmem:s2+$0x6200] =	vst v14  }
0x17a: {  	s0 =	sor.u32 $0x280, s0;
	[tilespmem:s2+$0x4A00] =	vst v12;
	v10 =	vadd.f32 v12, v10  }
0x17b: {  	v11 =	vld [tilespmem:s0+$0x800]  }
0x17c: {  	v10 =	vadd.f32 v13, v10;
	_ =	sdelay $0x1  }
0x17d: {  	v10 =	vadd.f32 v15, v10;
	_ =	sdelay $0x1  }
0x17e: {  	v12 =	vperm.xlane v0, v11;
	v10 =	vadd.f32 v14, v10;
	_ =	sdelay $0x1  }
0x17f: {  	v13 =	vperm.xlane v1, v11;
	v10 =	vadd.f32 v12, v10;
	_ =	sdelay $0x1  }
0x180: {  	v14 =	vperm.xlane v2, v11;
	v10 =	vadd.f32 v13, v10;
	_ =	sdelay $0x1  }
0x181: {  	v15 =	vperm.xlane v3, v11;
	v10 =	vadd.f32 v14, v10  }
0x182: {  	[tilespmem:s0+$0x1800] =	vst v12  }
0x183: {  	[tilespmem:s2+$0x2280] =	vst v13;
	v12 =	vld [tilespmem:s2+$0xB00];
	v13 =	vperm.xlane v4, v11;
	v10 =	vadd.f32 v15, v10;
	_ =	sdelay $0x1  }
0x184: {  	[tilespmem:s2+$0x2A80] =	vst v14;
	v14 =	vperm.xlane v5, v11;
	v10 =	vadd.f32 v13, v10;
	_ =	sdelay $0x1  }
0x185: {  	[tilespmem:s2+$0x3A80] =	vst v13;
	v13 =	vperm.xlane v6, v11;
	v10 =	vadd.f32 v14, v10  }
0x186: {  	[tilespmem:s2+$0x3280] =	vst v15;
	v43 =	vperm.xlane v1, v12  }
0x187: {  	v44 =	vperm.xlane v3, v12;
	[tilespmem:s2+$0x4280] =	vst v14;
	v15 =	vperm.xlane v7, v11;
	v10 =	vadd.f32 v13, v10  }
0x188: {  	v45 =	vperm.xlane v6, v12;
	[tilespmem:s2+$0x2300] =	vst v43  }
0x189: {  	v46 =	vperm.xlane v7, v12;
	[tilespmem:s2+$0x3300] =	vst v44;
	v14 =	vperm.xlane v8, v11;
	v10 =	vadd.f32 v15, v10  }
0x18a: {  	[tilespmem:s2+$0x4B00] =	vst v45  }
0x18b: {  	[tilespmem:s2+$0x5300] =	vst v46;
	v11 =	vperm.xlane v9, v11;
	v10 =	vadd.f32 v14, v10  }
0x18c: {  	[tilespmem:s2+$0x5280] =	vst v15  }
0x18d: {  	[tilespmem:s2+$0x4A80] =	vst v13;
	v13 =	vperm.xlane v0, v12;
	v10 =	vadd.f32 v11, v10  }
0x18e: {  	[tilespmem:s2+$0x5A80] =	vst v14  }
0x18f: {  	[tilespmem:s2+$0x6280] =	vst v11;
	v15 =	vperm.xlane v5, v12;
	v10 =	vadd.f32 v13, v10  }
0x190: {  	[tilespmem:s2+$0x1B00] =	vst v13;
	v14 =	vperm.xlane v4, v12  }
0x191: {  	[tilespmem:s2+$0x4300] =	vst v15;
	v11 =	vperm.xlane v8, v12;
	v13 =	vperm.xlane v2, v12;
	v10 =	vadd.f32 v43, v10  }
0x192: {  	[tilespmem:s2+$0x3B00] =	vst v14  }
0x193: {  	[tilespmem:s2+$0x5B00] =	vst v11;
	v12 =	vperm.xlane v9, v12;
	v10 =	vadd.f32 v13, v10  }
0x194: {  	s31 =	sor.u32 s30, s29;
	[tilespmem:s2+$0x2B00] =	vst v13  }
0x195: {  	s0 =	sor.u32 $0x380, s31;
	[tilespmem:s2+$0x6300] =	vst v12;
	v10 =	vadd.f32 v44, v10  }
0x196: {  	v13 =	vld [tilespmem:s0+$0x800]  }
0x197: {  	v10 =	vadd.f32 v14, v10;
	_ =	sdelay $0x1  }
0x198: {  	v10 =	vadd.f32 v15, v10;
	_ =	sdelay $0x1  }
0x199: {  	v14 =	vperm.xlane v0, v13;
	v10 =	vadd.f32 v45, v10  }
0x19a: {  	v15 =	vperm.xlane v8, v13  }
0x19b: {  	v47 =	vperm.xlane v1, v13;
	[tilespmem:s0+$0x1800] =	vst v14;
	v10 =	vadd.f32 v46, v10  }
0x19c: {  	v48 =	vperm.xlane v9, v13;
	[tilespmem:s2+$0x5B80] =	vst v15  }
0x19d: {  	v49 =	vperm.xlane v2, v13;
	[tilespmem:s2+$0x2380] =	vst v47;
	v10 =	vadd.f32 v11, v10  }
0x19e: {  	v50 =	vperm.xlane v3, v13;
	[tilespmem:s2+$0x6380] =	vst v48  }
0x19f: {  	v20 =	vperm.xlane v4, v13;
	[tilespmem:s2+$0x2B80] =	vst v49;
	v10 =	vadd.f32 v12, v10  }
0x1a0: {  	v21 =	vperm.xlane v6, v13;
	[tilespmem:s2+$0x3380] =	vst v50  }
0x1a1: {  	[tilespmem:s2+$0x3B80] =	vst v20;
	v11 =	vperm.xlane v5, v13;
	v10 =	vadd.f32 v14, v10  }
0x1a2: {  	s21 =	sadd.s32 s3, s26;
	s26 =	smin.u32 s25, $0x2F;
	[tilespmem:s2+$0x4B80] =	vst v21;
	v12 =	vperm.xlane v7, v13  }
0x1a3: {  	s0 =	sadd.s32 s26, s8;
	[tilespmem:s2+$0x4380] =	vst v11;
	v10 =	vadd.f32 v47, v10  }
0x1a4: {  	s0 =	sshll.u32 s0, $0x8;
	[tilespmem:s2+$0x5380] =	vst v12  }
0x1a5: {  	[hbm4b:s21+s12] =	stream.strided.scatter [tilespmem:s16], [sflag:$0x3], $0x5000, s15, s12, $0x38;
	v10 =	vadd.f32 v49, v10;
	[tilespmem:$0xB880] =	vst v63  }
0x1a6: {  	s0 =	sadd.s32 s1, s0  }
0x1a7: {  	[tilespmem:s12], [sflag:$0x1] =	stream.linear.gather [hbm4b:s0+s4], $0x800, $0x38;
	v10 =	vadd.f32 v50, v10;
	[tilespmem:$0xB880] =	vst v63  }
0x1a8: {  	_ =	swait.ge [sflag:s17], $0x800  }
0x1a9: {  	[sflag:s17] =	ssyncset.done $0x0;
	v10 =	vadd.f32 v20, v10  }
0x1aa: {  	s0 =	simm.s32 @!p0 $0x4;
	[sflag:s17] =	ssyncadd.s32 $0xFFFFF800  }
0x1ab: {  	s29 =	simm.s32 $0x0;
	_ =	swait.ge @!p0 [sflag:s0], $0x5000;
	v10 =	vadd.f32 v11, v10  }
0x1ac: {  	s30 =	sand.u32 $0x70, s29;
	s2 =	sand.u32 $0x400, s29;
	[sflag:s0] =	ssyncset.done @!p0 $0x0  }
0x1ad: {  	s25 =	sor.u32 s30, s2;
	[sflag:s0] =	ssyncadd.s32 @!p0 $0xFFFFB000;
	v10 =	vadd.f32 v21, v10  }
0x1ae: {  	v11 =	vld [tilespmem:s25+$0x1000]  }
0x1af: {  	v10 =	vadd.f32 v12, v10;
	_ =	sdelay $0x1  }
0x1b0: {  	v10 =	vadd.f32 v15, v10;
	_ =	sdelay $0x1  }
0x1b1: {  	v12 =	vperm.xlane v0, v11;
	v10 =	vadd.f32 v48, v10;
	_ =	sdelay $0x1  }
0x1b2: {  	v13 =	vperm.xlane v1, v11;
	v10 =	vadd.f32 v12, v10;
	_ =	sdelay $0x1  }
0x1b3: {  	v14 =	vperm.xlane v2, v11;
	v10 =	vadd.f32 v13, v10;
	_ =	sdelay $0x1  }
0x1b4: {  	v15 =	vperm.xlane v3, v11;
	v10 =	vadd.f32 v14, v10;
	_ =	sdelay $0x1  }
0x1b5: {  	[tilespmem:s25+$0x6800] =	vst v12;
	v12 =	vperm.xlane v4, v11;
	v10 =	vadd.f32 v15, v10;
	_ =	sdelay $0x1  }
0x1b6: {  	[tilespmem:s25+$0x7000] =	vst v13;
	v13 =	vperm.xlane v5, v11;
	v10 =	vadd.f32 v12, v10;
	_ =	sdelay $0x1  }
0x1b7: {  	[tilespmem:s25+$0x8800] =	vst v12;
	v12 =	vperm.xlane v6, v11;
	v10 =	vadd.f32 v13, v10;
	_ =	sdelay $0x1  }
0x1b8: {  	[tilespmem:s25+$0x9800] =	vst v12;
	v10 =	vadd.f32 v12, v10;
	v12 =	vperm.xlane v7, v11  }
0x1b9: {  	[tilespmem:s25+$0x9000] =	vst v13;
	v13 =	vld [tilespmem:s25+$0x1080]  }
0x1ba: {  	[tilespmem:s25+$0x7800] =	vst v14;
	v14 =	vperm.xlane v8, v11;
	v10 =	vadd.f32 v12, v10;
	_ =	sdelay $0x1  }
0x1bb: {  	v11 =	vperm.xlane v9, v11;
	v10 =	vadd.f32 v14, v10;
	_ =	sdelay $0x1  }
0x1bc: {  	[tilespmem:s25+$0x8000] =	vst v15;
	v15 =	vperm.xlane v0, v13;
	v10 =	vadd.f32 v11, v10;
	_ =	sdelay $0x1  }
0x1bd: {  	v51 =	vperm.xlane v1, v13;
	v10 =	vadd.f32 v15, v10;
	_ =	sdelay $0x1  }
0x1be: {  	v52 =	vperm.xlane v2, v13;
	v10 =	vadd.f32 v51, v10;
	_ =	sdelay $0x1  }
0x1bf: {  	[tilespmem:s25+$0xA000] =	vst v12;
	v12 =	vperm.xlane v3, v13;
	v10 =	vadd.f32 v52, v10;
	_ =	sdelay $0x1  }
0x1c0: {  	[tilespmem:s25+$0xB000] =	vst v11;
	v11 =	vperm.xlane v4, v13;
	v10 =	vadd.f32 v12, v10;
	_ =	sdelay $0x1  }
0x1c1: {  	[tilespmem:s25+$0xA800] =	vst v14;
	v14 =	vperm.xlane v5, v13;
	v10 =	vadd.f32 v11, v10;
	_ =	sdelay $0x1  }
0x1c2: {  	[tilespmem:s25+$0x8880] =	vst v11;
	v11 =	vperm.xlane v6, v13;
	v10 =	vadd.f32 v14, v10;
	_ =	sdelay $0x1  }
0x1c3: {  	[tilespmem:s25+$0x9880] =	vst v11;
	v10 =	vadd.f32 v11, v10;
	v11 =	vperm.xlane v7, v13  }
0x1c4: {  	[tilespmem:s25+$0x8080] =	vst v12;
	v12 =	vld [tilespmem:s25+$0x1100]  }
0x1c5: {  	[tilespmem:s25+$0x9080] =	vst v14;
	v14 =	vperm.xlane v8, v13;
	v10 =	vadd.f32 v11, v10;
	_ =	sdelay $0x1  }
0x1c6: {  	v13 =	vperm.xlane v9, v13;
	v10 =	vadd.f32 v14, v10;
	_ =	sdelay $0x1  }
0x1c7: {  	[tilespmem:s25+$0x6880] =	vst v15;
	v15 =	vperm.xlane v0, v12;
	v10 =	vadd.f32 v13, v10;
	_ =	sdelay $0x1  }
0x1c8: {  	v53 =	vperm.xlane v1, v12;
	v10 =	vadd.f32 v15, v10;
	_ =	sdelay $0x1  }
0x1c9: {  	v54 =	vperm.xlane v2, v12;
	v10 =	vadd.f32 v53, v10;
	_ =	sdelay $0x1  }
0x1ca: {  	[tilespmem:s25+$0xA080] =	vst v11;
	v11 =	vperm.xlane v3, v12;
	v10 =	vadd.f32 v54, v10;
	_ =	sdelay $0x1  }
0x1cb: {  	[tilespmem:s25+$0xB080] =	vst v13;
	v13 =	vperm.xlane v4, v12;
	v10 =	vadd.f32 v11, v10;
	_ =	sdelay $0x1  }
0x1cc: {  	[tilespmem:s25+$0xA880] =	vst v14;
	v14 =	vperm.xlane v5, v12;
	v10 =	vadd.f32 v13, v10;
	_ =	sdelay $0x1  }
0x1cd: {  	[tilespmem:s25+$0x8100] =	vst v11;
	v11 =	vperm.xlane v6, v12;
	v10 =	vadd.f32 v14, v10;
	_ =	sdelay $0x1  }
0x1ce: {  	[tilespmem:s25+$0x9900] =	vst v11;
	v10 =	vadd.f32 v11, v10;
	v11 =	vperm.xlane v7, v12  }
0x1cf: {  	[tilespmem:s25+$0x8900] =	vst v13;
	v13 =	vld [tilespmem:s25+$0x1180]  }
0x1d0: {  	[tilespmem:s25+$0x9100] =	vst v14;
	v14 =	vperm.xlane v8, v12;
	v10 =	vadd.f32 v11, v10;
	_ =	sdelay $0x1  }
0x1d1: {  	v12 =	vperm.xlane v9, v12;
	v10 =	vadd.f32 v14, v10;
	_ =	sdelay $0x1  }
0x1d2: {  	[tilespmem:s25+$0x6900] =	vst v15;
	v15 =	vperm.xlane v0, v13;
	v10 =	vadd.f32 v12, v10;
	_ =	sdelay $0x1  }
0x1d3: {  	v55 =	vperm.xlane v1, v13;
	v10 =	vadd.f32 v15, v10;
	_ =	sdelay $0x1  }
0x1d4: {  	v56 =	vperm.xlane v2, v13;
	v10 =	vadd.f32 v55, v10;
	_ =	sdelay $0x1  }
0x1d5: {  	[tilespmem:s25+$0xA100] =	vst v11;
	v11 =	vperm.xlane v3, v13;
	v10 =	vadd.f32 v56, v10;
	_ =	sdelay $0x1  }
0x1d6: {  	[tilespmem:s25+$0xB100] =	vst v12;
	v12 =	vperm.xlane v4, v13;
	v10 =	vadd.f32 v11, v10;
	_ =	sdelay $0x1  }
0x1d7: {  	[tilespmem:s25+$0xA900] =	vst v14;
	v14 =	vperm.xlane v5, v13;
	v10 =	vadd.f32 v12, v10;
	_ =	sdelay $0x1  }
0x1d8: {  	[tilespmem:s25+$0x8180] =	vst v11;
	v11 =	vperm.xlane v6, v13;
	v10 =	vadd.f32 v14, v10;
	_ =	sdelay $0x1  }
0x1d9: {  	[tilespmem:s25+$0x9980] =	vst v11;
	v10 =	vadd.f32 v11, v10;
	v11 =	vperm.xlane v7, v13  }
0x1da: {  	[tilespmem:s25+$0x8980] =	vst v12;
	v12 =	vld [tilespmem:s25+$0x1200]  }
0x1db: {  	[tilespmem:s25+$0x9180] =	vst v14;
	v14 =	vperm.xlane v8, v13;
	v10 =	vadd.f32 v11, v10;
	_ =	sdelay $0x1  }
0x1dc: {  	v13 =	vperm.xlane v9, v13;
	v10 =	vadd.f32 v14, v10;
	_ =	sdelay $0x1  }
0x1dd: {  	[tilespmem:s25+$0x6980] =	vst v15;
	v15 =	vperm.xlane v0, v12;
	v10 =	vadd.f32 v13, v10;
	_ =	sdelay $0x1  }
0x1de: {  	v57 =	vperm.xlane v1, v12;
	v10 =	vadd.f32 v15, v10;
	_ =	sdelay $0x1  }
0x1df: {  	v58 =	vperm.xlane v2, v12;
	v10 =	vadd.f32 v57, v10;
	_ =	sdelay $0x1  }
0x1e0: {  	[tilespmem:s25+$0xA180] =	vst v11;
	v11 =	vperm.xlane v3, v12;
	v10 =	vadd.f32 v58, v10;
	_ =	sdelay $0x1  }
0x1e1: {  	[tilespmem:s25+$0xB180] =	vst v13;
	v13 =	vperm.xlane v4, v12;
	v10 =	vadd.f32 v11, v10;
	_ =	sdelay $0x1  }
0x1e2: {  	[tilespmem:s25+$0xA980] =	vst v14;
	v14 =	vperm.xlane v5, v12;
	v10 =	vadd.f32 v13, v10;
	_ =	sdelay $0x1  }
0x1e3: {  	[tilespmem:s25+$0x8200] =	vst v11;
	v11 =	vperm.xlane v6, v12;
	v10 =	vadd.f32 v14, v10;
	_ =	sdelay $0x1  }
0x1e4: {  	[tilespmem:s25+$0x9A00] =	vst v11;
	v10 =	vadd.f32 v11, v10;
	v11 =	vperm.xlane v7, v12  }
0x1e5: {  	[tilespmem:s25+$0x8A00] =	vst v13;
	v13 =	vld [tilespmem:s25+$0x1280]  }
0x1e6: {  	[tilespmem:s25+$0x9200] =	vst v14;
	v14 =	vperm.xlane v8, v12;
	v10 =	vadd.f32 v11, v10;
	_ =	sdelay $0x1  }
0x1e7: {  	v12 =	vperm.xlane v9, v12;
	v10 =	vadd.f32 v14, v10;
	_ =	sdelay $0x1  }
0x1e8: {  	[tilespmem:s25+$0x6A00] =	vst v15;
	v15 =	vperm.xlane v0, v13;
	v10 =	vadd.f32 v12, v10;
	_ =	sdelay $0x1  }
0x1e9: {  	v59 =	vperm.xlane v1, v13;
	v10 =	vadd.f32 v15, v10;
	_ =	sdelay $0x1  }
0x1ea: {  	v60 =	vperm.xlane v2, v13;
	v10 =	vadd.f32 v59, v10;
	_ =	sdelay $0x1  }
0x1eb: {  	[tilespmem:s25+$0xA200] =	vst v11;
	v11 =	vperm.xlane v3, v13;
	v10 =	vadd.f32 v60, v10;
	_ =	sdelay $0x1  }
0x1ec: {  	[tilespmem:s25+$0xB200] =	vst v12;
	v12 =	vperm.xlane v4, v13;
	v10 =	vadd.f32 v11, v10;
	_ =	sdelay $0x1  }
0x1ed: {  	[tilespmem:s25+$0xAA00] =	vst v14;
	v14 =	vperm.xlane v5, v13;
	v10 =	vadd.f32 v12, v10;
	_ =	sdelay $0x1  }
0x1ee: {  	[tilespmem:s25+$0x8280] =	vst v11;
	v11 =	vperm.xlane v6, v13;
	v10 =	vadd.f32 v14, v10;
	_ =	sdelay $0x1  }
0x1ef: {  	[tilespmem:s25+$0x9A80] =	vst v11;
	v10 =	vadd.f32 v11, v10;
	v11 =	vperm.xlane v7, v13  }
0x1f0: {  	[tilespmem:s25+$0x8A80] =	vst v12;
	v12 =	vld [tilespmem:s25+$0x1300]  }
0x1f1: {  	[tilespmem:s25+$0x9280] =	vst v14;
	v14 =	vperm.xlane v8, v13;
	v10 =	vadd.f32 v11, v10;
	_ =	sdelay $0x1  }
0x1f2: {  	v13 =	vperm.xlane v9, v13;
	v10 =	vadd.f32 v14, v10;
	_ =	sdelay $0x1  }
0x1f3: {  	[tilespmem:s25+$0x6A80] =	vst v15;
	v15 =	vperm.xlane v0, v12;
	v10 =	vadd.f32 v13, v10;
	_ =	sdelay $0x1  }
0x1f4: {  	v61 =	vperm.xlane v1, v12;
	v10 =	vadd.f32 v15, v10;
	_ =	sdelay $0x1  }
0x1f5: {  	v62 =	vperm.xlane v2, v12;
	v10 =	vadd.f32 v61, v10  }
0x1f6: {  	[tilespmem:s25+$0x7080] =	vst v51  }
0x1f7: {  	[tilespmem:s25+$0xA280] =	vst v11;
	v11 =	vperm.xlane v3, v12;
	v10 =	vadd.f32 v62, v10  }
0x1f8: {  	[tilespmem:s25+$0x7880] =	vst v52  }
0x1f9: {  	[tilespmem:s25+$0xB280] =	vst v13;
	v13 =	vperm.xlane v4, v12;
	v10 =	vadd.f32 v11, v10  }
0x1fa: {  	[tilespmem:s25+$0x7100] =	vst v53  }
0x1fb: {  	[tilespmem:s25+$0xAA80] =	vst v14;
	v14 =	vperm.xlane v5, v12;
	v10 =	vadd.f32 v13, v10  }
0x1fc: {  	[tilespmem:s25+$0x7900] =	vst v54  }
0x1fd: {  	[tilespmem:s25+$0x8300] =	vst v11;
	v11 =	vperm.xlane v6, v12;
	v10 =	vadd.f32 v14, v10  }
0x1fe: {  	[tilespmem:s25+$0x8B00] =	vst v13  }
0x1ff: {  	[tilespmem:s25+$0x9B00] =	vst v11;
	v13 =	vperm.xlane v7, v12;
	v11 =	vadd.f32 v11, v10  }
0x200: {  	[tilespmem:s25+$0x7180] =	vst v55;
	v10 =	vld [tilespmem:s25+$0x1380]  }
0x201: {  	[tilespmem:s25+$0x9300] =	vst v14;
	v14 =	vperm.xlane v8, v12;
	v11 =	vadd.f32 v13, v11  }
0x202: {  	[tilespmem:s25+$0x7980] =	vst v56  }
0x203: {  	[tilespmem:s25+$0x7200] =	vst v57;
	v12 =	vperm.xlane v9, v12;
	v11 =	vadd.f32 v14, v11  }
0x204: {  	[tilespmem:s25+$0x7A00] =	vst v58  }
0x205: {  	[tilespmem:s25+$0x6B00] =	vst v15;
	v15 =	vperm.xlane v0, v10;
	v11 =	vadd.f32 v12, v11  }
0x206: {  	[tilespmem:s25+$0x7280] =	vst v59  }
0x207: {  	[tilespmem:s25+$0x7A80] =	vst v60;
	v63 =	vperm.xlane v1, v10;
	v11 =	vadd.f32 v15, v11  }
0x208: {  	[tilespmem:s25+$0x7300] =	vst v61  }
0x209: {  	[tilespmem:s25+$0xA300] =	vst v13;
	v13 =	vperm.xlane v2, v10;
	v11 =	vadd.f32 v63, v11  }
0x20a: {  	[tilespmem:s25+$0x7B00] =	vst v62  }
0x20b: {  	[tilespmem:s25+$0xB300] =	vst v12;
	v12 =	vperm.xlane v3, v10;
	v11 =	vadd.f32 v13, v11  }
0x20c: {  	[tilespmem:s25+$0xAB00] =	vst v14  }
0x20d: {  	v14 =	vperm.xlane v4, v10;
	[tilespmem:s25+$0x6B80] =	vst v15;
	v11 =	vadd.f32 v12, v11  }
0x20e: {  	[tilespmem:s25+$0x7380] =	vst v63  }
0x20f: {  	[tilespmem:s25+$0x8380] =	vst v12;
	v12 =	vperm.xlane v5, v10;
	v11 =	vadd.f32 v14, v11  }
0x210: {  	[tilespmem:s25+$0x7B80] =	vst v13  }
0x211: {  	s31 =	simm.s32 $0x10;
	s26 =	simm.s32 $0x80;
	[tilespmem:s25+$0x9380] =	vst v12;
	v11 =	vadd.f32 v12, v11;
	v12 =	vperm.xlane v6, v10  }
0x212: {  	s28 =	simm.s32 $0x20;
	s2 =	sand.u32 $0x400, s26;
	s0 =	sand.u32 $0x70, s31;
	[tilespmem:s25+$0x8B80] =	vst v14  }
.LBB2_5:
0x213: {  	p0 =	sne.s32 s28, $0xF0;
	s0 =	sor.u32 s0, s2;
	[tilespmem:s25+$0x9B80] =	vst v12;
	v11 =	vadd.f32 v12, v11;
	v12 =	vperm.xlane v7, v10  }
0x214: {  	v13 =	vld [tilespmem:s0+$0x1000]  }
0x215: {  	[tilespmem:s25+$0xA380] =	vst v12;
	v11 =	vadd.f32 v12, v11;
	v12 =	vperm.xlane v8, v10;
	_ =	sdelay $0x1  }
0x216: {  	v10 =	vperm.xlane v9, v10;
	[tilespmem:s25+$0xAB80] =	vst v12;
	v11 =	vadd.f32 v12, v11;
	_ =	sdelay $0x1  }
0x217: {  	v12 =	vperm.xlane v0, v13;
	[tilespmem:s25+$0xB380] =	vst v10;
	v10 =	vadd.f32 v10, v11;
	s25 =	smov.u32 s0;
	_ =	sdelay $0x1  }
0x218: {  	v11 =	vperm.xlane v1, v13;
	[tilespmem:s25+$0x6800] =	vst v12;
	v10 =	vadd.f32 v12, v10;
	_ =	sdelay $0x1  }
0x219: {  	[tilespmem:s25+$0x7000] =	vst v11;
	v10 =	vadd.f32 v11, v10;
	v11 =	vperm.xlane v2, v13;
	_ =	sdelay $0x1  }
0x21a: {  	[tilespmem:s25+$0x7800] =	vst v11;
	v10 =	vadd.f32 v11, v10;
	v11 =	vperm.xlane v3, v13;
	_ =	sdelay $0x1  }
0x21b: {  	[tilespmem:s25+$0x8000] =	vst v11;
	v10 =	vadd.f32 v11, v10;
	v11 =	vperm.xlane v4, v13;
	_ =	sdelay $0x1  }
0x21c: {  	[tilespmem:s25+$0x8800] =	vst v11;
	v10 =	vadd.f32 v11, v10;
	v11 =	vperm.xlane v5, v13;
	_ =	sdelay $0x1  }
0x21d: {  	[tilespmem:s25+$0x9000] =	vst v11;
	v10 =	vadd.f32 v11, v10;
	v11 =	vperm.xlane v6, v13;
	_ =	sdelay $0x1  }
0x21e: {  	[tilespmem:s25+$0x9800] =	vst v11;
	v10 =	vadd.f32 v11, v10;
	v11 =	vperm.xlane v7, v13  }
0x21f: {  	v12 =	vld [tilespmem:s25+$0x1080]  }
0x220: {  	[tilespmem:s25+$0xA000] =	vst v11;
	v10 =	vadd.f32 v11, v10;
	v11 =	vperm.xlane v8, v13;
	_ =	sdelay $0x1  }
0x221: {  	[tilespmem:s25+$0xA800] =	vst v11;
	v10 =	vadd.f32 v11, v10;
	v11 =	vperm.xlane v9, v13;
	_ =	sdelay $0x1  }
0x222: {  	[tilespmem:s25+$0xB000] =	vst v11;
	v10 =	vadd.f32 v11, v10;
	v11 =	vperm.xlane v0, v12;
	_ =	sdelay $0x1  }
0x223: {  	[tilespmem:s25+$0x6880] =	vst v11;
	v10 =	vadd.f32 v11, v10;
	v11 =	vperm.xlane v1, v12;
	_ =	sdelay $0x1  }
0x224: {  	[tilespmem:s25+$0x7080] =	vst v11;
	v10 =	vadd.f32 v11, v10;
	v11 =	vperm.xlane v2, v12;
	_ =	sdelay $0x1  }
0x225: {  	[tilespmem:s25+$0x7880] =	vst v11;
	v10 =	vadd.f32 v11, v10;
	v11 =	vperm.xlane v3, v12;
	_ =	sdelay $0x1  }
0x226: {  	[tilespmem:s25+$0x8080] =	vst v11;
	v10 =	vadd.f32 v11, v10;
	v11 =	vperm.xlane v4, v12;
	_ =	sdelay $0x1  }
0x227: {  	[tilespmem:s25+$0x8880] =	vst v11;
	v10 =	vadd.f32 v11, v10;
	v11 =	vperm.xlane v5, v12;
	_ =	sdelay $0x1  }
0x228: {  	[tilespmem:s25+$0x9080] =	vst v11;
	v10 =	vadd.f32 v11, v10;
	v11 =	vperm.xlane v6, v12;
	_ =	sdelay $0x1  }
0x229: {  	[tilespmem:s25+$0x9880] =	vst v11;
	v10 =	vadd.f32 v11, v10;
	v11 =	vperm.xlane v7, v12  }
0x22a: {  	v13 =	vld [tilespmem:s25+$0x1100]  }
0x22b: {  	[tilespmem:s25+$0xA080] =	vst v11;
	v10 =	vadd.f32 v11, v10;
	v11 =	vperm.xlane v8, v12;
	_ =	sdelay $0x1  }
0x22c: {  	[tilespmem:s25+$0xA880] =	vst v11;
	v10 =	vadd.f32 v11, v10;
	v11 =	vperm.xlane v9, v12;
	_ =	sdelay $0x1  }
0x22d: {  	[tilespmem:s25+$0xB080] =	vst v11;
	v10 =	vadd.f32 v11, v10;
	v11 =	vperm.xlane v0, v13;
	_ =	sdelay $0x1  }
0x22e: {  	[tilespmem:s25+$0x6900] =	vst v11;
	v10 =	vadd.f32 v11, v10;
	v11 =	vperm.xlane v1, v13;
	_ =	sdelay $0x1  }
0x22f: {  	[tilespmem:s25+$0x7100] =	vst v11;
	v10 =	vadd.f32 v11, v10;
	v11 =	vperm.xlane v2, v13;
	_ =	sdelay $0x1  }
0x230: {  	[tilespmem:s25+$0x7900] =	vst v11;
	v10 =	vadd.f32 v11, v10;
	v11 =	vperm.xlane v3, v13;
	_ =	sdelay $0x1  }
0x231: {  	[tilespmem:s25+$0x8100] =	vst v11;
	v10 =	vadd.f32 v11, v10;
	v11 =	vperm.xlane v4, v13;
	_ =	sdelay $0x1  }
0x232: {  	[tilespmem:s25+$0x8900] =	vst v11;
	v10 =	vadd.f32 v11, v10;
	v11 =	vperm.xlane v5, v13;
	_ =	sdelay $0x1  }
0x233: {  	[tilespmem:s25+$0x9100] =	vst v11;
	v10 =	vadd.f32 v11, v10;
	v11 =	vperm.xlane v6, v13;
	_ =	sdelay $0x1  }
0x234: {  	[tilespmem:s25+$0x9900] =	vst v11;
	v10 =	vadd.f32 v11, v10;
	v11 =	vperm.xlane v7, v13  }
0x235: {  	v12 =	vld [tilespmem:s25+$0x1180]  }
0x236: {  	[tilespmem:s25+$0xA100] =	vst v11;
	v10 =	vadd.f32 v11, v10;
	v11 =	vperm.xlane v8, v13;
	_ =	sdelay $0x1  }
0x237: {  	[tilespmem:s25+$0xA900] =	vst v11;
	v10 =	vadd.f32 v11, v10;
	v11 =	vperm.xlane v9, v13;
	_ =	sdelay $0x1  }
0x238: {  	[tilespmem:s25+$0xB100] =	vst v11;
	v10 =	vadd.f32 v11, v10;
	v11 =	vperm.xlane v0, v12;
	_ =	sdelay $0x1  }
0x239: {  	[tilespmem:s25+$0x6980] =	vst v11;
	v10 =	vadd.f32 v11, v10;
	v11 =	vperm.xlane v1, v12;
	_ =	sdelay $0x1  }
0x23a: {  	[tilespmem:s25+$0x7180] =	vst v11;
	v10 =	vadd.f32 v11, v10;
	v11 =	vperm.xlane v2, v12;
	_ =	sdelay $0x1  }
0x23b: {  	[tilespmem:s25+$0x7980] =	vst v11;
	v10 =	vadd.f32 v11, v10;
	v11 =	vperm.xlane v3, v12;
	_ =	sdelay $0x1  }
0x23c: {  	[tilespmem:s25+$0x8180] =	vst v11;
	v10 =	vadd.f32 v11, v10;
	v11 =	vperm.xlane v4, v12;
	_ =	sdelay $0x1  }
0x23d: {  	[tilespmem:s25+$0x8980] =	vst v11;
	v10 =	vadd.f32 v11, v10;
	v11 =	vperm.xlane v5, v12;
	_ =	sdelay $0x1  }
0x23e: {  	[tilespmem:s25+$0x9180] =	vst v11;
	v10 =	vadd.f32 v11, v10;
	v11 =	vperm.xlane v6, v12;
	_ =	sdelay $0x1  }
0x23f: {  	[tilespmem:s25+$0x9980] =	vst v11;
	v10 =	vadd.f32 v11, v10;
	v11 =	vperm.xlane v7, v12  }
0x240: {  	v13 =	vld [tilespmem:s25+$0x1200]  }
0x241: {  	[tilespmem:s25+$0xA180] =	vst v11;
	v10 =	vadd.f32 v11, v10;
	v11 =	vperm.xlane v8, v12;
	_ =	sdelay $0x1  }
0x242: {  	[tilespmem:s25+$0xA980] =	vst v11;
	v10 =	vadd.f32 v11, v10;
	v11 =	vperm.xlane v9, v12;
	_ =	sdelay $0x1  }
0x243: {  	[tilespmem:s25+$0xB180] =	vst v11;
	v10 =	vadd.f32 v11, v10;
	v11 =	vperm.xlane v0, v13;
	_ =	sdelay $0x1  }
0x244: {  	[tilespmem:s25+$0x6A00] =	vst v11;
	v10 =	vadd.f32 v11, v10;
	v11 =	vperm.xlane v1, v13;
	_ =	sdelay $0x1  }
0x245: {  	[tilespmem:s25+$0x7200] =	vst v11;
	v10 =	vadd.f32 v11, v10;
	v11 =	vperm.xlane v2, v13;
	_ =	sdelay $0x1  }
0x246: {  	[tilespmem:s25+$0x7A00] =	vst v11;
	v10 =	vadd.f32 v11, v10;
	v11 =	vperm.xlane v3, v13;
	_ =	sdelay $0x1  }
0x247: {  	[tilespmem:s25+$0x8200] =	vst v11;
	v10 =	vadd.f32 v11, v10;
	v11 =	vperm.xlane v4, v13;
	_ =	sdelay $0x1  }
0x248: {  	[tilespmem:s25+$0x8A00] =	vst v11;
	v10 =	vadd.f32 v11, v10;
	v11 =	vperm.xlane v5, v13;
	_ =	sdelay $0x1  }
0x249: {  	[tilespmem:s25+$0x9200] =	vst v11;
	v10 =	vadd.f32 v11, v10;
	v11 =	vperm.xlane v6, v13;
	_ =	sdelay $0x1  }
0x24a: {  	[tilespmem:s25+$0x9A00] =	vst v11;
	v10 =	vadd.f32 v11, v10;
	v11 =	vperm.xlane v7, v13  }
0x24b: {  	v12 =	vld [tilespmem:s25+$0x1280]  }
0x24c: {  	[tilespmem:s25+$0xA200] =	vst v11;
	v10 =	vadd.f32 v11, v10;
	v11 =	vperm.xlane v8, v13;
	_ =	sdelay $0x1  }
0x24d: {  	[tilespmem:s25+$0xAA00] =	vst v11;
	v10 =	vadd.f32 v11, v10;
	v11 =	vperm.xlane v9, v13;
	_ =	sdelay $0x1  }
0x24e: {  	[tilespmem:s25+$0xB200] =	vst v11;
	v10 =	vadd.f32 v11, v10;
	v11 =	vperm.xlane v0, v12;
	_ =	sdelay $0x1  }
0x24f: {  	[tilespmem:s25+$0x6A80] =	vst v11;
	v10 =	vadd.f32 v11, v10;
	v11 =	vperm.xlane v1, v12;
	_ =	sdelay $0x1  }
0x250: {  	[tilespmem:s25+$0x7280] =	vst v11;
	v10 =	vadd.f32 v11, v10;
	v11 =	vperm.xlane v2, v12;
	_ =	sdelay $0x1  }
0x251: {  	[tilespmem:s25+$0x7A80] =	vst v11;
	v10 =	vadd.f32 v11, v10;
	v11 =	vperm.xlane v3, v12;
	_ =	sdelay $0x1  }
0x252: {  	[tilespmem:s25+$0x8280] =	vst v11;
	v10 =	vadd.f32 v11, v10;
	v11 =	vperm.xlane v4, v12;
	_ =	sdelay $0x1  }
0x253: {  	[tilespmem:s25+$0x8A80] =	vst v11;
	v10 =	vadd.f32 v11, v10;
	v11 =	vperm.xlane v5, v12;
	_ =	sdelay $0x1  }
0x254: {  	[tilespmem:s25+$0x9280] =	vst v11;
	v10 =	vadd.f32 v11, v10;
	v11 =	vperm.xlane v6, v12;
	_ =	sdelay $0x1  }
0x255: {  	[tilespmem:s25+$0x9A80] =	vst v11;
	v10 =	vadd.f32 v11, v10;
	v11 =	vperm.xlane v7, v12  }
0x256: {  	v13 =	vld [tilespmem:s25+$0x1300]  }
0x257: {  	[tilespmem:s25+$0xA280] =	vst v11;
	v10 =	vadd.f32 v11, v10;
	v11 =	vperm.xlane v8, v12;
	_ =	sdelay $0x1  }
0x258: {  	[tilespmem:s25+$0xAA80] =	vst v11;
	v10 =	vadd.f32 v11, v10;
	v11 =	vperm.xlane v9, v12;
	_ =	sdelay $0x1  }
0x259: {  	[tilespmem:s25+$0xB280] =	vst v11;
	v10 =	vadd.f32 v11, v10;
	v11 =	vperm.xlane v0, v13;
	_ =	sdelay $0x1  }
0x25a: {  	[tilespmem:s25+$0x6B00] =	vst v11;
	v10 =	vadd.f32 v11, v10;
	v11 =	vperm.xlane v1, v13;
	_ =	sdelay $0x1  }
0x25b: {  	[tilespmem:s25+$0x7300] =	vst v11;
	v10 =	vadd.f32 v11, v10;
	v11 =	vperm.xlane v2, v13;
	_ =	sdelay $0x1  }
0x25c: {  	[tilespmem:s25+$0x7B00] =	vst v11;
	v10 =	vadd.f32 v11, v10;
	v11 =	vperm.xlane v3, v13;
	_ =	sdelay $0x1  }
0x25d: {  	[tilespmem:s25+$0x8300] =	vst v11;
	v10 =	vadd.f32 v11, v10;
	v11 =	vperm.xlane v4, v13;
	_ =	sdelay $0x1  }
0x25e: {  	[tilespmem:s25+$0x8B00] =	vst v11;
	v10 =	vadd.f32 v11, v10;
	v11 =	vperm.xlane v5, v13;
	_ =	sdelay $0x1  }
0x25f: {  	[tilespmem:s25+$0x9300] =	vst v11;
	v10 =	vadd.f32 v11, v10;
	v11 =	vperm.xlane v6, v13;
	_ =	sdelay $0x1  }
0x260: {  	v12 =	vperm.xlane v7, v13;
	[tilespmem:s25+$0x9B00] =	vst v11;
	v11 =	vadd.f32 v11, v10  }
0x261: {  	v10 =	vld [tilespmem:s25+$0x1380]  }
0x262: {  	[tilespmem:s25+$0xA300] =	vst v12;
	v11 =	vadd.f32 v12, v11;
	v12 =	vperm.xlane v8, v13;
	_ =	sdelay $0x1  }
0x263: {  	[tilespmem:s25+$0xAB00] =	vst v12;
	v11 =	vadd.f32 v12, v11;
	v12 =	vperm.xlane v9, v13;
	_ =	sdelay $0x1  }
0x264: {  	[tilespmem:s25+$0xB300] =	vst v12;
	v11 =	vadd.f32 v12, v11;
	v12 =	vperm.xlane v0, v10;
	_ =	sdelay $0x1  }
0x265: {  	[tilespmem:s25+$0x6B80] =	vst v12;
	v11 =	vadd.f32 v12, v11;
	v12 =	vperm.xlane v1, v10;
	_ =	sdelay $0x1  }
0x266: {  	[tilespmem:s25+$0x7380] =	vst v12;
	v11 =	vadd.f32 v12, v11;
	v12 =	vperm.xlane v2, v10;
	_ =	sdelay $0x1  }
0x267: {  	[tilespmem:s25+$0x7B80] =	vst v12;
	v11 =	vadd.f32 v12, v11;
	v12 =	vperm.xlane v3, v10;
	_ =	sdelay $0x1  }
0x268: {  	[tilespmem:s25+$0x8380] =	vst v12;
	v11 =	vadd.f32 v12, v11;
	v12 =	vperm.xlane v4, v10  }
.Ltmp1:
0x269: {  	(pc) =	sbr.rel @p0 .LBB2_5-.Ltmp1, $3  }
0x26a: {  	[tilespmem:s25+$0x8B80] =	vst v12;
	v11 =	vadd.f32 v12, v11;
	v12 =	vperm.xlane v5, v10;
	_ =	sdelay $0x1  }
0x26b: {  	s26 =	sadd.s32 $0x80, s26;
	[tilespmem:s25+$0x9380] =	vst v12;
	v11 =	vadd.f32 v12, v11;
	v12 =	vperm.xlane v6, v10  }
0x26c: {  	s2 =	sand.u32 $0x400, s26;
	s0 =	sand.u32 $0x70, s28;
	s28 =	sadd.s32 $0x10, s28  }
0x26d: {  	s0 =	sor.u32 s0, s2;
	[tilespmem:s25+$0x9B80] =	vst v12;
	v11 =	vadd.f32 v12, v11;
	v62 =	vperm.xlane v7, v10  }
0x26e: {  	v13 =	vld [tilespmem:s0+$0x1000]  }
0x26f: {  	v14 =	vperm.xlane v8, v10;
	v11 =	vadd.f32 v62, v11;
	_ =	sdelay $0x1  }
0x270: {  	v10 =	vperm.xlane v9, v10;
	v11 =	vadd.f32 v14, v11;
	_ =	sdelay $0x1  }
0x271: {  	v15 =	vperm.xlane v0, v13;
	v11 =	vadd.f32 v10, v11;
	_ =	sdelay $0x1  }
0x272: {  	v16 =	vperm.xlane v1, v13;
	v11 =	vadd.f32 v15, v11;
	_ =	sdelay $0x1  }
0x273: {  	v17 =	vperm.xlane v2, v13;
	v11 =	vadd.f32 v16, v11;
	_ =	sdelay $0x1  }
0x274: {  	v18 =	vperm.xlane v3, v13;
	v11 =	vadd.f32 v17, v11;
	_ =	sdelay $0x1  }
0x275: {  	v19 =	vperm.xlane v4, v13;
	v11 =	vadd.f32 v18, v11;
	_ =	sdelay $0x1  }
0x276: {  	v20 =	vperm.xlane v5, v13;
	v11 =	vadd.f32 v19, v11;
	_ =	sdelay $0x1  }
0x277: {  	[tilespmem:s25+$0xA380] =	vst v62;
	v63 =	vperm.xlane v6, v13;
	v11 =	vadd.f32 v20, v11  }
0x278: {  	[tilespmem:s25+$0xAB80] =	vst v14  }
0x279: {  	[tilespmem:s25+$0xB380] =	vst v10;
	v10 =	vadd.f32 v63, v11;
	v11 =	vperm.xlane v7, v13  }
0x27a: {  	v14 =	vld [tilespmem:s0+$0x1080]  }
0x27b: {  	v21 =	vperm.xlane v8, v13;
	v10 =	vadd.f32 v11, v10;
	_ =	sdelay $0x1  }
0x27c: {  	v13 =	vperm.xlane v9, v13;
	v10 =	vadd.f32 v21, v10;
	_ =	sdelay $0x1  }
0x27d: {  	v22 =	vperm.xlane v0, v14;
	v10 =	vadd.f32 v13, v10;
	_ =	sdelay $0x1  }
0x27e: {  	v23 =	vperm.xlane v1, v14;
	v10 =	vadd.f32 v22, v10;
	_ =	sdelay $0x1  }
0x27f: {  	v24 =	vperm.xlane v2, v14;
	v10 =	vadd.f32 v23, v10;
	_ =	sdelay $0x1  }
0x280: {  	v25 =	vperm.xlane v3, v14;
	v10 =	vadd.f32 v24, v10;
	_ =	sdelay $0x1  }
0x281: {  	v26 =	vperm.xlane v4, v14;
	v10 =	vadd.f32 v25, v10;
	_ =	sdelay $0x1  }
0x282: {  	v27 =	vperm.xlane v5, v14;
	v10 =	vadd.f32 v26, v10;
	_ =	sdelay $0x1  }
0x283: {  	v28 =	vperm.xlane v6, v14;
	v10 =	vadd.f32 v27, v10;
	_ =	sdelay $0x1  }
0x284: {  	v29 =	vperm.xlane v7, v14;
	v10 =	vadd.f32 v28, v10  }
0x285: {  	v30 =	vld [tilespmem:s0+$0x1100]  }
0x286: {  	v31 =	vperm.xlane v8, v14;
	v10 =	vadd.f32 v29, v10;
	_ =	sdelay $0x1  }
0x287: {  	v14 =	vperm.xlane v9, v14;
	v10 =	vadd.f32 v31, v10;
	_ =	sdelay $0x1  }
0x288: {  	v32 =	vperm.xlane v0, v30;
	v10 =	vadd.f32 v14, v10;
	_ =	sdelay $0x1  }
0x289: {  	v33 =	vperm.xlane v1, v30;
	v10 =	vadd.f32 v32, v10;
	_ =	sdelay $0x1  }
0x28a: {  	v34 =	vperm.xlane v2, v30;
	v10 =	vadd.f32 v33, v10;
	_ =	sdelay $0x1  }
0x28b: {  	v35 =	vperm.xlane v3, v30;
	v10 =	vadd.f32 v34, v10;
	_ =	sdelay $0x1  }
0x28c: {  	v36 =	vperm.xlane v4, v30;
	v10 =	vadd.f32 v35, v10;
	_ =	sdelay $0x1  }
0x28d: {  	v37 =	vperm.xlane v5, v30;
	v10 =	vadd.f32 v36, v10;
	_ =	sdelay $0x1  }
0x28e: {  	v38 =	vperm.xlane v6, v30;
	v10 =	vadd.f32 v37, v10;
	_ =	sdelay $0x1  }
0x28f: {  	v39 =	vperm.xlane v7, v30;
	v10 =	vadd.f32 v38, v10  }
0x290: {  	v40 =	vld [tilespmem:s0+$0x1180]  }
0x291: {  	v41 =	vperm.xlane v8, v30;
	v10 =	vadd.f32 v39, v10;
	_ =	sdelay $0x1  }
0x292: {  	v30 =	vperm.xlane v9, v30;
	v10 =	vadd.f32 v41, v10;
	_ =	sdelay $0x1  }
0x293: {  	v42 =	vperm.xlane v0, v40;
	v10 =	vadd.f32 v30, v10;
	_ =	sdelay $0x1  }
0x294: {  	v43 =	vperm.xlane v1, v40;
	v10 =	vadd.f32 v42, v10;
	_ =	sdelay $0x1  }
0x295: {  	v44 =	vperm.xlane v2, v40;
	v10 =	vadd.f32 v43, v10;
	_ =	sdelay $0x1  }
0x296: {  	v45 =	vperm.xlane v3, v40;
	v10 =	vadd.f32 v44, v10;
	_ =	sdelay $0x1  }
0x297: {  	v46 =	vperm.xlane v4, v40;
	v10 =	vadd.f32 v45, v10;
	_ =	sdelay $0x1  }
0x298: {  	v47 =	vperm.xlane v5, v40;
	v10 =	vadd.f32 v46, v10;
	_ =	sdelay $0x1  }
0x299: {  	v48 =	vperm.xlane v6, v40;
	v10 =	vadd.f32 v47, v10;
	_ =	sdelay $0x1  }
0x29a: {  	v49 =	vperm.xlane v7, v40;
	v10 =	vadd.f32 v48, v10  }
0x29b: {  	v50 =	vld [tilespmem:s0+$0x1200]  }
0x29c: {  	v51 =	vperm.xlane v8, v40;
	v10 =	vadd.f32 v49, v10;
	_ =	sdelay $0x1  }
0x29d: {  	v54 =	vperm.xlane v9, v40;
	v10 =	vadd.f32 v51, v10;
	_ =	sdelay $0x1  }
0x29e: {  	[tilespmem:s0+$0x6800] =	vst v15;
	v55 =	vperm.xlane v0, v50;
	v10 =	vadd.f32 v54, v10  }
0x29f: {  	[tilespmem:s0+$0x7000] =	vst v16  }
0x2a0: {  	[tilespmem:s0+$0x7800] =	vst v17;
	v56 =	vperm.xlane v1, v50;
	v10 =	vadd.f32 v55, v10  }
0x2a1: {  	[tilespmem:s0+$0x8000] =	vst v18  }
0x2a2: {  	[tilespmem:s0+$0xA000] =	vst v11;
	v11 =	vperm.xlane v2, v50;
	v10 =	vadd.f32 v56, v10  }
0x2a3: {  	[tilespmem:s0+$0x8800] =	vst v19  }
0x2a4: {  	[tilespmem:s0+$0x9000] =	vst v20;
	v57 =	vperm.xlane v3, v50;
	v10 =	vadd.f32 v11, v10  }
0x2a5: {  	[tilespmem:s0+$0x9800] =	vst v63  }
0x2a6: {  	[tilespmem:s0+$0xA800] =	vst v21;
	v58 =	vperm.xlane v4, v50;
	v10 =	vadd.f32 v57, v10  }
0x2a7: {  	[tilespmem:s0+$0x6900] =	vst v32  }
0x2a8: {  	v59 =	vperm.xlane v5, v50;
	[tilespmem:s0+$0x7100] =	vst v33;
	v10 =	vadd.f32 v58, v10  }
0x2a9: {  	[tilespmem:s0+$0x7900] =	vst v34  }
0x2aa: {  	v60 =	vperm.xlane v6, v50;
	[tilespmem:s0+$0x8100] =	vst v35;
	v10 =	vadd.f32 v59, v10  }
0x2ab: {  	[tilespmem:s0+$0x8900] =	vst v36  }
0x2ac: {  	v61 =	vperm.xlane v7, v50;
	[tilespmem:s0+$0x9100] =	vst v37;
	v10 =	vadd.f32 v60, v10  }
0x2ad: {  	v62 =	vld [tilespmem:s0+$0x1280];
	[tilespmem:s0+$0x9900] =	vst v38  }
0x2ae: {  	[tilespmem:s0+$0xA100] =	vst v39;
	v63 =	vperm.xlane v8, v50;
	v10 =	vadd.f32 v61, v10  }
0x2af: {  	[tilespmem:s0+$0xA900] =	vst v41  }
0x2b0: {  	[tilespmem:s0+$0xB100] =	vst v30;
	v33 =	vperm.xlane v9, v50;
	v10 =	vadd.f32 v63, v10  }
0x2b1: {  	[tilespmem:s0+$0x6980] =	vst v42  }
0x2b2: {  	[tilespmem:s0+$0x7180] =	vst v43;
	v35 =	vperm.xlane v0, v62;
	v10 =	vadd.f32 v33, v10  }
0x2b3: {  	[tilespmem:s0+$0x7980] =	vst v44  }
0x2b4: {  	[tilespmem:s0+$0x8180] =	vst v45;
	v37 =	vperm.xlane v1, v62;
	v10 =	vadd.f32 v35, v10  }
0x2b5: {  	[tilespmem:s0+$0x8980] =	vst v46  }
0x2b6: {  	[tilespmem:s0+$0x9180] =	vst v47;
	v39 =	vperm.xlane v2, v62;
	v10 =	vadd.f32 v37, v10  }
0x2b7: {  	[tilespmem:s0+$0x9980] =	vst v48  }
0x2b8: {  	v40 =	vperm.xlane v3, v62;
	[tilespmem:s0+$0xA180] =	vst v49;
	v10 =	vadd.f32 v39, v10  }
0x2b9: {  	[tilespmem:s0+$0xA980] =	vst v51  }
0x2ba: {  	[tilespmem:s0+$0xB180] =	vst v54;
	v41 =	vperm.xlane v4, v62;
	v10 =	vadd.f32 v40, v10  }
0x2bb: {  	[tilespmem:s0+$0x6A00] =	vst v55  }
0x2bc: {  	[tilespmem:s0+$0x7200] =	vst v56;
	v42 =	vperm.xlane v5, v62;
	v10 =	vadd.f32 v41, v10  }
0x2bd: {  	[tilespmem:s0+$0x8200] =	vst v57  }
0x2be: {  	[tilespmem:s0+$0x8A00] =	vst v58;
	v43 =	vperm.xlane v6, v62;
	v10 =	vadd.f32 v42, v10  }
0x2bf: {  	[tilespmem:s0+$0x9200] =	vst v59  }
0x2c0: {  	[tilespmem:s0+$0x9A00] =	vst v60;
	v44 =	vperm.xlane v7, v62;
	v10 =	vadd.f32 v43, v10  }
0x2c1: {  	[tilespmem:s0+$0xA200] =	vst v61;
	v45 =	vld [tilespmem:s0+$0x1300]  }
0x2c2: {  	[tilespmem:s0+$0x8280] =	vst v40;
	v46 =	vperm.xlane v8, v62;
	v10 =	vadd.f32 v44, v10  }
0x2c3: {  	[tilespmem:s0+$0x6880] =	vst v22  }
0x2c4: {  	[tilespmem:s0+$0x7080] =	vst v23;
	v47 =	vperm.xlane v9, v62;
	v10 =	vadd.f32 v46, v10  }
0x2c5: {  	[tilespmem:s0+$0x7880] =	vst v24  }
0x2c6: {  	[tilespmem:s0+$0x7A00] =	vst v11;
	v11 =	vperm.xlane v0, v45;
	v10 =	vadd.f32 v47, v10  }
0x2c7: {  	[tilespmem:s0+$0x8080] =	vst v25  }
0x2c8: {  	[tilespmem:s0+$0x8880] =	vst v26;
	v48 =	vperm.xlane v1, v45;
	v10 =	vadd.f32 v11, v10  }
0x2c9: {  	[tilespmem:s0+$0x9080] =	vst v27  }
0x2ca: {  	[tilespmem:s0+$0x9880] =	vst v28;
	v49 =	vperm.xlane v2, v45;
	v10 =	vadd.f32 v48, v10  }
0x2cb: {  	[tilespmem:s0+$0xA080] =	vst v29  }
0x2cc: {  	[tilespmem:s0+$0xA880] =	vst v31;
	v50 =	vperm.xlane v3, v45;
	v10 =	vadd.f32 v49, v10  }
0x2cd: {  	[tilespmem:s0+$0xB080] =	vst v14  }
0x2ce: {  	[tilespmem:s0+$0xB000] =	vst v13;
	v51 =	vperm.xlane v4, v45;
	v10 =	vadd.f32 v50, v10  }
0x2cf: {  	[tilespmem:s0+$0xAA00] =	vst v63  }
0x2d0: {  	[tilespmem:s0+$0xB200] =	vst v33;
	v52 =	vperm.xlane v5, v45;
	v10 =	vadd.f32 v51, v10  }
0x2d1: {  	[tilespmem:s0+$0x6A80] =	vst v35  }
0x2d2: {  	[tilespmem:s0+$0x7280] =	vst v37;
	v53 =	vperm.xlane v6, v45;
	v10 =	vadd.f32 v52, v10  }
0x2d3: {  	[tilespmem:s0+$0x7A80] =	vst v39  }
0x2d4: {  	[tilespmem:s0+$0x8A80] =	vst v41;
	v54 =	vperm.xlane v7, v45;
	v10 =	vadd.f32 v53, v10  }
0x2d5: {  	[tilespmem:s0+$0x9280] =	vst v42;
	v55 =	vld [tilespmem:s0+$0x1380]  }
0x2d6: {  	[tilespmem:s0+$0x9A80] =	vst v43;
	v56 =	vperm.xlane v8, v45;
	v10 =	vadd.f32 v54, v10  }
0x2d7: {  	[tilespmem:s0+$0xA280] =	vst v44  }
0x2d8: {  	[tilespmem:s0+$0x6B00] =	vst v11;
	v11 =	vperm.xlane v9, v45;
	v10 =	vadd.f32 v56, v10  }
0x2d9: {  	[tilespmem:s0+$0xAA80] =	vst v46  }
0x2da: {  	[tilespmem:s0+$0xB280] =	vst v47;
	v57 =	vperm.xlane v0, v55;
	v10 =	vadd.f32 v11, v10  }
0x2db: {  	[tilespmem:s0+$0x8300] =	vst v50  }
0x2dc: {  	[tilespmem:s0+$0x9300] =	vst v52;
	v58 =	vperm.xlane v1, v55;
	v10 =	vadd.f32 v57, v10  }
0x2dd: {  	[tilespmem:s0+$0x9B00] =	vst v53  }
0x2de: {  	[tilespmem:s0+$0x7300] =	vst v48;
	v59 =	vperm.xlane v2, v55;
	v10 =	vadd.f32 v58, v10  }
0x2df: {  	[tilespmem:s0+$0x7B00] =	vst v49  }
0x2e0: {  	[tilespmem:s0+$0xB300] =	vst v11;
	v11 =	vperm.xlane v3, v55;
	v10 =	vadd.f32 v59, v10  }
0x2e1: {  	[tilespmem:s0+$0x8B00] =	vst v51  }
0x2e2: {  	[tilespmem:s0+$0xA300] =	vst v54;
	v60 =	vperm.xlane v4, v55;
	v10 =	vadd.f32 v11, v10  }
0x2e3: {  	[tilespmem:s0+$0xAB00] =	vst v56;
	v62 =	vperm.xlane v8, v55  }
0x2e4: {  	[tilespmem:s0+$0x8380] =	vst v11;
	v11 =	vperm.xlane v5, v55;
	v10 =	vadd.f32 v60, v10  }
0x2e5: {  	[tilespmem:s0+$0xAB80] =	vst v62  }
0x2e6: {  	[tilespmem:s0+$0x6B80] =	vst v57;
	v61 =	vperm.xlane v6, v55;
	v10 =	vadd.f32 v11, v10  }
0x2e7: {  	[tilespmem:s0+$0x7380] =	vst v58  }
0x2e8: {  	s23 =	sadd.s32 $0x1, s23;
	[tilespmem:s0+$0x9380] =	vst v11;
	v11 =	vperm.xlane v7, v55;
	v10 =	vadd.f32 v61, v10  }
0x2e9: {  	p0 =	sne.s32 s23, $0x19;
	[tilespmem:s0+$0x7B80] =	vst v59  }
.Ltmp2:
0x2ea: {  	[tilespmem:s0+$0x8B80] =	vst v60;
	v63 =	vperm.xlane v9, v55;
	v10 =	vadd.f32 v11, v10;
	(pc) =	sbr.rel @p0 .LBB2_2-.Ltmp2, $4  }
0x2eb: {  	[tilespmem:s0+$0x9B80] =	vst v61  }
0x2ec: {  	[tilespmem:s0+$0xB380] =	vst v63;
	v10 =	vadd.f32 v62, v10  }
0x2ed: {  	s31 =	sadd.s32 s3, s24;
	[tilespmem:s0+$0xA380] =	vst v11  }
0x2ee: {  	[hbm4b:s31+s12] =	stream.strided.scatter [tilespmem:s18], [sflag:$0x4], $0x5000, s15, s12, $0x38;
	v10 =	vadd.f32 v63, v10;
	[tilespmem:$0xB880] =	vst v63  }
0x2ef: {  	_ =	swait.ge [sflag:s19], $0x5000  }
0x2f0: {  	[sflag:s19] =	ssyncset.done $0x0  }
0x2f1: {  	[sflag:s19] =	ssyncadd.s32 $0xFFFFB000  }
0x2f2: {  	_ =	swait.ge [sflag:s20], $0x5000  }
0x2f3: {  	[sflag:s20] =	ssyncset.done $0x0  }
0x2f4: {  	[sflag:s20] =	ssyncadd.s32 $0xFFFFB000  }
0x2f5: {  	_ =	swait.ge [sflag:s14], $0x800  }
0x2f6: {  	s22 =	sadd.s32 $0x1, s22;
	[sflag:s14] =	ssyncset.done $0x0  }
0x2f7: {  	p0 =	sne.s32 s22, s10;
	[sflag:s14] =	ssyncadd.s32 $0xFFFFF800  }
.Ltmp3:
0x2f8: {  	s0 =	simm.s32 $0xB800;
	[tilespmem:$0xB800] =	vst v10;
	(pc) =	sbr.rel @p0 .LBB2_1-.Ltmp3, $4  }
0x2f9: {  	[hbm4b:s9+s4] =	stream.linear.scatter [tilespmem:s0], [sflag:$0x5], $0x80, $0x38;
	[tilespmem:$0xB880] =	vst v63  }
0x2fa: {  	_ =	swait.ge [sflag:s11], $0x80  }
0x2fb: {  	[sflag:s11] =	ssyncset.done $0x0  }
0x2fc: {  	[sflag:s11] =	ssyncadd.s32 $0xFFFFFF80  }
0x2fd: {  	_ =	sfence.sel $0x180000  }
0x2fe: {  	[bflag:$0x0] =	sbarrier.arrive $0xFFFF  }
0x2ff: {  	_ =	strace $0x90000047  }
0x300: {  	s0 =	stileid.u32;
	[bflag:$0x2] =	sbarrier.arrive $0xFFFF  }
0x301: {  	p0 =	sne.s32 s0, $0x0;
	s0 =	rddreg [dreg:$0x3]  }
0x302: {  	s0 =	sadd.s32 @!p0 $0x100000, s0  }
0x303: {  	[sflag:s0] =	ssyncadd.tile.s32 @!p0 $0x1;
	_ =	shalt  }
.Lfunc_end2:
_tile_overlayer_lowered:
.L_overlay_start_2:
0x304: {  	(tag) =	ssettag $0x2  }
0x305: {  	s0 =	rddreg [dreg:$0x0];
	s2 =	stileid.u32  }
0x306: {  	s1 =	rddreg [dreg:$0x1];
	p0 =	sne.s32 s2, $0x0  }
0x307: {  	s3 =	rddreg [dreg:$0x2];
	[bflag:$0x3] =	sbarrier.arrive $0xFFFF;
	s2 =	simm.s32 @!p0 $0x1C05  }
0x308: {  	[timem:s3], [sflag:s2] =	dma.local @!p0 [hbm:s0], s1  }
0x309: {  	s0 =	simm.s32 @!p0 $0x5  }
0x30a: {  	_ =	swait.ge @!p0 [sflag:s0], s1  }
0x30b: {  	s1 =	ssub.s32 @!p0 $0x0, s1;
	[sflag:s0] =	ssyncset.done @!p0 $0x0  }
0x30c: {  	[sflag:s0] =	ssyncadd.s32 @!p0 s1  }
0x30d: {  	[bflag:$0x3] =	sbarrier.arrive $0xFFFF  }
0x30e: {  	_ =	shalt  }

</sc_bundles>
